<compile_context>
chip_gen: v7x
topology: tpu7x:2x2x1
jax: 0.10.2.dev20260603
libtpu: 0.0.44.dev20260713+nightly
codegen_flags: <defaults>
</compile_context>

<pallas_src>
import functools

import jax
import jax.numpy as jnp
from jax import lax
from jax.experimental import pallas as pl
from jax.experimental.pallas import tpu as pltpu
from jax.experimental.pallas import tpu_sc as plsc

N = 10000
E = 320000
D = 128
D_OUT = 64

NC = 2
NS = 16
NW = NC * NS
B = 112
CPT = -(-E // (NW * B))
C_EDGES = CPT * B
E_PAD = NW * C_EDGES
NPAD = 10240
RPT = NPAD // NS
R_TC = 1024


_sc_mesh = plsc.VectorSubcoreMesh(core_axis_name="c", subcore_axis_name="s")


@functools.partial(
    pl.kernel,
    mesh=_sc_mesh,
    out_type=jax.ShapeDtypeStruct((NC, NPAD), jnp.float32),
    scratch_types=[
        pltpu.VMEM((CPT, B), jnp.int32),
        pltpu.VMEM((B,), jnp.float32),
        pltpu.VMEM_SHARED((NPAD,), jnp.float32),
    ],
)
def _deg_sc(dst_hbm, ones_hbm, zeros1_hbm, out_hbm, dst_v, ones_v, acc_sh):
    c = lax.axis_index("c")
    s = lax.axis_index("s")
    wid = c * NS + s
    row0 = s * RPT
    pltpu.sync_copy(dst_hbm.at[wid], dst_v)
    pltpu.sync_copy(ones_hbm, ones_v)
    pltpu.sync_copy(zeros1_hbm.at[pl.ds(row0, RPT)], acc_sh.at[pl.ds(row0, RPT)])
    plsc.subcore_barrier()

    def chunk(j, carry):
        pltpu.sync_copy(ones_v, acc_sh.at[dst_v.at[j]], add=True)
        return carry

    lax.fori_loop(0, CPT, chunk, 0)
    plsc.subcore_barrier()
    pltpu.sync_copy(acc_sh.at[pl.ds(row0, RPT)], out_hbm.at[c, pl.ds(row0, RPT)])


@functools.partial(
    pl.kernel,
    mesh=_sc_mesh,
    out_type=jax.ShapeDtypeStruct((NC, NPAD, D), jnp.float32),
    scratch_types=[
        pltpu.VMEM((8, B), jnp.int32),
        pltpu.VMEM((8, B), jnp.int32),
        pltpu.VMEM((3, B, D), jnp.float32),
        pltpu.SemaphoreType.DMA,
        pltpu.SemaphoreType.DMA,
        pltpu.SemaphoreType.DMA,
        pltpu.VMEM_SHARED((NPAD, D), jnp.float32),
    ],
)
def _agg_sc(src_hbm, dst_hbm, y_hbm, zeros_hbm, out_hbm,
            src_v, dst_v, rows_v, gsem, isem, ssem, acc_sh):
    c = lax.axis_index("c")
    s = lax.axis_index("s")
    wid = c * NS + s
    row0 = s * RPT

    def load_idx(j):
        buf = lax.rem(j, 8)
        pltpu.make_async_copy(src_hbm.at[wid, j], src_v.at[buf], isem).start()
        pltpu.make_async_copy(dst_hbm.at[wid, j], dst_v.at[buf], isem).start()

    def gather(j):
        pltpu.make_async_copy(y_hbm.at[src_v.at[lax.rem(j, 8)]],
                              rows_v.at[lax.rem(j, 3)], gsem).start()

    def scatter(j):
        pltpu.async_copy(rows_v.at[lax.rem(j, 3)],
                         acc_sh.at[dst_v.at[lax.rem(j, 8)]], ssem, add=True)

    def wait_rows(sem):
        pltpu.make_async_copy(y_hbm.at[pl.ds(0, B)], rows_v.at[0], sem).wait()

    def wait_idx():
        pltpu.make_async_copy(src_hbm.at[0, 0], src_v.at[0], isem).wait()
        pltpu.make_async_copy(dst_hbm.at[0, 0], dst_v.at[0], isem).wait()

    load_idx(0)
    wait_idx()
    gather(0)
    load_idx(1)
    wait_idx()
    gather(1)
    load_idx(2)

    @pl.when(c == 0)
    def _():
        pltpu.sync_copy(y_hbm.at[pl.ds(row0, RPT)], acc_sh.at[pl.ds(row0, RPT)])

    @pl.when(c != 0)
    def _():
        pltpu.sync_copy(zeros_hbm.at[pl.ds(row0, RPT)],
                        acc_sh.at[pl.ds(row0, RPT)])

    plsc.subcore_barrier()

    def chunk(j, carry):
        wait_rows(gsem)
        @pl.when(j > 0)
        def _():
            wait_rows(ssem)
        @pl.when(j + 2 < CPT)
        def _():
            wait_idx()
            gather(j + 2)
        scatter(j)
        @pl.when(j + 3 < CPT)
        def _():
            load_idx(j + 3)
        return carry

    lax.fori_loop(0, CPT, chunk, 0)
    wait_rows(ssem)
    plsc.subcore_barrier()
    pltpu.sync_copy(acc_sh.at[pl.ds(row0, RPT)], out_hbm.at[c, pl.ds(row0, RPT)])


def _prep_body(x_ref, degp_ref, y_ref, dinv_ref):
    deg = degp_ref[0, :] + degp_ref[1, :] + 1.0
    dinv = (1.0 / jnp.sqrt(deg))[:, None]
    y_ref[...] = x_ref[...] * dinv
    dinv_ref[...] = dinv


def _stage_body(p_ref, dinv_ref, w_ref, b_ref, y_ref):
    dinv = dinv_ref[...]
    a = (p_ref[0] + p_ref[1]) * dinv
    h = jnp.dot(a, w_ref[...], preferred_element_type=jnp.float32,
                precision=lax.Precision.HIGHEST) + b_ref[...]
    y_ref[...] = jnp.maximum(h, 0.0) * dinv


def _final_body(p_ref, dinv_ref, w_ref, b_ref, o_ref):
    a = (p_ref[0] + p_ref[1]) * dinv_ref[...]
    o_ref[...] = jnp.dot(a, w_ref[...], preferred_element_type=jnp.float32,
                         precision=lax.Precision.HIGHEST) + b_ref[...]


_GRID = NPAD // R_TC

_prep_tc = pl.pallas_call(
    _prep_body,
    grid=(_GRID,),
    in_specs=[
        pl.BlockSpec((R_TC, D), lambda i: (i, 0)),
        pl.BlockSpec((NC, R_TC), lambda i: (0, i)),
    ],
    out_specs=[
        pl.BlockSpec((R_TC, D), lambda i: (i, 0)),
        pl.BlockSpec((R_TC, 1), lambda i: (i, 0)),
    ],
    out_shape=[
        jax.ShapeDtypeStruct((NPAD, D), jnp.float32),
        jax.ShapeDtypeStruct((NPAD, 1), jnp.float32),
    ],
)

_stage_tc = pl.pallas_call(
    _stage_body,
    grid=(_GRID,),
    in_specs=[
        pl.BlockSpec((NC, R_TC, D), lambda i: (0, i, 0)),
        pl.BlockSpec((R_TC, 1), lambda i: (i, 0)),
        pl.BlockSpec((D, D), lambda i: (0, 0)),
        pl.BlockSpec((1, D), lambda i: (0, 0)),
    ],
    out_specs=pl.BlockSpec((R_TC, D), lambda i: (i, 0)),
    out_shape=jax.ShapeDtypeStruct((NPAD, D), jnp.float32),
)

_final_tc = pl.pallas_call(
    _final_body,
    grid=(_GRID,),
    in_specs=[
        pl.BlockSpec((NC, R_TC, D), lambda i: (0, i, 0)),
        pl.BlockSpec((R_TC, 1), lambda i: (i, 0)),
        pl.BlockSpec((D, D), lambda i: (0, 0)),
        pl.BlockSpec((1, D), lambda i: (0, 0)),
    ],
    out_specs=pl.BlockSpec((R_TC, D), lambda i: (i, 0)),
    out_shape=jax.ShapeDtypeStruct((NPAD, D), jnp.float32),
)


def kernel(x, edge_index, W1, b1, W2, b2, W3, b3, Wmu, bmu, Wls, bls):
    ei = edge_index.astype(jnp.int32)
    n_pad_e = E_PAD - E
    pad_i = jnp.arange(n_pad_e, dtype=jnp.int32)
    pad_src = (pad_i * 37) % N
    pad_dst = N + pad_i % (NPAD - N)
    src3 = jnp.concatenate([ei[0], pad_src]).reshape(NW, CPT, B)
    dst3 = jnp.concatenate([ei[1], pad_dst]).reshape(NW, CPT, B)

    x_pad = jnp.pad(x, ((0, NPAD - N), (0, 0)))
    zeros2 = jnp.zeros((NPAD, D), jnp.float32)
    zeros1 = jnp.zeros((NPAD,), jnp.float32)
    ones_b = jnp.ones((B,), jnp.float32)

    degp = _deg_sc(dst3, ones_b, zeros1)
    y, dinv = _prep_tc(x_pad, degp)

    for W, b in ((W1, b1), (W2, b2), (W3, b3)):
        p = _agg_sc(src3, dst3, y, zeros2)
        y = _stage_tc(p, dinv, W, b.reshape(1, D))

    p = _agg_sc(src3, dst3, y, zeros2)
    Wml = jnp.concatenate([Wmu, Wls], axis=1)
    bml = jnp.concatenate([bmu, bls]).reshape(1, D)
    out = _final_tc(p, dinv, Wml, bml)
    return (out[:N, :D_OUT], out[:N, D_OUT:])

# --- scband reference (transcript-rebuilt; emitter-appended) ---
"""Pipeline reference for scband-variational-gcnencoder-17918603558985 (READ-ONLY COPY).

The authoritative reference and input builder live on the scoring server;
editing this copy changes nothing except your own understanding.
"""

import jax, jax.numpy as jnp
import numpy as np

N = 10000
E = 320000
D_IN = 128
D_H = 128
D_OUT = 64


def gcn_conv(x, edge_index, W, b):
    n = x.shape[0]
    src = edge_index[0]
    dst = edge_index[1]
    loop = jnp.arange(n, dtype=src.dtype)
    src = jnp.concatenate([src, loop])
    dst = jnp.concatenate([dst, loop])
    deg = jnp.zeros((n,), x.dtype).at[dst].add(1.0)
    dinv = jnp.where(deg > 0, 1.0 / jnp.sqrt(deg), 0.0)
    norm = dinv[src] * dinv[dst]
    xw = x @ W
    msg = xw[src] * norm[:, None]
    out = jnp.zeros((n, W.shape[1]), x.dtype).at[dst].add(msg)
    return out + b


def setup_inputs(seed: int = 0) -> dict:
    key = jax.random.key(seed)
    ks = jax.random.split(key, 12)
    x = jax.random.normal(ks[0], (N, D_IN), dtype=jnp.float32)
    edge_index = jax.random.randint(ks[1], (2, E), 0, N, dtype=jnp.int64)
    W1 = jax.random.normal(ks[2], (D_IN, D_H), dtype=jnp.float32) * (1.0 / np.sqrt(D_IN))
    b1 = jnp.zeros((D_H,), jnp.float32)
    W2 = jax.random.normal(ks[3], (D_H, D_H), dtype=jnp.float32) * (1.0 / np.sqrt(D_H))
    b2 = jnp.zeros((D_H,), jnp.float32)
    W3 = jax.random.normal(ks[4], (D_H, D_H), dtype=jnp.float32) * (1.0 / np.sqrt(D_H))
    b3 = jnp.zeros((D_H,), jnp.float32)
    Wmu = jax.random.normal(ks[5], (D_H, D_OUT), dtype=jnp.float32) * (1.0 / np.sqrt(D_H))
    bmu = jnp.zeros((D_OUT,), jnp.float32)
    Wls = jax.random.normal(ks[6], (D_H, D_OUT), dtype=jnp.float32) * (1.0 / np.sqrt(D_H))
    bls = jnp.zeros((D_OUT,), jnp.float32)
    return {"x": x, "edge_index": edge_index, "W1": W1, "b1": b1, "W2": W2, "b2": b2, "W3": W3, "b3": b3, "Wmu": Wmu, "bmu": bmu, "Wls": Wls, "bls": bls}


def reference(x, edge_index, W1, b1, W2, b2, W3, b3, Wmu, bmu, Wls, bls):
    # dropout is identity in eval mode
    h1 = jax.nn.relu(gcn_conv(x, edge_index, W1, b1))
    h2 = jax.nn.relu(gcn_conv(h1, edge_index, W2, b2))
    h3 = jax.nn.relu(gcn_conv(h2, edge_index, W3, b3))
    mu = gcn_conv(h3, edge_index, Wmu, bmu)
    logstd = gcn_conv(h3, edge_index, Wls, bls)
    return (mu, logstd)

if __name__ == "__main__":
    import jax
    _d = setup_inputs()
    print(jax.jit(kernel)(*tuple(_d.values())))

</pallas_src>

<mosaic_0001>
#map = affine_map<(d0, d1) -> (0, 0, 0)>
#map1 = affine_map<(d0, d1) -> (0, 0)>
module attributes {stable_mosaic.version = 14 : i64} {
  func.func @_agg_sc(%arg0: i32, %arg1: i32, %arg2: memref<32x90x112xi32, #tpu.memory_space<hbm>>, %arg3: memref<32x90x112xi32, #tpu.memory_space<hbm>>, %arg4: memref<10240x128xf32, #tpu.memory_space<hbm>>, %arg5: memref<10240x128xf32, #tpu.memory_space<hbm>>, %arg6: memref<2x10240x128xf32, #tpu.memory_space<hbm>>, %arg7: memref<8x112xi32, #tpu.memory_space<vmem>>, %arg8: memref<8x112xi32, #tpu.memory_space<vmem>>, %arg9: memref<3x112x128xf32, #tpu.memory_space<vmem>>, %arg10: memref<!tpu.dma_semaphore, #tpu.memory_space<semaphore_mem>>, %arg11: memref<!tpu.dma_semaphore, #tpu.memory_space<semaphore_mem>>, %arg12: memref<!tpu.dma_semaphore, #tpu.memory_space<semaphore_mem>>, %arg13: memref<10240x128xf32, #tpu.memory_space<vmem_shared>>) attributes {dimension_semantics = [#tpu.dimension_semantics<core_parallel>, #tpu.dimension_semantics<subcore_parallel>], iteration_bounds = array<i64: 2, 16>, scalar_prefetch = 0 : i64, scratch_operands = 7 : i64, tpu.core_type = #tpu.core_type<sc_vector_subcore>, window_params = [{transform_indices = #map}, {transform_indices = #map}, {transform_indices = #map1}, {transform_indices = #map1}, {transform_indices = #map}]} {
    %mul3A = arith.constant 16 : i32
    %mul3A_0 = arith.muli %arg0, %mul3A : i32
    %add3A = arith.addi %mul3A_0, %arg1 : i32
    %mul3A_1 = arith.constant 640 : i32
    %mul3A_2 = arith.muli %arg1, %mul3A_1 : i32
    %rem3A = arith.constant 0 : i32
    %rem3A_3 = arith.constant 8 : i32
    %rem3A_4 = arith.remsi %rem3A, %rem3A_3 : i32
    %dma_start3A = arith.constant 0 : i32
    %dma_start3A_5 = arith.constant 0 : i32
    %dma_start3A_6 = tpu.memref_slice %arg7[%rem3A_4, %dma_start3A_5] : memref<8x112xi32, #tpu.memory_space<vmem>> -> memref<1x112xi32, #tpu.memory_space<vmem>>
    %dma_start3A_7 = tpu.memref_squeeze %dma_start3A_6 : memref<1x112xi32, #tpu.memory_space<vmem>> -> memref<112xi32, #tpu.memory_space<vmem>>
    %dma_start3A_8 = arith.constant 0 : i32
    %dma_start3A_9 = tpu.memref_slice %arg2[%add3A, %dma_start3A, %dma_start3A_8] : memref<32x90x112xi32, #tpu.memory_space<hbm>> -> memref<1x1x112xi32, #tpu.memory_space<hbm>>
    %dma_start3A_10 = tpu.memref_squeeze %dma_start3A_9 : memref<1x1x112xi32, #tpu.memory_space<hbm>> -> memref<112xi32, #tpu.memory_space<hbm>>
    %dma_start3A_11 = arith.constant 0 : i32
    %dma_start3A_12 = tpu.memref_slice %arg7[%rem3A_4, %dma_start3A_11] : memref<8x112xi32, #tpu.memory_space<vmem>> -> memref<1x112xi32, #tpu.memory_space<vmem>>
    %dma_start3A_13 = tpu.memref_squeeze %dma_start3A_12 : memref<1x112xi32, #tpu.memory_space<vmem>> -> memref<112xi32, #tpu.memory_space<vmem>>
    %dma_start3A_14 = arith.constant 0 : i32
    %dma_start3A_15 = tpu.memref_slice %arg2[%add3A, %dma_start3A, %dma_start3A_14] : memref<32x90x112xi32, #tpu.memory_space<hbm>> -> memref<1x1x112xi32, #tpu.memory_space<hbm>>
    %dma_start3A_16 = tpu.memref_squeeze %dma_start3A_15 : memref<1x1x112xi32, #tpu.memory_space<hbm>> -> memref<112xi32, #tpu.memory_space<hbm>>
    tpu.enqueue_dma source(%dma_start3A_16 : memref<112xi32, #tpu.memory_space<hbm>>) target(%dma_start3A_13 : memref<112xi32, #tpu.memory_space<vmem>>) target_semaphore(%arg11 : memref<!tpu.dma_semaphore, #tpu.memory_space<semaphore_mem>>)
    %dma_start3A_17 = arith.constant 0 : i32
    %dma_start3A_18 = arith.constant 0 : i32
    %dma_start3A_19 = tpu.memref_slice %arg8[%rem3A_4, %dma_start3A_18] : memref<8x112xi32, #tpu.memory_space<vmem>> -> memref<1x112xi32, #tpu.memory_space<vmem>>
    %dma_start3A_20 = tpu.memref_squeeze %dma_start3A_19 : memref<1x112xi32, #tpu.memory_space<vmem>> -> memref<112xi32, #tpu.memory_space<vmem>>
    %dma_start3A_21 = arith.constant 0 : i32
    %dma_start3A_22 = tpu.memref_slice %arg3[%add3A, %dma_start3A_17, %dma_start3A_21] : memref<32x90x112xi32, #tpu.memory_space<hbm>> -> memref<1x1x112xi32, #tpu.memory_space<hbm>>
    %dma_start3A_23 = tpu.memref_squeeze %dma_start3A_22 : memref<1x1x112xi32, #tpu.memory_space<hbm>> -> memref<112xi32, #tpu.memory_space<hbm>>
    %dma_start3A_24 = arith.constant 0 : i32
    %dma_start3A_25 = tpu.memref_slice %arg8[%rem3A_4, %dma_start3A_24] : memref<8x112xi32, #tpu.memory_space<vmem>> -> memref<1x112xi32, #tpu.memory_space<vmem>>
    %dma_start3A_26 = tpu.memref_squeeze %dma_start3A_25 : memref<1x112xi32, #tpu.memory_space<vmem>> -> memref<112xi32, #tpu.memory_space<vmem>>
    %dma_start3A_27 = arith.constant 0 : i32
    %dma_start3A_28 = tpu.memref_slice %arg3[%add3A, %dma_start3A_17, %dma_start3A_27] : memref<32x90x112xi32, #tpu.memory_space<hbm>> -> memref<1x1x112xi32, #tpu.memory_space<hbm>>
    %dma_start3A_29 = tpu.memref_squeeze %dma_start3A_28 : memref<1x1x112xi32, #tpu.memory_space<hbm>> -> memref<112xi32, #tpu.memory_space<hbm>>
    tpu.enqueue_dma source(%dma_start3A_29 : memref<112xi32, #tpu.memory_space<hbm>>) target(%dma_start3A_26 : memref<112xi32, #tpu.memory_space<vmem>>) target_semaphore(%arg11 : memref<!tpu.dma_semaphore, #tpu.memory_space<semaphore_mem>>)
    %dma_wait3A = arith.constant 0 : i32
    %dma_wait3A_30 = arith.constant 0 : i32
    %dma_wait3A_31 = arith.constant 0 : i32
    %dma_wait3A_32 = arith.constant 0 : i32
    %dma_wait3A_33 = tpu.memref_slice %arg7[%dma_wait3A_31, %dma_wait3A_32] : memref<8x112xi32, #tpu.memory_space<vmem>> -> memref<1x112xi32, #tpu.memory_space<vmem>>
    %dma_wait3A_34 = tpu.memref_squeeze %dma_wait3A_33 : memref<1x112xi32, #tpu.memory_space<vmem>> -> memref<112xi32, #tpu.memory_space<vmem>>
    %dma_wait3A_35 = arith.constant 0 : i32
    %dma_wait3A_36 = tpu.memref_slice %arg2[%dma_wait3A, %dma_wait3A_30, %dma_wait3A_35] : memref<32x90x112xi32, #tpu.memory_space<hbm>> -> memref<1x1x112xi32, #tpu.memory_space<hbm>>
    %dma_wait3A_37 = tpu.memref_squeeze %dma_wait3A_36 : memref<1x1x112xi32, #tpu.memory_space<hbm>> -> memref<112xi32, #tpu.memory_space<hbm>>
    %dma_wait3A_38 = arith.constant 0 : i32
    %dma_wait3A_39 = tpu.memref_slice %arg7[%dma_wait3A_31, %dma_wait3A_38] : memref<8x112xi32, #tpu.memory_space<vmem>> -> memref<1x112xi32, #tpu.memory_space<vmem>>
    %dma_wait3A_40 = tpu.memref_squeeze %dma_wait3A_39 : memref<1x112xi32, #tpu.memory_space<vmem>> -> memref<112xi32, #tpu.memory_space<vmem>>
    %dma_wait3A_41 = arith.constant 0 : i32
    %dma_wait3A_42 = tpu.memref_slice %arg2[%dma_wait3A, %dma_wait3A_30, %dma_wait3A_41] : memref<32x90x112xi32, #tpu.memory_space<hbm>> -> memref<1x1x112xi32, #tpu.memory_space<hbm>>
    %dma_wait3A_43 = tpu.memref_squeeze %dma_wait3A_42 : memref<1x1x112xi32, #tpu.memory_space<hbm>> -> memref<112xi32, #tpu.memory_space<hbm>>
    tpu.wait_dma2 semaphore(%arg11 : memref<!tpu.dma_semaphore, #tpu.memory_space<semaphore_mem>>) src(%dma_wait3A_43 : memref<112xi32, #tpu.memory_space<hbm>>) dst(%dma_wait3A_40 : memref<112xi32, #tpu.memory_space<vmem>>)
    %dma_wait3A_44 = arith.constant 0 : i32
    %dma_wait3A_45 = arith.constant 0 : i32
    %dma_wait3A_46 = arith.constant 0 : i32
    %dma_wait3A_47 = arith.constant 0 : i32
    %dma_wait3A_48 = tpu.memref_slice %arg8[%dma_wait3A_46, %dma_wait3A_47] : memref<8x112xi32, #tpu.memory_space<vmem>> -> memref<1x112xi32, #tpu.memory_space<vmem>>
    %dma_wait3A_49 = tpu.memref_squeeze %dma_wait3A_48 : memref<1x112xi32, #tpu.memory_space<vmem>> -> memref<112xi32, #tpu.memory_space<vmem>>
    %dma_wait3A_50 = arith.constant 0 : i32
    %dma_wait3A_51 = tpu.memref_slice %arg3[%dma_wait3A_44, %dma_wait3A_45, %dma_wait3A_50] : memref<32x90x112xi32, #tpu.memory_space<hbm>> -> memref<1x1x112xi32, #tpu.memory_space<hbm>>
    %dma_wait3A_52 = tpu.memref_squeeze %dma_wait3A_51 : memref<1x1x112xi32, #tpu.memory_space<hbm>> -> memref<112xi32, #tpu.memory_space<hbm>>
    %dma_wait3A_53 = arith.constant 0 : i32
    %dma_wait3A_54 = tpu.memref_slice %arg8[%dma_wait3A_46, %dma_wait3A_53] : memref<8x112xi32, #tpu.memory_space<vmem>> -> memref<1x112xi32, #tpu.memory_space<vmem>>
    %dma_wait3A_55 = tpu.memref_squeeze %dma_wait3A_54 : memref<1x112xi32, #tpu.memory_space<vmem>> -> memref<112xi32, #tpu.memory_space<vmem>>
    %dma_wait3A_56 = arith.constant 0 : i32
    %dma_wait3A_57 = tpu.memref_slice %arg3[%dma_wait3A_44, %dma_wait3A_45, %dma_wait3A_56] : memref<32x90x112xi32, #tpu.memory_space<hbm>> -> memref<1x1x112xi32, #tpu.memory_space<hbm>>
    %dma_wait3A_58 = tpu.memref_squeeze %dma_wait3A_57 : memref<1x1x112xi32, #tpu.memory_space<hbm>> -> memref<112xi32, #tpu.memory_space<hbm>>
    tpu.wait_dma2 semaphore(%arg11 : memref<!tpu.dma_semaphore, #tpu.memory_space<semaphore_mem>>) src(%dma_wait3A_58 : memref<112xi32, #tpu.memory_space<hbm>>) dst(%dma_wait3A_55 : memref<112xi32, #tpu.memory_space<vmem>>)
    %rem3A_59 = arith.constant 0 : i32
    %rem3A_60 = arith.constant 8 : i32
    %rem3A_61 = arith.remsi %rem3A_59, %rem3A_60 : i32
    %rem3A_62 = arith.constant 0 : i32
    %rem3A_63 = arith.constant 3 : i32
    %rem3A_64 = arith.remsi %rem3A_62, %rem3A_63 : i32
    %dma_start3A_65 = arith.constant 0 : i32
    %dma_start3A_66 = arith.constant 0 : i32
    %dma_start3A_67 = tpu.memref_slice %arg9[%rem3A_64, %dma_start3A_65, %dma_start3A_66] : memref<3x112x128xf32, #tpu.memory_space<vmem>> -> memref<1x112x128xf32, #tpu.memory_space<vmem>>
    %dma_start3A_68 = tpu.memref_squeeze %dma_start3A_67 : memref<1x112x128xf32, #tpu.memory_space<vmem>> -> memref<112x128xf32, #tpu.memory_space<vmem>>
    %dma_start3A_69 = arith.constant 0 : i32
    %dma_start3A_70 = tpu.memref_slice %arg7[%rem3A_61, %dma_start3A_69] : memref<8x112xi32, #tpu.memory_space<vmem>> -> memref<1x112xi32, #tpu.memory_space<vmem>>
    %dma_start3A_71 = tpu.memref_squeeze %dma_start3A_70 : memref<1x112xi32, #tpu.memory_space<vmem>> -> memref<112xi32, #tpu.memory_space<vmem>>
    %dma_start3A_72 = arith.constant 0 : i32
    %dma_start3A_73 = arith.constant 0 : i32
    %dma_start3A_74 = tpu.memref_slice %arg4[%dma_start3A_72, %dma_start3A_73] : memref<10240x128xf32, #tpu.memory_space<hbm>> -> memref<10240x128xf32, #tpu.memory_space<hbm>>
    tpu.enqueue_indirect_dma source(%dma_start3A_74 : memref<10240x128xf32, #tpu.memory_space<hbm>>) target(%dma_start3A_68 : memref<112x128xf32, #tpu.memory_space<vmem>>) offsets(%dma_start3A_71 : memref<112xi32, #tpu.memory_space<vmem>>) semaphore(%arg10 : memref<!tpu.dma_semaphore, #tpu.memory_space<semaphore_mem>>)
    %rem3A_75 = arith.constant 1 : i32
    %rem3A_76 = arith.constant 8 : i32
    %rem3A_77 = arith.remsi %rem3A_75, %rem3A_76 : i32
    %dma_start3A_78 = arith.constant 1 : i32
    %dma_start3A_79 = arith.constant 0 : i32
    %dma_start3A_80 = tpu.memref_slice %arg7[%rem3A_77, %dma_start3A_79] : memref<8x112xi32, #tpu.memory_space<vmem>> -> memref<1x112xi32, #tpu.memory_space<vmem>>
    %dma_start3A_81 = tpu.memref_squeeze %dma_start3A_80 : memref<1x112xi32, #tpu.memory_space<vmem>> -> memref<112xi32, #tpu.memory_space<vmem>>
    %dma_start3A_82 = arith.constant 0 : i32
    %dma_start3A_83 = tpu.memref_slice %arg2[%add3A, %dma_start3A_78, %dma_start3A_82] : memref<32x90x112xi32, #tpu.memory_space<hbm>> -> memref<1x1x112xi32, #tpu.memory_space<hbm>>
    %dma_start3A_84 = tpu.memref_squeeze %dma_start3A_83 : memref<1x1x112xi32, #tpu.memory_space<hbm>> -> memref<112xi32, #tpu.memory_space<hbm>>
    %dma_start3A_85 = arith.constant 0 : i32
    %dma_start3A_86 = tpu.memref_slice %arg7[%rem3A_77, %dma_start3A_85] : memref<8x112xi32, #tpu.memory_space<vmem>> -> memref<1x112xi32, #tpu.memory_space<vmem>>
    %dma_start3A_87 = tpu.memref_squeeze %dma_start3A_86 : memref<1x112xi32, #tpu.memory_space<vmem>> -> memref<112xi32, #tpu.memory_space<vmem>>
    %dma_start3A_88 = arith.constant 0 : i32
    %dma_start3A_89 = tpu.memref_slice %arg2[%add3A, %dma_start3A_78, %dma_start3A_88] : memref<32x90x112xi32, #tpu.memory_space<hbm>> -> memref<1x1x112xi32, #tpu.memory_space<hbm>>
    %dma_start3A_90 = tpu.memref_squeeze %dma_start3A_89 : memref<1x1x112xi32, #tpu.memory_space<hbm>> -> memref<112xi32, #tpu.memory_space<hbm>>
    tpu.enqueue_dma source(%dma_start3A_90 : memref<112xi32, #tpu.memory_space<hbm>>) target(%dma_start3A_87 : memref<112xi32, #tpu.memory_space<vmem>>) target_semaphore(%arg11 : memref<!tpu.dma_semaphore, #tpu.memory_space<semaphore_mem>>)
    %dma_start3A_91 = arith.constant 1 : i32
    %dma_start3A_92 = arith.constant 0 : i32
    %dma_start3A_93 = tpu.memref_slice %arg8[%rem3A_77, %dma_start3A_92] : memref<8x112xi32, #tpu.memory_space<vmem>> -> memref<1x112xi32, #tpu.memory_space<vmem>>
    %dma_start3A_94 = tpu.memref_squeeze %dma_start3A_93 : memref<1x112xi32, #tpu.memory_space<vmem>> -> memref<112xi32, #tpu.memory_space<vmem>>
    %dma_start3A_95 = arith.constant 0 : i32
    %dma_start3A_96 = tpu.memref_slice %arg3[%add3A, %dma_start3A_91, %dma_start3A_95] : memref<32x90x112xi32, #tpu.memory_space<hbm>> -> memref<1x1x112xi32, #tpu.memory_space<hbm>>
    %dma_start3A_97 = tpu.memref_squeeze %dma_start3A_96 : memref<1x1x112xi32, #tpu.memory_space<hbm>> -> memref<112xi32, #tpu.memory_space<hbm>>
    %dma_start3A_98 = arith.constant 0 : i32
    %dma_start3A_99 = tpu.memref_slice %arg8[%rem3A_77, %dma_start3A_98] : memref<8x112xi32, #tpu.memory_space<vmem>> -> memref<1x112xi32, #tpu.memory_space<vmem>>
    %dma_start3A_100 = tpu.memref_squeeze %dma_start3A_99 : memref<1x112xi32, #tpu.memory_space<vmem>> -> memref<112xi32, #tpu.memory_space<vmem>>
    %dma_start3A_101 = arith.constant 0 : i32
    %dma_start3A_102 = tpu.memref_slice %arg3[%add3A, %dma_start3A_91, %dma_start3A_101] : memref<32x90x112xi32, #tpu.memory_space<hbm>> -> memref<1x1x112xi32, #tpu.memory_space<hbm>>
    %dma_start3A_103 = tpu.memref_squeeze %dma_start3A_102 : memref<1x1x112xi32, #tpu.memory_space<hbm>> -> memref<112xi32, #tpu.memory_space<hbm>>
    tpu.enqueue_dma source(%dma_start3A_103 : memref<112xi32, #tpu.memory_space<hbm>>) target(%dma_start3A_100 : memref<112xi32, #tpu.memory_space<vmem>>) target_semaphore(%arg11 : memref<!tpu.dma_semaphore, #tpu.memory_space<semaphore_mem>>)
    %dma_wait3A_104 = arith.constant 0 : i32
    %dma_wait3A_105 = arith.constant 0 : i32
    %dma_wait3A_106 = arith.constant 0 : i32
    %dma_wait3A_107 = arith.constant 0 : i32
    %dma_wait3A_108 = tpu.memref_slice %arg7[%dma_wait3A_106, %dma_wait3A_107] : memref<8x112xi32, #tpu.memory_space<vmem>> -> memref<1x112xi32, #tpu.memory_space<vmem>>
    %dma_wait3A_109 = tpu.memref_squeeze %dma_wait3A_108 : memref<1x112xi32, #tpu.memory_space<vmem>> -> memref<112xi32, #tpu.memory_space<vmem>>
    %dma_wait3A_110 = arith.constant 0 : i32
    %dma_wait3A_111 = tpu.memref_slice %arg2[%dma_wait3A_104, %dma_wait3A_105, %dma_wait3A_110] : memref<32x90x112xi32, #tpu.memory_space<hbm>> -> memref<1x1x112xi32, #tpu.memory_space<hbm>>
    %dma_wait3A_112 = tpu.memref_squeeze %dma_wait3A_111 : memref<1x1x112xi32, #tpu.memory_space<hbm>> -> memref<112xi32, #tpu.memory_space<hbm>>
    %dma_wait3A_113 = arith.constant 0 : i32
    %dma_wait3A_114 = tpu.memref_slice %arg7[%dma_wait3A_106, %dma_wait3A_113] : memref<8x112xi32, #tpu.memory_space<vmem>> -> memref<1x112xi32, #tpu.memory_space<vmem>>
    %dma_wait3A_115 = tpu.memref_squeeze %dma_wait3A_114 : memref<1x112xi32, #tpu.memory_space<vmem>> -> memref<112xi32, #tpu.memory_space<vmem>>
    %dma_wait3A_116 = arith.constant 0 : i32
    %dma_wait3A_117 = tpu.memref_slice %arg2[%dma_wait3A_104, %dma_wait3A_105, %dma_wait3A_116] : memref<32x90x112xi32, #tpu.memory_space<hbm>> -> memref<1x1x112xi32, #tpu.memory_space<hbm>>
    %dma_wait3A_118 = tpu.memref_squeeze %dma_wait3A_117 : memref<1x1x112xi32, #tpu.memory_space<hbm>> -> memref<112xi32, #tpu.memory_space<hbm>>
    tpu.wait_dma2 semaphore(%arg11 : memref<!tpu.dma_semaphore, #tpu.memory_space<semaphore_mem>>) src(%dma_wait3A_118 : memref<112xi32, #tpu.memory_space<hbm>>) dst(%dma_wait3A_115 : memref<112xi32, #tpu.memory_space<vmem>>)
    %dma_wait3A_119 = arith.constant 0 : i32
    %dma_wait3A_120 = arith.constant 0 : i32
    %dma_wait3A_121 = arith.constant 0 : i32
    %dma_wait3A_122 = arith.constant 0 : i32
    %dma_wait3A_123 = tpu.memref_slice %arg8[%dma_wait3A_121, %dma_wait3A_122] : memref<8x112xi32, #tpu.memory_space<vmem>> -> memref<1x112xi32, #tpu.memory_space<vmem>>
    %dma_wait3A_124 = tpu.memref_squeeze %dma_wait3A_123 : memref<1x112xi32, #tpu.memory_space<vmem>> -> memref<112xi32, #tpu.memory_space<vmem>>
    %dma_wait3A_125 = arith.constant 0 : i32
    %dma_wait3A_126 = tpu.memref_slice %arg3[%dma_wait3A_119, %dma_wait3A_120, %dma_wait3A_125] : memref<32x90x112xi32, #tpu.memory_space<hbm>> -> memref<1x1x112xi32, #tpu.memory_space<hbm>>
    %dma_wait3A_127 = tpu.memref_squeeze %dma_wait3A_126 : memref<1x1x112xi32, #tpu.memory_space<hbm>> -> memref<112xi32, #tpu.memory_space<hbm>>
    %dma_wait3A_128 = arith.constant 0 : i32
    %dma_wait3A_129 = tpu.memref_slice %arg8[%dma_wait3A_121, %dma_wait3A_128] : memref<8x112xi32, #tpu.memory_space<vmem>> -> memref<1x112xi32, #tpu.memory_space<vmem>>
    %dma_wait3A_130 = tpu.memref_squeeze %dma_wait3A_129 : memref<1x112xi32, #tpu.memory_space<vmem>> -> memref<112xi32, #tpu.memory_space<vmem>>
    %dma_wait3A_131 = arith.constant 0 : i32
    %dma_wait3A_132 = tpu.memref_slice %arg3[%dma_wait3A_119, %dma_wait3A_120, %dma_wait3A_131] : memref<32x90x112xi32, #tpu.memory_space<hbm>> -> memref<1x1x112xi32, #tpu.memory_space<hbm>>
    %dma_wait3A_133 = tpu.memref_squeeze %dma_wait3A_132 : memref<1x1x112xi32, #tpu.memory_space<hbm>> -> memref<112xi32, #tpu.memory_space<hbm>>
    tpu.wait_dma2 semaphore(%arg11 : memref<!tpu.dma_semaphore, #tpu.memory_space<semaphore_mem>>) src(%dma_wait3A_133 : memref<112xi32, #tpu.memory_space<hbm>>) dst(%dma_wait3A_130 : memref<112xi32, #tpu.memory_space<vmem>>)
    %rem3A_134 = arith.constant 1 : i32
    %rem3A_135 = arith.constant 8 : i32
    %rem3A_136 = arith.remsi %rem3A_134, %rem3A_135 : i32
    %rem3A_137 = arith.constant 1 : i32
    %rem3A_138 = arith.constant 3 : i32
    %rem3A_139 = arith.remsi %rem3A_137, %rem3A_138 : i32
    %dma_start3A_140 = arith.constant 0 : i32
    %dma_start3A_141 = arith.constant 0 : i32
    %dma_start3A_142 = tpu.memref_slice %arg9[%rem3A_139, %dma_start3A_140, %dma_start3A_141] : memref<3x112x128xf32, #tpu.memory_space<vmem>> -> memref<1x112x128xf32, #tpu.memory_space<vmem>>
    %dma_start3A_143 = tpu.memref_squeeze %dma_start3A_142 : memref<1x112x128xf32, #tpu.memory_space<vmem>> -> memref<112x128xf32, #tpu.memory_space<vmem>>
    %dma_start3A_144 = arith.constant 0 : i32
    %dma_start3A_145 = tpu.memref_slice %arg7[%rem3A_136, %dma_start3A_144] : memref<8x112xi32, #tpu.memory_space<vmem>> -> memref<1x112xi32, #tpu.memory_space<vmem>>
    %dma_start3A_146 = tpu.memref_squeeze %dma_start3A_145 : memref<1x112xi32, #tpu.memory_space<vmem>> -> memref<112xi32, #tpu.memory_space<vmem>>
    %dma_start3A_147 = arith.constant 0 : i32
    %dma_start3A_148 = arith.constant 0 : i32
    %dma_start3A_149 = tpu.memref_slice %arg4[%dma_start3A_147, %dma_start3A_148] : memref<10240x128xf32, #tpu.memory_space<hbm>> -> memref<10240x128xf32, #tpu.memory_space<hbm>>
    tpu.enqueue_indirect_dma source(%dma_start3A_149 : memref<10240x128xf32, #tpu.memory_space<hbm>>) target(%dma_start3A_143 : memref<112x128xf32, #tpu.memory_space<vmem>>) offsets(%dma_start3A_146 : memref<112xi32, #tpu.memory_space<vmem>>) semaphore(%arg10 : memref<!tpu.dma_semaphore, #tpu.memory_space<semaphore_mem>>)
    %rem3A_150 = arith.constant 2 : i32
    %rem3A_151 = arith.constant 8 : i32
    %rem3A_152 = arith.remsi %rem3A_150, %rem3A_151 : i32
    %dma_start3A_153 = arith.constant 2 : i32
    %dma_start3A_154 = arith.constant 0 : i32
    %dma_start3A_155 = tpu.memref_slice %arg7[%rem3A_152, %dma_start3A_154] : memref<8x112xi32, #tpu.memory_space<vmem>> -> memref<1x112xi32, #tpu.memory_space<vmem>>
    %dma_start3A_156 = tpu.memref_squeeze %dma_start3A_155 : memref<1x112xi32, #tpu.memory_space<vmem>> -> memref<112xi32, #tpu.memory_space<vmem>>
    %dma_start3A_157 = arith.constant 0 : i32
    %dma_start3A_158 = tpu.memref_slice %arg2[%add3A, %dma_start3A_153, %dma_start3A_157] : memref<32x90x112xi32, #tpu.memory_space<hbm>> -> memref<1x1x112xi32, #tpu.memory_space<hbm>>
    %dma_start3A_159 = tpu.memref_squeeze %dma_start3A_158 : memref<1x1x112xi32, #tpu.memory_space<hbm>> -> memref<112xi32, #tpu.memory_space<hbm>>
    %dma_start3A_160 = arith.constant 0 : i32
    %dma_start3A_161 = tpu.memref_slice %arg7[%rem3A_152, %dma_start3A_160] : memref<8x112xi32, #tpu.memory_space<vmem>> -> memref<1x112xi32, #tpu.memory_space<vmem>>
    %dma_start3A_162 = tpu.memref_squeeze %dma_start3A_161 : memref<1x112xi32, #tpu.memory_space<vmem>> -> memref<112xi32, #tpu.memory_space<vmem>>
    %dma_start3A_163 = arith.constant 0 : i32
    %dma_start3A_164 = tpu.memref_slice %arg2[%add3A, %dma_start3A_153, %dma_start3A_163] : memref<32x90x112xi32, #tpu.memory_space<hbm>> -> memref<1x1x112xi32, #tpu.memory_space<hbm>>
    %dma_start3A_165 = tpu.memref_squeeze %dma_start3A_164 : memref<1x1x112xi32, #tpu.memory_space<hbm>> -> memref<112xi32, #tpu.memory_space<hbm>>
    tpu.enqueue_dma source(%dma_start3A_165 : memref<112xi32, #tpu.memory_space<hbm>>) target(%dma_start3A_162 : memref<112xi32, #tpu.memory_space<vmem>>) target_semaphore(%arg11 : memref<!tpu.dma_semaphore, #tpu.memory_space<semaphore_mem>>)
    %dma_start3A_166 = arith.constant 2 : i32
    %dma_start3A_167 = arith.constant 0 : i32
    %dma_start3A_168 = tpu.memref_slice %arg8[%rem3A_152, %dma_start3A_167] : memref<8x112xi32, #tpu.memory_space<vmem>> -> memref<1x112xi32, #tpu.memory_space<vmem>>
    %dma_start3A_169 = tpu.memref_squeeze %dma_start3A_168 : memref<1x112xi32, #tpu.memory_space<vmem>> -> memref<112xi32, #tpu.memory_space<vmem>>
    %dma_start3A_170 = arith.constant 0 : i32
    %dma_start3A_171 = tpu.memref_slice %arg3[%add3A, %dma_start3A_166, %dma_start3A_170] : memref<32x90x112xi32, #tpu.memory_space<hbm>> -> memref<1x1x112xi32, #tpu.memory_space<hbm>>
    %dma_start3A_172 = tpu.memref_squeeze %dma_start3A_171 : memref<1x1x112xi32, #tpu.memory_space<hbm>> -> memref<112xi32, #tpu.memory_space<hbm>>
    %dma_start3A_173 = arith.constant 0 : i32
    %dma_start3A_174 = tpu.memref_slice %arg8[%rem3A_152, %dma_start3A_173] : memref<8x112xi32, #tpu.memory_space<vmem>> -> memref<1x112xi32, #tpu.memory_space<vmem>>
    %dma_start3A_175 = tpu.memref_squeeze %dma_start3A_174 : memref<1x112xi32, #tpu.memory_space<vmem>> -> memref<112xi32, #tpu.memory_space<vmem>>
    %dma_start3A_176 = arith.constant 0 : i32
    %dma_start3A_177 = tpu.memref_slice %arg3[%add3A, %dma_start3A_166, %dma_start3A_176] : memref<32x90x112xi32, #tpu.memory_space<hbm>> -> memref<1x1x112xi32, #tpu.memory_space<hbm>>
    %dma_start3A_178 = tpu.memref_squeeze %dma_start3A_177 : memref<1x1x112xi32, #tpu.memory_space<hbm>> -> memref<112xi32, #tpu.memory_space<hbm>>
    tpu.enqueue_dma source(%dma_start3A_178 : memref<112xi32, #tpu.memory_space<hbm>>) target(%dma_start3A_175 : memref<112xi32, #tpu.memory_space<vmem>>) target_semaphore(%arg11 : memref<!tpu.dma_semaphore, #tpu.memory_space<semaphore_mem>>)
    %eq3A = arith.constant 0 : i32
    %eq3A_179 = arith.cmpi eq, %arg0, %eq3A : i32
    %convert_element_type3A = arith.extui %eq3A_179 : i1 to i32
    %cond3A = arith.constant 0 : i32
    %cond3A_180 = arith.cmpi ne, %convert_element_type3A, %cond3A : i32
    scf.if %cond3A_180 {
      "tpu.region"() ({
        %run_scoped3A = tpu.sem_alloc : memref<!tpu.dma_semaphore, #tpu.memory_space<semaphore_mem>>
        %dma_start3A_206 = arith.constant 0 : i32
        %dma_start3A_207 = tpu.memref_slice %arg13[%mul3A_2, %dma_start3A_206] : memref<10240x128xf32, #tpu.memory_space<vmem_shared>> -> memref<640x128xf32, #tpu.memory_space<vmem_shared>>
        %dma_start3A_208 = arith.constant 0 : i32
        %dma_start3A_209 = tpu.memref_slice %arg4[%mul3A_2, %dma_start3A_208] : memref<10240x128xf32, #tpu.memory_space<hbm>> -> memref<640x128xf32, #tpu.memory_space<hbm>>
        tpu.enqueue_dma source(%dma_start3A_209 : memref<640x128xf32, #tpu.memory_space<hbm>>) target(%dma_start3A_207 : memref<640x128xf32, #tpu.memory_space<vmem_shared>>) target_semaphore(%run_scoped3A : memref<!tpu.dma_semaphore, #tpu.memory_space<semaphore_mem>>)
        %dma_wait3A_210 = arith.constant 0 : i32
        %dma_wait3A_211 = tpu.memref_slice %arg13[%mul3A_2, %dma_wait3A_210] : memref<10240x128xf32, #tpu.memory_space<vmem_shared>> -> memref<640x128xf32, #tpu.memory_space<vmem_shared>>
        %dma_wait3A_212 = arith.constant 0 : i32
        %dma_wait3A_213 = tpu.memref_slice %arg4[%mul3A_2, %dma_wait3A_212] : memref<10240x128xf32, #tpu.memory_space<hbm>> -> memref<640x128xf32, #tpu.memory_space<hbm>>
        tpu.wait_dma2 semaphore(%run_scoped3A : memref<!tpu.dma_semaphore, #tpu.memory_space<semaphore_mem>>) src(%dma_wait3A_213 : memref<640x128xf32, #tpu.memory_space<hbm>>) dst(%dma_wait3A_211 : memref<640x128xf32, #tpu.memory_space<vmem_shared>>)
        tpu.yield
      }) : () -> ()
    } else {
    }
    %ne3A = arith.constant 0 : i32
    %ne3A_181 = arith.cmpi ne, %arg0, %ne3A : i32
    %convert_element_type3A_182 = arith.extui %ne3A_181 : i1 to i32
    %cond3A_183 = arith.constant 0 : i32
    %cond3A_184 = arith.cmpi ne, %convert_element_type3A_182, %cond3A_183 : i32
    scf.if %cond3A_184 {
      "tpu.region"() ({
        %run_scoped3A = tpu.sem_alloc : memref<!tpu.dma_semaphore, #tpu.memory_space<semaphore_mem>>
        %dma_start3A_206 = arith.constant 0 : i32
        %dma_start3A_207 = tpu.memref_slice %arg13[%mul3A_2, %dma_start3A_206] : memref<10240x128xf32, #tpu.memory_space<vmem_shared>> -> memref<640x128xf32, #tpu.memory_space<vmem_shared>>
        %dma_start3A_208 = arith.constant 0 : i32
        %dma_start3A_209 = tpu.memref_slice %arg5[%mul3A_2, %dma_start3A_208] : memref<10240x128xf32, #tpu.memory_space<hbm>> -> memref<640x128xf32, #tpu.memory_space<hbm>>
        tpu.enqueue_dma source(%dma_start3A_209 : memref<640x128xf32, #tpu.memory_space<hbm>>) target(%dma_start3A_207 : memref<640x128xf32, #tpu.memory_space<vmem_shared>>) target_semaphore(%run_scoped3A : memref<!tpu.dma_semaphore, #tpu.memory_space<semaphore_mem>>)
        %dma_wait3A_210 = arith.constant 0 : i32
        %dma_wait3A_211 = tpu.memref_slice %arg13[%mul3A_2, %dma_wait3A_210] : memref<10240x128xf32, #tpu.memory_space<vmem_shared>> -> memref<640x128xf32, #tpu.memory_space<vmem_shared>>
        %dma_wait3A_212 = arith.constant 0 : i32
        %dma_wait3A_213 = tpu.memref_slice %arg5[%mul3A_2, %dma_wait3A_212] : memref<10240x128xf32, #tpu.memory_space<hbm>> -> memref<640x128xf32, #tpu.memory_space<hbm>>
        tpu.wait_dma2 semaphore(%run_scoped3A : memref<!tpu.dma_semaphore, #tpu.memory_space<semaphore_mem>>) src(%dma_wait3A_213 : memref<640x128xf32, #tpu.memory_space<hbm>>) dst(%dma_wait3A_211 : memref<640x128xf32, #tpu.memory_space<vmem_shared>>)
        tpu.yield
      }) : () -> ()
    } else {
    }
    %barrier3A = arith.constant 0 : index
    tpu.barrier barrier_id(%barrier3A)
    %scan3A = arith.constant 0 : i32
    %scan3A_185 = arith.constant 0 : i32
    %scan3A_186 = arith.constant 90 : i32
    %scan3A_187 = arith.addi %scan3A_185, %scan3A_186 : i32
    %scan3A_188 = arith.constant 1 : i32
    scf.for %scan3A_206 = %scan3A_185 to %scan3A_187 step %scan3A_188  : i32 {
      %dma_wait3A_207 = arith.constant 0 : i32
      %dma_wait3A_208 = arith.constant 0 : i32
      %dma_wait3A_209 = arith.constant 0 : i32
      %dma_wait3A_210 = tpu.memref_slice %arg9[%dma_wait3A_207, %dma_wait3A_208, %dma_wait3A_209] : memref<3x112x128xf32, #tpu.memory_space<vmem>> -> memref<1x112x128xf32, #tpu.memory_space<vmem>>
      %dma_wait3A_211 = tpu.memref_squeeze %dma_wait3A_210 : memref<1x112x128xf32, #tpu.memory_space<vmem>> -> memref<112x128xf32, #tpu.memory_space<vmem>>
      %dma_wait3A_212 = arith.constant 0 : i32
      %dma_wait3A_213 = arith.constant 0 : i32
      %dma_wait3A_214 = tpu.memref_slice %arg4[%dma_wait3A_212, %dma_wait3A_213] : memref<10240x128xf32, #tpu.memory_space<hbm>> -> memref<112x128xf32, #tpu.memory_space<hbm>>
      %dma_wait3A_215 = arith.constant 0 : i32
      %dma_wait3A_216 = arith.constant 0 : i32
      %dma_wait3A_217 = tpu.memref_slice %arg9[%dma_wait3A_207, %dma_wait3A_215, %dma_wait3A_216] : memref<3x112x128xf32, #tpu.memory_space<vmem>> -> memref<1x112x128xf32, #tpu.memory_space<vmem>>
      %dma_wait3A_218 = tpu.memref_squeeze %dma_wait3A_217 : memref<1x112x128xf32, #tpu.memory_space<vmem>> -> memref<112x128xf32, #tpu.memory_space<vmem>>
      %dma_wait3A_219 = arith.constant 0 : i32
      %dma_wait3A_220 = arith.constant 0 : i32
      %dma_wait3A_221 = tpu.memref_slice %arg4[%dma_wait3A_219, %dma_wait3A_220] : memref<10240x128xf32, #tpu.memory_space<hbm>> -> memref<112x128xf32, #tpu.memory_space<hbm>>
      tpu.wait_dma2 semaphore(%arg10 : memref<!tpu.dma_semaphore, #tpu.memory_space<semaphore_mem>>) src(%dma_wait3A_221 : memref<112x128xf32, #tpu.memory_space<hbm>>) dst(%dma_wait3A_218 : memref<112x128xf32, #tpu.memory_space<vmem>>)
      %gt3A = arith.constant 0 : i32
      %gt3A_222 = arith.cmpi sgt, %scan3A_206, %gt3A : i32
      %convert_element_type3A_223 = arith.extui %gt3A_222 : i1 to i32
      %cond3A_224 = arith.constant 0 : i32
      %cond3A_225 = arith.cmpi ne, %convert_element_type3A_223, %cond3A_224 : i32
      scf.if %cond3A_225 {
        %dma_wait3A_253 = arith.constant 0 : i32
        %dma_wait3A_254 = arith.constant 0 : i32
        %dma_wait3A_255 = arith.constant 0 : i32
        %dma_wait3A_256 = tpu.memref_slice %arg9[%dma_wait3A_253, %dma_wait3A_254, %dma_wait3A_255] : memref<3x112x128xf32, #tpu.memory_space<vmem>> -> memref<1x112x128xf32, #tpu.memory_space<vmem>>
        %dma_wait3A_257 = tpu.memref_squeeze %dma_wait3A_256 : memref<1x112x128xf32, #tpu.memory_space<vmem>> -> memref<112x128xf32, #tpu.memory_space<vmem>>
        %dma_wait3A_258 = arith.constant 0 : i32
        %dma_wait3A_259 = arith.constant 0 : i32
        %dma_wait3A_260 = tpu.memref_slice %arg4[%dma_wait3A_258, %dma_wait3A_259] : memref<10240x128xf32, #tpu.memory_space<hbm>> -> memref<112x128xf32, #tpu.memory_space<hbm>>
        %dma_wait3A_261 = arith.constant 0 : i32
        %dma_wait3A_262 = arith.constant 0 : i32
        %dma_wait3A_263 = tpu.memref_slice %arg9[%dma_wait3A_253, %dma_wait3A_261, %dma_wait3A_262] : memref<3x112x128xf32, #tpu.memory_space<vmem>> -> memref<1x112x128xf32, #tpu.memory_space<vmem>>
        %dma_wait3A_264 = tpu.memref_squeeze %dma_wait3A_263 : memref<1x112x128xf32, #tpu.memory_space<vmem>> -> memref<112x128xf32, #tpu.memory_space<vmem>>
        %dma_wait3A_265 = arith.constant 0 : i32
        %dma_wait3A_266 = arith.constant 0 : i32
        %dma_wait3A_267 = tpu.memref_slice %arg4[%dma_wait3A_265, %dma_wait3A_266] : memref<10240x128xf32, #tpu.memory_space<hbm>> -> memref<112x128xf32, #tpu.memory_space<hbm>>
        tpu.wait_dma2 semaphore(%arg12 : memref<!tpu.dma_semaphore, #tpu.memory_space<semaphore_mem>>) src(%dma_wait3A_267 : memref<112x128xf32, #tpu.memory_space<hbm>>) dst(%dma_wait3A_264 : memref<112x128xf32, #tpu.memory_space<vmem>>)
      } else {
      }
      %add3A_226 = arith.constant 2 : i32
      %add3A_227 = arith.addi %scan3A_206, %add3A_226 : i32
      %lt3A = arith.constant 90 : i32
      %lt3A_228 = arith.cmpi slt, %add3A_227, %lt3A : i32
      %convert_element_type3A_229 = arith.extui %lt3A_228 : i1 to i32
      %cond3A_230 = arith.constant 0 : i32
      %cond3A_231 = arith.cmpi ne, %convert_element_type3A_229, %cond3A_230 : i32
      scf.if %cond3A_231 {
        %dma_wait3A_253 = arith.constant 0 : i32
        %dma_wait3A_254 = arith.constant 0 : i32
        %dma_wait3A_255 = arith.constant 0 : i32
        %dma_wait3A_256 = arith.constant 0 : i32
        %dma_wait3A_257 = tpu.memref_slice %arg7[%dma_wait3A_255, %dma_wait3A_256] : memref<8x112xi32, #tpu.memory_space<vmem>> -> memref<1x112xi32, #tpu.memory_space<vmem>>
        %dma_wait3A_258 = tpu.memref_squeeze %dma_wait3A_257 : memref<1x112xi32, #tpu.memory_space<vmem>> -> memref<112xi32, #tpu.memory_space<vmem>>
        %dma_wait3A_259 = arith.constant 0 : i32
        %dma_wait3A_260 = tpu.memref_slice %arg2[%dma_wait3A_253, %dma_wait3A_254, %dma_wait3A_259] : memref<32x90x112xi32, #tpu.memory_space<hbm>> -> memref<1x1x112xi32, #tpu.memory_space<hbm>>
        %dma_wait3A_261 = tpu.memref_squeeze %dma_wait3A_260 : memref<1x1x112xi32, #tpu.memory_space<hbm>> -> memref<112xi32, #tpu.memory_space<hbm>>
        %dma_wait3A_262 = arith.constant 0 : i32
        %dma_wait3A_263 = tpu.memref_slice %arg7[%dma_wait3A_255, %dma_wait3A_262] : memref<8x112xi32, #tpu.memory_space<vmem>> -> memref<1x112xi32, #tpu.memory_space<vmem>>
        %dma_wait3A_264 = tpu.memref_squeeze %dma_wait3A_263 : memref<1x112xi32, #tpu.memory_space<vmem>> -> memref<112xi32, #tpu.memory_space<vmem>>
        %dma_wait3A_265 = arith.constant 0 : i32
        %dma_wait3A_266 = tpu.memref_slice %arg2[%dma_wait3A_253, %dma_wait3A_254, %dma_wait3A_265] : memref<32x90x112xi32, #tpu.memory_space<hbm>> -> memref<1x1x112xi32, #tpu.memory_space<hbm>>
        %dma_wait3A_267 = tpu.memref_squeeze %dma_wait3A_266 : memref<1x1x112xi32, #tpu.memory_space<hbm>> -> memref<112xi32, #tpu.memory_space<hbm>>
        tpu.wait_dma2 semaphore(%arg11 : memref<!tpu.dma_semaphore, #tpu.memory_space<semaphore_mem>>) src(%dma_wait3A_267 : memref<112xi32, #tpu.memory_space<hbm>>) dst(%dma_wait3A_264 : memref<112xi32, #tpu.memory_space<vmem>>)
        %dma_wait3A_268 = arith.constant 0 : i32
        %dma_wait3A_269 = arith.constant 0 : i32
        %dma_wait3A_270 = arith.constant 0 : i32
        %dma_wait3A_271 = arith.constant 0 : i32
        %dma_wait3A_272 = tpu.memref_slice %arg8[%dma_wait3A_270, %dma_wait3A_271] : memref<8x112xi32, #tpu.memory_space<vmem>> -> memref<1x112xi32, #tpu.memory_space<vmem>>
        %dma_wait3A_273 = tpu.memref_squeeze %dma_wait3A_272 : memref<1x112xi32, #tpu.memory_space<vmem>> -> memref<112xi32, #tpu.memory_space<vmem>>
        %dma_wait3A_274 = arith.constant 0 : i32
        %dma_wait3A_275 = tpu.memref_slice %arg3[%dma_wait3A_268, %dma_wait3A_269, %dma_wait3A_274] : memref<32x90x112xi32, #tpu.memory_space<hbm>> -> memref<1x1x112xi32, #tpu.memory_space<hbm>>
        %dma_wait3A_276 = tpu.memref_squeeze %dma_wait3A_275 : memref<1x1x112xi32, #tpu.memory_space<hbm>> -> memref<112xi32, #tpu.memory_space<hbm>>
        %dma_wait3A_277 = arith.constant 0 : i32
        %dma_wait3A_278 = tpu.memref_slice %arg8[%dma_wait3A_270, %dma_wait3A_277] : memref<8x112xi32, #tpu.memory_space<vmem>> -> memref<1x112xi32, #tpu.memory_space<vmem>>
        %dma_wait3A_279 = tpu.memref_squeeze %dma_wait3A_278 : memref<1x112xi32, #tpu.memory_space<vmem>> -> memref<112xi32, #tpu.memory_space<vmem>>
        %dma_wait3A_280 = arith.constant 0 : i32
        %dma_wait3A_281 = tpu.memref_slice %arg3[%dma_wait3A_268, %dma_wait3A_269, %dma_wait3A_280] : memref<32x90x112xi32, #tpu.memory_space<hbm>> -> memref<1x1x112xi32, #tpu.memory_space<hbm>>
        %dma_wait3A_282 = tpu.memref_squeeze %dma_wait3A_281 : memref<1x1x112xi32, #tpu.memory_space<hbm>> -> memref<112xi32, #tpu.memory_space<hbm>>
        tpu.wait_dma2 semaphore(%arg11 : memref<!tpu.dma_semaphore, #tpu.memory_space<semaphore_mem>>) src(%dma_wait3A_282 : memref<112xi32, #tpu.memory_space<hbm>>) dst(%dma_wait3A_279 : memref<112xi32, #tpu.memory_space<vmem>>)
        %add3A_283 = arith.constant 2 : i32
        %add3A_284 = arith.addi %scan3A_206, %add3A_283 : i32
        %rem3A_285 = arith.constant 8 : i32
        %rem3A_286 = arith.remsi %add3A_284, %rem3A_285 : i32
        %rem3A_287 = arith.constant 3 : i32
        %rem3A_288 = arith.remsi %add3A_284, %rem3A_287 : i32
        %dma_start3A_289 = arith.constant 0 : i32
        %dma_start3A_290 = arith.constant 0 : i32
        %dma_start3A_291 = tpu.memref_slice %arg9[%rem3A_288, %dma_start3A_289, %dma_start3A_290] : memref<3x112x128xf32, #tpu.memory_space<vmem>> -> memref<1x112x128xf32, #tpu.memory_space<vmem>>
        %dma_start3A_292 = tpu.memref_squeeze %dma_start3A_291 : memref<1x112x128xf32, #tpu.memory_space<vmem>> -> memref<112x128xf32, #tpu.memory_space<vmem>>
        %dma_start3A_293 = arith.constant 0 : i32
        %dma_start3A_294 = tpu.memref_slice %arg7[%rem3A_286, %dma_start3A_293] : memref<8x112xi32, #tpu.memory_space<vmem>> -> memref<1x112xi32, #tpu.memory_space<vmem>>
        %dma_start3A_295 = tpu.memref_squeeze %dma_start3A_294 : memref<1x112xi32, #tpu.memory_space<vmem>> -> memref<112xi32, #tpu.memory_space<vmem>>
        %dma_start3A_296 = arith.constant 0 : i32
        %dma_start3A_297 = arith.constant 0 : i32
        %dma_start3A_298 = tpu.memref_slice %arg4[%dma_start3A_296, %dma_start3A_297] : memref<10240x128xf32, #tpu.memory_space<hbm>> -> memref<10240x128xf32, #tpu.memory_space<hbm>>
        tpu.enqueue_indirect_dma source(%dma_start3A_298 : memref<10240x128xf32, #tpu.memory_space<hbm>>) target(%dma_start3A_292 : memref<112x128xf32, #tpu.memory_space<vmem>>) offsets(%dma_start3A_295 : memref<112xi32, #tpu.memory_space<vmem>>) semaphore(%arg10 : memref<!tpu.dma_semaphore, #tpu.memory_space<semaphore_mem>>)
      } else {
      }
      %rem3A_232 = arith.constant 3 : i32
      %rem3A_233 = arith.remsi %scan3A_206, %rem3A_232 : i32
      %rem3A_234 = arith.constant 8 : i32
      %rem3A_235 = arith.remsi %scan3A_206, %rem3A_234 : i32
      %dma_start3A_236 = arith.constant 0 : i32
      %dma_start3A_237 = arith.constant 0 : i32
      %dma_start3A_238 = tpu.memref_slice %arg9[%rem3A_233, %dma_start3A_236, %dma_start3A_237] : memref<3x112x128xf32, #tpu.memory_space<vmem>> -> memref<1x112x128xf32, #tpu.memory_space<vmem>>
      %dma_start3A_239 = tpu.memref_squeeze %dma_start3A_238 : memref<1x112x128xf32, #tpu.memory_space<vmem>> -> memref<112x128xf32, #tpu.memory_space<vmem>>
      %dma_start3A_240 = arith.constant 0 : i32
      %dma_start3A_241 = tpu.memref_slice %arg8[%rem3A_235, %dma_start3A_240] : memref<8x112xi32, #tpu.memory_space<vmem>> -> memref<1x112xi32, #tpu.memory_space<vmem>>
      %dma_start3A_242 = tpu.memref_squeeze %dma_start3A_241 : memref<1x112xi32, #tpu.memory_space<vmem>> -> memref<112xi32, #tpu.memory_space<vmem>>
      %dma_start3A_243 = arith.constant 0 : i32
      %dma_start3A_244 = arith.constant 0 : i32
      %dma_start3A_245 = tpu.memref_slice %arg13[%dma_start3A_243, %dma_start3A_244] : memref<10240x128xf32, #tpu.memory_space<vmem_shared>> -> memref<10240x128xf32, #tpu.memory_space<vmem_shared>>
      tpu.enqueue_indirect_dma source(%dma_start3A_239 : memref<112x128xf32, #tpu.memory_space<vmem>>) target(%dma_start3A_245 : memref<10240x128xf32, #tpu.memory_space<vmem_shared>>) offsets(%dma_start3A_242 : memref<112xi32, #tpu.memory_space<vmem>>) semaphore(%arg12 : memref<!tpu.dma_semaphore, #tpu.memory_space<semaphore_mem>>) {add = true}
      %add3A_246 = arith.constant 3 : i32
      %add3A_247 = arith.addi %scan3A_206, %add3A_246 : i32
      %lt3A_248 = arith.constant 90 : i32
      %lt3A_249 = arith.cmpi slt, %add3A_247, %lt3A_248 : i32
      %convert_element_type3A_250 = arith.extui %lt3A_249 : i1 to i32
      %cond3A_251 = arith.constant 0 : i32
      %cond3A_252 = arith.cmpi ne, %convert_element_type3A_250, %cond3A_251 : i32
      scf.if %cond3A_252 {
        %add3A_253 = arith.constant 3 : i32
        %add3A_254 = arith.addi %scan3A_206, %add3A_253 : i32
        %rem3A_255 = arith.constant 8 : i32
        %rem3A_256 = arith.remsi %add3A_254, %rem3A_255 : i32
        %dma_start3A_257 = arith.constant 0 : i32
        %dma_start3A_258 = tpu.memref_slice %arg7[%rem3A_256, %dma_start3A_257] : memref<8x112xi32, #tpu.memory_space<vmem>> -> memref<1x112xi32, #tpu.memory_space<vmem>>
        %dma_start3A_259 = tpu.memref_squeeze %dma_start3A_258 : memref<1x112xi32, #tpu.memory_space<vmem>> -> memref<112xi32, #tpu.memory_space<vmem>>
        %dma_start3A_260 = arith.constant 0 : i32
        %dma_start3A_261 = tpu.memref_slice %arg2[%add3A, %add3A_254, %dma_start3A_260] : memref<32x90x112xi32, #tpu.memory_space<hbm>> -> memref<1x1x112xi32, #tpu.memory_space<hbm>>
        %dma_start3A_262 = tpu.memref_squeeze %dma_start3A_261 : memref<1x1x112xi32, #tpu.memory_space<hbm>> -> memref<112xi32, #tpu.memory_space<hbm>>
        %dma_start3A_263 = arith.constant 0 : i32
        %dma_start3A_264 = tpu.memref_slice %arg7[%rem3A_256, %dma_start3A_263] : memref<8x112xi32, #tpu.memory_space<vmem>> -> memref<1x112xi32, #tpu.memory_space<vmem>>
        %dma_start3A_265 = tpu.memref_squeeze %dma_start3A_264 : memref<1x112xi32, #tpu.memory_space<vmem>> -> memref<112xi32, #tpu.memory_space<vmem>>
        %dma_start3A_266 = arith.constant 0 : i32
        %dma_start3A_267 = tpu.memref_slice %arg2[%add3A, %add3A_254, %dma_start3A_266] : memref<32x90x112xi32, #tpu.memory_space<hbm>> -> memref<1x1x112xi32, #tpu.memory_space<hbm>>
        %dma_start3A_268 = tpu.memref_squeeze %dma_start3A_267 : memref<1x1x112xi32, #tpu.memory_space<hbm>> -> memref<112xi32, #tpu.memory_space<hbm>>
        tpu.enqueue_dma source(%dma_start3A_268 : memref<112xi32, #tpu.memory_space<hbm>>) target(%dma_start3A_265 : memref<112xi32, #tpu.memory_space<vmem>>) target_semaphore(%arg11 : memref<!tpu.dma_semaphore, #tpu.memory_space<semaphore_mem>>)
        %dma_start3A_269 = arith.constant 0 : i32
        %dma_start3A_270 = tpu.memref_slice %arg8[%rem3A_256, %dma_start3A_269] : memref<8x112xi32, #tpu.memory_space<vmem>> -> memref<1x112xi32, #tpu.memory_space<vmem>>
        %dma_start3A_271 = tpu.memref_squeeze %dma_start3A_270 : memref<1x112xi32, #tpu.memory_space<vmem>> -> memref<112xi32, #tpu.memory_space<vmem>>
        %dma_start3A_272 = arith.constant 0 : i32
        %dma_start3A_273 = tpu.memref_slice %arg3[%add3A, %add3A_254, %dma_start3A_272] : memref<32x90x112xi32, #tpu.memory_space<hbm>> -> memref<1x1x112xi32, #tpu.memory_space<hbm>>
        %dma_start3A_274 = tpu.memref_squeeze %dma_start3A_273 : memref<1x1x112xi32, #tpu.memory_space<hbm>> -> memref<112xi32, #tpu.memory_space<hbm>>
        %dma_start3A_275 = arith.constant 0 : i32
        %dma_start3A_276 = tpu.memref_slice %arg8[%rem3A_256, %dma_start3A_275] : memref<8x112xi32, #tpu.memory_space<vmem>> -> memref<1x112xi32, #tpu.memory_space<vmem>>
        %dma_start3A_277 = tpu.memref_squeeze %dma_start3A_276 : memref<1x112xi32, #tpu.memory_space<vmem>> -> memref<112xi32, #tpu.memory_space<vmem>>
        %dma_start3A_278 = arith.constant 0 : i32
        %dma_start3A_279 = tpu.memref_slice %arg3[%add3A, %add3A_254, %dma_start3A_278] : memref<32x90x112xi32, #tpu.memory_space<hbm>> -> memref<1x1x112xi32, #tpu.memory_space<hbm>>
        %dma_start3A_280 = tpu.memref_squeeze %dma_start3A_279 : memref<1x1x112xi32, #tpu.memory_space<hbm>> -> memref<112xi32, #tpu.memory_space<hbm>>
        tpu.enqueue_dma source(%dma_start3A_280 : memref<112xi32, #tpu.memory_space<hbm>>) target(%dma_start3A_277 : memref<112xi32, #tpu.memory_space<vmem>>) target_semaphore(%arg11 : memref<!tpu.dma_semaphore, #tpu.memory_space<semaphore_mem>>)
      } else {
      }
    }
    %scan3A_189 = arith.constant 90 : i32
    %dma_wait3A_190 = arith.constant 0 : i32
    %dma_wait3A_191 = arith.constant 0 : i32
    %dma_wait3A_192 = arith.constant 0 : i32
    %dma_wait3A_193 = tpu.memref_slice %arg9[%dma_wait3A_190, %dma_wait3A_191, %dma_wait3A_192] : memref<3x112x128xf32, #tpu.memory_space<vmem>> -> memref<1x112x128xf32, #tpu.memory_space<vmem>>
    %dma_wait3A_194 = tpu.memref_squeeze %dma_wait3A_193 : memref<1x112x128xf32, #tpu.memory_space<vmem>> -> memref<112x128xf32, #tpu.memory_space<vmem>>
    %dma_wait3A_195 = arith.constant 0 : i32
    %dma_wait3A_196 = arith.constant 0 : i32
    %dma_wait3A_197 = tpu.memref_slice %arg4[%dma_wait3A_195, %dma_wait3A_196] : memref<10240x128xf32, #tpu.memory_space<hbm>> -> memref<112x128xf32, #tpu.memory_space<hbm>>
    %dma_wait3A_198 = arith.constant 0 : i32
    %dma_wait3A_199 = arith.constant 0 : i32
    %dma_wait3A_200 = tpu.memref_slice %arg9[%dma_wait3A_190, %dma_wait3A_198, %dma_wait3A_199] : memref<3x112x128xf32, #tpu.memory_space<vmem>> -> memref<1x112x128xf32, #tpu.memory_space<vmem>>
    %dma_wait3A_201 = tpu.memref_squeeze %dma_wait3A_200 : memref<1x112x128xf32, #tpu.memory_space<vmem>> -> memref<112x128xf32, #tpu.memory_space<vmem>>
    %dma_wait3A_202 = arith.constant 0 : i32
    %dma_wait3A_203 = arith.constant 0 : i32
    %dma_wait3A_204 = tpu.memref_slice %arg4[%dma_wait3A_202, %dma_wait3A_203] : memref<10240x128xf32, #tpu.memory_space<hbm>> -> memref<112x128xf32, #tpu.memory_space<hbm>>
    tpu.wait_dma2 semaphore(%arg12 : memref<!tpu.dma_semaphore, #tpu.memory_space<semaphore_mem>>) src(%dma_wait3A_204 : memref<112x128xf32, #tpu.memory_space<hbm>>) dst(%dma_wait3A_201 : memref<112x128xf32, #tpu.memory_space<vmem>>)
    %barrier3A_205 = arith.constant 0 : index
    tpu.barrier barrier_id(%barrier3A_205)
    "tpu.region"() ({
      %run_scoped3A = tpu.sem_alloc : memref<!tpu.dma_semaphore, #tpu.memory_space<semaphore_mem>>
      %dma_start3A_206 = arith.constant 0 : i32
      %dma_start3A_207 = tpu.memref_slice %arg6[%arg0, %mul3A_2, %dma_start3A_206] : memref<2x10240x128xf32, #tpu.memory_space<hbm>> -> memref<1x640x128xf32, #tpu.memory_space<hbm>>
      %dma_start3A_208 = tpu.memref_squeeze %dma_start3A_207 : memref<1x640x128xf32, #tpu.memory_space<hbm>> -> memref<640x128xf32, #tpu.memory_space<hbm>>
      %dma_start3A_209 = arith.constant 0 : i32
      %dma_start3A_210 = tpu.memref_slice %arg13[%mul3A_2, %dma_start3A_209] : memref<10240x128xf32, #tpu.memory_space<vmem_shared>> -> memref<640x128xf32, #tpu.memory_space<vmem_shared>>
      tpu.enqueue_dma source(%dma_start3A_210 : memref<640x128xf32, #tpu.memory_space<vmem_shared>>) target(%dma_start3A_208 : memref<640x128xf32, #tpu.memory_space<hbm>>) target_semaphore(%run_scoped3A : memref<!tpu.dma_semaphore, #tpu.memory_space<semaphore_mem>>)
      %dma_wait3A_211 = arith.constant 0 : i32
      %dma_wait3A_212 = tpu.memref_slice %arg6[%arg0, %mul3A_2, %dma_wait3A_211] : memref<2x10240x128xf32, #tpu.memory_space<hbm>> -> memref<1x640x128xf32, #tpu.memory_space<hbm>>
      %dma_wait3A_213 = tpu.memref_squeeze %dma_wait3A_212 : memref<1x640x128xf32, #tpu.memory_space<hbm>> -> memref<640x128xf32, #tpu.memory_space<hbm>>
      %dma_wait3A_214 = arith.constant 0 : i32
      %dma_wait3A_215 = tpu.memref_slice %arg13[%mul3A_2, %dma_wait3A_214] : memref<10240x128xf32, #tpu.memory_space<vmem_shared>> -> memref<640x128xf32, #tpu.memory_space<vmem_shared>>
      tpu.wait_dma2 semaphore(%run_scoped3A : memref<!tpu.dma_semaphore, #tpu.memory_space<semaphore_mem>>) src(%dma_wait3A_215 : memref<640x128xf32, #tpu.memory_space<vmem_shared>>) dst(%dma_wait3A_213 : memref<640x128xf32, #tpu.memory_space<hbm>>)
      tpu.yield
    }) : () -> ()
    return
  }
}

#map = affine_map<(d0, d1) -> (0, 0, 0)>
#map1 = affine_map<(d0, d1) -> (0)>
#map2 = affine_map<(d0, d1) -> (0, 0)>
module attributes {stable_mosaic.version = 14 : i64} {
  func.func @_deg_sc(%arg0: i32, %arg1: i32, %arg2: memref<32x90x112xi32, #tpu.memory_space<hbm>>, %arg3: memref<112xf32, #tpu.memory_space<hbm>>, %arg4: memref<10240xf32, #tpu.memory_space<hbm>>, %arg5: memref<2x10240xf32, #tpu.memory_space<hbm>>, %arg6: memref<90x112xi32, #tpu.memory_space<vmem>>, %arg7: memref<112xf32, #tpu.memory_space<vmem>>, %arg8: memref<10240xf32, #tpu.memory_space<vmem_shared>>) attributes {dimension_semantics = [#tpu.dimension_semantics<core_parallel>, #tpu.dimension_semantics<subcore_parallel>], iteration_bounds = array<i64: 2, 16>, scalar_prefetch = 0 : i64, scratch_operands = 3 : i64, tpu.core_type = #tpu.core_type<sc_vector_subcore>, window_params = [{transform_indices = #map}, {transform_indices = #map1}, {transform_indices = #map1}, {transform_indices = #map2}]} {
    %mul3A = arith.constant 16 : i32
    %mul3A_0 = arith.muli %arg0, %mul3A : i32
    %add3A = arith.addi %mul3A_0, %arg1 : i32
    %mul3A_1 = arith.constant 640 : i32
    %mul3A_2 = arith.muli %arg1, %mul3A_1 : i32
    "tpu.region"() ({
      %run_scoped3A = tpu.sem_alloc : memref<!tpu.dma_semaphore, #tpu.memory_space<semaphore_mem>>
      %dma_start3A = arith.constant 0 : i32
      %dma_start3A_9 = arith.constant 0 : i32
      %dma_start3A_10 = tpu.memref_slice %arg2[%add3A, %dma_start3A, %dma_start3A_9] : memref<32x90x112xi32, #tpu.memory_space<hbm>> -> memref<1x90x112xi32, #tpu.memory_space<hbm>>
      %dma_start3A_11 = tpu.memref_squeeze %dma_start3A_10 : memref<1x90x112xi32, #tpu.memory_space<hbm>> -> memref<90x112xi32, #tpu.memory_space<hbm>>
      %dma_start3A_12 = arith.constant 0 : i32
      %dma_start3A_13 = arith.constant 0 : i32
      %dma_start3A_14 = tpu.memref_slice %arg2[%add3A, %dma_start3A_12, %dma_start3A_13] : memref<32x90x112xi32, #tpu.memory_space<hbm>> -> memref<1x90x112xi32, #tpu.memory_space<hbm>>
      %dma_start3A_15 = tpu.memref_squeeze %dma_start3A_14 : memref<1x90x112xi32, #tpu.memory_space<hbm>> -> memref<90x112xi32, #tpu.memory_space<hbm>>
      tpu.enqueue_dma source(%dma_start3A_15 : memref<90x112xi32, #tpu.memory_space<hbm>>) target(%arg6 : memref<90x112xi32, #tpu.memory_space<vmem>>) target_semaphore(%run_scoped3A : memref<!tpu.dma_semaphore, #tpu.memory_space<semaphore_mem>>)
      %dma_wait3A = arith.constant 0 : i32
      %dma_wait3A_16 = arith.constant 0 : i32
      %dma_wait3A_17 = tpu.memref_slice %arg2[%add3A, %dma_wait3A, %dma_wait3A_16] : memref<32x90x112xi32, #tpu.memory_space<hbm>> -> memref<1x90x112xi32, #tpu.memory_space<hbm>>
      %dma_wait3A_18 = tpu.memref_squeeze %dma_wait3A_17 : memref<1x90x112xi32, #tpu.memory_space<hbm>> -> memref<90x112xi32, #tpu.memory_space<hbm>>
      %dma_wait3A_19 = arith.constant 0 : i32
      %dma_wait3A_20 = arith.constant 0 : i32
      %dma_wait3A_21 = tpu.memref_slice %arg2[%add3A, %dma_wait3A_19, %dma_wait3A_20] : memref<32x90x112xi32, #tpu.memory_space<hbm>> -> memref<1x90x112xi32, #tpu.memory_space<hbm>>
      %dma_wait3A_22 = tpu.memref_squeeze %dma_wait3A_21 : memref<1x90x112xi32, #tpu.memory_space<hbm>> -> memref<90x112xi32, #tpu.memory_space<hbm>>
      tpu.wait_dma2 semaphore(%run_scoped3A : memref<!tpu.dma_semaphore, #tpu.memory_space<semaphore_mem>>) src(%dma_wait3A_22 : memref<90x112xi32, #tpu.memory_space<hbm>>) dst(%arg6 : memref<90x112xi32, #tpu.memory_space<vmem>>)
      tpu.yield
    }) : () -> ()
    "tpu.region"() ({
      %run_scoped3A = tpu.sem_alloc : memref<!tpu.dma_semaphore, #tpu.memory_space<semaphore_mem>>
      tpu.enqueue_dma source(%arg3 : memref<112xf32, #tpu.memory_space<hbm>>) target(%arg7 : memref<112xf32, #tpu.memory_space<vmem>>) target_semaphore(%run_scoped3A : memref<!tpu.dma_semaphore, #tpu.memory_space<semaphore_mem>>)
      tpu.wait_dma2 semaphore(%run_scoped3A : memref<!tpu.dma_semaphore, #tpu.memory_space<semaphore_mem>>) src(%arg3 : memref<112xf32, #tpu.memory_space<hbm>>) dst(%arg7 : memref<112xf32, #tpu.memory_space<vmem>>)
      tpu.yield
    }) : () -> ()
    "tpu.region"() ({
      %run_scoped3A = tpu.sem_alloc : memref<!tpu.dma_semaphore, #tpu.memory_space<semaphore_mem>>
      %dma_start3A = tpu.memref_slice %arg8[%mul3A_2] : memref<10240xf32, #tpu.memory_space<vmem_shared>> -> memref<640xf32, #tpu.memory_space<vmem_shared>>
      %dma_start3A_9 = tpu.memref_slice %arg4[%mul3A_2] : memref<10240xf32, #tpu.memory_space<hbm>> -> memref<640xf32, #tpu.memory_space<hbm>>
      tpu.enqueue_dma source(%dma_start3A_9 : memref<640xf32, #tpu.memory_space<hbm>>) target(%dma_start3A : memref<640xf32, #tpu.memory_space<vmem_shared>>) target_semaphore(%run_scoped3A : memref<!tpu.dma_semaphore, #tpu.memory_space<semaphore_mem>>)
      %dma_wait3A = tpu.memref_slice %arg8[%mul3A_2] : memref<10240xf32, #tpu.memory_space<vmem_shared>> -> memref<640xf32, #tpu.memory_space<vmem_shared>>
      %dma_wait3A_10 = tpu.memref_slice %arg4[%mul3A_2] : memref<10240xf32, #tpu.memory_space<hbm>> -> memref<640xf32, #tpu.memory_space<hbm>>
      tpu.wait_dma2 semaphore(%run_scoped3A : memref<!tpu.dma_semaphore, #tpu.memory_space<semaphore_mem>>) src(%dma_wait3A_10 : memref<640xf32, #tpu.memory_space<hbm>>) dst(%dma_wait3A : memref<640xf32, #tpu.memory_space<vmem_shared>>)
      tpu.yield
    }) : () -> ()
    %barrier3A = arith.constant 0 : index
    tpu.barrier barrier_id(%barrier3A)
    %scan3A = arith.constant 0 : i32
    %scan3A_3 = arith.constant 0 : i32
    %scan3A_4 = arith.constant 90 : i32
    %scan3A_5 = arith.addi %scan3A_3, %scan3A_4 : i32
    %scan3A_6 = arith.constant 1 : i32
    scf.for %scan3A_9 = %scan3A_3 to %scan3A_5 step %scan3A_6  : i32 {
      "tpu.region"() ({
        %run_scoped3A = tpu.sem_alloc : memref<!tpu.dma_semaphore, #tpu.memory_space<semaphore_mem>>
        %dma_start3A = arith.constant 0 : i32
        %dma_start3A_10 = tpu.memref_slice %arg6[%scan3A_9, %dma_start3A] : memref<90x112xi32, #tpu.memory_space<vmem>> -> memref<1x112xi32, #tpu.memory_space<vmem>>
        %dma_start3A_11 = tpu.memref_squeeze %dma_start3A_10 : memref<1x112xi32, #tpu.memory_space<vmem>> -> memref<112xi32, #tpu.memory_space<vmem>>
        %dma_start3A_12 = arith.constant 0 : i32
        %dma_start3A_13 = tpu.memref_slice %arg8[%dma_start3A_12] : memref<10240xf32, #tpu.memory_space<vmem_shared>> -> memref<10240xf32, #tpu.memory_space<vmem_shared>>
        tpu.enqueue_indirect_dma source(%arg7 : memref<112xf32, #tpu.memory_space<vmem>>) target(%dma_start3A_13 : memref<10240xf32, #tpu.memory_space<vmem_shared>>) offsets(%dma_start3A_11 : memref<112xi32, #tpu.memory_space<vmem>>) semaphore(%run_scoped3A : memref<!tpu.dma_semaphore, #tpu.memory_space<semaphore_mem>>) {add = true}
        %dma_wait3A = arith.constant 0 : i32
        %dma_wait3A_14 = tpu.memref_slice %arg6[%scan3A_9, %dma_wait3A] : memref<90x112xi32, #tpu.memory_space<vmem>> -> memref<1x112xi32, #tpu.memory_space<vmem>>
        %dma_wait3A_15 = tpu.memref_squeeze %dma_wait3A_14 : memref<1x112xi32, #tpu.memory_space<vmem>> -> memref<112xi32, #tpu.memory_space<vmem>>
        %dma_wait3A_16 = arith.constant 0 : i32
        %dma_wait3A_17 = tpu.memref_slice %arg8[%dma_wait3A_16] : memref<10240xf32, #tpu.memory_space<vmem_shared>> -> memref<10240xf32, #tpu.memory_space<vmem_shared>>
        tpu.wait_indirect_dma semaphore(%run_scoped3A : memref<!tpu.dma_semaphore, #tpu.memory_space<semaphore_mem>>) src(%arg7 : memref<112xf32, #tpu.memory_space<vmem>>) dst(%dma_wait3A_17 : memref<10240xf32, #tpu.memory_space<vmem_shared>>)
        tpu.yield
      }) : () -> ()
    }
    %scan3A_7 = arith.constant 90 : i32
    %barrier3A_8 = arith.constant 0 : index
    tpu.barrier barrier_id(%barrier3A_8)
    "tpu.region"() ({
      %run_scoped3A = tpu.sem_alloc : memref<!tpu.dma_semaphore, #tpu.memory_space<semaphore_mem>>
      %dma_start3A = tpu.memref_slice %arg5[%arg0, %mul3A_2] : memref<2x10240xf32, #tpu.memory_space<hbm>> -> memref<1x640xf32, #tpu.memory_space<hbm>>
      %dma_start3A_9 = tpu.memref_squeeze %dma_start3A : memref<1x640xf32, #tpu.memory_space<hbm>> -> memref<640xf32, #tpu.memory_space<hbm>>
      %dma_start3A_10 = tpu.memref_slice %arg8[%mul3A_2] : memref<10240xf32, #tpu.memory_space<vmem_shared>> -> memref<640xf32, #tpu.memory_space<vmem_shared>>
      tpu.enqueue_dma source(%dma_start3A_10 : memref<640xf32, #tpu.memory_space<vmem_shared>>) target(%dma_start3A_9 : memref<640xf32, #tpu.memory_space<hbm>>) target_semaphore(%run_scoped3A : memref<!tpu.dma_semaphore, #tpu.memory_space<semaphore_mem>>)
      %dma_wait3A = tpu.memref_slice %arg5[%arg0, %mul3A_2] : memref<2x10240xf32, #tpu.memory_space<hbm>> -> memref<1x640xf32, #tpu.memory_space<hbm>>
      %dma_wait3A_11 = tpu.memref_squeeze %dma_wait3A : memref<1x640xf32, #tpu.memory_space<hbm>> -> memref<640xf32, #tpu.memory_space<hbm>>
      %dma_wait3A_12 = tpu.memref_slice %arg8[%mul3A_2] : memref<10240xf32, #tpu.memory_space<vmem_shared>> -> memref<640xf32, #tpu.memory_space<vmem_shared>>
      tpu.wait_dma2 semaphore(%run_scoped3A : memref<!tpu.dma_semaphore, #tpu.memory_space<semaphore_mem>>) src(%dma_wait3A_12 : memref<640xf32, #tpu.memory_space<vmem_shared>>) dst(%dma_wait3A_11 : memref<640xf32, #tpu.memory_space<hbm>>)
      tpu.yield
    }) : () -> ()
    return
  }
}

#map = affine_map<(d0, d1) -> (0, 0, 0)>
#map1 = affine_map<(d0, d1) -> (0, 0)>
module attributes {stable_mosaic.version = 14 : i64} {
  func.func @_agg_sc(%arg0: i32, %arg1: i32, %arg2: memref<32x90x112xi32, #tpu.memory_space<hbm>>, %arg3: memref<32x90x112xi32, #tpu.memory_space<hbm>>, %arg4: memref<10240x128xf32, #tpu.memory_space<hbm>>, %arg5: memref<10240x128xf32, #tpu.memory_space<hbm>>, %arg6: memref<2x10240x128xf32, #tpu.memory_space<hbm>>, %arg7: memref<8x112xi32, #tpu.memory_space<vmem>>, %arg8: memref<8x112xi32, #tpu.memory_space<vmem>>, %arg9: memref<3x112x128xf32, #tpu.memory_space<vmem>>, %arg10: memref<!tpu.dma_semaphore, #tpu.memory_space<semaphore_mem>>, %arg11: memref<!tpu.dma_semaphore, #tpu.memory_space<semaphore_mem>>, %arg12: memref<!tpu.dma_semaphore, #tpu.memory_space<semaphore_mem>>, %arg13: memref<10240x128xf32, #tpu.memory_space<vmem_shared>>) attributes {dimension_semantics = [#tpu.dimension_semantics<core_parallel>, #tpu.dimension_semantics<subcore_parallel>], iteration_bounds = array<i64: 2, 16>, scalar_prefetch = 0 : i64, scratch_operands = 7 : i64, tpu.core_type = #tpu.core_type<sc_vector_subcore>, window_params = [{transform_indices = #map}, {transform_indices = #map}, {transform_indices = #map1}, {transform_indices = #map1}, {transform_indices = #map}]} {
    %mul3A = arith.constant 16 : i32
    %mul3A_0 = arith.muli %arg0, %mul3A : i32
    %add3A = arith.addi %mul3A_0, %arg1 : i32
    %mul3A_1 = arith.constant 640 : i32
    %mul3A_2 = arith.muli %arg1, %mul3A_1 : i32
    %rem3A = arith.constant 0 : i32
    %rem3A_3 = arith.constant 8 : i32
    %rem3A_4 = arith.remsi %rem3A, %rem3A_3 : i32
    %dma_start3A = arith.constant 0 : i32
    %dma_start3A_5 = arith.constant 0 : i32
    %dma_start3A_6 = tpu.memref_slice %arg7[%rem3A_4, %dma_start3A_5] : memref<8x112xi32, #tpu.memory_space<vmem>> -> memref<1x112xi32, #tpu.memory_space<vmem>>
    %dma_start3A_7 = tpu.memref_squeeze %dma_start3A_6 : memref<1x112xi32, #tpu.memory_space<vmem>> -> memref<112xi32, #tpu.memory_space<vmem>>
    %dma_start3A_8 = arith.constant 0 : i32
    %dma_start3A_9 = tpu.memref_slice %arg2[%add3A, %dma_start3A, %dma_start3A_8] : memref<32x90x112xi32, #tpu.memory_space<hbm>> -> memref<1x1x112xi32, #tpu.memory_space<hbm>>
    %dma_start3A_10 = tpu.memref_squeeze %dma_start3A_9 : memref<1x1x112xi32, #tpu.memory_space<hbm>> -> memref<112xi32, #tpu.memory_space<hbm>>
    %dma_start3A_11 = arith.constant 0 : i32
    %dma_start3A_12 = tpu.memref_slice %arg7[%rem3A_4, %dma_start3A_11] : memref<8x112xi32, #tpu.memory_space<vmem>> -> memref<1x112xi32, #tpu.memory_space<vmem>>
    %dma_start3A_13 = tpu.memref_squeeze %dma_start3A_12 : memref<1x112xi32, #tpu.memory_space<vmem>> -> memref<112xi32, #tpu.memory_space<vmem>>
    %dma_start3A_14 = arith.constant 0 : i32
    %dma_start3A_15 = tpu.memref_slice %arg2[%add3A, %dma_start3A, %dma_start3A_14] : memref<32x90x112xi32, #tpu.memory_space<hbm>> -> memref<1x1x112xi32, #tpu.memory_space<hbm>>
    %dma_start3A_16 = tpu.memref_squeeze %dma_start3A_15 : memref<1x1x112xi32, #tpu.memory_space<hbm>> -> memref<112xi32, #tpu.memory_space<hbm>>
    tpu.enqueue_dma source(%dma_start3A_16 : memref<112xi32, #tpu.memory_space<hbm>>) target(%dma_start3A_13 : memref<112xi32, #tpu.memory_space<vmem>>) target_semaphore(%arg11 : memref<!tpu.dma_semaphore, #tpu.memory_space<semaphore_mem>>)
    %dma_start3A_17 = arith.constant 0 : i32
    %dma_start3A_18 = arith.constant 0 : i32
    %dma_start3A_19 = tpu.memref_slice %arg8[%rem3A_4, %dma_start3A_18] : memref<8x112xi32, #tpu.memory_space<vmem>> -> memref<1x112xi32, #tpu.memory_space<vmem>>
    %dma_start3A_20 = tpu.memref_squeeze %dma_start3A_19 : memref<1x112xi32, #tpu.memory_space<vmem>> -> memref<112xi32, #tpu.memory_space<vmem>>
    %dma_start3A_21 = arith.constant 0 : i32
    %dma_start3A_22 = tpu.memref_slice %arg3[%add3A, %dma_start3A_17, %dma_start3A_21] : memref<32x90x112xi32, #tpu.memory_space<hbm>> -> memref<1x1x112xi32, #tpu.memory_space<hbm>>
    %dma_start3A_23 = tpu.memref_squeeze %dma_start3A_22 : memref<1x1x112xi32, #tpu.memory_space<hbm>> -> memref<112xi32, #tpu.memory_space<hbm>>
    %dma_start3A_24 = arith.constant 0 : i32
    %dma_start3A_25 = tpu.memref_slice %arg8[%rem3A_4, %dma_start3A_24] : memref<8x112xi32, #tpu.memory_space<vmem>> -> memref<1x112xi32, #tpu.memory_space<vmem>>
    %dma_start3A_26 = tpu.memref_squeeze %dma_start3A_25 : memref<1x112xi32, #tpu.memory_space<vmem>> -> memref<112xi32, #tpu.memory_space<vmem>>
    %dma_start3A_27 = arith.constant 0 : i32
    %dma_start3A_28 = tpu.memref_slice %arg3[%add3A, %dma_start3A_17, %dma_start3A_27] : memref<32x90x112xi32, #tpu.memory_space<hbm>> -> memref<1x1x112xi32, #tpu.memory_space<hbm>>
    %dma_start3A_29 = tpu.memref_squeeze %dma_start3A_28 : memref<1x1x112xi32, #tpu.memory_space<hbm>> -> memref<112xi32, #tpu.memory_space<hbm>>
    tpu.enqueue_dma source(%dma_start3A_29 : memref<112xi32, #tpu.memory_space<hbm>>) target(%dma_start3A_26 : memref<112xi32, #tpu.memory_space<vmem>>) target_semaphore(%arg11 : memref<!tpu.dma_semaphore, #tpu.memory_space<semaphore_mem>>)
    %dma_wait3A = arith.constant 0 : i32
    %dma_wait3A_30 = arith.constant 0 : i32
    %dma_wait3A_31 = arith.constant 0 : i32
    %dma_wait3A_32 = arith.constant 0 : i32
    %dma_wait3A_33 = tpu.memref_slice %arg7[%dma_wait3A_31, %dma_wait3A_32] : memref<8x112xi32, #tpu.memory_space<vmem>> -> memref<1x112xi32, #tpu.memory_space<vmem>>
    %dma_wait3A_34 = tpu.memref_squeeze %dma_wait3A_33 : memref<1x112xi32, #tpu.memory_space<vmem>> -> memref<112xi32, #tpu.memory_space<vmem>>
    %dma_wait3A_35 = arith.constant 0 : i32
    %dma_wait3A_36 = tpu.memref_slice %arg2[%dma_wait3A, %dma_wait3A_30, %dma_wait3A_35] : memref<32x90x112xi32, #tpu.memory_space<hbm>> -> memref<1x1x112xi32, #tpu.memory_space<hbm>>
    %dma_wait3A_37 = tpu.memref_squeeze %dma_wait3A_36 : memref<1x1x112xi32, #tpu.memory_space<hbm>> -> memref<112xi32, #tpu.memory_space<hbm>>
    %dma_wait3A_38 = arith.constant 0 : i32
    %dma_wait3A_39 = tpu.memref_slice %arg7[%dma_wait3A_31, %dma_wait3A_38] : memref<8x112xi32, #tpu.memory_space<vmem>> -> memref<1x112xi32, #tpu.memory_space<vmem>>
    %dma_wait3A_40 = tpu.memref_squeeze %dma_wait3A_39 : memref<1x112xi32, #tpu.memory_space<vmem>> -> memref<112xi32, #tpu.memory_space<vmem>>
    %dma_wait3A_41 = arith.constant 0 : i32
    %dma_wait3A_42 = tpu.memref_slice %arg2[%dma_wait3A, %dma_wait3A_30, %dma_wait3A_41] : memref<32x90x112xi32, #tpu.memory_space<hbm>> -> memref<1x1x112xi32, #tpu.memory_space<hbm>>
    %dma_wait3A_43 = tpu.memref_squeeze %dma_wait3A_42 : memref<1x1x112xi32, #tpu.memory_space<hbm>> -> memref<112xi32, #tpu.memory_space<hbm>>
    tpu.wait_dma2 semaphore(%arg11 : memref<!tpu.dma_semaphore, #tpu.memory_space<semaphore_mem>>) src(%dma_wait3A_43 : memref<112xi32, #tpu.memory_space<hbm>>) dst(%dma_wait3A_40 : memref<112xi32, #tpu.memory_space<vmem>>)
    %dma_wait3A_44 = arith.constant 0 : i32
    %dma_wait3A_45 = arith.constant 0 : i32
    %dma_wait3A_46 = arith.constant 0 : i32
    %dma_wait3A_47 = arith.constant 0 : i32
    %dma_wait3A_48 = tpu.memref_slice %arg8[%dma_wait3A_46, %dma_wait3A_47] : memref<8x112xi32, #tpu.memory_space<vmem>> -> memref<1x112xi32, #tpu.memory_space<vmem>>
    %dma_wait3A_49 = tpu.memref_squeeze %dma_wait3A_48 : memref<1x112xi32, #tpu.memory_space<vmem>> -> memref<112xi32, #tpu.memory_space<vmem>>
    %dma_wait3A_50 = arith.constant 0 : i32
    %dma_wait3A_51 = tpu.memref_slice %arg3[%dma_wait3A_44, %dma_wait3A_45, %dma_wait3A_50] : memref<32x90x112xi32, #tpu.memory_space<hbm>> -> memref<1x1x112xi32, #tpu.memory_space<hbm>>
    %dma_wait3A_52 = tpu.memref_squeeze %dma_wait3A_51 : memref<1x1x112xi32, #tpu.memory_space<hbm>> -> memref<112xi32, #tpu.memory_space<hbm>>
    %dma_wait3A_53 = arith.constant 0 : i32
    %dma_wait3A_54 = tpu.memref_slice %arg8[%dma_wait3A_46, %dma_wait3A_53] : memref<8x112xi32, #tpu.memory_space<vmem>> -> memref<1x112xi32, #tpu.memory_space<vmem>>
    %dma_wait3A_55 = tpu.memref_squeeze %dma_wait3A_54 : memref<1x112xi32, #tpu.memory_space<vmem>> -> memref<112xi32, #tpu.memory_space<vmem>>
    %dma_wait3A_56 = arith.constant 0 : i32
    %dma_wait3A_57 = tpu.memref_slice %arg3[%dma_wait3A_44, %dma_wait3A_45, %dma_wait3A_56] : memref<32x90x112xi32, #tpu.memory_space<hbm>> -> memref<1x1x112xi32, #tpu.memory_space<hbm>>
    %dma_wait3A_58 = tpu.memref_squeeze %dma_wait3A_57 : memref<1x1x112xi32, #tpu.memory_space<hbm>> -> memref<112xi32, #tpu.memory_space<hbm>>
    tpu.wait_dma2 semaphore(%arg11 : memref<!tpu.dma_semaphore, #tpu.memory_space<semaphore_mem>>) src(%dma_wait3A_58 : memref<112xi32, #tpu.memory_space<hbm>>) dst(%dma_wait3A_55 : memref<112xi32, #tpu.memory_space<vmem>>)
    %rem3A_59 = arith.constant 0 : i32
    %rem3A_60 = arith.constant 8 : i32
    %rem3A_61 = arith.remsi %rem3A_59, %rem3A_60 : i32
    %rem3A_62 = arith.constant 0 : i32
    %rem3A_63 = arith.constant 3 : i32
    %rem3A_64 = arith.remsi %rem3A_62, %rem3A_63 : i32
    %dma_start3A_65 = arith.constant 0 : i32
    %dma_start3A_66 = arith.constant 0 : i32
    %dma_start3A_67 = tpu.memref_slice %arg9[%rem3A_64, %dma_start3A_65, %dma_start3A_66] : memref<3x112x128xf32, #tpu.memory_space<vmem>> -> memref<1x112x128xf32, #tpu.memory_space<vmem>>
    %dma_start3A_68 = tpu.memref_squeeze %dma_start3A_67 : memref<1x112x128xf32, #tpu.memory_space<vmem>> -> memref<112x128xf32, #tpu.memory_space<vmem>>
    %dma_start3A_69 = arith.constant 0 : i32
    %dma_start3A_70 = tpu.memref_slice %arg7[%rem3A_61, %dma_start3A_69] : memref<8x112xi32, #tpu.memory_space<vmem>> -> memref<1x112xi32, #tpu.memory_space<vmem>>
    %dma_start3A_71 = tpu.memref_squeeze %dma_start3A_70 : memref<1x112xi32, #tpu.memory_space<vmem>> -> memref<112xi32, #tpu.memory_space<vmem>>
    %dma_start3A_72 = arith.constant 0 : i32
    %dma_start3A_73 = arith.constant 0 : i32
    %dma_start3A_74 = tpu.memref_slice %arg4[%dma_start3A_72, %dma_start3A_73] : memref<10240x128xf32, #tpu.memory_space<hbm>> -> memref<10240x128xf32, #tpu.memory_space<hbm>>
    tpu.enqueue_indirect_dma source(%dma_start3A_74 : memref<10240x128xf32, #tpu.memory_space<hbm>>) target(%dma_start3A_68 : memref<112x128xf32, #tpu.memory_space<vmem>>) offsets(%dma_start3A_71 : memref<112xi32, #tpu.memory_space<vmem>>) semaphore(%arg10 : memref<!tpu.dma_semaphore, #tpu.memory_space<semaphore_mem>>)
    %rem3A_75 = arith.constant 1 : i32
    %rem3A_76 = arith.constant 8 : i32
    %rem3A_77 = arith.remsi %rem3A_75, %rem3A_76 : i32
    %dma_start3A_78 = arith.constant 1 : i32
    %dma_start3A_79 = arith.constant 0 : i32
    %dma_start3A_80 = tpu.memref_slice %arg7[%rem3A_77, %dma_start3A_79] : memref<8x112xi32, #tpu.memory_space<vmem>> -> memref<1x112xi32, #tpu.memory_space<vmem>>
    %dma_start3A_81 = tpu.memref_squeeze %dma_start3A_80 : memref<1x112xi32, #tpu.memory_space<vmem>> -> memref<112xi32, #tpu.memory_space<vmem>>
    %dma_start3A_82 = arith.constant 0 : i32
    %dma_start3A_83 = tpu.memref_slice %arg2[%add3A, %dma_start3A_78, %dma_start3A_82] : memref<32x90x112xi32, #tpu.memory_space<hbm>> -> memref<1x1x112xi32, #tpu.memory_space<hbm>>
    %dma_start3A_84 = tpu.memref_squeeze %dma_start3A_83 : memref<1x1x112xi32, #tpu.memory_space<hbm>> -> memref<112xi32, #tpu.memory_space<hbm>>
    %dma_start3A_85 = arith.constant 0 : i32
    %dma_start3A_86 = tpu.memref_slice %arg7[%rem3A_77, %dma_start3A_85] : memref<8x112xi32, #tpu.memory_space<vmem>> -> memref<1x112xi32, #tpu.memory_space<vmem>>
    %dma_start3A_87 = tpu.memref_squeeze %dma_start3A_86 : memref<1x112xi32, #tpu.memory_space<vmem>> -> memref<112xi32, #tpu.memory_space<vmem>>
    %dma_start3A_88 = arith.constant 0 : i32
    %dma_start3A_89 = tpu.memref_slice %arg2[%add3A, %dma_start3A_78, %dma_start3A_88] : memref<32x90x112xi32, #tpu.memory_space<hbm>> -> memref<1x1x112xi32, #tpu.memory_space<hbm>>
    %dma_start3A_90 = tpu.memref_squeeze %dma_start3A_89 : memref<1x1x112xi32, #tpu.memory_space<hbm>> -> memref<112xi32, #tpu.memory_space<hbm>>
    tpu.enqueue_dma source(%dma_start3A_90 : memref<112xi32, #tpu.memory_space<hbm>>) target(%dma_start3A_87 : memref<112xi32, #tpu.memory_space<vmem>>) target_semaphore(%arg11 : memref<!tpu.dma_semaphore, #tpu.memory_space<semaphore_mem>>)
    %dma_start3A_91 = arith.constant 1 : i32
    %dma_start3A_92 = arith.constant 0 : i32
    %dma_start3A_93 = tpu.memref_slice %arg8[%rem3A_77, %dma_start3A_92] : memref<8x112xi32, #tpu.memory_space<vmem>> -> memref<1x112xi32, #tpu.memory_space<vmem>>
    %dma_start3A_94 = tpu.memref_squeeze %dma_start3A_93 : memref<1x112xi32, #tpu.memory_space<vmem>> -> memref<112xi32, #tpu.memory_space<vmem>>
    %dma_start3A_95 = arith.constant 0 : i32
    %dma_start3A_96 = tpu.memref_slice %arg3[%add3A, %dma_start3A_91, %dma_start3A_95] : memref<32x90x112xi32, #tpu.memory_space<hbm>> -> memref<1x1x112xi32, #tpu.memory_space<hbm>>
    %dma_start3A_97 = tpu.memref_squeeze %dma_start3A_96 : memref<1x1x112xi32, #tpu.memory_space<hbm>> -> memref<112xi32, #tpu.memory_space<hbm>>
    %dma_start3A_98 = arith.constant 0 : i32
    %dma_start3A_99 = tpu.memref_slice %arg8[%rem3A_77, %dma_start3A_98] : memref<8x112xi32, #tpu.memory_space<vmem>> -> memref<1x112xi32, #tpu.memory_space<vmem>>
    %dma_start3A_100 = tpu.memref_squeeze %dma_start3A_99 : memref<1x112xi32, #tpu.memory_space<vmem>> -> memref<112xi32, #tpu.memory_space<vmem>>
    %dma_start3A_101 = arith.constant 0 : i32
    %dma_start3A_102 = tpu.memref_slice %arg3[%add3A, %dma_start3A_91, %dma_start3A_101] : memref<32x90x112xi32, #tpu.memory_space<hbm>> -> memref<1x1x112xi32, #tpu.memory_space<hbm>>
    %dma_start3A_103 = tpu.memref_squeeze %dma_start3A_102 : memref<1x1x112xi32, #tpu.memory_space<hbm>> -> memref<112xi32, #tpu.memory_space<hbm>>
    tpu.enqueue_dma source(%dma_start3A_103 : memref<112xi32, #tpu.memory_space<hbm>>) target(%dma_start3A_100 : memref<112xi32, #tpu.memory_space<vmem>>) target_semaphore(%arg11 : memref<!tpu.dma_semaphore, #tpu.memory_space<semaphore_mem>>)
    %dma_wait3A_104 = arith.constant 0 : i32
    %dma_wait3A_105 = arith.constant 0 : i32
    %dma_wait3A_106 = arith.constant 0 : i32
    %dma_wait3A_107 = arith.constant 0 : i32
    %dma_wait3A_108 = tpu.memref_slice %arg7[%dma_wait3A_106, %dma_wait3A_107] : memref<8x112xi32, #tpu.memory_space<vmem>> -> memref<1x112xi32, #tpu.memory_space<vmem>>
    %dma_wait3A_109 = tpu.memref_squeeze %dma_wait3A_108 : memref<1x112xi32, #tpu.memory_space<vmem>> -> memref<112xi32, #tpu.memory_space<vmem>>
    %dma_wait3A_110 = arith.constant 0 : i32
    %dma_wait3A_111 = tpu.memref_slice %arg2[%dma_wait3A_104, %dma_wait3A_105, %dma_wait3A_110] : memref<32x90x112xi32, #tpu.memory_space<hbm>> -> memref<1x1x112xi32, #tpu.memory_space<hbm>>
    %dma_wait3A_112 = tpu.memref_squeeze %dma_wait3A_111 : memref<1x1x112xi32, #tpu.memory_space<hbm>> -> memref<112xi32, #tpu.memory_space<hbm>>
    %dma_wait3A_113 = arith.constant 0 : i32
    %dma_wait3A_114 = tpu.memref_slice %arg7[%dma_wait3A_106, %dma_wait3A_113] : memref<8x112xi32, #tpu.memory_space<vmem>> -> memref<1x112xi32, #tpu.memory_space<vmem>>
    %dma_wait3A_115 = tpu.memref_squeeze %dma_wait3A_114 : memref<1x112xi32, #tpu.memory_space<vmem>> -> memref<112xi32, #tpu.memory_space<vmem>>
    %dma_wait3A_116 = arith.constant 0 : i32
    %dma_wait3A_117 = tpu.memref_slice %arg2[%dma_wait3A_104, %dma_wait3A_105, %dma_wait3A_116] : memref<32x90x112xi32, #tpu.memory_space<hbm>> -> memref<1x1x112xi32, #tpu.memory_space<hbm>>
    %dma_wait3A_118 = tpu.memref_squeeze %dma_wait3A_117 : memref<1x1x112xi32, #tpu.memory_space<hbm>> -> memref<112xi32, #tpu.memory_space<hbm>>
    tpu.wait_dma2 semaphore(%arg11 : memref<!tpu.dma_semaphore, #tpu.memory_space<semaphore_mem>>) src(%dma_wait3A_118 : memref<112xi32, #tpu.memory_space<hbm>>) dst(%dma_wait3A_115 : memref<112xi32, #tpu.memory_space<vmem>>)
    %dma_wait3A_119 = arith.constant 0 : i32
    %dma_wait3A_120 = arith.constant 0 : i32
    %dma_wait3A_121 = arith.constant 0 : i32
    %dma_wait3A_122 = arith.constant 0 : i32
    %dma_wait3A_123 = tpu.memref_slice %arg8[%dma_wait3A_121, %dma_wait3A_122] : memref<8x112xi32, #tpu.memory_space<vmem>> -> memref<1x112xi32, #tpu.memory_space<vmem>>
    %dma_wait3A_124 = tpu.memref_squeeze %dma_wait3A_123 : memref<1x112xi32, #tpu.memory_space<vmem>> -> memref<112xi32, #tpu.memory_space<vmem>>
    %dma_wait3A_125 = arith.constant 0 : i32
    %dma_wait3A_126 = tpu.memref_slice %arg3[%dma_wait3A_119, %dma_wait3A_120, %dma_wait3A_125] : memref<32x90x112xi32, #tpu.memory_space<hbm>> -> memref<1x1x112xi32, #tpu.memory_space<hbm>>
    %dma_wait3A_127 = tpu.memref_squeeze %dma_wait3A_126 : memref<1x1x112xi32, #tpu.memory_space<hbm>> -> memref<112xi32, #tpu.memory_space<hbm>>
    %dma_wait3A_128 = arith.constant 0 : i32
    %dma_wait3A_129 = tpu.memref_slice %arg8[%dma_wait3A_121, %dma_wait3A_128] : memref<8x112xi32, #tpu.memory_space<vmem>> -> memref<1x112xi32, #tpu.memory_space<vmem>>
    %dma_wait3A_130 = tpu.memref_squeeze %dma_wait3A_129 : memref<1x112xi32, #tpu.memory_space<vmem>> -> memref<112xi32, #tpu.memory_space<vmem>>
    %dma_wait3A_131 = arith.constant 0 : i32
    %dma_wait3A_132 = tpu.memref_slice %arg3[%dma_wait3A_119, %dma_wait3A_120, %dma_wait3A_131] : memref<32x90x112xi32, #tpu.memory_space<hbm>> -> memref<1x1x112xi32, #tpu.memory_space<hbm>>
    %dma_wait3A_133 = tpu.memref_squeeze %dma_wait3A_132 : memref<1x1x112xi32, #tpu.memory_space<hbm>> -> memref<112xi32, #tpu.memory_space<hbm>>
    tpu.wait_dma2 semaphore(%arg11 : memref<!tpu.dma_semaphore, #tpu.memory_space<semaphore_mem>>) src(%dma_wait3A_133 : memref<112xi32, #tpu.memory_space<hbm>>) dst(%dma_wait3A_130 : memref<112xi32, #tpu.memory_space<vmem>>)
    %rem3A_134 = arith.constant 1 : i32
    %rem3A_135 = arith.constant 8 : i32
    %rem3A_136 = arith.remsi %rem3A_134, %rem3A_135 : i32
    %rem3A_137 = arith.constant 1 : i32
    %rem3A_138 = arith.constant 3 : i32
    %rem3A_139 = arith.remsi %rem3A_137, %rem3A_138 : i32
    %dma_start3A_140 = arith.constant 0 : i32
    %dma_start3A_141 = arith.constant 0 : i32
    %dma_start3A_142 = tpu.memref_slice %arg9[%rem3A_139, %dma_start3A_140, %dma_start3A_141] : memref<3x112x128xf32, #tpu.memory_space<vmem>> -> memref<1x112x128xf32, #tpu.memory_space<vmem>>
    %dma_start3A_143 = tpu.memref_squeeze %dma_start3A_142 : memref<1x112x128xf32, #tpu.memory_space<vmem>> -> memref<112x128xf32, #tpu.memory_space<vmem>>
    %dma_start3A_144 = arith.constant 0 : i32
    %dma_start3A_145 = tpu.memref_slice %arg7[%rem3A_136, %dma_start3A_144] : memref<8x112xi32, #tpu.memory_space<vmem>> -> memref<1x112xi32, #tpu.memory_space<vmem>>
    %dma_start3A_146 = tpu.memref_squeeze %dma_start3A_145 : memref<1x112xi32, #tpu.memory_space<vmem>> -> memref<112xi32, #tpu.memory_space<vmem>>
    %dma_start3A_147 = arith.constant 0 : i32
    %dma_start3A_148 = arith.constant 0 : i32
    %dma_start3A_149 = tpu.memref_slice %arg4[%dma_start3A_147, %dma_start3A_148] : memref<10240x128xf32, #tpu.memory_space<hbm>> -> memref<10240x128xf32, #tpu.memory_space<hbm>>
    tpu.enqueue_indirect_dma source(%dma_start3A_149 : memref<10240x128xf32, #tpu.memory_space<hbm>>) target(%dma_start3A_143 : memref<112x128xf32, #tpu.memory_space<vmem>>) offsets(%dma_start3A_146 : memref<112xi32, #tpu.memory_space<vmem>>) semaphore(%arg10 : memref<!tpu.dma_semaphore, #tpu.memory_space<semaphore_mem>>)
    %rem3A_150 = arith.constant 2 : i32
    %rem3A_151 = arith.constant 8 : i32
    %rem3A_152 = arith.remsi %rem3A_150, %rem3A_151 : i32
    %dma_start3A_153 = arith.constant 2 : i32
    %dma_start3A_154 = arith.constant 0 : i32
    %dma_start3A_155 = tpu.memref_slice %arg7[%rem3A_152, %dma_start3A_154] : memref<8x112xi32, #tpu.memory_space<vmem>> -> memref<1x112xi32, #tpu.memory_space<vmem>>
    %dma_start3A_156 = tpu.memref_squeeze %dma_start3A_155 : memref<1x112xi32, #tpu.memory_space<vmem>> -> memref<112xi32, #tpu.memory_space<vmem>>
    %dma_start3A_157 = arith.constant 0 : i32
    %dma_start3A_158 = tpu.memref_slice %arg2[%add3A, %dma_start3A_153, %dma_start3A_157] : memref<32x90x112xi32, #tpu.memory_space<hbm>> -> memref<1x1x112xi32, #tpu.memory_space<hbm>>
    %dma_start3A_159 = tpu.memref_squeeze %dma_start3A_158 : memref<1x1x112xi32, #tpu.memory_space<hbm>> -> memref<112xi32, #tpu.memory_space<hbm>>
    %dma_start3A_160 = arith.constant 0 : i32
    %dma_start3A_161 = tpu.memref_slice %arg7[%rem3A_152, %dma_start3A_160] : memref<8x112xi32, #tpu.memory_space<vmem>> -> memref<1x112xi32, #tpu.memory_space<vmem>>
    %dma_start3A_162 = tpu.memref_squeeze %dma_start3A_161 : memref<1x112xi32, #tpu.memory_space<vmem>> -> memref<112xi32, #tpu.memory_space<vmem>>
    %dma_start3A_163 = arith.constant 0 : i32
    %dma_start3A_164 = tpu.memref_slice %arg2[%add3A, %dma_start3A_153, %dma_start3A_163] : memref<32x90x112xi32, #tpu.memory_space<hbm>> -> memref<1x1x112xi32, #tpu.memory_space<hbm>>
    %dma_start3A_165 = tpu.memref_squeeze %dma_start3A_164 : memref<1x1x112xi32, #tpu.memory_space<hbm>> -> memref<112xi32, #tpu.memory_space<hbm>>
    tpu.enqueue_dma source(%dma_start3A_165 : memref<112xi32, #tpu.memory_space<hbm>>) target(%dma_start3A_162 : memref<112xi32, #tpu.memory_space<vmem>>) target_semaphore(%arg11 : memref<!tpu.dma_semaphore, #tpu.memory_space<semaphore_mem>>)
    %dma_start3A_166 = arith.constant 2 : i32
    %dma_start3A_167 = arith.constant 0 : i32
    %dma_start3A_168 = tpu.memref_slice %arg8[%rem3A_152, %dma_start3A_167] : memref<8x112xi32, #tpu.memory_space<vmem>> -> memref<1x112xi32, #tpu.memory_space<vmem>>
    %dma_start3A_169 = tpu.memref_squeeze %dma_start3A_168 : memref<1x112xi32, #tpu.memory_space<vmem>> -> memref<112xi32, #tpu.memory_space<vmem>>
    %dma_start3A_170 = arith.constant 0 : i32
    %dma_start3A_171 = tpu.memref_slice %arg3[%add3A, %dma_start3A_166, %dma_start3A_170] : memref<32x90x112xi32, #tpu.memory_space<hbm>> -> memref<1x1x112xi32, #tpu.memory_space<hbm>>
    %dma_start3A_172 = tpu.memref_squeeze %dma_start3A_171 : memref<1x1x112xi32, #tpu.memory_space<hbm>> -> memref<112xi32, #tpu.memory_space<hbm>>
    %dma_start3A_173 = arith.constant 0 : i32
    %dma_start3A_174 = tpu.memref_slice %arg8[%rem3A_152, %dma_start3A_173] : memref<8x112xi32, #tpu.memory_space<vmem>> -> memref<1x112xi32, #tpu.memory_space<vmem>>
    %dma_start3A_175 = tpu.memref_squeeze %dma_start3A_174 : memref<1x112xi32, #tpu.memory_space<vmem>> -> memref<112xi32, #tpu.memory_space<vmem>>
    %dma_start3A_176 = arith.constant 0 : i32
    %dma_start3A_177 = tpu.memref_slice %arg3[%add3A, %dma_start3A_166, %dma_start3A_176] : memref<32x90x112xi32, #tpu.memory_space<hbm>> -> memref<1x1x112xi32, #tpu.memory_space<hbm>>
    %dma_start3A_178 = tpu.memref_squeeze %dma_start3A_177 : memref<1x1x112xi32, #tpu.memory_space<hbm>> -> memref<112xi32, #tpu.memory_space<hbm>>
    tpu.enqueue_dma source(%dma_start3A_178 : memref<112xi32, #tpu.memory_space<hbm>>) target(%dma_start3A_175 : memref<112xi32, #tpu.memory_space<vmem>>) target_semaphore(%arg11 : memref<!tpu.dma_semaphore, #tpu.memory_space<semaphore_mem>>)
    %eq3A = arith.constant 0 : i32
    %eq3A_179 = arith.cmpi eq, %arg0, %eq3A : i32
    %convert_element_type3A = arith.extui %eq3A_179 : i1 to i32
    %cond3A = arith.constant 0 : i32
    %cond3A_180 = arith.cmpi ne, %convert_element_type3A, %cond3A : i32
    scf.if %cond3A_180 {
      "tpu.region"() ({
        %run_scoped3A = tpu.sem_alloc : memref<!tpu.dma_semaphore, #tpu.memory_space<semaphore_mem>>
        %dma_start3A_206 = arith.constant 0 : i32
        %dma_start3A_207 = tpu.memref_slice %arg13[%mul3A_2, %dma_start3A_206] : memref<10240x128xf32, #tpu.memory_space<vmem_shared>> -> memref<640x128xf32, #tpu.memory_space<vmem_shared>>
        %dma_start3A_208 = arith.constant 0 : i32
        %dma_start3A_209 = tpu.memref_slice %arg4[%mul3A_2, %dma_start3A_208] : memref<10240x128xf32, #tpu.memory_space<hbm>> -> memref<640x128xf32, #tpu.memory_space<hbm>>
        tpu.enqueue_dma source(%dma_start3A_209 : memref<640x128xf32, #tpu.memory_space<hbm>>) target(%dma_start3A_207 : memref<640x128xf32, #tpu.memory_space<vmem_shared>>) target_semaphore(%run_scoped3A : memref<!tpu.dma_semaphore, #tpu.memory_space<semaphore_mem>>)
        %dma_wait3A_210 = arith.constant 0 : i32
        %dma_wait3A_211 = tpu.memref_slice %arg13[%mul3A_2, %dma_wait3A_210] : memref<10240x128xf32, #tpu.memory_space<vmem_shared>> -> memref<640x128xf32, #tpu.memory_space<vmem_shared>>
        %dma_wait3A_212 = arith.constant 0 : i32
        %dma_wait3A_213 = tpu.memref_slice %arg4[%mul3A_2, %dma_wait3A_212] : memref<10240x128xf32, #tpu.memory_space<hbm>> -> memref<640x128xf32, #tpu.memory_space<hbm>>
        tpu.wait_dma2 semaphore(%run_scoped3A : memref<!tpu.dma_semaphore, #tpu.memory_space<semaphore_mem>>) src(%dma_wait3A_213 : memref<640x128xf32, #tpu.memory_space<hbm>>) dst(%dma_wait3A_211 : memref<640x128xf32, #tpu.memory_space<vmem_shared>>)
        tpu.yield
      }) : () -> ()
    } else {
    }
    %ne3A = arith.constant 0 : i32
    %ne3A_181 = arith.cmpi ne, %arg0, %ne3A : i32
    %convert_element_type3A_182 = arith.extui %ne3A_181 : i1 to i32
    %cond3A_183 = arith.constant 0 : i32
    %cond3A_184 = arith.cmpi ne, %convert_element_type3A_182, %cond3A_183 : i32
    scf.if %cond3A_184 {
      "tpu.region"() ({
        %run_scoped3A = tpu.sem_alloc : memref<!tpu.dma_semaphore, #tpu.memory_space<semaphore_mem>>
        %dma_start3A_206 = arith.constant 0 : i32
        %dma_start3A_207 = tpu.memref_slice %arg13[%mul3A_2, %dma_start3A_206] : memref<10240x128xf32, #tpu.memory_space<vmem_shared>> -> memref<640x128xf32, #tpu.memory_space<vmem_shared>>
        %dma_start3A_208 = arith.constant 0 : i32
        %dma_start3A_209 = tpu.memref_slice %arg5[%mul3A_2, %dma_start3A_208] : memref<10240x128xf32, #tpu.memory_space<hbm>> -> memref<640x128xf32, #tpu.memory_space<hbm>>
        tpu.enqueue_dma source(%dma_start3A_209 : memref<640x128xf32, #tpu.memory_space<hbm>>) target(%dma_start3A_207 : memref<640x128xf32, #tpu.memory_space<vmem_shared>>) target_semaphore(%run_scoped3A : memref<!tpu.dma_semaphore, #tpu.memory_space<semaphore_mem>>)
        %dma_wait3A_210 = arith.constant 0 : i32
        %dma_wait3A_211 = tpu.memref_slice %arg13[%mul3A_2, %dma_wait3A_210] : memref<10240x128xf32, #tpu.memory_space<vmem_shared>> -> memref<640x128xf32, #tpu.memory_space<vmem_shared>>
        %dma_wait3A_212 = arith.constant 0 : i32
        %dma_wait3A_213 = tpu.memref_slice %arg5[%mul3A_2, %dma_wait3A_212] : memref<10240x128xf32, #tpu.memory_space<hbm>> -> memref<640x128xf32, #tpu.memory_space<hbm>>
        tpu.wait_dma2 semaphore(%run_scoped3A : memref<!tpu.dma_semaphore, #tpu.memory_space<semaphore_mem>>) src(%dma_wait3A_213 : memref<640x128xf32, #tpu.memory_space<hbm>>) dst(%dma_wait3A_211 : memref<640x128xf32, #tpu.memory_space<vmem_shared>>)
        tpu.yield
      }) : () -> ()
    } else {
    }
    %barrier3A = arith.constant 0 : index
    tpu.barrier barrier_id(%barrier3A)
    %scan3A = arith.constant 0 : i32
    %scan3A_185 = arith.constant 0 : i32
    %scan3A_186 = arith.constant 90 : i32
    %scan3A_187 = arith.addi %scan3A_185, %scan3A_186 : i32
    %scan3A_188 = arith.constant 1 : i32
    scf.for %scan3A_206 = %scan3A_185 to %scan3A_187 step %scan3A_188  : i32 {
      %dma_wait3A_207 = arith.constant 0 : i32
      %dma_wait3A_208 = arith.constant 0 : i32
      %dma_wait3A_209 = arith.constant 0 : i32
      %dma_wait3A_210 = tpu.memref_slice %arg9[%dma_wait3A_207, %dma_wait3A_208, %dma_wait3A_209] : memref<3x112x128xf32, #tpu.memory_space<vmem>> -> memref<1x112x128xf32, #tpu.memory_space<vmem>>
      %dma_wait3A_211 = tpu.memref_squeeze %dma_wait3A_210 : memref<1x112x128xf32, #tpu.memory_space<vmem>> -> memref<112x128xf32, #tpu.memory_space<vmem>>
      %dma_wait3A_212 = arith.constant 0 : i32
      %dma_wait3A_213 = arith.constant 0 : i32
      %dma_wait3A_214 = tpu.memref_slice %arg4[%dma_wait3A_212, %dma_wait3A_213] : memref<10240x128xf32, #tpu.memory_space<hbm>> -> memref<112x128xf32, #tpu.memory_space<hbm>>
      %dma_wait3A_215 = arith.constant 0 : i32
      %dma_wait3A_216 = arith.constant 0 : i32
      %dma_wait3A_217 = tpu.memref_slice %arg9[%dma_wait3A_207, %dma_wait3A_215, %dma_wait3A_216] : memref<3x112x128xf32, #tpu.memory_space<vmem>> -> memref<1x112x128xf32, #tpu.memory_space<vmem>>
      %dma_wait3A_218 = tpu.memref_squeeze %dma_wait3A_217 : memref<1x112x128xf32, #tpu.memory_space<vmem>> -> memref<112x128xf32, #tpu.memory_space<vmem>>
      %dma_wait3A_219 = arith.constant 0 : i32
      %dma_wait3A_220 = arith.constant 0 : i32
      %dma_wait3A_221 = tpu.memref_slice %arg4[%dma_wait3A_219, %dma_wait3A_220] : memref<10240x128xf32, #tpu.memory_space<hbm>> -> memref<112x128xf32, #tpu.memory_space<hbm>>
      tpu.wait_dma2 semaphore(%arg10 : memref<!tpu.dma_semaphore, #tpu.memory_space<semaphore_mem>>) src(%dma_wait3A_221 : memref<112x128xf32, #tpu.memory_space<hbm>>) dst(%dma_wait3A_218 : memref<112x128xf32, #tpu.memory_space<vmem>>)
      %gt3A = arith.constant 0 : i32
      %gt3A_222 = arith.cmpi sgt, %scan3A_206, %gt3A : i32
      %convert_element_type3A_223 = arith.extui %gt3A_222 : i1 to i32
      %cond3A_224 = arith.constant 0 : i32
      %cond3A_225 = arith.cmpi ne, %convert_element_type3A_223, %cond3A_224 : i32
      scf.if %cond3A_225 {
        %dma_wait3A_253 = arith.constant 0 : i32
        %dma_wait3A_254 = arith.constant 0 : i32
        %dma_wait3A_255 = arith.constant 0 : i32
        %dma_wait3A_256 = tpu.memref_slice %arg9[%dma_wait3A_253, %dma_wait3A_254, %dma_wait3A_255] : memref<3x112x128xf32, #tpu.memory_space<vmem>> -> memref<1x112x128xf32, #tpu.memory_space<vmem>>
        %dma_wait3A_257 = tpu.memref_squeeze %dma_wait3A_256 : memref<1x112x128xf32, #tpu.memory_space<vmem>> -> memref<112x128xf32, #tpu.memory_space<vmem>>
        %dma_wait3A_258 = arith.constant 0 : i32
        %dma_wait3A_259 = arith.constant 0 : i32
        %dma_wait3A_260 = tpu.memref_slice %arg4[%dma_wait3A_258, %dma_wait3A_259] : memref<10240x128xf32, #tpu.memory_space<hbm>> -> memref<112x128xf32, #tpu.memory_space<hbm>>
        %dma_wait3A_261 = arith.constant 0 : i32
        %dma_wait3A_262 = arith.constant 0 : i32
        %dma_wait3A_263 = tpu.memref_slice %arg9[%dma_wait3A_253, %dma_wait3A_261, %dma_wait3A_262] : memref<3x112x128xf32, #tpu.memory_space<vmem>> -> memref<1x112x128xf32, #tpu.memory_space<vmem>>
        %dma_wait3A_264 = tpu.memref_squeeze %dma_wait3A_263 : memref<1x112x128xf32, #tpu.memory_space<vmem>> -> memref<112x128xf32, #tpu.memory_space<vmem>>
        %dma_wait3A_265 = arith.constant 0 : i32
        %dma_wait3A_266 = arith.constant 0 : i32
        %dma_wait3A_267 = tpu.memref_slice %arg4[%dma_wait3A_265, %dma_wait3A_266] : memref<10240x128xf32, #tpu.memory_space<hbm>> -> memref<112x128xf32, #tpu.memory_space<hbm>>
        tpu.wait_dma2 semaphore(%arg12 : memref<!tpu.dma_semaphore, #tpu.memory_space<semaphore_mem>>) src(%dma_wait3A_267 : memref<112x128xf32, #tpu.memory_space<hbm>>) dst(%dma_wait3A_264 : memref<112x128xf32, #tpu.memory_space<vmem>>)
      } else {
      }
      %add3A_226 = arith.constant 2 : i32
      %add3A_227 = arith.addi %scan3A_206, %add3A_226 : i32
      %lt3A = arith.constant 90 : i32
      %lt3A_228 = arith.cmpi slt, %add3A_227, %lt3A : i32
      %convert_element_type3A_229 = arith.extui %lt3A_228 : i1 to i32
      %cond3A_230 = arith.constant 0 : i32
      %cond3A_231 = arith.cmpi ne, %convert_element_type3A_229, %cond3A_230 : i32
      scf.if %cond3A_231 {
        %dma_wait3A_253 = arith.constant 0 : i32
        %dma_wait3A_254 = arith.constant 0 : i32
        %dma_wait3A_255 = arith.constant 0 : i32
        %dma_wait3A_256 = arith.constant 0 : i32
        %dma_wait3A_257 = tpu.memref_slice %arg7[%dma_wait3A_255, %dma_wait3A_256] : memref<8x112xi32, #tpu.memory_space<vmem>> -> memref<1x112xi32, #tpu.memory_space<vmem>>
        %dma_wait3A_258 = tpu.memref_squeeze %dma_wait3A_257 : memref<1x112xi32, #tpu.memory_space<vmem>> -> memref<112xi32, #tpu.memory_space<vmem>>
        %dma_wait3A_259 = arith.constant 0 : i32
        %dma_wait3A_260 = tpu.memref_slice %arg2[%dma_wait3A_253, %dma_wait3A_254, %dma_wait3A_259] : memref<32x90x112xi32, #tpu.memory_space<hbm>> -> memref<1x1x112xi32, #tpu.memory_space<hbm>>
        %dma_wait3A_261 = tpu.memref_squeeze %dma_wait3A_260 : memref<1x1x112xi32, #tpu.memory_space<hbm>> -> memref<112xi32, #tpu.memory_space<hbm>>
        %dma_wait3A_262 = arith.constant 0 : i32
        %dma_wait3A_263 = tpu.memref_slice %arg7[%dma_wait3A_255, %dma_wait3A_262] : memref<8x112xi32, #tpu.memory_space<vmem>> -> memref<1x112xi32, #tpu.memory_space<vmem>>
        %dma_wait3A_264 = tpu.memref_squeeze %dma_wait3A_263 : memref<1x112xi32, #tpu.memory_space<vmem>> -> memref<112xi32, #tpu.memory_space<vmem>>
        %dma_wait3A_265 = arith.constant 0 : i32
        %dma_wait3A_266 = tpu.memref_slice %arg2[%dma_wait3A_253, %dma_wait3A_254, %dma_wait3A_265] : memref<32x90x112xi32, #tpu.memory_space<hbm>> -> memref<1x1x112xi32, #tpu.memory_space<hbm>>
        %dma_wait3A_267 = tpu.memref_squeeze %dma_wait3A_266 : memref<1x1x112xi32, #tpu.memory_space<hbm>> -> memref<112xi32, #tpu.memory_space<hbm>>
        tpu.wait_dma2 semaphore(%arg11 : memref<!tpu.dma_semaphore, #tpu.memory_space<semaphore_mem>>) src(%dma_wait3A_267 : memref<112xi32, #tpu.memory_space<hbm>>) dst(%dma_wait3A_264 : memref<112xi32, #tpu.memory_space<vmem>>)
        %dma_wait3A_268 = arith.constant 0 : i32
        %dma_wait3A_269 = arith.constant 0 : i32
        %dma_wait3A_270 = arith.constant 0 : i32
        %dma_wait3A_271 = arith.constant 0 : i32
        %dma_wait3A_272 = tpu.memref_slice %arg8[%dma_wait3A_270, %dma_wait3A_271] : memref<8x112xi32, #tpu.memory_space<vmem>> -> memref<1x112xi32, #tpu.memory_space<vmem>>
        %dma_wait3A_273 = tpu.memref_squeeze %dma_wait3A_272 : memref<1x112xi32, #tpu.memory_space<vmem>> -> memref<112xi32, #tpu.memory_space<vmem>>
        %dma_wait3A_274 = arith.constant 0 : i32
        %dma_wait3A_275 = tpu.memref_slice %arg3[%dma_wait3A_268, %dma_wait3A_269, %dma_wait3A_274] : memref<32x90x112xi32, #tpu.memory_space<hbm>> -> memref<1x1x112xi32, #tpu.memory_space<hbm>>
        %dma_wait3A_276 = tpu.memref_squeeze %dma_wait3A_275 : memref<1x1x112xi32, #tpu.memory_space<hbm>> -> memref<112xi32, #tpu.memory_space<hbm>>
        %dma_wait3A_277 = arith.constant 0 : i32
        %dma_wait3A_278 = tpu.memref_slice %arg8[%dma_wait3A_270, %dma_wait3A_277] : memref<8x112xi32, #tpu.memory_space<vmem>> -> memref<1x112xi32, #tpu.memory_space<vmem>>
        %dma_wait3A_279 = tpu.memref_squeeze %dma_wait3A_278 : memref<1x112xi32, #tpu.memory_space<vmem>> -> memref<112xi32, #tpu.memory_space<vmem>>
        %dma_wait3A_280 = arith.constant 0 : i32
        %dma_wait3A_281 = tpu.memref_slice %arg3[%dma_wait3A_268, %dma_wait3A_269, %dma_wait3A_280] : memref<32x90x112xi32, #tpu.memory_space<hbm>> -> memref<1x1x112xi32, #tpu.memory_space<hbm>>
        %dma_wait3A_282 = tpu.memref_squeeze %dma_wait3A_281 : memref<1x1x112xi32, #tpu.memory_space<hbm>> -> memref<112xi32, #tpu.memory_space<hbm>>
        tpu.wait_dma2 semaphore(%arg11 : memref<!tpu.dma_semaphore, #tpu.memory_space<semaphore_mem>>) src(%dma_wait3A_282 : memref<112xi32, #tpu.memory_space<hbm>>) dst(%dma_wait3A_279 : memref<112xi32, #tpu.memory_space<vmem>>)
        %add3A_283 = arith.constant 2 : i32
        %add3A_284 = arith.addi %scan3A_206, %add3A_283 : i32
        %rem3A_285 = arith.constant 8 : i32
        %rem3A_286 = arith.remsi %add3A_284, %rem3A_285 : i32
        %rem3A_287 = arith.constant 3 : i32
        %rem3A_288 = arith.remsi %add3A_284, %rem3A_287 : i32
        %dma_start3A_289 = arith.constant 0 : i32
        %dma_start3A_290 = arith.constant 0 : i32
        %dma_start3A_291 = tpu.memref_slice %arg9[%rem3A_288, %dma_start3A_289, %dma_start3A_290] : memref<3x112x128xf32, #tpu.memory_space<vmem>> -> memref<1x112x128xf32, #tpu.memory_space<vmem>>
        %dma_start3A_292 = tpu.memref_squeeze %dma_start3A_291 : memref<1x112x128xf32, #tpu.memory_space<vmem>> -> memref<112x128xf32, #tpu.memory_space<vmem>>
        %dma_start3A_293 = arith.constant 0 : i32
        %dma_start3A_294 = tpu.memref_slice %arg7[%rem3A_286, %dma_start3A_293] : memref<8x112xi32, #tpu.memory_space<vmem>> -> memref<1x112xi32, #tpu.memory_space<vmem>>
        %dma_start3A_295 = tpu.memref_squeeze %dma_start3A_294 : memref<1x112xi32, #tpu.memory_space<vmem>> -> memref<112xi32, #tpu.memory_space<vmem>>
        %dma_start3A_296 = arith.constant 0 : i32
        %dma_start3A_297 = arith.constant 0 : i32
        %dma_start3A_298 = tpu.memref_slice %arg4[%dma_start3A_296, %dma_start3A_297] : memref<10240x128xf32, #tpu.memory_space<hbm>> -> memref<10240x128xf32, #tpu.memory_space<hbm>>
        tpu.enqueue_indirect_dma source(%dma_start3A_298 : memref<10240x128xf32, #tpu.memory_space<hbm>>) target(%dma_start3A_292 : memref<112x128xf32, #tpu.memory_space<vmem>>) offsets(%dma_start3A_295 : memref<112xi32, #tpu.memory_space<vmem>>) semaphore(%arg10 : memref<!tpu.dma_semaphore, #tpu.memory_space<semaphore_mem>>)
      } else {
      }
      %rem3A_232 = arith.constant 3 : i32
      %rem3A_233 = arith.remsi %scan3A_206, %rem3A_232 : i32
      %rem3A_234 = arith.constant 8 : i32
      %rem3A_235 = arith.remsi %scan3A_206, %rem3A_234 : i32
      %dma_start3A_236 = arith.constant 0 : i32
      %dma_start3A_237 = arith.constant 0 : i32
      %dma_start3A_238 = tpu.memref_slice %arg9[%rem3A_233, %dma_start3A_236, %dma_start3A_237] : memref<3x112x128xf32, #tpu.memory_space<vmem>> -> memref<1x112x128xf32, #tpu.memory_space<vmem>>
      %dma_start3A_239 = tpu.memref_squeeze %dma_start3A_238 : memref<1x112x128xf32, #tpu.memory_space<vmem>> -> memref<112x128xf32, #tpu.memory_space<vmem>>
      %dma_start3A_240 = arith.constant 0 : i32
      %dma_start3A_241 = tpu.memref_slice %arg8[%rem3A_235, %dma_start3A_240] : memref<8x112xi32, #tpu.memory_space<vmem>> -> memref<1x112xi32, #tpu.memory_space<vmem>>
      %dma_start3A_242 = tpu.memref_squeeze %dma_start3A_241 : memref<1x112xi32, #tpu.memory_space<vmem>> -> memref<112xi32, #tpu.memory_space<vmem>>
      %dma_start3A_243 = arith.constant 0 : i32
      %dma_start3A_244 = arith.constant 0 : i32
      %dma_start3A_245 = tpu.memref_slice %arg13[%dma_start3A_243, %dma_start3A_244] : memref<10240x128xf32, #tpu.memory_space<vmem_shared>> -> memref<10240x128xf32, #tpu.memory_space<vmem_shared>>
      tpu.enqueue_indirect_dma source(%dma_start3A_239 : memref<112x128xf32, #tpu.memory_space<vmem>>) target(%dma_start3A_245 : memref<10240x128xf32, #tpu.memory_space<vmem_shared>>) offsets(%dma_start3A_242 : memref<112xi32, #tpu.memory_space<vmem>>) semaphore(%arg12 : memref<!tpu.dma_semaphore, #tpu.memory_space<semaphore_mem>>) {add = true}
      %add3A_246 = arith.constant 3 : i32
      %add3A_247 = arith.addi %scan3A_206, %add3A_246 : i32
      %lt3A_248 = arith.constant 90 : i32
      %lt3A_249 = arith.cmpi slt, %add3A_247, %lt3A_248 : i32
      %convert_element_type3A_250 = arith.extui %lt3A_249 : i1 to i32
      %cond3A_251 = arith.constant 0 : i32
      %cond3A_252 = arith.cmpi ne, %convert_element_type3A_250, %cond3A_251 : i32
      scf.if %cond3A_252 {
        %add3A_253 = arith.constant 3 : i32
        %add3A_254 = arith.addi %scan3A_206, %add3A_253 : i32
        %rem3A_255 = arith.constant 8 : i32
        %rem3A_256 = arith.remsi %add3A_254, %rem3A_255 : i32
        %dma_start3A_257 = arith.constant 0 : i32
        %dma_start3A_258 = tpu.memref_slice %arg7[%rem3A_256, %dma_start3A_257] : memref<8x112xi32, #tpu.memory_space<vmem>> -> memref<1x112xi32, #tpu.memory_space<vmem>>
        %dma_start3A_259 = tpu.memref_squeeze %dma_start3A_258 : memref<1x112xi32, #tpu.memory_space<vmem>> -> memref<112xi32, #tpu.memory_space<vmem>>
        %dma_start3A_260 = arith.constant 0 : i32
        %dma_start3A_261 = tpu.memref_slice %arg2[%add3A, %add3A_254, %dma_start3A_260] : memref<32x90x112xi32, #tpu.memory_space<hbm>> -> memref<1x1x112xi32, #tpu.memory_space<hbm>>
        %dma_start3A_262 = tpu.memref_squeeze %dma_start3A_261 : memref<1x1x112xi32, #tpu.memory_space<hbm>> -> memref<112xi32, #tpu.memory_space<hbm>>
        %dma_start3A_263 = arith.constant 0 : i32
        %dma_start3A_264 = tpu.memref_slice %arg7[%rem3A_256, %dma_start3A_263] : memref<8x112xi32, #tpu.memory_space<vmem>> -> memref<1x112xi32, #tpu.memory_space<vmem>>
        %dma_start3A_265 = tpu.memref_squeeze %dma_start3A_264 : memref<1x112xi32, #tpu.memory_space<vmem>> -> memref<112xi32, #tpu.memory_space<vmem>>
        %dma_start3A_266 = arith.constant 0 : i32
        %dma_start3A_267 = tpu.memref_slice %arg2[%add3A, %add3A_254, %dma_start3A_266] : memref<32x90x112xi32, #tpu.memory_space<hbm>> -> memref<1x1x112xi32, #tpu.memory_space<hbm>>
        %dma_start3A_268 = tpu.memref_squeeze %dma_start3A_267 : memref<1x1x112xi32, #tpu.memory_space<hbm>> -> memref<112xi32, #tpu.memory_space<hbm>>
        tpu.enqueue_dma source(%dma_start3A_268 : memref<112xi32, #tpu.memory_space<hbm>>) target(%dma_start3A_265 : memref<112xi32, #tpu.memory_space<vmem>>) target_semaphore(%arg11 : memref<!tpu.dma_semaphore, #tpu.memory_space<semaphore_mem>>)
        %dma_start3A_269 = arith.constant 0 : i32
        %dma_start3A_270 = tpu.memref_slice %arg8[%rem3A_256, %dma_start3A_269] : memref<8x112xi32, #tpu.memory_space<vmem>> -> memref<1x112xi32, #tpu.memory_space<vmem>>
        %dma_start3A_271 = tpu.memref_squeeze %dma_start3A_270 : memref<1x112xi32, #tpu.memory_space<vmem>> -> memref<112xi32, #tpu.memory_space<vmem>>
        %dma_start3A_272 = arith.constant 0 : i32
        %dma_start3A_273 = tpu.memref_slice %arg3[%add3A, %add3A_254, %dma_start3A_272] : memref<32x90x112xi32, #tpu.memory_space<hbm>> -> memref<1x1x112xi32, #tpu.memory_space<hbm>>
        %dma_start3A_274 = tpu.memref_squeeze %dma_start3A_273 : memref<1x1x112xi32, #tpu.memory_space<hbm>> -> memref<112xi32, #tpu.memory_space<hbm>>
        %dma_start3A_275 = arith.constant 0 : i32
        %dma_start3A_276 = tpu.memref_slice %arg8[%rem3A_256, %dma_start3A_275] : memref<8x112xi32, #tpu.memory_space<vmem>> -> memref<1x112xi32, #tpu.memory_space<vmem>>
        %dma_start3A_277 = tpu.memref_squeeze %dma_start3A_276 : memref<1x112xi32, #tpu.memory_space<vmem>> -> memref<112xi32, #tpu.memory_space<vmem>>
        %dma_start3A_278 = arith.constant 0 : i32
        %dma_start3A_279 = tpu.memref_slice %arg3[%add3A, %add3A_254, %dma_start3A_278] : memref<32x90x112xi32, #tpu.memory_space<hbm>> -> memref<1x1x112xi32, #tpu.memory_space<hbm>>
        %dma_start3A_280 = tpu.memref_squeeze %dma_start3A_279 : memref<1x1x112xi32, #tpu.memory_space<hbm>> -> memref<112xi32, #tpu.memory_space<hbm>>
        tpu.enqueue_dma source(%dma_start3A_280 : memref<112xi32, #tpu.memory_space<hbm>>) target(%dma_start3A_277 : memref<112xi32, #tpu.memory_space<vmem>>) target_semaphore(%arg11 : memref<!tpu.dma_semaphore, #tpu.memory_space<semaphore_mem>>)
      } else {
      }
    }
    %scan3A_189 = arith.constant 90 : i32
    %dma_wait3A_190 = arith.constant 0 : i32
    %dma_wait3A_191 = arith.constant 0 : i32
    %dma_wait3A_192 = arith.constant 0 : i32
    %dma_wait3A_193 = tpu.memref_slice %arg9[%dma_wait3A_190, %dma_wait3A_191, %dma_wait3A_192] : memref<3x112x128xf32, #tpu.memory_space<vmem>> -> memref<1x112x128xf32, #tpu.memory_space<vmem>>
    %dma_wait3A_194 = tpu.memref_squeeze %dma_wait3A_193 : memref<1x112x128xf32, #tpu.memory_space<vmem>> -> memref<112x128xf32, #tpu.memory_space<vmem>>
    %dma_wait3A_195 = arith.constant 0 : i32
    %dma_wait3A_196 = arith.constant 0 : i32
    %dma_wait3A_197 = tpu.memref_slice %arg4[%dma_wait3A_195, %dma_wait3A_196] : memref<10240x128xf32, #tpu.memory_space<hbm>> -> memref<112x128xf32, #tpu.memory_space<hbm>>
    %dma_wait3A_198 = arith.constant 0 : i32
    %dma_wait3A_199 = arith.constant 0 : i32
    %dma_wait3A_200 = tpu.memref_slice %arg9[%dma_wait3A_190, %dma_wait3A_198, %dma_wait3A_199] : memref<3x112x128xf32, #tpu.memory_space<vmem>> -> memref<1x112x128xf32, #tpu.memory_space<vmem>>
    %dma_wait3A_201 = tpu.memref_squeeze %dma_wait3A_200 : memref<1x112x128xf32, #tpu.memory_space<vmem>> -> memref<112x128xf32, #tpu.memory_space<vmem>>
    %dma_wait3A_202 = arith.constant 0 : i32
    %dma_wait3A_203 = arith.constant 0 : i32
    %dma_wait3A_204 = tpu.memref_slice %arg4[%dma_wait3A_202, %dma_wait3A_203] : memref<10240x128xf32, #tpu.memory_space<hbm>> -> memref<112x128xf32, #tpu.memory_space<hbm>>
    tpu.wait_dma2 semaphore(%arg12 : memref<!tpu.dma_semaphore, #tpu.memory_space<semaphore_mem>>) src(%dma_wait3A_204 : memref<112x128xf32, #tpu.memory_space<hbm>>) dst(%dma_wait3A_201 : memref<112x128xf32, #tpu.memory_space<vmem>>)
    %barrier3A_205 = arith.constant 0 : index
    tpu.barrier barrier_id(%barrier3A_205)
    "tpu.region"() ({
      %run_scoped3A = tpu.sem_alloc : memref<!tpu.dma_semaphore, #tpu.memory_space<semaphore_mem>>
      %dma_start3A_206 = arith.constant 0 : i32
      %dma_start3A_207 = tpu.memref_slice %arg6[%arg0, %mul3A_2, %dma_start3A_206] : memref<2x10240x128xf32, #tpu.memory_space<hbm>> -> memref<1x640x128xf32, #tpu.memory_space<hbm>>
      %dma_start3A_208 = tpu.memref_squeeze %dma_start3A_207 : memref<1x640x128xf32, #tpu.memory_space<hbm>> -> memref<640x128xf32, #tpu.memory_space<hbm>>
      %dma_start3A_209 = arith.constant 0 : i32
      %dma_start3A_210 = tpu.memref_slice %arg13[%mul3A_2, %dma_start3A_209] : memref<10240x128xf32, #tpu.memory_space<vmem_shared>> -> memref<640x128xf32, #tpu.memory_space<vmem_shared>>
      tpu.enqueue_dma source(%dma_start3A_210 : memref<640x128xf32, #tpu.memory_space<vmem_shared>>) target(%dma_start3A_208 : memref<640x128xf32, #tpu.memory_space<hbm>>) target_semaphore(%run_scoped3A : memref<!tpu.dma_semaphore, #tpu.memory_space<semaphore_mem>>)
      %dma_wait3A_211 = arith.constant 0 : i32
      %dma_wait3A_212 = tpu.memref_slice %arg6[%arg0, %mul3A_2, %dma_wait3A_211] : memref<2x10240x128xf32, #tpu.memory_space<hbm>> -> memref<1x640x128xf32, #tpu.memory_space<hbm>>
      %dma_wait3A_213 = tpu.memref_squeeze %dma_wait3A_212 : memref<1x640x128xf32, #tpu.memory_space<hbm>> -> memref<640x128xf32, #tpu.memory_space<hbm>>
      %dma_wait3A_214 = arith.constant 0 : i32
      %dma_wait3A_215 = tpu.memref_slice %arg13[%mul3A_2, %dma_wait3A_214] : memref<10240x128xf32, #tpu.memory_space<vmem_shared>> -> memref<640x128xf32, #tpu.memory_space<vmem_shared>>
      tpu.wait_dma2 semaphore(%run_scoped3A : memref<!tpu.dma_semaphore, #tpu.memory_space<semaphore_mem>>) src(%dma_wait3A_215 : memref<640x128xf32, #tpu.memory_space<vmem_shared>>) dst(%dma_wait3A_213 : memref<640x128xf32, #tpu.memory_space<hbm>>)
      tpu.yield
    }) : () -> ()
    return
  }
}

#map = affine_map<(d0, d1) -> (0, 0, 0)>
#map1 = affine_map<(d0, d1) -> (0, 0)>
module attributes {stable_mosaic.version = 14 : i64} {
  func.func @_agg_sc(%arg0: i32, %arg1: i32, %arg2: memref<32x90x112xi32, #tpu.memory_space<hbm>>, %arg3: memref<32x90x112xi32, #tpu.memory_space<hbm>>, %arg4: memref<10240x128xf32, #tpu.memory_space<hbm>>, %arg5: memref<10240x128xf32, #tpu.memory_space<hbm>>, %arg6: memref<2x10240x128xf32, #tpu.memory_space<hbm>>, %arg7: memref<8x112xi32, #tpu.memory_space<vmem>>, %arg8: memref<8x112xi32, #tpu.memory_space<vmem>>, %arg9: memref<3x112x128xf32, #tpu.memory_space<vmem>>, %arg10: memref<!tpu.dma_semaphore, #tpu.memory_space<semaphore_mem>>, %arg11: memref<!tpu.dma_semaphore, #tpu.memory_space<semaphore_mem>>, %arg12: memref<!tpu.dma_semaphore, #tpu.memory_space<semaphore_mem>>, %arg13: memref<10240x128xf32, #tpu.memory_space<vmem_shared>>) attributes {dimension_semantics = [#tpu.dimension_semantics<core_parallel>, #tpu.dimension_semantics<subcore_parallel>], iteration_bounds = array<i64: 2, 16>, scalar_prefetch = 0 : i64, scratch_operands = 7 : i64, tpu.core_type = #tpu.core_type<sc_vector_subcore>, window_params = [{transform_indices = #map}, {transform_indices = #map}, {transform_indices = #map1}, {transform_indices = #map1}, {transform_indices = #map}]} {
    %mul3A = arith.constant 16 : i32
    %mul3A_0 = arith.muli %arg0, %mul3A : i32
    %add3A = arith.addi %mul3A_0, %arg1 : i32
    %mul3A_1 = arith.constant 640 : i32
    %mul3A_2 = arith.muli %arg1, %mul3A_1 : i32
    %rem3A = arith.constant 0 : i32
    %rem3A_3 = arith.constant 8 : i32
    %rem3A_4 = arith.remsi %rem3A, %rem3A_3 : i32
    %dma_start3A = arith.constant 0 : i32
    %dma_start3A_5 = arith.constant 0 : i32
    %dma_start3A_6 = tpu.memref_slice %arg7[%rem3A_4, %dma_start3A_5] : memref<8x112xi32, #tpu.memory_space<vmem>> -> memref<1x112xi32, #tpu.memory_space<vmem>>
    %dma_start3A_7 = tpu.memref_squeeze %dma_start3A_6 : memref<1x112xi32, #tpu.memory_space<vmem>> -> memref<112xi32, #tpu.memory_space<vmem>>
    %dma_start3A_8 = arith.constant 0 : i32
    %dma_start3A_9 = tpu.memref_slice %arg2[%add3A, %dma_start3A, %dma_start3A_8] : memref<32x90x112xi32, #tpu.memory_space<hbm>> -> memref<1x1x112xi32, #tpu.memory_space<hbm>>
    %dma_start3A_10 = tpu.memref_squeeze %dma_start3A_9 : memref<1x1x112xi32, #tpu.memory_space<hbm>> -> memref<112xi32, #tpu.memory_space<hbm>>
    %dma_start3A_11 = arith.constant 0 : i32
    %dma_start3A_12 = tpu.memref_slice %arg7[%rem3A_4, %dma_start3A_11] : memref<8x112xi32, #tpu.memory_space<vmem>> -> memref<1x112xi32, #tpu.memory_space<vmem>>
    %dma_start3A_13 = tpu.memref_squeeze %dma_start3A_12 : memref<1x112xi32, #tpu.memory_space<vmem>> -> memref<112xi32, #tpu.memory_space<vmem>>
    %dma_start3A_14 = arith.constant 0 : i32
    %dma_start3A_15 = tpu.memref_slice %arg2[%add3A, %dma_start3A, %dma_start3A_14] : memref<32x90x112xi32, #tpu.memory_space<hbm>> -> memref<1x1x112xi32, #tpu.memory_space<hbm>>
    %dma_start3A_16 = tpu.memref_squeeze %dma_start3A_15 : memref<1x1x112xi32, #tpu.memory_space<hbm>> -> memref<112xi32, #tpu.memory_space<hbm>>
    tpu.enqueue_dma source(%dma_start3A_16 : memref<112xi32, #tpu.memory_space<hbm>>) target(%dma_start3A_13 : memref<112xi32, #tpu.memory_space<vmem>>) target_semaphore(%arg11 : memref<!tpu.dma_semaphore, #tpu.memory_space<semaphore_mem>>)
    %dma_start3A_17 = arith.constant 0 : i32
    %dma_start3A_18 = arith.constant 0 : i32
    %dma_start3A_19 = tpu.memref_slice %arg8[%rem3A_4, %dma_start3A_18] : memref<8x112xi32, #tpu.memory_space<vmem>> -> memref<1x112xi32, #tpu.memory_space<vmem>>
    %dma_start3A_20 = tpu.memref_squeeze %dma_start3A_19 : memref<1x112xi32, #tpu.memory_space<vmem>> -> memref<112xi32, #tpu.memory_space<vmem>>
    %dma_start3A_21 = arith.constant 0 : i32
    %dma_start3A_22 = tpu.memref_slice %arg3[%add3A, %dma_start3A_17, %dma_start3A_21] : memref<32x90x112xi32, #tpu.memory_space<hbm>> -> memref<1x1x112xi32, #tpu.memory_space<hbm>>
    %dma_start3A_23 = tpu.memref_squeeze %dma_start3A_22 : memref<1x1x112xi32, #tpu.memory_space<hbm>> -> memref<112xi32, #tpu.memory_space<hbm>>
    %dma_start3A_24 = arith.constant 0 : i32
    %dma_start3A_25 = tpu.memref_slice %arg8[%rem3A_4, %dma_start3A_24] : memref<8x112xi32, #tpu.memory_space<vmem>> -> memref<1x112xi32, #tpu.memory_space<vmem>>
    %dma_start3A_26 = tpu.memref_squeeze %dma_start3A_25 : memref<1x112xi32, #tpu.memory_space<vmem>> -> memref<112xi32, #tpu.memory_space<vmem>>
    %dma_start3A_27 = arith.constant 0 : i32
    %dma_start3A_28 = tpu.memref_slice %arg3[%add3A, %dma_start3A_17, %dma_start3A_27] : memref<32x90x112xi32, #tpu.memory_space<hbm>> -> memref<1x1x112xi32, #tpu.memory_space<hbm>>
    %dma_start3A_29 = tpu.memref_squeeze %dma_start3A_28 : memref<1x1x112xi32, #tpu.memory_space<hbm>> -> memref<112xi32, #tpu.memory_space<hbm>>
    tpu.enqueue_dma source(%dma_start3A_29 : memref<112xi32, #tpu.memory_space<hbm>>) target(%dma_start3A_26 : memref<112xi32, #tpu.memory_space<vmem>>) target_semaphore(%arg11 : memref<!tpu.dma_semaphore, #tpu.memory_space<semaphore_mem>>)
    %dma_wait3A = arith.constant 0 : i32
    %dma_wait3A_30 = arith.constant 0 : i32
    %dma_wait3A_31 = arith.constant 0 : i32
    %dma_wait3A_32 = arith.constant 0 : i32
    %dma_wait3A_33 = tpu.memref_slice %arg7[%dma_wait3A_31, %dma_wait3A_32] : memref<8x112xi32, #tpu.memory_space<vmem>> -> memref<1x112xi32, #tpu.memory_space<vmem>>
    %dma_wait3A_34 = tpu.memref_squeeze %dma_wait3A_33 : memref<1x112xi32, #tpu.memory_space<vmem>> -> memref<112xi32, #tpu.memory_space<vmem>>
    %dma_wait3A_35 = arith.constant 0 : i32
    %dma_wait3A_36 = tpu.memref_slice %arg2[%dma_wait3A, %dma_wait3A_30, %dma_wait3A_35] : memref<32x90x112xi32, #tpu.memory_space<hbm>> -> memref<1x1x112xi32, #tpu.memory_space<hbm>>
    %dma_wait3A_37 = tpu.memref_squeeze %dma_wait3A_36 : memref<1x1x112xi32, #tpu.memory_space<hbm>> -> memref<112xi32, #tpu.memory_space<hbm>>
    %dma_wait3A_38 = arith.constant 0 : i32
    %dma_wait3A_39 = tpu.memref_slice %arg7[%dma_wait3A_31, %dma_wait3A_38] : memref<8x112xi32, #tpu.memory_space<vmem>> -> memref<1x112xi32, #tpu.memory_space<vmem>>
    %dma_wait3A_40 = tpu.memref_squeeze %dma_wait3A_39 : memref<1x112xi32, #tpu.memory_space<vmem>> -> memref<112xi32, #tpu.memory_space<vmem>>
    %dma_wait3A_41 = arith.constant 0 : i32
    %dma_wait3A_42 = tpu.memref_slice %arg2[%dma_wait3A, %dma_wait3A_30, %dma_wait3A_41] : memref<32x90x112xi32, #tpu.memory_space<hbm>> -> memref<1x1x112xi32, #tpu.memory_space<hbm>>
    %dma_wait3A_43 = tpu.memref_squeeze %dma_wait3A_42 : memref<1x1x112xi32, #tpu.memory_space<hbm>> -> memref<112xi32, #tpu.memory_space<hbm>>
    tpu.wait_dma2 semaphore(%arg11 : memref<!tpu.dma_semaphore, #tpu.memory_space<semaphore_mem>>) src(%dma_wait3A_43 : memref<112xi32, #tpu.memory_space<hbm>>) dst(%dma_wait3A_40 : memref<112xi32, #tpu.memory_space<vmem>>)
    %dma_wait3A_44 = arith.constant 0 : i32
    %dma_wait3A_45 = arith.constant 0 : i32
    %dma_wait3A_46 = arith.constant 0 : i32
    %dma_wait3A_47 = arith.constant 0 : i32
    %dma_wait3A_48 = tpu.memref_slice %arg8[%dma_wait3A_46, %dma_wait3A_47] : memref<8x112xi32, #tpu.memory_space<vmem>> -> memref<1x112xi32, #tpu.memory_space<vmem>>
    %dma_wait3A_49 = tpu.memref_squeeze %dma_wait3A_48 : memref<1x112xi32, #tpu.memory_space<vmem>> -> memref<112xi32, #tpu.memory_space<vmem>>
    %dma_wait3A_50 = arith.constant 0 : i32
    %dma_wait3A_51 = tpu.memref_slice %arg3[%dma_wait3A_44, %dma_wait3A_45, %dma_wait3A_50] : memref<32x90x112xi32, #tpu.memory_space<hbm>> -> memref<1x1x112xi32, #tpu.memory_space<hbm>>
    %dma_wait3A_52 = tpu.memref_squeeze %dma_wait3A_51 : memref<1x1x112xi32, #tpu.memory_space<hbm>> -> memref<112xi32, #tpu.memory_space<hbm>>
    %dma_wait3A_53 = arith.constant 0 : i32
    %dma_wait3A_54 = tpu.memref_slice %arg8[%dma_wait3A_46, %dma_wait3A_53] : memref<8x112xi32, #tpu.memory_space<vmem>> -> memref<1x112xi32, #tpu.memory_space<vmem>>
    %dma_wait3A_55 = tpu.memref_squeeze %dma_wait3A_54 : memref<1x112xi32, #tpu.memory_space<vmem>> -> memref<112xi32, #tpu.memory_space<vmem>>
    %dma_wait3A_56 = arith.constant 0 : i32
    %dma_wait3A_57 = tpu.memref_slice %arg3[%dma_wait3A_44, %dma_wait3A_45, %dma_wait3A_56] : memref<32x90x112xi32, #tpu.memory_space<hbm>> -> memref<1x1x112xi32, #tpu.memory_space<hbm>>
    %dma_wait3A_58 = tpu.memref_squeeze %dma_wait3A_57 : memref<1x1x112xi32, #tpu.memory_space<hbm>> -> memref<112xi32, #tpu.memory_space<hbm>>
    tpu.wait_dma2 semaphore(%arg11 : memref<!tpu.dma_semaphore, #tpu.memory_space<semaphore_mem>>) src(%dma_wait3A_58 : memref<112xi32, #tpu.memory_space<hbm>>) dst(%dma_wait3A_55 : memref<112xi32, #tpu.memory_space<vmem>>)
    %rem3A_59 = arith.constant 0 : i32
    %rem3A_60 = arith.constant 8 : i32
    %rem3A_61 = arith.remsi %rem3A_59, %rem3A_60 : i32
    %rem3A_62 = arith.constant 0 : i32
    %rem3A_63 = arith.constant 3 : i32
    %rem3A_64 = arith.remsi %rem3A_62, %rem3A_63 : i32
    %dma_start3A_65 = arith.constant 0 : i32
    %dma_start3A_66 = arith.constant 0 : i32
    %dma_start3A_67 = tpu.memref_slice %arg9[%rem3A_64, %dma_start3A_65, %dma_start3A_66] : memref<3x112x128xf32, #tpu.memory_space<vmem>> -> memref<1x112x128xf32, #tpu.memory_space<vmem>>
    %dma_start3A_68 = tpu.memref_squeeze %dma_start3A_67 : memref<1x112x128xf32, #tpu.memory_space<vmem>> -> memref<112x128xf32, #tpu.memory_space<vmem>>
    %dma_start3A_69 = arith.constant 0 : i32
    %dma_start3A_70 = tpu.memref_slice %arg7[%rem3A_61, %dma_start3A_69] : memref<8x112xi32, #tpu.memory_space<vmem>> -> memref<1x112xi32, #tpu.memory_space<vmem>>
    %dma_start3A_71 = tpu.memref_squeeze %dma_start3A_70 : memref<1x112xi32, #tpu.memory_space<vmem>> -> memref<112xi32, #tpu.memory_space<vmem>>
    %dma_start3A_72 = arith.constant 0 : i32
    %dma_start3A_73 = arith.constant 0 : i32
    %dma_start3A_74 = tpu.memref_slice %arg4[%dma_start3A_72, %dma_start3A_73] : memref<10240x128xf32, #tpu.memory_space<hbm>> -> memref<10240x128xf32, #tpu.memory_space<hbm>>
    tpu.enqueue_indirect_dma source(%dma_start3A_74 : memref<10240x128xf32, #tpu.memory_space<hbm>>) target(%dma_start3A_68 : memref<112x128xf32, #tpu.memory_space<vmem>>) offsets(%dma_start3A_71 : memref<112xi32, #tpu.memory_space<vmem>>) semaphore(%arg10 : memref<!tpu.dma_semaphore, #tpu.memory_space<semaphore_mem>>)
    %rem3A_75 = arith.constant 1 : i32
    %rem3A_76 = arith.constant 8 : i32
    %rem3A_77 = arith.remsi %rem3A_75, %rem3A_76 : i32
    %dma_start3A_78 = arith.constant 1 : i32
    %dma_start3A_79 = arith.constant 0 : i32
    %dma_start3A_80 = tpu.memref_slice %arg7[%rem3A_77, %dma_start3A_79] : memref<8x112xi32, #tpu.memory_space<vmem>> -> memref<1x112xi32, #tpu.memory_space<vmem>>
    %dma_start3A_81 = tpu.memref_squeeze %dma_start3A_80 : memref<1x112xi32, #tpu.memory_space<vmem>> -> memref<112xi32, #tpu.memory_space<vmem>>
    %dma_start3A_82 = arith.constant 0 : i32
    %dma_start3A_83 = tpu.memref_slice %arg2[%add3A, %dma_start3A_78, %dma_start3A_82] : memref<32x90x112xi32, #tpu.memory_space<hbm>> -> memref<1x1x112xi32, #tpu.memory_space<hbm>>
    %dma_start3A_84 = tpu.memref_squeeze %dma_start3A_83 : memref<1x1x112xi32, #tpu.memory_space<hbm>> -> memref<112xi32, #tpu.memory_space<hbm>>
    %dma_start3A_85 = arith.constant 0 : i32
    %dma_start3A_86 = tpu.memref_slice %arg7[%rem3A_77, %dma_start3A_85] : memref<8x112xi32, #tpu.memory_space<vmem>> -> memref<1x112xi32, #tpu.memory_space<vmem>>
    %dma_start3A_87 = tpu.memref_squeeze %dma_start3A_86 : memref<1x112xi32, #tpu.memory_space<vmem>> -> memref<112xi32, #tpu.memory_space<vmem>>
    %dma_start3A_88 = arith.constant 0 : i32
    %dma_start3A_89 = tpu.memref_slice %arg2[%add3A, %dma_start3A_78, %dma_start3A_88] : memref<32x90x112xi32, #tpu.memory_space<hbm>> -> memref<1x1x112xi32, #tpu.memory_space<hbm>>
    %dma_start3A_90 = tpu.memref_squeeze %dma_start3A_89 : memref<1x1x112xi32, #tpu.memory_space<hbm>> -> memref<112xi32, #tpu.memory_space<hbm>>
    tpu.enqueue_dma source(%dma_start3A_90 : memref<112xi32, #tpu.memory_space<hbm>>) target(%dma_start3A_87 : memref<112xi32, #tpu.memory_space<vmem>>) target_semaphore(%arg11 : memref<!tpu.dma_semaphore, #tpu.memory_space<semaphore_mem>>)
    %dma_start3A_91 = arith.constant 1 : i32
    %dma_start3A_92 = arith.constant 0 : i32
    %dma_start3A_93 = tpu.memref_slice %arg8[%rem3A_77, %dma_start3A_92] : memref<8x112xi32, #tpu.memory_space<vmem>> -> memref<1x112xi32, #tpu.memory_space<vmem>>
    %dma_start3A_94 = tpu.memref_squeeze %dma_start3A_93 : memref<1x112xi32, #tpu.memory_space<vmem>> -> memref<112xi32, #tpu.memory_space<vmem>>
    %dma_start3A_95 = arith.constant 0 : i32
    %dma_start3A_96 = tpu.memref_slice %arg3[%add3A, %dma_start3A_91, %dma_start3A_95] : memref<32x90x112xi32, #tpu.memory_space<hbm>> -> memref<1x1x112xi32, #tpu.memory_space<hbm>>
    %dma_start3A_97 = tpu.memref_squeeze %dma_start3A_96 : memref<1x1x112xi32, #tpu.memory_space<hbm>> -> memref<112xi32, #tpu.memory_space<hbm>>
    %dma_start3A_98 = arith.constant 0 : i32
    %dma_start3A_99 = tpu.memref_slice %arg8[%rem3A_77, %dma_start3A_98] : memref<8x112xi32, #tpu.memory_space<vmem>> -> memref<1x112xi32, #tpu.memory_space<vmem>>
    %dma_start3A_100 = tpu.memref_squeeze %dma_start3A_99 : memref<1x112xi32, #tpu.memory_space<vmem>> -> memref<112xi32, #tpu.memory_space<vmem>>
    %dma_start3A_101 = arith.constant 0 : i32
    %dma_start3A_102 = tpu.memref_slice %arg3[%add3A, %dma_start3A_91, %dma_start3A_101] : memref<32x90x112xi32, #tpu.memory_space<hbm>> -> memref<1x1x112xi32, #tpu.memory_space<hbm>>
    %dma_start3A_103 = tpu.memref_squeeze %dma_start3A_102 : memref<1x1x112xi32, #tpu.memory_space<hbm>> -> memref<112xi32, #tpu.memory_space<hbm>>
    tpu.enqueue_dma source(%dma_start3A_103 : memref<112xi32, #tpu.memory_space<hbm>>) target(%dma_start3A_100 : memref<112xi32, #tpu.memory_space<vmem>>) target_semaphore(%arg11 : memref<!tpu.dma_semaphore, #tpu.memory_space<semaphore_mem>>)
    %dma_wait3A_104 = arith.constant 0 : i32
    %dma_wait3A_105 = arith.constant 0 : i32
    %dma_wait3A_106 = arith.constant 0 : i32
    %dma_wait3A_107 = arith.constant 0 : i32
    %dma_wait3A_108 = tpu.memref_slice %arg7[%dma_wait3A_106, %dma_wait3A_107] : memref<8x112xi32, #tpu.memory_space<vmem>> -> memref<1x112xi32, #tpu.memory_space<vmem>>
    %dma_wait3A_109 = tpu.memref_squeeze %dma_wait3A_108 : memref<1x112xi32, #tpu.memory_space<vmem>> -> memref<112xi32, #tpu.memory_space<vmem>>
    %dma_wait3A_110 = arith.constant 0 : i32
    %dma_wait3A_111 = tpu.memref_slice %arg2[%dma_wait3A_104, %dma_wait3A_105, %dma_wait3A_110] : memref<32x90x112xi32, #tpu.memory_space<hbm>> -> memref<1x1x112xi32, #tpu.memory_space<hbm>>
    %dma_wait3A_112 = tpu.memref_squeeze %dma_wait3A_111 : memref<1x1x112xi32, #tpu.memory_space<hbm>> -> memref<112xi32, #tpu.memory_space<hbm>>
    %dma_wait3A_113 = arith.constant 0 : i32
    %dma_wait3A_114 = tpu.memref_slice %arg7[%dma_wait3A_106, %dma_wait3A_113] : memref<8x112xi32, #tpu.memory_space<vmem>> -> memref<1x112xi32, #tpu.memory_space<vmem>>
    %dma_wait3A_115 = tpu.memref_squeeze %dma_wait3A_114 : memref<1x112xi32, #tpu.memory_space<vmem>> -> memref<112xi32, #tpu.memory_space<vmem>>
    %dma_wait3A_116 = arith.constant 0 : i32
    %dma_wait3A_117 = tpu.memref_slice %arg2[%dma_wait3A_104, %dma_wait3A_105, %dma_wait3A_116] : memref<32x90x112xi32, #tpu.memory_space<hbm>> -> memref<1x1x112xi32, #tpu.memory_space<hbm>>
    %dma_wait3A_118 = tpu.memref_squeeze %dma_wait3A_117 : memref<1x1x112xi32, #tpu.memory_space<hbm>> -> memref<112xi32, #tpu.memory_space<hbm>>
    tpu.wait_dma2 semaphore(%arg11 : memref<!tpu.dma_semaphore, #tpu.memory_space<semaphore_mem>>) src(%dma_wait3A_118 : memref<112xi32, #tpu.memory_space<hbm>>) dst(%dma_wait3A_115 : memref<112xi32, #tpu.memory_space<vmem>>)
    %dma_wait3A_119 = arith.constant 0 : i32
    %dma_wait3A_120 = arith.constant 0 : i32
    %dma_wait3A_121 = arith.constant 0 : i32
    %dma_wait3A_122 = arith.constant 0 : i32
    %dma_wait3A_123 = tpu.memref_slice %arg8[%dma_wait3A_121, %dma_wait3A_122] : memref<8x112xi32, #tpu.memory_space<vmem>> -> memref<1x112xi32, #tpu.memory_space<vmem>>
    %dma_wait3A_124 = tpu.memref_squeeze %dma_wait3A_123 : memref<1x112xi32, #tpu.memory_space<vmem>> -> memref<112xi32, #tpu.memory_space<vmem>>
    %dma_wait3A_125 = arith.constant 0 : i32
    %dma_wait3A_126 = tpu.memref_slice %arg3[%dma_wait3A_119, %dma_wait3A_120, %dma_wait3A_125] : memref<32x90x112xi32, #tpu.memory_space<hbm>> -> memref<1x1x112xi32, #tpu.memory_space<hbm>>
    %dma_wait3A_127 = tpu.memref_squeeze %dma_wait3A_126 : memref<1x1x112xi32, #tpu.memory_space<hbm>> -> memref<112xi32, #tpu.memory_space<hbm>>
    %dma_wait3A_128 = arith.constant 0 : i32
    %dma_wait3A_129 = tpu.memref_slice %arg8[%dma_wait3A_121, %dma_wait3A_128] : memref<8x112xi32, #tpu.memory_space<vmem>> -> memref<1x112xi32, #tpu.memory_space<vmem>>
    %dma_wait3A_130 = tpu.memref_squeeze %dma_wait3A_129 : memref<1x112xi32, #tpu.memory_space<vmem>> -> memref<112xi32, #tpu.memory_space<vmem>>
    %dma_wait3A_131 = arith.constant 0 : i32
    %dma_wait3A_132 = tpu.memref_slice %arg3[%dma_wait3A_119, %dma_wait3A_120, %dma_wait3A_131] : memref<32x90x112xi32, #tpu.memory_space<hbm>> -> memref<1x1x112xi32, #tpu.memory_space<hbm>>
    %dma_wait3A_133 = tpu.memref_squeeze %dma_wait3A_132 : memref<1x1x112xi32, #tpu.memory_space<hbm>> -> memref<112xi32, #tpu.memory_space<hbm>>
    tpu.wait_dma2 semaphore(%arg11 : memref<!tpu.dma_semaphore, #tpu.memory_space<semaphore_mem>>) src(%dma_wait3A_133 : memref<112xi32, #tpu.memory_space<hbm>>) dst(%dma_wait3A_130 : memref<112xi32, #tpu.memory_space<vmem>>)
    %rem3A_134 = arith.constant 1 : i32
    %rem3A_135 = arith.constant 8 : i32
    %rem3A_136 = arith.remsi %rem3A_134, %rem3A_135 : i32
    %rem3A_137 = arith.constant 1 : i32
    %rem3A_138 = arith.constant 3 : i32
    %rem3A_139 = arith.remsi %rem3A_137, %rem3A_138 : i32
    %dma_start3A_140 = arith.constant 0 : i32
    %dma_start3A_141 = arith.constant 0 : i32
    %dma_start3A_142 = tpu.memref_slice %arg9[%rem3A_139, %dma_start3A_140, %dma_start3A_141] : memref<3x112x128xf32, #tpu.memory_space<vmem>> -> memref<1x112x128xf32, #tpu.memory_space<vmem>>
    %dma_start3A_143 = tpu.memref_squeeze %dma_start3A_142 : memref<1x112x128xf32, #tpu.memory_space<vmem>> -> memref<112x128xf32, #tpu.memory_space<vmem>>
    %dma_start3A_144 = arith.constant 0 : i32
    %dma_start3A_145 = tpu.memref_slice %arg7[%rem3A_136, %dma_start3A_144] : memref<8x112xi32, #tpu.memory_space<vmem>> -> memref<1x112xi32, #tpu.memory_space<vmem>>
    %dma_start3A_146 = tpu.memref_squeeze %dma_start3A_145 : memref<1x112xi32, #tpu.memory_space<vmem>> -> memref<112xi32, #tpu.memory_space<vmem>>
    %dma_start3A_147 = arith.constant 0 : i32
    %dma_start3A_148 = arith.constant 0 : i32
    %dma_start3A_149 = tpu.memref_slice %arg4[%dma_start3A_147, %dma_start3A_148] : memref<10240x128xf32, #tpu.memory_space<hbm>> -> memref<10240x128xf32, #tpu.memory_space<hbm>>
    tpu.enqueue_indirect_dma source(%dma_start3A_149 : memref<10240x128xf32, #tpu.memory_space<hbm>>) target(%dma_start3A_143 : memref<112x128xf32, #tpu.memory_space<vmem>>) offsets(%dma_start3A_146 : memref<112xi32, #tpu.memory_space<vmem>>) semaphore(%arg10 : memref<!tpu.dma_semaphore, #tpu.memory_space<semaphore_mem>>)
    %rem3A_150 = arith.constant 2 : i32
    %rem3A_151 = arith.constant 8 : i32
    %rem3A_152 = arith.remsi %rem3A_150, %rem3A_151 : i32
    %dma_start3A_153 = arith.constant 2 : i32
    %dma_start3A_154 = arith.constant 0 : i32
    %dma_start3A_155 = tpu.memref_slice %arg7[%rem3A_152, %dma_start3A_154] : memref<8x112xi32, #tpu.memory_space<vmem>> -> memref<1x112xi32, #tpu.memory_space<vmem>>
    %dma_start3A_156 = tpu.memref_squeeze %dma_start3A_155 : memref<1x112xi32, #tpu.memory_space<vmem>> -> memref<112xi32, #tpu.memory_space<vmem>>
    %dma_start3A_157 = arith.constant 0 : i32
    %dma_start3A_158 = tpu.memref_slice %arg2[%add3A, %dma_start3A_153, %dma_start3A_157] : memref<32x90x112xi32, #tpu.memory_space<hbm>> -> memref<1x1x112xi32, #tpu.memory_space<hbm>>
    %dma_start3A_159 = tpu.memref_squeeze %dma_start3A_158 : memref<1x1x112xi32, #tpu.memory_space<hbm>> -> memref<112xi32, #tpu.memory_space<hbm>>
    %dma_start3A_160 = arith.constant 0 : i32
    %dma_start3A_161 = tpu.memref_slice %arg7[%rem3A_152, %dma_start3A_160] : memref<8x112xi32, #tpu.memory_space<vmem>> -> memref<1x112xi32, #tpu.memory_space<vmem>>
    %dma_start3A_162 = tpu.memref_squeeze %dma_start3A_161 : memref<1x112xi32, #tpu.memory_space<vmem>> -> memref<112xi32, #tpu.memory_space<vmem>>
    %dma_start3A_163 = arith.constant 0 : i32
    %dma_start3A_164 = tpu.memref_slice %arg2[%add3A, %dma_start3A_153, %dma_start3A_163] : memref<32x90x112xi32, #tpu.memory_space<hbm>> -> memref<1x1x112xi32, #tpu.memory_space<hbm>>
    %dma_start3A_165 = tpu.memref_squeeze %dma_start3A_164 : memref<1x1x112xi32, #tpu.memory_space<hbm>> -> memref<112xi32, #tpu.memory_space<hbm>>
    tpu.enqueue_dma source(%dma_start3A_165 : memref<112xi32, #tpu.memory_space<hbm>>) target(%dma_start3A_162 : memref<112xi32, #tpu.memory_space<vmem>>) target_semaphore(%arg11 : memref<!tpu.dma_semaphore, #tpu.memory_space<semaphore_mem>>)
    %dma_start3A_166 = arith.constant 2 : i32
    %dma_start3A_167 = arith.constant 0 : i32
    %dma_start3A_168 = tpu.memref_slice %arg8[%rem3A_152, %dma_start3A_167] : memref<8x112xi32, #tpu.memory_space<vmem>> -> memref<1x112xi32, #tpu.memory_space<vmem>>
    %dma_start3A_169 = tpu.memref_squeeze %dma_start3A_168 : memref<1x112xi32, #tpu.memory_space<vmem>> -> memref<112xi32, #tpu.memory_space<vmem>>
    %dma_start3A_170 = arith.constant 0 : i32
    %dma_start3A_171 = tpu.memref_slice %arg3[%add3A, %dma_start3A_166, %dma_start3A_170] : memref<32x90x112xi32, #tpu.memory_space<hbm>> -> memref<1x1x112xi32, #tpu.memory_space<hbm>>
    %dma_start3A_172 = tpu.memref_squeeze %dma_start3A_171 : memref<1x1x112xi32, #tpu.memory_space<hbm>> -> memref<112xi32, #tpu.memory_space<hbm>>
    %dma_start3A_173 = arith.constant 0 : i32
    %dma_start3A_174 = tpu.memref_slice %arg8[%rem3A_152, %dma_start3A_173] : memref<8x112xi32, #tpu.memory_space<vmem>> -> memref<1x112xi32, #tpu.memory_space<vmem>>
    %dma_start3A_175 = tpu.memref_squeeze %dma_start3A_174 : memref<1x112xi32, #tpu.memory_space<vmem>> -> memref<112xi32, #tpu.memory_space<vmem>>
    %dma_start3A_176 = arith.constant 0 : i32
    %dma_start3A_177 = tpu.memref_slice %arg3[%add3A, %dma_start3A_166, %dma_start3A_176] : memref<32x90x112xi32, #tpu.memory_space<hbm>> -> memref<1x1x112xi32, #tpu.memory_space<hbm>>
    %dma_start3A_178 = tpu.memref_squeeze %dma_start3A_177 : memref<1x1x112xi32, #tpu.memory_space<hbm>> -> memref<112xi32, #tpu.memory_space<hbm>>
    tpu.enqueue_dma source(%dma_start3A_178 : memref<112xi32, #tpu.memory_space<hbm>>) target(%dma_start3A_175 : memref<112xi32, #tpu.memory_space<vmem>>) target_semaphore(%arg11 : memref<!tpu.dma_semaphore, #tpu.memory_space<semaphore_mem>>)
    %eq3A = arith.constant 0 : i32
    %eq3A_179 = arith.cmpi eq, %arg0, %eq3A : i32
    %convert_element_type3A = arith.extui %eq3A_179 : i1 to i32
    %cond3A = arith.constant 0 : i32
    %cond3A_180 = arith.cmpi ne, %convert_element_type3A, %cond3A : i32
    scf.if %cond3A_180 {
      "tpu.region"() ({
        %run_scoped3A = tpu.sem_alloc : memref<!tpu.dma_semaphore, #tpu.memory_space<semaphore_mem>>
        %dma_start3A_206 = arith.constant 0 : i32
        %dma_start3A_207 = tpu.memref_slice %arg13[%mul3A_2, %dma_start3A_206] : memref<10240x128xf32, #tpu.memory_space<vmem_shared>> -> memref<640x128xf32, #tpu.memory_space<vmem_shared>>
        %dma_start3A_208 = arith.constant 0 : i32
        %dma_start3A_209 = tpu.memref_slice %arg4[%mul3A_2, %dma_start3A_208] : memref<10240x128xf32, #tpu.memory_space<hbm>> -> memref<640x128xf32, #tpu.memory_space<hbm>>
        tpu.enqueue_dma source(%dma_start3A_209 : memref<640x128xf32, #tpu.memory_space<hbm>>) target(%dma_start3A_207 : memref<640x128xf32, #tpu.memory_space<vmem_shared>>) target_semaphore(%run_scoped3A : memref<!tpu.dma_semaphore, #tpu.memory_space<semaphore_mem>>)
        %dma_wait3A_210 = arith.constant 0 : i32
        %dma_wait3A_211 = tpu.memref_slice %arg13[%mul3A_2, %dma_wait3A_210] : memref<10240x128xf32, #tpu.memory_space<vmem_shared>> -> memref<640x128xf32, #tpu.memory_space<vmem_shared>>
        %dma_wait3A_212 = arith.constant 0 : i32
        %dma_wait3A_213 = tpu.memref_slice %arg4[%mul3A_2, %dma_wait3A_212] : memref<10240x128xf32, #tpu.memory_space<hbm>> -> memref<640x128xf32, #tpu.memory_space<hbm>>
        tpu.wait_dma2 semaphore(%run_scoped3A : memref<!tpu.dma_semaphore, #tpu.memory_space<semaphore_mem>>) src(%dma_wait3A_213 : memref<640x128xf32, #tpu.memory_space<hbm>>) dst(%dma_wait3A_211 : memref<640x128xf32, #tpu.memory_space<vmem_shared>>)
        tpu.yield
      }) : () -> ()
    } else {
    }
    %ne3A = arith.constant 0 : i32
    %ne3A_181 = arith.cmpi ne, %arg0, %ne3A : i32
    %convert_element_type3A_182 = arith.extui %ne3A_181 : i1 to i32
    %cond3A_183 = arith.constant 0 : i32
    %cond3A_184 = arith.cmpi ne, %convert_element_type3A_182, %cond3A_183 : i32
    scf.if %cond3A_184 {
      "tpu.region"() ({
        %run_scoped3A = tpu.sem_alloc : memref<!tpu.dma_semaphore, #tpu.memory_space<semaphore_mem>>
        %dma_start3A_206 = arith.constant 0 : i32
        %dma_start3A_207 = tpu.memref_slice %arg13[%mul3A_2, %dma_start3A_206] : memref<10240x128xf32, #tpu.memory_space<vmem_shared>> -> memref<640x128xf32, #tpu.memory_space<vmem_shared>>
        %dma_start3A_208 = arith.constant 0 : i32
        %dma_start3A_209 = tpu.memref_slice %arg5[%mul3A_2, %dma_start3A_208] : memref<10240x128xf32, #tpu.memory_space<hbm>> -> memref<640x128xf32, #tpu.memory_space<hbm>>
        tpu.enqueue_dma source(%dma_start3A_209 : memref<640x128xf32, #tpu.memory_space<hbm>>) target(%dma_start3A_207 : memref<640x128xf32, #tpu.memory_space<vmem_shared>>) target_semaphore(%run_scoped3A : memref<!tpu.dma_semaphore, #tpu.memory_space<semaphore_mem>>)
        %dma_wait3A_210 = arith.constant 0 : i32
        %dma_wait3A_211 = tpu.memref_slice %arg13[%mul3A_2, %dma_wait3A_210] : memref<10240x128xf32, #tpu.memory_space<vmem_shared>> -> memref<640x128xf32, #tpu.memory_space<vmem_shared>>
        %dma_wait3A_212 = arith.constant 0 : i32
        %dma_wait3A_213 = tpu.memref_slice %arg5[%mul3A_2, %dma_wait3A_212] : memref<10240x128xf32, #tpu.memory_space<hbm>> -> memref<640x128xf32, #tpu.memory_space<hbm>>
        tpu.wait_dma2 semaphore(%run_scoped3A : memref<!tpu.dma_semaphore, #tpu.memory_space<semaphore_mem>>) src(%dma_wait3A_213 : memref<640x128xf32, #tpu.memory_space<hbm>>) dst(%dma_wait3A_211 : memref<640x128xf32, #tpu.memory_space<vmem_shared>>)
        tpu.yield
      }) : () -> ()
    } else {
    }
    %barrier3A = arith.constant 0 : index
    tpu.barrier barrier_id(%barrier3A)
    %scan3A = arith.constant 0 : i32
    %scan3A_185 = arith.constant 0 : i32
    %scan3A_186 = arith.constant 90 : i32
    %scan3A_187 = arith.addi %scan3A_185, %scan3A_186 : i32
    %scan3A_188 = arith.constant 1 : i32
    scf.for %scan3A_206 = %scan3A_185 to %scan3A_187 step %scan3A_188  : i32 {
      %dma_wait3A_207 = arith.constant 0 : i32
      %dma_wait3A_208 = arith.constant 0 : i32
      %dma_wait3A_209 = arith.constant 0 : i32
      %dma_wait3A_210 = tpu.memref_slice %arg9[%dma_wait3A_207, %dma_wait3A_208, %dma_wait3A_209] : memref<3x112x128xf32, #tpu.memory_space<vmem>> -> memref<1x112x128xf32, #tpu.memory_space<vmem>>
      %dma_wait3A_211 = tpu.memref_squeeze %dma_wait3A_210 : memref<1x112x128xf32, #tpu.memory_space<vmem>> -> memref<112x128xf32, #tpu.memory_space<vmem>>
      %dma_wait3A_212 = arith.constant 0 : i32
      %dma_wait3A_213 = arith.constant 0 : i32
      %dma_wait3A_214 = tpu.memref_slice %arg4[%dma_wait3A_212, %dma_wait3A_213] : memref<10240x128xf32, #tpu.memory_space<hbm>> -> memref<112x128xf32, #tpu.memory_space<hbm>>
      %dma_wait3A_215 = arith.constant 0 : i32
      %dma_wait3A_216 = arith.constant 0 : i32
      %dma_wait3A_217 = tpu.memref_slice %arg9[%dma_wait3A_207, %dma_wait3A_215, %dma_wait3A_216] : memref<3x112x128xf32, #tpu.memory_space<vmem>> -> memref<1x112x128xf32, #tpu.memory_space<vmem>>
      %dma_wait3A_218 = tpu.memref_squeeze %dma_wait3A_217 : memref<1x112x128xf32, #tpu.memory_space<vmem>> -> memref<112x128xf32, #tpu.memory_space<vmem>>
      %dma_wait3A_219 = arith.constant 0 : i32
      %dma_wait3A_220 = arith.constant 0 : i32
      %dma_wait3A_221 = tpu.memref_slice %arg4[%dma_wait3A_219, %dma_wait3A_220] : memref<10240x128xf32, #tpu.memory_space<hbm>> -> memref<112x128xf32, #tpu.memory_space<hbm>>
      tpu.wait_dma2 semaphore(%arg10 : memref<!tpu.dma_semaphore, #tpu.memory_space<semaphore_mem>>) src(%dma_wait3A_221 : memref<112x128xf32, #tpu.memory_space<hbm>>) dst(%dma_wait3A_218 : memref<112x128xf32, #tpu.memory_space<vmem>>)
      %gt3A = arith.constant 0 : i32
      %gt3A_222 = arith.cmpi sgt, %scan3A_206, %gt3A : i32
      %convert_element_type3A_223 = arith.extui %gt3A_222 : i1 to i32
      %cond3A_224 = arith.constant 0 : i32
      %cond3A_225 = arith.cmpi ne, %convert_element_type3A_223, %cond3A_224 : i32
      scf.if %cond3A_225 {
        %dma_wait3A_253 = arith.constant 0 : i32
        %dma_wait3A_254 = arith.constant 0 : i32
        %dma_wait3A_255 = arith.constant 0 : i32
        %dma_wait3A_256 = tpu.memref_slice %arg9[%dma_wait3A_253, %dma_wait3A_254, %dma_wait3A_255] : memref<3x112x128xf32, #tpu.memory_space<vmem>> -> memref<1x112x128xf32, #tpu.memory_space<vmem>>
        %dma_wait3A_257 = tpu.memref_squeeze %dma_wait3A_256 : memref<1x112x128xf32, #tpu.memory_space<vmem>> -> memref<112x128xf32, #tpu.memory_space<vmem>>
        %dma_wait3A_258 = arith.constant 0 : i32
        %dma_wait3A_259 = arith.constant 0 : i32
        %dma_wait3A_260 = tpu.memref_slice %arg4[%dma_wait3A_258, %dma_wait3A_259] : memref<10240x128xf32, #tpu.memory_space<hbm>> -> memref<112x128xf32, #tpu.memory_space<hbm>>
        %dma_wait3A_261 = arith.constant 0 : i32
        %dma_wait3A_262 = arith.constant 0 : i32
        %dma_wait3A_263 = tpu.memref_slice %arg9[%dma_wait3A_253, %dma_wait3A_261, %dma_wait3A_262] : memref<3x112x128xf32, #tpu.memory_space<vmem>> -> memref<1x112x128xf32, #tpu.memory_space<vmem>>
        %dma_wait3A_264 = tpu.memref_squeeze %dma_wait3A_263 : memref<1x112x128xf32, #tpu.memory_space<vmem>> -> memref<112x128xf32, #tpu.memory_space<vmem>>
        %dma_wait3A_265 = arith.constant 0 : i32
        %dma_wait3A_266 = arith.constant 0 : i32
        %dma_wait3A_267 = tpu.memref_slice %arg4[%dma_wait3A_265, %dma_wait3A_266] : memref<10240x128xf32, #tpu.memory_space<hbm>> -> memref<112x128xf32, #tpu.memory_space<hbm>>
        tpu.wait_dma2 semaphore(%arg12 : memref<!tpu.dma_semaphore, #tpu.memory_space<semaphore_mem>>) src(%dma_wait3A_267 : memref<112x128xf32, #tpu.memory_space<hbm>>) dst(%dma_wait3A_264 : memref<112x128xf32, #tpu.memory_space<vmem>>)
      } else {
      }
      %add3A_226 = arith.constant 2 : i32
      %add3A_227 = arith.addi %scan3A_206, %add3A_226 : i32
      %lt3A = arith.constant 90 : i32
      %lt3A_228 = arith.cmpi slt, %add3A_227, %lt3A : i32
      %convert_element_type3A_229 = arith.extui %lt3A_228 : i1 to i32
      %cond3A_230 = arith.constant 0 : i32
      %cond3A_231 = arith.cmpi ne, %convert_element_type3A_229, %cond3A_230 : i32
      scf.if %cond3A_231 {
        %dma_wait3A_253 = arith.constant 0 : i32
        %dma_wait3A_254 = arith.constant 0 : i32
        %dma_wait3A_255 = arith.constant 0 : i32
        %dma_wait3A_256 = arith.constant 0 : i32
        %dma_wait3A_257 = tpu.memref_slice %arg7[%dma_wait3A_255, %dma_wait3A_256] : memref<8x112xi32, #tpu.memory_space<vmem>> -> memref<1x112xi32, #tpu.memory_space<vmem>>
        %dma_wait3A_258 = tpu.memref_squeeze %dma_wait3A_257 : memref<1x112xi32, #tpu.memory_space<vmem>> -> memref<112xi32, #tpu.memory_space<vmem>>
        %dma_wait3A_259 = arith.constant 0 : i32
        %dma_wait3A_260 = tpu.memref_slice %arg2[%dma_wait3A_253, %dma_wait3A_254, %dma_wait3A_259] : memref<32x90x112xi32, #tpu.memory_space<hbm>> -> memref<1x1x112xi32, #tpu.memory_space<hbm>>
        %dma_wait3A_261 = tpu.memref_squeeze %dma_wait3A_260 : memref<1x1x112xi32, #tpu.memory_space<hbm>> -> memref<112xi32, #tpu.memory_space<hbm>>
        %dma_wait3A_262 = arith.constant 0 : i32
        %dma_wait3A_263 = tpu.memref_slice %arg7[%dma_wait3A_255, %dma_wait3A_262] : memref<8x112xi32, #tpu.memory_space<vmem>> -> memref<1x112xi32, #tpu.memory_space<vmem>>
        %dma_wait3A_264 = tpu.memref_squeeze %dma_wait3A_263 : memref<1x112xi32, #tpu.memory_space<vmem>> -> memref<112xi32, #tpu.memory_space<vmem>>
        %dma_wait3A_265 = arith.constant 0 : i32
        %dma_wait3A_266 = tpu.memref_slice %arg2[%dma_wait3A_253, %dma_wait3A_254, %dma_wait3A_265] : memref<32x90x112xi32, #tpu.memory_space<hbm>> -> memref<1x1x112xi32, #tpu.memory_space<hbm>>
        %dma_wait3A_267 = tpu.memref_squeeze %dma_wait3A_266 : memref<1x1x112xi32, #tpu.memory_space<hbm>> -> memref<112xi32, #tpu.memory_space<hbm>>
        tpu.wait_dma2 semaphore(%arg11 : memref<!tpu.dma_semaphore, #tpu.memory_space<semaphore_mem>>) src(%dma_wait3A_267 : memref<112xi32, #tpu.memory_space<hbm>>) dst(%dma_wait3A_264 : memref<112xi32, #tpu.memory_space<vmem>>)
        %dma_wait3A_268 = arith.constant 0 : i32
        %dma_wait3A_269 = arith.constant 0 : i32
        %dma_wait3A_270 = arith.constant 0 : i32
        %dma_wait3A_271 = arith.constant 0 : i32
        %dma_wait3A_272 = tpu.memref_slice %arg8[%dma_wait3A_270, %dma_wait3A_271] : memref<8x112xi32, #tpu.memory_space<vmem>> -> memref<1x112xi32, #tpu.memory_space<vmem>>
        %dma_wait3A_273 = tpu.memref_squeeze %dma_wait3A_272 : memref<1x112xi32, #tpu.memory_space<vmem>> -> memref<112xi32, #tpu.memory_space<vmem>>
        %dma_wait3A_274 = arith.constant 0 : i32
        %dma_wait3A_275 = tpu.memref_slice %arg3[%dma_wait3A_268, %dma_wait3A_269, %dma_wait3A_274] : memref<32x90x112xi32, #tpu.memory_space<hbm>> -> memref<1x1x112xi32, #tpu.memory_space<hbm>>
        %dma_wait3A_276 = tpu.memref_squeeze %dma_wait3A_275 : memref<1x1x112xi32, #tpu.memory_space<hbm>> -> memref<112xi32, #tpu.memory_space<hbm>>
        %dma_wait3A_277 = arith.constant 0 : i32
        %dma_wait3A_278 = tpu.memref_slice %arg8[%dma_wait3A_270, %dma_wait3A_277] : memref<8x112xi32, #tpu.memory_space<vmem>> -> memref<1x112xi32, #tpu.memory_space<vmem>>
        %dma_wait3A_279 = tpu.memref_squeeze %dma_wait3A_278 : memref<1x112xi32, #tpu.memory_space<vmem>> -> memref<112xi32, #tpu.memory_space<vmem>>
        %dma_wait3A_280 = arith.constant 0 : i32
        %dma_wait3A_281 = tpu.memref_slice %arg3[%dma_wait3A_268, %dma_wait3A_269, %dma_wait3A_280] : memref<32x90x112xi32, #tpu.memory_space<hbm>> -> memref<1x1x112xi32, #tpu.memory_space<hbm>>
        %dma_wait3A_282 = tpu.memref_squeeze %dma_wait3A_281 : memref<1x1x112xi32, #tpu.memory_space<hbm>> -> memref<112xi32, #tpu.memory_space<hbm>>
        tpu.wait_dma2 semaphore(%arg11 : memref<!tpu.dma_semaphore, #tpu.memory_space<semaphore_mem>>) src(%dma_wait3A_282 : memref<112xi32, #tpu.memory_space<hbm>>) dst(%dma_wait3A_279 : memref<112xi32, #tpu.memory_space<vmem>>)
        %add3A_283 = arith.constant 2 : i32
        %add3A_284 = arith.addi %scan3A_206, %add3A_283 : i32
        %rem3A_285 = arith.constant 8 : i32
        %rem3A_286 = arith.remsi %add3A_284, %rem3A_285 : i32
        %rem3A_287 = arith.constant 3 : i32
        %rem3A_288 = arith.remsi %add3A_284, %rem3A_287 : i32
        %dma_start3A_289 = arith.constant 0 : i32
        %dma_start3A_290 = arith.constant 0 : i32
        %dma_start3A_291 = tpu.memref_slice %arg9[%rem3A_288, %dma_start3A_289, %dma_start3A_290] : memref<3x112x128xf32, #tpu.memory_space<vmem>> -> memref<1x112x128xf32, #tpu.memory_space<vmem>>
        %dma_start3A_292 = tpu.memref_squeeze %dma_start3A_291 : memref<1x112x128xf32, #tpu.memory_space<vmem>> -> memref<112x128xf32, #tpu.memory_space<vmem>>
        %dma_start3A_293 = arith.constant 0 : i32
        %dma_start3A_294 = tpu.memref_slice %arg7[%rem3A_286, %dma_start3A_293] : memref<8x112xi32, #tpu.memory_space<vmem>> -> memref<1x112xi32, #tpu.memory_space<vmem>>
        %dma_start3A_295 = tpu.memref_squeeze %dma_start3A_294 : memref<1x112xi32, #tpu.memory_space<vmem>> -> memref<112xi32, #tpu.memory_space<vmem>>
        %dma_start3A_296 = arith.constant 0 : i32
        %dma_start3A_297 = arith.constant 0 : i32
        %dma_start3A_298 = tpu.memref_slice %arg4[%dma_start3A_296, %dma_start3A_297] : memref<10240x128xf32, #tpu.memory_space<hbm>> -> memref<10240x128xf32, #tpu.memory_space<hbm>>
        tpu.enqueue_indirect_dma source(%dma_start3A_298 : memref<10240x128xf32, #tpu.memory_space<hbm>>) target(%dma_start3A_292 : memref<112x128xf32, #tpu.memory_space<vmem>>) offsets(%dma_start3A_295 : memref<112xi32, #tpu.memory_space<vmem>>) semaphore(%arg10 : memref<!tpu.dma_semaphore, #tpu.memory_space<semaphore_mem>>)
      } else {
      }
      %rem3A_232 = arith.constant 3 : i32
      %rem3A_233 = arith.remsi %scan3A_206, %rem3A_232 : i32
      %rem3A_234 = arith.constant 8 : i32
      %rem3A_235 = arith.remsi %scan3A_206, %rem3A_234 : i32
      %dma_start3A_236 = arith.constant 0 : i32
      %dma_start3A_237 = arith.constant 0 : i32
      %dma_start3A_238 = tpu.memref_slice %arg9[%rem3A_233, %dma_start3A_236, %dma_start3A_237] : memref<3x112x128xf32, #tpu.memory_space<vmem>> -> memref<1x112x128xf32, #tpu.memory_space<vmem>>
      %dma_start3A_239 = tpu.memref_squeeze %dma_start3A_238 : memref<1x112x128xf32, #tpu.memory_space<vmem>> -> memref<112x128xf32, #tpu.memory_space<vmem>>
      %dma_start3A_240 = arith.constant 0 : i32
      %dma_start3A_241 = tpu.memref_slice %arg8[%rem3A_235, %dma_start3A_240] : memref<8x112xi32, #tpu.memory_space<vmem>> -> memref<1x112xi32, #tpu.memory_space<vmem>>
      %dma_start3A_242 = tpu.memref_squeeze %dma_start3A_241 : memref<1x112xi32, #tpu.memory_space<vmem>> -> memref<112xi32, #tpu.memory_space<vmem>>
      %dma_start3A_243 = arith.constant 0 : i32
      %dma_start3A_244 = arith.constant 0 : i32
      %dma_start3A_245 = tpu.memref_slice %arg13[%dma_start3A_243, %dma_start3A_244] : memref<10240x128xf32, #tpu.memory_space<vmem_shared>> -> memref<10240x128xf32, #tpu.memory_space<vmem_shared>>
      tpu.enqueue_indirect_dma source(%dma_start3A_239 : memref<112x128xf32, #tpu.memory_space<vmem>>) target(%dma_start3A_245 : memref<10240x128xf32, #tpu.memory_space<vmem_shared>>) offsets(%dma_start3A_242 : memref<112xi32, #tpu.memory_space<vmem>>) semaphore(%arg12 : memref<!tpu.dma_semaphore, #tpu.memory_space<semaphore_mem>>) {add = true}
      %add3A_246 = arith.constant 3 : i32
      %add3A_247 = arith.addi %scan3A_206, %add3A_246 : i32
      %lt3A_248 = arith.constant 90 : i32
      %lt3A_249 = arith.cmpi slt, %add3A_247, %lt3A_248 : i32
      %convert_element_type3A_250 = arith.extui %lt3A_249 : i1 to i32
      %cond3A_251 = arith.constant 0 : i32
      %cond3A_252 = arith.cmpi ne, %convert_element_type3A_250, %cond3A_251 : i32
      scf.if %cond3A_252 {
        %add3A_253 = arith.constant 3 : i32
        %add3A_254 = arith.addi %scan3A_206, %add3A_253 : i32
        %rem3A_255 = arith.constant 8 : i32
        %rem3A_256 = arith.remsi %add3A_254, %rem3A_255 : i32
        %dma_start3A_257 = arith.constant 0 : i32
        %dma_start3A_258 = tpu.memref_slice %arg7[%rem3A_256, %dma_start3A_257] : memref<8x112xi32, #tpu.memory_space<vmem>> -> memref<1x112xi32, #tpu.memory_space<vmem>>
        %dma_start3A_259 = tpu.memref_squeeze %dma_start3A_258 : memref<1x112xi32, #tpu.memory_space<vmem>> -> memref<112xi32, #tpu.memory_space<vmem>>
        %dma_start3A_260 = arith.constant 0 : i32
        %dma_start3A_261 = tpu.memref_slice %arg2[%add3A, %add3A_254, %dma_start3A_260] : memref<32x90x112xi32, #tpu.memory_space<hbm>> -> memref<1x1x112xi32, #tpu.memory_space<hbm>>
        %dma_start3A_262 = tpu.memref_squeeze %dma_start3A_261 : memref<1x1x112xi32, #tpu.memory_space<hbm>> -> memref<112xi32, #tpu.memory_space<hbm>>
        %dma_start3A_263 = arith.constant 0 : i32
        %dma_start3A_264 = tpu.memref_slice %arg7[%rem3A_256, %dma_start3A_263] : memref<8x112xi32, #tpu.memory_space<vmem>> -> memref<1x112xi32, #tpu.memory_space<vmem>>
        %dma_start3A_265 = tpu.memref_squeeze %dma_start3A_264 : memref<1x112xi32, #tpu.memory_space<vmem>> -> memref<112xi32, #tpu.memory_space<vmem>>
        %dma_start3A_266 = arith.constant 0 : i32
        %dma_start3A_267 = tpu.memref_slice %arg2[%add3A, %add3A_254, %dma_start3A_266] : memref<32x90x112xi32, #tpu.memory_space<hbm>> -> memref<1x1x112xi32, #tpu.memory_space<hbm>>
        %dma_start3A_268 = tpu.memref_squeeze %dma_start3A_267 : memref<1x1x112xi32, #tpu.memory_space<hbm>> -> memref<112xi32, #tpu.memory_space<hbm>>
        tpu.enqueue_dma source(%dma_start3A_268 : memref<112xi32, #tpu.memory_space<hbm>>) target(%dma_start3A_265 : memref<112xi32, #tpu.memory_space<vmem>>) target_semaphore(%arg11 : memref<!tpu.dma_semaphore, #tpu.memory_space<semaphore_mem>>)
        %dma_start3A_269 = arith.constant 0 : i32
        %dma_start3A_270 = tpu.memref_slice %arg8[%rem3A_256, %dma_start3A_269] : memref<8x112xi32, #tpu.memory_space<vmem>> -> memref<1x112xi32, #tpu.memory_space<vmem>>
        %dma_start3A_271 = tpu.memref_squeeze %dma_start3A_270 : memref<1x112xi32, #tpu.memory_space<vmem>> -> memref<112xi32, #tpu.memory_space<vmem>>
        %dma_start3A_272 = arith.constant 0 : i32
        %dma_start3A_273 = tpu.memref_slice %arg3[%add3A, %add3A_254, %dma_start3A_272] : memref<32x90x112xi32, #tpu.memory_space<hbm>> -> memref<1x1x112xi32, #tpu.memory_space<hbm>>
        %dma_start3A_274 = tpu.memref_squeeze %dma_start3A_273 : memref<1x1x112xi32, #tpu.memory_space<hbm>> -> memref<112xi32, #tpu.memory_space<hbm>>
        %dma_start3A_275 = arith.constant 0 : i32
        %dma_start3A_276 = tpu.memref_slice %arg8[%rem3A_256, %dma_start3A_275] : memref<8x112xi32, #tpu.memory_space<vmem>> -> memref<1x112xi32, #tpu.memory_space<vmem>>
        %dma_start3A_277 = tpu.memref_squeeze %dma_start3A_276 : memref<1x112xi32, #tpu.memory_space<vmem>> -> memref<112xi32, #tpu.memory_space<vmem>>
        %dma_start3A_278 = arith.constant 0 : i32
        %dma_start3A_279 = tpu.memref_slice %arg3[%add3A, %add3A_254, %dma_start3A_278] : memref<32x90x112xi32, #tpu.memory_space<hbm>> -> memref<1x1x112xi32, #tpu.memory_space<hbm>>
        %dma_start3A_280 = tpu.memref_squeeze %dma_start3A_279 : memref<1x1x112xi32, #tpu.memory_space<hbm>> -> memref<112xi32, #tpu.memory_space<hbm>>
        tpu.enqueue_dma source(%dma_start3A_280 : memref<112xi32, #tpu.memory_space<hbm>>) target(%dma_start3A_277 : memref<112xi32, #tpu.memory_space<vmem>>) target_semaphore(%arg11 : memref<!tpu.dma_semaphore, #tpu.memory_space<semaphore_mem>>)
      } else {
      }
    }
    %scan3A_189 = arith.constant 90 : i32
    %dma_wait3A_190 = arith.constant 0 : i32
    %dma_wait3A_191 = arith.constant 0 : i32
    %dma_wait3A_192 = arith.constant 0 : i32
    %dma_wait3A_193 = tpu.memref_slice %arg9[%dma_wait3A_190, %dma_wait3A_191, %dma_wait3A_192] : memref<3x112x128xf32, #tpu.memory_space<vmem>> -> memref<1x112x128xf32, #tpu.memory_space<vmem>>
    %dma_wait3A_194 = tpu.memref_squeeze %dma_wait3A_193 : memref<1x112x128xf32, #tpu.memory_space<vmem>> -> memref<112x128xf32, #tpu.memory_space<vmem>>
    %dma_wait3A_195 = arith.constant 0 : i32
    %dma_wait3A_196 = arith.constant 0 : i32
    %dma_wait3A_197 = tpu.memref_slice %arg4[%dma_wait3A_195, %dma_wait3A_196] : memref<10240x128xf32, #tpu.memory_space<hbm>> -> memref<112x128xf32, #tpu.memory_space<hbm>>
    %dma_wait3A_198 = arith.constant 0 : i32
    %dma_wait3A_199 = arith.constant 0 : i32
    %dma_wait3A_200 = tpu.memref_slice %arg9[%dma_wait3A_190, %dma_wait3A_198, %dma_wait3A_199] : memref<3x112x128xf32, #tpu.memory_space<vmem>> -> memref<1x112x128xf32, #tpu.memory_space<vmem>>
    %dma_wait3A_201 = tpu.memref_squeeze %dma_wait3A_200 : memref<1x112x128xf32, #tpu.memory_space<vmem>> -> memref<112x128xf32, #tpu.memory_space<vmem>>
    %dma_wait3A_202 = arith.constant 0 : i32
    %dma_wait3A_203 = arith.constant 0 : i32
    %dma_wait3A_204 = tpu.memref_slice %arg4[%dma_wait3A_202, %dma_wait3A_203] : memref<10240x128xf32, #tpu.memory_space<hbm>> -> memref<112x128xf32, #tpu.memory_space<hbm>>
    tpu.wait_dma2 semaphore(%arg12 : memref<!tpu.dma_semaphore, #tpu.memory_space<semaphore_mem>>) src(%dma_wait3A_204 : memref<112x128xf32, #tpu.memory_space<hbm>>) dst(%dma_wait3A_201 : memref<112x128xf32, #tpu.memory_space<vmem>>)
    %barrier3A_205 = arith.constant 0 : index
    tpu.barrier barrier_id(%barrier3A_205)
    "tpu.region"() ({
      %run_scoped3A = tpu.sem_alloc : memref<!tpu.dma_semaphore, #tpu.memory_space<semaphore_mem>>
      %dma_start3A_206 = arith.constant 0 : i32
      %dma_start3A_207 = tpu.memref_slice %arg6[%arg0, %mul3A_2, %dma_start3A_206] : memref<2x10240x128xf32, #tpu.memory_space<hbm>> -> memref<1x640x128xf32, #tpu.memory_space<hbm>>
      %dma_start3A_208 = tpu.memref_squeeze %dma_start3A_207 : memref<1x640x128xf32, #tpu.memory_space<hbm>> -> memref<640x128xf32, #tpu.memory_space<hbm>>
      %dma_start3A_209 = arith.constant 0 : i32
      %dma_start3A_210 = tpu.memref_slice %arg13[%mul3A_2, %dma_start3A_209] : memref<10240x128xf32, #tpu.memory_space<vmem_shared>> -> memref<640x128xf32, #tpu.memory_space<vmem_shared>>
      tpu.enqueue_dma source(%dma_start3A_210 : memref<640x128xf32, #tpu.memory_space<vmem_shared>>) target(%dma_start3A_208 : memref<640x128xf32, #tpu.memory_space<hbm>>) target_semaphore(%run_scoped3A : memref<!tpu.dma_semaphore, #tpu.memory_space<semaphore_mem>>)
      %dma_wait3A_211 = arith.constant 0 : i32
      %dma_wait3A_212 = tpu.memref_slice %arg6[%arg0, %mul3A_2, %dma_wait3A_211] : memref<2x10240x128xf32, #tpu.memory_space<hbm>> -> memref<1x640x128xf32, #tpu.memory_space<hbm>>
      %dma_wait3A_213 = tpu.memref_squeeze %dma_wait3A_212 : memref<1x640x128xf32, #tpu.memory_space<hbm>> -> memref<640x128xf32, #tpu.memory_space<hbm>>
      %dma_wait3A_214 = arith.constant 0 : i32
      %dma_wait3A_215 = tpu.memref_slice %arg13[%mul3A_2, %dma_wait3A_214] : memref<10240x128xf32, #tpu.memory_space<vmem_shared>> -> memref<640x128xf32, #tpu.memory_space<vmem_shared>>
      tpu.wait_dma2 semaphore(%run_scoped3A : memref<!tpu.dma_semaphore, #tpu.memory_space<semaphore_mem>>) src(%dma_wait3A_215 : memref<640x128xf32, #tpu.memory_space<vmem_shared>>) dst(%dma_wait3A_213 : memref<640x128xf32, #tpu.memory_space<hbm>>)
      tpu.yield
    }) : () -> ()
    return
  }
}

#map = affine_map<(d0, d1) -> (0, 0, 0)>
#map1 = affine_map<(d0, d1) -> (0, 0)>
module attributes {stable_mosaic.version = 14 : i64} {
  func.func @_agg_sc(%arg0: i32, %arg1: i32, %arg2: memref<32x90x112xi32, #tpu.memory_space<hbm>>, %arg3: memref<32x90x112xi32, #tpu.memory_space<hbm>>, %arg4: memref<10240x128xf32, #tpu.memory_space<hbm>>, %arg5: memref<10240x128xf32, #tpu.memory_space<hbm>>, %arg6: memref<2x10240x128xf32, #tpu.memory_space<hbm>>, %arg7: memref<8x112xi32, #tpu.memory_space<vmem>>, %arg8: memref<8x112xi32, #tpu.memory_space<vmem>>, %arg9: memref<3x112x128xf32, #tpu.memory_space<vmem>>, %arg10: memref<!tpu.dma_semaphore, #tpu.memory_space<semaphore_mem>>, %arg11: memref<!tpu.dma_semaphore, #tpu.memory_space<semaphore_mem>>, %arg12: memref<!tpu.dma_semaphore, #tpu.memory_space<semaphore_mem>>, %arg13: memref<10240x128xf32, #tpu.memory_space<vmem_shared>>) attributes {dimension_semantics = [#tpu.dimension_semantics<core_parallel>, #tpu.dimension_semantics<subcore_parallel>], iteration_bounds = array<i64: 2, 16>, scalar_prefetch = 0 : i64, scratch_operands = 7 : i64, tpu.core_type = #tpu.core_type<sc_vector_subcore>, window_params = [{transform_indices = #map}, {transform_indices = #map}, {transform_indices = #map1}, {transform_indices = #map1}, {transform_indices = #map}]} {
    %mul3A = arith.constant 16 : i32
    %mul3A_0 = arith.muli %arg0, %mul3A : i32
    %add3A = arith.addi %mul3A_0, %arg1 : i32
    %mul3A_1 = arith.constant 640 : i32
    %mul3A_2 = arith.muli %arg1, %mul3A_1 : i32
    %rem3A = arith.constant 0 : i32
    %rem3A_3 = arith.constant 8 : i32
    %rem3A_4 = arith.remsi %rem3A, %rem3A_3 : i32
    %dma_start3A = arith.constant 0 : i32
    %dma_start3A_5 = arith.constant 0 : i32
    %dma_start3A_6 = tpu.memref_slice %arg7[%rem3A_4, %dma_start3A_5] : memref<8x112xi32, #tpu.memory_space<vmem>> -> memref<1x112xi32, #tpu.memory_space<vmem>>
    %dma_start3A_7 = tpu.memref_squeeze %dma_start3A_6 : memref<1x112xi32, #tpu.memory_space<vmem>> -> memref<112xi32, #tpu.memory_space<vmem>>
    %dma_start3A_8 = arith.constant 0 : i32
    %dma_start3A_9 = tpu.memref_slice %arg2[%add3A, %dma_start3A, %dma_start3A_8] : memref<32x90x112xi32, #tpu.memory_space<hbm>> -> memref<1x1x112xi32, #tpu.memory_space<hbm>>
    %dma_start3A_10 = tpu.memref_squeeze %dma_start3A_9 : memref<1x1x112xi32, #tpu.memory_space<hbm>> -> memref<112xi32, #tpu.memory_space<hbm>>
    %dma_start3A_11 = arith.constant 0 : i32
    %dma_start3A_12 = tpu.memref_slice %arg7[%rem3A_4, %dma_start3A_11] : memref<8x112xi32, #tpu.memory_space<vmem>> -> memref<1x112xi32, #tpu.memory_space<vmem>>
    %dma_start3A_13 = tpu.memref_squeeze %dma_start3A_12 : memref<1x112xi32, #tpu.memory_space<vmem>> -> memref<112xi32, #tpu.memory_space<vmem>>
    %dma_start3A_14 = arith.constant 0 : i32
    %dma_start3A_15 = tpu.memref_slice %arg2[%add3A, %dma_start3A, %dma_start3A_14] : memref<32x90x112xi32, #tpu.memory_space<hbm>> -> memref<1x1x112xi32, #tpu.memory_space<hbm>>
    %dma_start3A_16 = tpu.memref_squeeze %dma_start3A_15 : memref<1x1x112xi32, #tpu.memory_space<hbm>> -> memref<112xi32, #tpu.memory_space<hbm>>
    tpu.enqueue_dma source(%dma_start3A_16 : memref<112xi32, #tpu.memory_space<hbm>>) target(%dma_start3A_13 : memref<112xi32, #tpu.memory_space<vmem>>) target_semaphore(%arg11 : memref<!tpu.dma_semaphore, #tpu.memory_space<semaphore_mem>>)
    %dma_start3A_17 = arith.constant 0 : i32
    %dma_start3A_18 = arith.constant 0 : i32
    %dma_start3A_19 = tpu.memref_slice %arg8[%rem3A_4, %dma_start3A_18] : memref<8x112xi32, #tpu.memory_space<vmem>> -> memref<1x112xi32, #tpu.memory_space<vmem>>
    %dma_start3A_20 = tpu.memref_squeeze %dma_start3A_19 : memref<1x112xi32, #tpu.memory_space<vmem>> -> memref<112xi32, #tpu.memory_space<vmem>>
    %dma_start3A_21 = arith.constant 0 : i32
    %dma_start3A_22 = tpu.memref_slice %arg3[%add3A, %dma_start3A_17, %dma_start3A_21] : memref<32x90x112xi32, #tpu.memory_space<hbm>> -> memref<1x1x112xi32, #tpu.memory_space<hbm>>
    %dma_start3A_23 = tpu.memref_squeeze %dma_start3A_22 : memref<1x1x112xi32, #tpu.memory_space<hbm>> -> memref<112xi32, #tpu.memory_space<hbm>>
    %dma_start3A_24 = arith.constant 0 : i32
    %dma_start3A_25 = tpu.memref_slice %arg8[%rem3A_4, %dma_start3A_24] : memref<8x112xi32, #tpu.memory_space<vmem>> -> memref<1x112xi32, #tpu.memory_space<vmem>>
    %dma_start3A_26 = tpu.memref_squeeze %dma_start3A_25 : memref<1x112xi32, #tpu.memory_space<vmem>> -> memref<112xi32, #tpu.memory_space<vmem>>
    %dma_start3A_27 = arith.constant 0 : i32
    %dma_start3A_28 = tpu.memref_slice %arg3[%add3A, %dma_start3A_17, %dma_start3A_27] : memref<32x90x112xi32, #tpu.memory_space<hbm>> -> memref<1x1x112xi32, #tpu.memory_space<hbm>>
    %dma_start3A_29 = tpu.memref_squeeze %dma_start3A_28 : memref<1x1x112xi32, #tpu.memory_space<hbm>> -> memref<112xi32, #tpu.memory_space<hbm>>
    tpu.enqueue_dma source(%dma_start3A_29 : memref<112xi32, #tpu.memory_space<hbm>>) target(%dma_start3A_26 : memref<112xi32, #tpu.memory_space<vmem>>) target_semaphore(%arg11 : memref<!tpu.dma_semaphore, #tpu.memory_space<semaphore_mem>>)
    %dma_wait3A = arith.constant 0 : i32
    %dma_wait3A_30 = arith.constant 0 : i32
    %dma_wait3A_31 = arith.constant 0 : i32
    %dma_wait3A_32 = arith.constant 0 : i32
    %dma_wait3A_33 = tpu.memref_slice %arg7[%dma_wait3A_31, %dma_wait3A_32] : memref<8x112xi32, #tpu.memory_space<vmem>> -> memref<1x112xi32, #tpu.memory_space<vmem>>
    %dma_wait3A_34 = tpu.memref_squeeze %dma_wait3A_33 : memref<1x112xi32, #tpu.memory_space<vmem>> -> memref<112xi32, #tpu.memory_space<vmem>>
    %dma_wait3A_35 = arith.constant 0 : i32
    %dma_wait3A_36 = tpu.memref_slice %arg2[%dma_wait3A, %dma_wait3A_30, %dma_wait3A_35] : memref<32x90x112xi32, #tpu.memory_space<hbm>> -> memref<1x1x112xi32, #tpu.memory_space<hbm>>
    %dma_wait3A_37 = tpu.memref_squeeze %dma_wait3A_36 : memref<1x1x112xi32, #tpu.memory_space<hbm>> -> memref<112xi32, #tpu.memory_space<hbm>>
    %dma_wait3A_38 = arith.constant 0 : i32
    %dma_wait3A_39 = tpu.memref_slice %arg7[%dma_wait3A_31, %dma_wait3A_38] : memref<8x112xi32, #tpu.memory_space<vmem>> -> memref<1x112xi32, #tpu.memory_space<vmem>>
    %dma_wait3A_40 = tpu.memref_squeeze %dma_wait3A_39 : memref<1x112xi32, #tpu.memory_space<vmem>> -> memref<112xi32, #tpu.memory_space<vmem>>
    %dma_wait3A_41 = arith.constant 0 : i32
    %dma_wait3A_42 = tpu.memref_slice %arg2[%dma_wait3A, %dma_wait3A_30, %dma_wait3A_41] : memref<32x90x112xi32, #tpu.memory_space<hbm>> -> memref<1x1x112xi32, #tpu.memory_space<hbm>>
    %dma_wait3A_43 = tpu.memref_squeeze %dma_wait3A_42 : memref<1x1x112xi32, #tpu.memory_space<hbm>> -> memref<112xi32, #tpu.memory_space<hbm>>
    tpu.wait_dma2 semaphore(%arg11 : memref<!tpu.dma_semaphore, #tpu.memory_space<semaphore_mem>>) src(%dma_wait3A_43 : memref<112xi32, #tpu.memory_space<hbm>>) dst(%dma_wait3A_40 : memref<112xi32, #tpu.memory_space<vmem>>)
    %dma_wait3A_44 = arith.constant 0 : i32
    %dma_wait3A_45 = arith.constant 0 : i32
    %dma_wait3A_46 = arith.constant 0 : i32
    %dma_wait3A_47 = arith.constant 0 : i32
    %dma_wait3A_48 = tpu.memref_slice %arg8[%dma_wait3A_46, %dma_wait3A_47] : memref<8x112xi32, #tpu.memory_space<vmem>> -> memref<1x112xi32, #tpu.memory_space<vmem>>
    %dma_wait3A_49 = tpu.memref_squeeze %dma_wait3A_48 : memref<1x112xi32, #tpu.memory_space<vmem>> -> memref<112xi32, #tpu.memory_space<vmem>>
    %dma_wait3A_50 = arith.constant 0 : i32
    %dma_wait3A_51 = tpu.memref_slice %arg3[%dma_wait3A_44, %dma_wait3A_45, %dma_wait3A_50] : memref<32x90x112xi32, #tpu.memory_space<hbm>> -> memref<1x1x112xi32, #tpu.memory_space<hbm>>
    %dma_wait3A_52 = tpu.memref_squeeze %dma_wait3A_51 : memref<1x1x112xi32, #tpu.memory_space<hbm>> -> memref<112xi32, #tpu.memory_space<hbm>>
    %dma_wait3A_53 = arith.constant 0 : i32
    %dma_wait3A_54 = tpu.memref_slice %arg8[%dma_wait3A_46, %dma_wait3A_53] : memref<8x112xi32, #tpu.memory_space<vmem>> -> memref<1x112xi32, #tpu.memory_space<vmem>>
    %dma_wait3A_55 = tpu.memref_squeeze %dma_wait3A_54 : memref<1x112xi32, #tpu.memory_space<vmem>> -> memref<112xi32, #tpu.memory_space<vmem>>
    %dma_wait3A_56 = arith.constant 0 : i32
    %dma_wait3A_57 = tpu.memref_slice %arg3[%dma_wait3A_44, %dma_wait3A_45, %dma_wait3A_56] : memref<32x90x112xi32, #tpu.memory_space<hbm>> -> memref<1x1x112xi32, #tpu.memory_space<hbm>>
    %dma_wait3A_58 = tpu.memref_squeeze %dma_wait3A_57 : memref<1x1x112xi32, #tpu.memory_space<hbm>> -> memref<112xi32, #tpu.memory_space<hbm>>
    tpu.wait_dma2 semaphore(%arg11 : memref<!tpu.dma_semaphore, #tpu.memory_space<semaphore_mem>>) src(%dma_wait3A_58 : memref<112xi32, #tpu.memory_space<hbm>>) dst(%dma_wait3A_55 : memref<112xi32, #tpu.memory_space<vmem>>)
    %rem3A_59 = arith.constant 0 : i32
    %rem3A_60 = arith.constant 8 : i32
    %rem3A_61 = arith.remsi %rem3A_59, %rem3A_60 : i32
    %rem3A_62 = arith.constant 0 : i32
    %rem3A_63 = arith.constant 3 : i32
    %rem3A_64 = arith.remsi %rem3A_62, %rem3A_63 : i32
    %dma_start3A_65 = arith.constant 0 : i32
    %dma_start3A_66 = arith.constant 0 : i32
    %dma_start3A_67 = tpu.memref_slice %arg9[%rem3A_64, %dma_start3A_65, %dma_start3A_66] : memref<3x112x128xf32, #tpu.memory_space<vmem>> -> memref<1x112x128xf32, #tpu.memory_space<vmem>>
    %dma_start3A_68 = tpu.memref_squeeze %dma_start3A_67 : memref<1x112x128xf32, #tpu.memory_space<vmem>> -> memref<112x128xf32, #tpu.memory_space<vmem>>
    %dma_start3A_69 = arith.constant 0 : i32
    %dma_start3A_70 = tpu.memref_slice %arg7[%rem3A_61, %dma_start3A_69] : memref<8x112xi32, #tpu.memory_space<vmem>> -> memref<1x112xi32, #tpu.memory_space<vmem>>
    %dma_start3A_71 = tpu.memref_squeeze %dma_start3A_70 : memref<1x112xi32, #tpu.memory_space<vmem>> -> memref<112xi32, #tpu.memory_space<vmem>>
    %dma_start3A_72 = arith.constant 0 : i32
    %dma_start3A_73 = arith.constant 0 : i32
    %dma_start3A_74 = tpu.memref_slice %arg4[%dma_start3A_72, %dma_start3A_73] : memref<10240x128xf32, #tpu.memory_space<hbm>> -> memref<10240x128xf32, #tpu.memory_space<hbm>>
    tpu.enqueue_indirect_dma source(%dma_start3A_74 : memref<10240x128xf32, #tpu.memory_space<hbm>>) target(%dma_start3A_68 : memref<112x128xf32, #tpu.memory_space<vmem>>) offsets(%dma_start3A_71 : memref<112xi32, #tpu.memory_space<vmem>>) semaphore(%arg10 : memref<!tpu.dma_semaphore, #tpu.memory_space<semaphore_mem>>)
    %rem3A_75 = arith.constant 1 : i32
    %rem3A_76 = arith.constant 8 : i32
    %rem3A_77 = arith.remsi %rem3A_75, %rem3A_76 : i32
    %dma_start3A_78 = arith.constant 1 : i32
    %dma_start3A_79 = arith.constant 0 : i32
    %dma_start3A_80 = tpu.memref_slice %arg7[%rem3A_77, %dma_start3A_79] : memref<8x112xi32, #tpu.memory_space<vmem>> -> memref<1x112xi32, #tpu.memory_space<vmem>>
    %dma_start3A_81 = tpu.memref_squeeze %dma_start3A_80 : memref<1x112xi32, #tpu.memory_space<vmem>> -> memref<112xi32, #tpu.memory_space<vmem>>
    %dma_start3A_82 = arith.constant 0 : i32
    %dma_start3A_83 = tpu.memref_slice %arg2[%add3A, %dma_start3A_78, %dma_start3A_82] : memref<32x90x112xi32, #tpu.memory_space<hbm>> -> memref<1x1x112xi32, #tpu.memory_space<hbm>>
    %dma_start3A_84 = tpu.memref_squeeze %dma_start3A_83 : memref<1x1x112xi32, #tpu.memory_space<hbm>> -> memref<112xi32, #tpu.memory_space<hbm>>
    %dma_start3A_85 = arith.constant 0 : i32
    %dma_start3A_86 = tpu.memref_slice %arg7[%rem3A_77, %dma_start3A_85] : memref<8x112xi32, #tpu.memory_space<vmem>> -> memref<1x112xi32, #tpu.memory_space<vmem>>
    %dma_start3A_87 = tpu.memref_squeeze %dma_start3A_86 : memref<1x112xi32, #tpu.memory_space<vmem>> -> memref<112xi32, #tpu.memory_space<vmem>>
    %dma_start3A_88 = arith.constant 0 : i32
    %dma_start3A_89 = tpu.memref_slice %arg2[%add3A, %dma_start3A_78, %dma_start3A_88] : memref<32x90x112xi32, #tpu.memory_space<hbm>> -> memref<1x1x112xi32, #tpu.memory_space<hbm>>
    %dma_start3A_90 = tpu.memref_squeeze %dma_start3A_89 : memref<1x1x112xi32, #tpu.memory_space<hbm>> -> memref<112xi32, #tpu.memory_space<hbm>>
    tpu.enqueue_dma source(%dma_start3A_90 : memref<112xi32, #tpu.memory_space<hbm>>) target(%dma_start3A_87 : memref<112xi32, #tpu.memory_space<vmem>>) target_semaphore(%arg11 : memref<!tpu.dma_semaphore, #tpu.memory_space<semaphore_mem>>)
    %dma_start3A_91 = arith.constant 1 : i32
    %dma_start3A_92 = arith.constant 0 : i32
    %dma_start3A_93 = tpu.memref_slice %arg8[%rem3A_77, %dma_start3A_92] : memref<8x112xi32, #tpu.memory_space<vmem>> -> memref<1x112xi32, #tpu.memory_space<vmem>>
    %dma_start3A_94 = tpu.memref_squeeze %dma_start3A_93 : memref<1x112xi32, #tpu.memory_space<vmem>> -> memref<112xi32, #tpu.memory_space<vmem>>
    %dma_start3A_95 = arith.constant 0 : i32
    %dma_start3A_96 = tpu.memref_slice %arg3[%add3A, %dma_start3A_91, %dma_start3A_95] : memref<32x90x112xi32, #tpu.memory_space<hbm>> -> memref<1x1x112xi32, #tpu.memory_space<hbm>>
    %dma_start3A_97 = tpu.memref_squeeze %dma_start3A_96 : memref<1x1x112xi32, #tpu.memory_space<hbm>> -> memref<112xi32, #tpu.memory_space<hbm>>
    %dma_start3A_98 = arith.constant 0 : i32
    %dma_start3A_99 = tpu.memref_slice %arg8[%rem3A_77, %dma_start3A_98] : memref<8x112xi32, #tpu.memory_space<vmem>> -> memref<1x112xi32, #tpu.memory_space<vmem>>
    %dma_start3A_100 = tpu.memref_squeeze %dma_start3A_99 : memref<1x112xi32, #tpu.memory_space<vmem>> -> memref<112xi32, #tpu.memory_space<vmem>>
    %dma_start3A_101 = arith.constant 0 : i32
    %dma_start3A_102 = tpu.memref_slice %arg3[%add3A, %dma_start3A_91, %dma_start3A_101] : memref<32x90x112xi32, #tpu.memory_space<hbm>> -> memref<1x1x112xi32, #tpu.memory_space<hbm>>
    %dma_start3A_103 = tpu.memref_squeeze %dma_start3A_102 : memref<1x1x112xi32, #tpu.memory_space<hbm>> -> memref<112xi32, #tpu.memory_space<hbm>>
    tpu.enqueue_dma source(%dma_start3A_103 : memref<112xi32, #tpu.memory_space<hbm>>) target(%dma_start3A_100 : memref<112xi32, #tpu.memory_space<vmem>>) target_semaphore(%arg11 : memref<!tpu.dma_semaphore, #tpu.memory_space<semaphore_mem>>)
    %dma_wait3A_104 = arith.constant 0 : i32
    %dma_wait3A_105 = arith.constant 0 : i32
    %dma_wait3A_106 = arith.constant 0 : i32
    %dma_wait3A_107 = arith.constant 0 : i32
    %dma_wait3A_108 = tpu.memref_slice %arg7[%dma_wait3A_106, %dma_wait3A_107] : memref<8x112xi32, #tpu.memory_space<vmem>> -> memref<1x112xi32, #tpu.memory_space<vmem>>
    %dma_wait3A_109 = tpu.memref_squeeze %dma_wait3A_108 : memref<1x112xi32, #tpu.memory_space<vmem>> -> memref<112xi32, #tpu.memory_space<vmem>>
    %dma_wait3A_110 = arith.constant 0 : i32
    %dma_wait3A_111 = tpu.memref_slice %arg2[%dma_wait3A_104, %dma_wait3A_105, %dma_wait3A_110] : memref<32x90x112xi32, #tpu.memory_space<hbm>> -> memref<1x1x112xi32, #tpu.memory_space<hbm>>
    %dma_wait3A_112 = tpu.memref_squeeze %dma_wait3A_111 : memref<1x1x112xi32, #tpu.memory_space<hbm>> -> memref<112xi32, #tpu.memory_space<hbm>>
    %dma_wait3A_113 = arith.constant 0 : i32
    %dma_wait3A_114 = tpu.memref_slice %arg7[%dma_wait3A_106, %dma_wait3A_113] : memref<8x112xi32, #tpu.memory_space<vmem>> -> memref<1x112xi32, #tpu.memory_space<vmem>>
    %dma_wait3A_115 = tpu.memref_squeeze %dma_wait3A_114 : memref<1x112xi32, #tpu.memory_space<vmem>> -> memref<112xi32, #tpu.memory_space<vmem>>
    %dma_wait3A_116 = arith.constant 0 : i32
    %dma_wait3A_117 = tpu.memref_slice %arg2[%dma_wait3A_104, %dma_wait3A_105, %dma_wait3A_116] : memref<32x90x112xi32, #tpu.memory_space<hbm>> -> memref<1x1x112xi32, #tpu.memory_space<hbm>>
    %dma_wait3A_118 = tpu.memref_squeeze %dma_wait3A_117 : memref<1x1x112xi32, #tpu.memory_space<hbm>> -> memref<112xi32, #tpu.memory_space<hbm>>
    tpu.wait_dma2 semaphore(%arg11 : memref<!tpu.dma_semaphore, #tpu.memory_space<semaphore_mem>>) src(%dma_wait3A_118 : memref<112xi32, #tpu.memory_space<hbm>>) dst(%dma_wait3A_115 : memref<112xi32, #tpu.memory_space<vmem>>)
    %dma_wait3A_119 = arith.constant 0 : i32
    %dma_wait3A_120 = arith.constant 0 : i32
    %dma_wait3A_121 = arith.constant 0 : i32
    %dma_wait3A_122 = arith.constant 0 : i32
    %dma_wait3A_123 = tpu.memref_slice %arg8[%dma_wait3A_121, %dma_wait3A_122] : memref<8x112xi32, #tpu.memory_space<vmem>> -> memref<1x112xi32, #tpu.memory_space<vmem>>
    %dma_wait3A_124 = tpu.memref_squeeze %dma_wait3A_123 : memref<1x112xi32, #tpu.memory_space<vmem>> -> memref<112xi32, #tpu.memory_space<vmem>>
    %dma_wait3A_125 = arith.constant 0 : i32
    %dma_wait3A_126 = tpu.memref_slice %arg3[%dma_wait3A_119, %dma_wait3A_120, %dma_wait3A_125] : memref<32x90x112xi32, #tpu.memory_space<hbm>> -> memref<1x1x112xi32, #tpu.memory_space<hbm>>
    %dma_wait3A_127 = tpu.memref_squeeze %dma_wait3A_126 : memref<1x1x112xi32, #tpu.memory_space<hbm>> -> memref<112xi32, #tpu.memory_space<hbm>>
    %dma_wait3A_128 = arith.constant 0 : i32
    %dma_wait3A_129 = tpu.memref_slice %arg8[%dma_wait3A_121, %dma_wait3A_128] : memref<8x112xi32, #tpu.memory_space<vmem>> -> memref<1x112xi32, #tpu.memory_space<vmem>>
    %dma_wait3A_130 = tpu.memref_squeeze %dma_wait3A_129 : memref<1x112xi32, #tpu.memory_space<vmem>> -> memref<112xi32, #tpu.memory_space<vmem>>
    %dma_wait3A_131 = arith.constant 0 : i32
    %dma_wait3A_132 = tpu.memref_slice %arg3[%dma_wait3A_119, %dma_wait3A_120, %dma_wait3A_131] : memref<32x90x112xi32, #tpu.memory_space<hbm>> -> memref<1x1x112xi32, #tpu.memory_space<hbm>>
    %dma_wait3A_133 = tpu.memref_squeeze %dma_wait3A_132 : memref<1x1x112xi32, #tpu.memory_space<hbm>> -> memref<112xi32, #tpu.memory_space<hbm>>
    tpu.wait_dma2 semaphore(%arg11 : memref<!tpu.dma_semaphore, #tpu.memory_space<semaphore_mem>>) src(%dma_wait3A_133 : memref<112xi32, #tpu.memory_space<hbm>>) dst(%dma_wait3A_130 : memref<112xi32, #tpu.memory_space<vmem>>)
    %rem3A_134 = arith.constant 1 : i32
    %rem3A_135 = arith.constant 8 : i32
    %rem3A_136 = arith.remsi %rem3A_134, %rem3A_135 : i32
    %rem3A_137 = arith.constant 1 : i32
    %rem3A_138 = arith.constant 3 : i32
    %rem3A_139 = arith.remsi %rem3A_137, %rem3A_138 : i32
    %dma_start3A_140 = arith.constant 0 : i32
    %dma_start3A_141 = arith.constant 0 : i32
    %dma_start3A_142 = tpu.memref_slice %arg9[%rem3A_139, %dma_start3A_140, %dma_start3A_141] : memref<3x112x128xf32, #tpu.memory_space<vmem>> -> memref<1x112x128xf32, #tpu.memory_space<vmem>>
    %dma_start3A_143 = tpu.memref_squeeze %dma_start3A_142 : memref<1x112x128xf32, #tpu.memory_space<vmem>> -> memref<112x128xf32, #tpu.memory_space<vmem>>
    %dma_start3A_144 = arith.constant 0 : i32
    %dma_start3A_145 = tpu.memref_slice %arg7[%rem3A_136, %dma_start3A_144] : memref<8x112xi32, #tpu.memory_space<vmem>> -> memref<1x112xi32, #tpu.memory_space<vmem>>
    %dma_start3A_146 = tpu.memref_squeeze %dma_start3A_145 : memref<1x112xi32, #tpu.memory_space<vmem>> -> memref<112xi32, #tpu.memory_space<vmem>>
    %dma_start3A_147 = arith.constant 0 : i32
    %dma_start3A_148 = arith.constant 0 : i32
    %dma_start3A_149 = tpu.memref_slice %arg4[%dma_start3A_147, %dma_start3A_148] : memref<10240x128xf32, #tpu.memory_space<hbm>> -> memref<10240x128xf32, #tpu.memory_space<hbm>>
    tpu.enqueue_indirect_dma source(%dma_start3A_149 : memref<10240x128xf32, #tpu.memory_space<hbm>>) target(%dma_start3A_143 : memref<112x128xf32, #tpu.memory_space<vmem>>) offsets(%dma_start3A_146 : memref<112xi32, #tpu.memory_space<vmem>>) semaphore(%arg10 : memref<!tpu.dma_semaphore, #tpu.memory_space<semaphore_mem>>)
    %rem3A_150 = arith.constant 2 : i32
    %rem3A_151 = arith.constant 8 : i32
    %rem3A_152 = arith.remsi %rem3A_150, %rem3A_151 : i32
    %dma_start3A_153 = arith.constant 2 : i32
    %dma_start3A_154 = arith.constant 0 : i32
    %dma_start3A_155 = tpu.memref_slice %arg7[%rem3A_152, %dma_start3A_154] : memref<8x112xi32, #tpu.memory_space<vmem>> -> memref<1x112xi32, #tpu.memory_space<vmem>>
    %dma_start3A_156 = tpu.memref_squeeze %dma_start3A_155 : memref<1x112xi32, #tpu.memory_space<vmem>> -> memref<112xi32, #tpu.memory_space<vmem>>
    %dma_start3A_157 = arith.constant 0 : i32
    %dma_start3A_158 = tpu.memref_slice %arg2[%add3A, %dma_start3A_153, %dma_start3A_157] : memref<32x90x112xi32, #tpu.memory_space<hbm>> -> memref<1x1x112xi32, #tpu.memory_space<hbm>>
    %dma_start3A_159 = tpu.memref_squeeze %dma_start3A_158 : memref<1x1x112xi32, #tpu.memory_space<hbm>> -> memref<112xi32, #tpu.memory_space<hbm>>
    %dma_start3A_160 = arith.constant 0 : i32
    %dma_start3A_161 = tpu.memref_slice %arg7[%rem3A_152, %dma_start3A_160] : memref<8x112xi32, #tpu.memory_space<vmem>> -> memref<1x112xi32, #tpu.memory_space<vmem>>
    %dma_start3A_162 = tpu.memref_squeeze %dma_start3A_161 : memref<1x112xi32, #tpu.memory_space<vmem>> -> memref<112xi32, #tpu.memory_space<vmem>>
    %dma_start3A_163 = arith.constant 0 : i32
    %dma_start3A_164 = tpu.memref_slice %arg2[%add3A, %dma_start3A_153, %dma_start3A_163] : memref<32x90x112xi32, #tpu.memory_space<hbm>> -> memref<1x1x112xi32, #tpu.memory_space<hbm>>
    %dma_start3A_165 = tpu.memref_squeeze %dma_start3A_164 : memref<1x1x112xi32, #tpu.memory_space<hbm>> -> memref<112xi32, #tpu.memory_space<hbm>>
    tpu.enqueue_dma source(%dma_start3A_165 : memref<112xi32, #tpu.memory_space<hbm>>) target(%dma_start3A_162 : memref<112xi32, #tpu.memory_space<vmem>>) target_semaphore(%arg11 : memref<!tpu.dma_semaphore, #tpu.memory_space<semaphore_mem>>)
    %dma_start3A_166 = arith.constant 2 : i32
    %dma_start3A_167 = arith.constant 0 : i32
    %dma_start3A_168 = tpu.memref_slice %arg8[%rem3A_152, %dma_start3A_167] : memref<8x112xi32, #tpu.memory_space<vmem>> -> memref<1x112xi32, #tpu.memory_space<vmem>>
    %dma_start3A_169 = tpu.memref_squeeze %dma_start3A_168 : memref<1x112xi32, #tpu.memory_space<vmem>> -> memref<112xi32, #tpu.memory_space<vmem>>
    %dma_start3A_170 = arith.constant 0 : i32
    %dma_start3A_171 = tpu.memref_slice %arg3[%add3A, %dma_start3A_166, %dma_start3A_170] : memref<32x90x112xi32, #tpu.memory_space<hbm>> -> memref<1x1x112xi32, #tpu.memory_space<hbm>>
    %dma_start3A_172 = tpu.memref_squeeze %dma_start3A_171 : memref<1x1x112xi32, #tpu.memory_space<hbm>> -> memref<112xi32, #tpu.memory_space<hbm>>
    %dma_start3A_173 = arith.constant 0 : i32
    %dma_start3A_174 = tpu.memref_slice %arg8[%rem3A_152, %dma_start3A_173] : memref<8x112xi32, #tpu.memory_space<vmem>> -> memref<1x112xi32, #tpu.memory_space<vmem>>
    %dma_start3A_175 = tpu.memref_squeeze %dma_start3A_174 : memref<1x112xi32, #tpu.memory_space<vmem>> -> memref<112xi32, #tpu.memory_space<vmem>>
    %dma_start3A_176 = arith.constant 0 : i32
    %dma_start3A_177 = tpu.memref_slice %arg3[%add3A, %dma_start3A_166, %dma_start3A_176] : memref<32x90x112xi32, #tpu.memory_space<hbm>> -> memref<1x1x112xi32, #tpu.memory_space<hbm>>
    %dma_start3A_178 = tpu.memref_squeeze %dma_start3A_177 : memref<1x1x112xi32, #tpu.memory_space<hbm>> -> memref<112xi32, #tpu.memory_space<hbm>>
    tpu.enqueue_dma source(%dma_start3A_178 : memref<112xi32, #tpu.memory_space<hbm>>) target(%dma_start3A_175 : memref<112xi32, #tpu.memory_space<vmem>>) target_semaphore(%arg11 : memref<!tpu.dma_semaphore, #tpu.memory_space<semaphore_mem>>)
    %eq3A = arith.constant 0 : i32
    %eq3A_179 = arith.cmpi eq, %arg0, %eq3A : i32
    %convert_element_type3A = arith.extui %eq3A_179 : i1 to i32
    %cond3A = arith.constant 0 : i32
    %cond3A_180 = arith.cmpi ne, %convert_element_type3A, %cond3A : i32
    scf.if %cond3A_180 {
      "tpu.region"() ({
        %run_scoped3A = tpu.sem_alloc : memref<!tpu.dma_semaphore, #tpu.memory_space<semaphore_mem>>
        %dma_start3A_206 = arith.constant 0 : i32
        %dma_start3A_207 = tpu.memref_slice %arg13[%mul3A_2, %dma_start3A_206] : memref<10240x128xf32, #tpu.memory_space<vmem_shared>> -> memref<640x128xf32, #tpu.memory_space<vmem_shared>>
        %dma_start3A_208 = arith.constant 0 : i32
        %dma_start3A_209 = tpu.memref_slice %arg4[%mul3A_2, %dma_start3A_208] : memref<10240x128xf32, #tpu.memory_space<hbm>> -> memref<640x128xf32, #tpu.memory_space<hbm>>
        tpu.enqueue_dma source(%dma_start3A_209 : memref<640x128xf32, #tpu.memory_space<hbm>>) target(%dma_start3A_207 : memref<640x128xf32, #tpu.memory_space<vmem_shared>>) target_semaphore(%run_scoped3A : memref<!tpu.dma_semaphore, #tpu.memory_space<semaphore_mem>>)
        %dma_wait3A_210 = arith.constant 0 : i32
        %dma_wait3A_211 = tpu.memref_slice %arg13[%mul3A_2, %dma_wait3A_210] : memref<10240x128xf32, #tpu.memory_space<vmem_shared>> -> memref<640x128xf32, #tpu.memory_space<vmem_shared>>
        %dma_wait3A_212 = arith.constant 0 : i32
        %dma_wait3A_213 = tpu.memref_slice %arg4[%mul3A_2, %dma_wait3A_212] : memref<10240x128xf32, #tpu.memory_space<hbm>> -> memref<640x128xf32, #tpu.memory_space<hbm>>
        tpu.wait_dma2 semaphore(%run_scoped3A : memref<!tpu.dma_semaphore, #tpu.memory_space<semaphore_mem>>) src(%dma_wait3A_213 : memref<640x128xf32, #tpu.memory_space<hbm>>) dst(%dma_wait3A_211 : memref<640x128xf32, #tpu.memory_space<vmem_shared>>)
        tpu.yield
      }) : () -> ()
    } else {
    }
    %ne3A = arith.constant 0 : i32
    %ne3A_181 = arith.cmpi ne, %arg0, %ne3A : i32
    %convert_element_type3A_182 = arith.extui %ne3A_181 : i1 to i32
    %cond3A_183 = arith.constant 0 : i32
    %cond3A_184 = arith.cmpi ne, %convert_element_type3A_182, %cond3A_183 : i32
    scf.if %cond3A_184 {
      "tpu.region"() ({
        %run_scoped3A = tpu.sem_alloc : memref<!tpu.dma_semaphore, #tpu.memory_space<semaphore_mem>>
        %dma_start3A_206 = arith.constant 0 : i32
        %dma_start3A_207 = tpu.memref_slice %arg13[%mul3A_2, %dma_start3A_206] : memref<10240x128xf32, #tpu.memory_space<vmem_shared>> -> memref<640x128xf32, #tpu.memory_space<vmem_shared>>
        %dma_start3A_208 = arith.constant 0 : i32
        %dma_start3A_209 = tpu.memref_slice %arg5[%mul3A_2, %dma_start3A_208] : memref<10240x128xf32, #tpu.memory_space<hbm>> -> memref<640x128xf32, #tpu.memory_space<hbm>>
        tpu.enqueue_dma source(%dma_start3A_209 : memref<640x128xf32, #tpu.memory_space<hbm>>) target(%dma_start3A_207 : memref<640x128xf32, #tpu.memory_space<vmem_shared>>) target_semaphore(%run_scoped3A : memref<!tpu.dma_semaphore, #tpu.memory_space<semaphore_mem>>)
        %dma_wait3A_210 = arith.constant 0 : i32
        %dma_wait3A_211 = tpu.memref_slice %arg13[%mul3A_2, %dma_wait3A_210] : memref<10240x128xf32, #tpu.memory_space<vmem_shared>> -> memref<640x128xf32, #tpu.memory_space<vmem_shared>>
        %dma_wait3A_212 = arith.constant 0 : i32
        %dma_wait3A_213 = tpu.memref_slice %arg5[%mul3A_2, %dma_wait3A_212] : memref<10240x128xf32, #tpu.memory_space<hbm>> -> memref<640x128xf32, #tpu.memory_space<hbm>>
        tpu.wait_dma2 semaphore(%run_scoped3A : memref<!tpu.dma_semaphore, #tpu.memory_space<semaphore_mem>>) src(%dma_wait3A_213 : memref<640x128xf32, #tpu.memory_space<hbm>>) dst(%dma_wait3A_211 : memref<640x128xf32, #tpu.memory_space<vmem_shared>>)
        tpu.yield
      }) : () -> ()
    } else {
    }
    %barrier3A = arith.constant 0 : index
    tpu.barrier barrier_id(%barrier3A)
    %scan3A = arith.constant 0 : i32
    %scan3A_185 = arith.constant 0 : i32
    %scan3A_186 = arith.constant 90 : i32
    %scan3A_187 = arith.addi %scan3A_185, %scan3A_186 : i32
    %scan3A_188 = arith.constant 1 : i32
    scf.for %scan3A_206 = %scan3A_185 to %scan3A_187 step %scan3A_188  : i32 {
      %dma_wait3A_207 = arith.constant 0 : i32
      %dma_wait3A_208 = arith.constant 0 : i32
      %dma_wait3A_209 = arith.constant 0 : i32
      %dma_wait3A_210 = tpu.memref_slice %arg9[%dma_wait3A_207, %dma_wait3A_208, %dma_wait3A_209] : memref<3x112x128xf32, #tpu.memory_space<vmem>> -> memref<1x112x128xf32, #tpu.memory_space<vmem>>
      %dma_wait3A_211 = tpu.memref_squeeze %dma_wait3A_210 : memref<1x112x128xf32, #tpu.memory_space<vmem>> -> memref<112x128xf32, #tpu.memory_space<vmem>>
      %dma_wait3A_212 = arith.constant 0 : i32
      %dma_wait3A_213 = arith.constant 0 : i32
      %dma_wait3A_214 = tpu.memref_slice %arg4[%dma_wait3A_212, %dma_wait3A_213] : memref<10240x128xf32, #tpu.memory_space<hbm>> -> memref<112x128xf32, #tpu.memory_space<hbm>>
      %dma_wait3A_215 = arith.constant 0 : i32
      %dma_wait3A_216 = arith.constant 0 : i32
      %dma_wait3A_217 = tpu.memref_slice %arg9[%dma_wait3A_207, %dma_wait3A_215, %dma_wait3A_216] : memref<3x112x128xf32, #tpu.memory_space<vmem>> -> memref<1x112x128xf32, #tpu.memory_space<vmem>>
      %dma_wait3A_218 = tpu.memref_squeeze %dma_wait3A_217 : memref<1x112x128xf32, #tpu.memory_space<vmem>> -> memref<112x128xf32, #tpu.memory_space<vmem>>
      %dma_wait3A_219 = arith.constant 0 : i32
      %dma_wait3A_220 = arith.constant 0 : i32
      %dma_wait3A_221 = tpu.memref_slice %arg4[%dma_wait3A_219, %dma_wait3A_220] : memref<10240x128xf32, #tpu.memory_space<hbm>> -> memref<112x128xf32, #tpu.memory_space<hbm>>
      tpu.wait_dma2 semaphore(%arg10 : memref<!tpu.dma_semaphore, #tpu.memory_space<semaphore_mem>>) src(%dma_wait3A_221 : memref<112x128xf32, #tpu.memory_space<hbm>>) dst(%dma_wait3A_218 : memref<112x128xf32, #tpu.memory_space<vmem>>)
      %gt3A = arith.constant 0 : i32
      %gt3A_222 = arith.cmpi sgt, %scan3A_206, %gt3A : i32
      %convert_element_type3A_223 = arith.extui %gt3A_222 : i1 to i32
      %cond3A_224 = arith.constant 0 : i32
      %cond3A_225 = arith.cmpi ne, %convert_element_type3A_223, %cond3A_224 : i32
      scf.if %cond3A_225 {
        %dma_wait3A_253 = arith.constant 0 : i32
        %dma_wait3A_254 = arith.constant 0 : i32
        %dma_wait3A_255 = arith.constant 0 : i32
        %dma_wait3A_256 = tpu.memref_slice %arg9[%dma_wait3A_253, %dma_wait3A_254, %dma_wait3A_255] : memref<3x112x128xf32, #tpu.memory_space<vmem>> -> memref<1x112x128xf32, #tpu.memory_space<vmem>>
        %dma_wait3A_257 = tpu.memref_squeeze %dma_wait3A_256 : memref<1x112x128xf32, #tpu.memory_space<vmem>> -> memref<112x128xf32, #tpu.memory_space<vmem>>
        %dma_wait3A_258 = arith.constant 0 : i32
        %dma_wait3A_259 = arith.constant 0 : i32
        %dma_wait3A_260 = tpu.memref_slice %arg4[%dma_wait3A_258, %dma_wait3A_259] : memref<10240x128xf32, #tpu.memory_space<hbm>> -> memref<112x128xf32, #tpu.memory_space<hbm>>
        %dma_wait3A_261 = arith.constant 0 : i32
        %dma_wait3A_262 = arith.constant 0 : i32
        %dma_wait3A_263 = tpu.memref_slice %arg9[%dma_wait3A_253, %dma_wait3A_261, %dma_wait3A_262] : memref<3x112x128xf32, #tpu.memory_space<vmem>> -> memref<1x112x128xf32, #tpu.memory_space<vmem>>
        %dma_wait3A_264 = tpu.memref_squeeze %dma_wait3A_263 : memref<1x112x128xf32, #tpu.memory_space<vmem>> -> memref<112x128xf32, #tpu.memory_space<vmem>>
        %dma_wait3A_265 = arith.constant 0 : i32
        %dma_wait3A_266 = arith.constant 0 : i32
        %dma_wait3A_267 = tpu.memref_slice %arg4[%dma_wait3A_265, %dma_wait3A_266] : memref<10240x128xf32, #tpu.memory_space<hbm>> -> memref<112x128xf32, #tpu.memory_space<hbm>>
        tpu.wait_dma2 semaphore(%arg12 : memref<!tpu.dma_semaphore, #tpu.memory_space<semaphore_mem>>) src(%dma_wait3A_267 : memref<112x128xf32, #tpu.memory_space<hbm>>) dst(%dma_wait3A_264 : memref<112x128xf32, #tpu.memory_space<vmem>>)
      } else {
      }
      %add3A_226 = arith.constant 2 : i32
      %add3A_227 = arith.addi %scan3A_206, %add3A_226 : i32
      %lt3A = arith.constant 90 : i32
      %lt3A_228 = arith.cmpi slt, %add3A_227, %lt3A : i32
      %convert_element_type3A_229 = arith.extui %lt3A_228 : i1 to i32
      %cond3A_230 = arith.constant 0 : i32
      %cond3A_231 = arith.cmpi ne, %convert_element_type3A_229, %cond3A_230 : i32
      scf.if %cond3A_231 {
        %dma_wait3A_253 = arith.constant 0 : i32
        %dma_wait3A_254 = arith.constant 0 : i32
        %dma_wait3A_255 = arith.constant 0 : i32
        %dma_wait3A_256 = arith.constant 0 : i32
        %dma_wait3A_257 = tpu.memref_slice %arg7[%dma_wait3A_255, %dma_wait3A_256] : memref<8x112xi32, #tpu.memory_space<vmem>> -> memref<1x112xi32, #tpu.memory_space<vmem>>
        %dma_wait3A_258 = tpu.memref_squeeze %dma_wait3A_257 : memref<1x112xi32, #tpu.memory_space<vmem>> -> memref<112xi32, #tpu.memory_space<vmem>>
        %dma_wait3A_259 = arith.constant 0 : i32
        %dma_wait3A_260 = tpu.memref_slice %arg2[%dma_wait3A_253, %dma_wait3A_254, %dma_wait3A_259] : memref<32x90x112xi32, #tpu.memory_space<hbm>> -> memref<1x1x112xi32, #tpu.memory_space<hbm>>
        %dma_wait3A_261 = tpu.memref_squeeze %dma_wait3A_260 : memref<1x1x112xi32, #tpu.memory_space<hbm>> -> memref<112xi32, #tpu.memory_space<hbm>>
        %dma_wait3A_262 = arith.constant 0 : i32
        %dma_wait3A_263 = tpu.memref_slice %arg7[%dma_wait3A_255, %dma_wait3A_262] : memref<8x112xi32, #tpu.memory_space<vmem>> -> memref<1x112xi32, #tpu.memory_space<vmem>>
        %dma_wait3A_264 = tpu.memref_squeeze %dma_wait3A_263 : memref<1x112xi32, #tpu.memory_space<vmem>> -> memref<112xi32, #tpu.memory_space<vmem>>
        %dma_wait3A_265 = arith.constant 0 : i32
        %dma_wait3A_266 = tpu.memref_slice %arg2[%dma_wait3A_253, %dma_wait3A_254, %dma_wait3A_265] : memref<32x90x112xi32, #tpu.memory_space<hbm>> -> memref<1x1x112xi32, #tpu.memory_space<hbm>>
        %dma_wait3A_267 = tpu.memref_squeeze %dma_wait3A_266 : memref<1x1x112xi32, #tpu.memory_space<hbm>> -> memref<112xi32, #tpu.memory_space<hbm>>
        tpu.wait_dma2 semaphore(%arg11 : memref<!tpu.dma_semaphore, #tpu.memory_space<semaphore_mem>>) src(%dma_wait3A_267 : memref<112xi32, #tpu.memory_space<hbm>>) dst(%dma_wait3A_264 : memref<112xi32, #tpu.memory_space<vmem>>)
        %dma_wait3A_268 = arith.constant 0 : i32
        %dma_wait3A_269 = arith.constant 0 : i32
        %dma_wait3A_270 = arith.constant 0 : i32
        %dma_wait3A_271 = arith.constant 0 : i32
        %dma_wait3A_272 = tpu.memref_slice %arg8[%dma_wait3A_270, %dma_wait3A_271] : memref<8x112xi32, #tpu.memory_space<vmem>> -> memref<1x112xi32, #tpu.memory_space<vmem>>
        %dma_wait3A_273 = tpu.memref_squeeze %dma_wait3A_272 : memref<1x112xi32, #tpu.memory_space<vmem>> -> memref<112xi32, #tpu.memory_space<vmem>>
        %dma_wait3A_274 = arith.constant 0 : i32
        %dma_wait3A_275 = tpu.memref_slice %arg3[%dma_wait3A_268, %dma_wait3A_269, %dma_wait3A_274] : memref<32x90x112xi32, #tpu.memory_space<hbm>> -> memref<1x1x112xi32, #tpu.memory_space<hbm>>
        %dma_wait3A_276 = tpu.memref_squeeze %dma_wait3A_275 : memref<1x1x112xi32, #tpu.memory_space<hbm>> -> memref<112xi32, #tpu.memory_space<hbm>>
        %dma_wait3A_277 = arith.constant 0 : i32
        %dma_wait3A_278 = tpu.memref_slice %arg8[%dma_wait3A_270, %dma_wait3A_277] : memref<8x112xi32, #tpu.memory_space<vmem>> -> memref<1x112xi32, #tpu.memory_space<vmem>>
        %dma_wait3A_279 = tpu.memref_squeeze %dma_wait3A_278 : memref<1x112xi32, #tpu.memory_space<vmem>> -> memref<112xi32, #tpu.memory_space<vmem>>
        %dma_wait3A_280 = arith.constant 0 : i32
        %dma_wait3A_281 = tpu.memref_slice %arg3[%dma_wait3A_268, %dma_wait3A_269, %dma_wait3A_280] : memref<32x90x112xi32, #tpu.memory_space<hbm>> -> memref<1x1x112xi32, #tpu.memory_space<hbm>>
        %dma_wait3A_282 = tpu.memref_squeeze %dma_wait3A_281 : memref<1x1x112xi32, #tpu.memory_space<hbm>> -> memref<112xi32, #tpu.memory_space<hbm>>
        tpu.wait_dma2 semaphore(%arg11 : memref<!tpu.dma_semaphore, #tpu.memory_space<semaphore_mem>>) src(%dma_wait3A_282 : memref<112xi32, #tpu.memory_space<hbm>>) dst(%dma_wait3A_279 : memref<112xi32, #tpu.memory_space<vmem>>)
        %add3A_283 = arith.constant 2 : i32
        %add3A_284 = arith.addi %scan3A_206, %add3A_283 : i32
        %rem3A_285 = arith.constant 8 : i32
        %rem3A_286 = arith.remsi %add3A_284, %rem3A_285 : i32
        %rem3A_287 = arith.constant 3 : i32
        %rem3A_288 = arith.remsi %add3A_284, %rem3A_287 : i32
        %dma_start3A_289 = arith.constant 0 : i32
        %dma_start3A_290 = arith.constant 0 : i32
        %dma_start3A_291 = tpu.memref_slice %arg9[%rem3A_288, %dma_start3A_289, %dma_start3A_290] : memref<3x112x128xf32, #tpu.memory_space<vmem>> -> memref<1x112x128xf32, #tpu.memory_space<vmem>>
        %dma_start3A_292 = tpu.memref_squeeze %dma_start3A_291 : memref<1x112x128xf32, #tpu.memory_space<vmem>> -> memref<112x128xf32, #tpu.memory_space<vmem>>
        %dma_start3A_293 = arith.constant 0 : i32
        %dma_start3A_294 = tpu.memref_slice %arg7[%rem3A_286, %dma_start3A_293] : memref<8x112xi32, #tpu.memory_space<vmem>> -> memref<1x112xi32, #tpu.memory_space<vmem>>
        %dma_start3A_295 = tpu.memref_squeeze %dma_start3A_294 : memref<1x112xi32, #tpu.memory_space<vmem>> -> memref<112xi32, #tpu.memory_space<vmem>>
        %dma_start3A_296 = arith.constant 0 : i32
        %dma_start3A_297 = arith.constant 0 : i32
        %dma_start3A_298 = tpu.memref_slice %arg4[%dma_start3A_296, %dma_start3A_297] : memref<10240x128xf32, #tpu.memory_space<hbm>> -> memref<10240x128xf32, #tpu.memory_space<hbm>>
        tpu.enqueue_indirect_dma source(%dma_start3A_298 : memref<10240x128xf32, #tpu.memory_space<hbm>>) target(%dma_start3A_292 : memref<112x128xf32, #tpu.memory_space<vmem>>) offsets(%dma_start3A_295 : memref<112xi32, #tpu.memory_space<vmem>>) semaphore(%arg10 : memref<!tpu.dma_semaphore, #tpu.memory_space<semaphore_mem>>)
      } else {
      }
      %rem3A_232 = arith.constant 3 : i32
      %rem3A_233 = arith.remsi %scan3A_206, %rem3A_232 : i32
      %rem3A_234 = arith.constant 8 : i32
      %rem3A_235 = arith.remsi %scan3A_206, %rem3A_234 : i32
      %dma_start3A_236 = arith.constant 0 : i32
      %dma_start3A_237 = arith.constant 0 : i32
      %dma_start3A_238 = tpu.memref_slice %arg9[%rem3A_233, %dma_start3A_236, %dma_start3A_237] : memref<3x112x128xf32, #tpu.memory_space<vmem>> -> memref<1x112x128xf32, #tpu.memory_space<vmem>>
      %dma_start3A_239 = tpu.memref_squeeze %dma_start3A_238 : memref<1x112x128xf32, #tpu.memory_space<vmem>> -> memref<112x128xf32, #tpu.memory_space<vmem>>
      %dma_start3A_240 = arith.constant 0 : i32
      %dma_start3A_241 = tpu.memref_slice %arg8[%rem3A_235, %dma_start3A_240] : memref<8x112xi32, #tpu.memory_space<vmem>> -> memref<1x112xi32, #tpu.memory_space<vmem>>
      %dma_start3A_242 = tpu.memref_squeeze %dma_start3A_241 : memref<1x112xi32, #tpu.memory_space<vmem>> -> memref<112xi32, #tpu.memory_space<vmem>>
      %dma_start3A_243 = arith.constant 0 : i32
      %dma_start3A_244 = arith.constant 0 : i32
      %dma_start3A_245 = tpu.memref_slice %arg13[%dma_start3A_243, %dma_start3A_244] : memref<10240x128xf32, #tpu.memory_space<vmem_shared>> -> memref<10240x128xf32, #tpu.memory_space<vmem_shared>>
      tpu.enqueue_indirect_dma source(%dma_start3A_239 : memref<112x128xf32, #tpu.memory_space<vmem>>) target(%dma_start3A_245 : memref<10240x128xf32, #tpu.memory_space<vmem_shared>>) offsets(%dma_start3A_242 : memref<112xi32, #tpu.memory_space<vmem>>) semaphore(%arg12 : memref<!tpu.dma_semaphore, #tpu.memory_space<semaphore_mem>>) {add = true}
      %add3A_246 = arith.constant 3 : i32
      %add3A_247 = arith.addi %scan3A_206, %add3A_246 : i32
      %lt3A_248 = arith.constant 90 : i32
      %lt3A_249 = arith.cmpi slt, %add3A_247, %lt3A_248 : i32
      %convert_element_type3A_250 = arith.extui %lt3A_249 : i1 to i32
      %cond3A_251 = arith.constant 0 : i32
      %cond3A_252 = arith.cmpi ne, %convert_element_type3A_250, %cond3A_251 : i32
      scf.if %cond3A_252 {
        %add3A_253 = arith.constant 3 : i32
        %add3A_254 = arith.addi %scan3A_206, %add3A_253 : i32
        %rem3A_255 = arith.constant 8 : i32
        %rem3A_256 = arith.remsi %add3A_254, %rem3A_255 : i32
        %dma_start3A_257 = arith.constant 0 : i32
        %dma_start3A_258 = tpu.memref_slice %arg7[%rem3A_256, %dma_start3A_257] : memref<8x112xi32, #tpu.memory_space<vmem>> -> memref<1x112xi32, #tpu.memory_space<vmem>>
        %dma_start3A_259 = tpu.memref_squeeze %dma_start3A_258 : memref<1x112xi32, #tpu.memory_space<vmem>> -> memref<112xi32, #tpu.memory_space<vmem>>
        %dma_start3A_260 = arith.constant 0 : i32
        %dma_start3A_261 = tpu.memref_slice %arg2[%add3A, %add3A_254, %dma_start3A_260] : memref<32x90x112xi32, #tpu.memory_space<hbm>> -> memref<1x1x112xi32, #tpu.memory_space<hbm>>
        %dma_start3A_262 = tpu.memref_squeeze %dma_start3A_261 : memref<1x1x112xi32, #tpu.memory_space<hbm>> -> memref<112xi32, #tpu.memory_space<hbm>>
        %dma_start3A_263 = arith.constant 0 : i32
        %dma_start3A_264 = tpu.memref_slice %arg7[%rem3A_256, %dma_start3A_263] : memref<8x112xi32, #tpu.memory_space<vmem>> -> memref<1x112xi32, #tpu.memory_space<vmem>>
        %dma_start3A_265 = tpu.memref_squeeze %dma_start3A_264 : memref<1x112xi32, #tpu.memory_space<vmem>> -> memref<112xi32, #tpu.memory_space<vmem>>
        %dma_start3A_266 = arith.constant 0 : i32
        %dma_start3A_267 = tpu.memref_slice %arg2[%add3A, %add3A_254, %dma_start3A_266] : memref<32x90x112xi32, #tpu.memory_space<hbm>> -> memref<1x1x112xi32, #tpu.memory_space<hbm>>
        %dma_start3A_268 = tpu.memref_squeeze %dma_start3A_267 : memref<1x1x112xi32, #tpu.memory_space<hbm>> -> memref<112xi32, #tpu.memory_space<hbm>>
        tpu.enqueue_dma source(%dma_start3A_268 : memref<112xi32, #tpu.memory_space<hbm>>) target(%dma_start3A_265 : memref<112xi32, #tpu.memory_space<vmem>>) target_semaphore(%arg11 : memref<!tpu.dma_semaphore, #tpu.memory_space<semaphore_mem>>)
        %dma_start3A_269 = arith.constant 0 : i32
        %dma_start3A_270 = tpu.memref_slice %arg8[%rem3A_256, %dma_start3A_269] : memref<8x112xi32, #tpu.memory_space<vmem>> -> memref<1x112xi32, #tpu.memory_space<vmem>>
        %dma_start3A_271 = tpu.memref_squeeze %dma_start3A_270 : memref<1x112xi32, #tpu.memory_space<vmem>> -> memref<112xi32, #tpu.memory_space<vmem>>
        %dma_start3A_272 = arith.constant 0 : i32
        %dma_start3A_273 = tpu.memref_slice %arg3[%add3A, %add3A_254, %dma_start3A_272] : memref<32x90x112xi32, #tpu.memory_space<hbm>> -> memref<1x1x112xi32, #tpu.memory_space<hbm>>
        %dma_start3A_274 = tpu.memref_squeeze %dma_start3A_273 : memref<1x1x112xi32, #tpu.memory_space<hbm>> -> memref<112xi32, #tpu.memory_space<hbm>>
        %dma_start3A_275 = arith.constant 0 : i32
        %dma_start3A_276 = tpu.memref_slice %arg8[%rem3A_256, %dma_start3A_275] : memref<8x112xi32, #tpu.memory_space<vmem>> -> memref<1x112xi32, #tpu.memory_space<vmem>>
        %dma_start3A_277 = tpu.memref_squeeze %dma_start3A_276 : memref<1x112xi32, #tpu.memory_space<vmem>> -> memref<112xi32, #tpu.memory_space<vmem>>
        %dma_start3A_278 = arith.constant 0 : i32
        %dma_start3A_279 = tpu.memref_slice %arg3[%add3A, %add3A_254, %dma_start3A_278] : memref<32x90x112xi32, #tpu.memory_space<hbm>> -> memref<1x1x112xi32, #tpu.memory_space<hbm>>
        %dma_start3A_280 = tpu.memref_squeeze %dma_start3A_279 : memref<1x1x112xi32, #tpu.memory_space<hbm>> -> memref<112xi32, #tpu.memory_space<hbm>>
        tpu.enqueue_dma source(%dma_start3A_280 : memref<112xi32, #tpu.memory_space<hbm>>) target(%dma_start3A_277 : memref<112xi32, #tpu.memory_space<vmem>>) target_semaphore(%arg11 : memref<!tpu.dma_semaphore, #tpu.memory_space<semaphore_mem>>)
      } else {
      }
    }
    %scan3A_189 = arith.constant 90 : i32
    %dma_wait3A_190 = arith.constant 0 : i32
    %dma_wait3A_191 = arith.constant 0 : i32
    %dma_wait3A_192 = arith.constant 0 : i32
    %dma_wait3A_193 = tpu.memref_slice %arg9[%dma_wait3A_190, %dma_wait3A_191, %dma_wait3A_192] : memref<3x112x128xf32, #tpu.memory_space<vmem>> -> memref<1x112x128xf32, #tpu.memory_space<vmem>>
    %dma_wait3A_194 = tpu.memref_squeeze %dma_wait3A_193 : memref<1x112x128xf32, #tpu.memory_space<vmem>> -> memref<112x128xf32, #tpu.memory_space<vmem>>
    %dma_wait3A_195 = arith.constant 0 : i32
    %dma_wait3A_196 = arith.constant 0 : i32
    %dma_wait3A_197 = tpu.memref_slice %arg4[%dma_wait3A_195, %dma_wait3A_196] : memref<10240x128xf32, #tpu.memory_space<hbm>> -> memref<112x128xf32, #tpu.memory_space<hbm>>
    %dma_wait3A_198 = arith.constant 0 : i32
    %dma_wait3A_199 = arith.constant 0 : i32
    %dma_wait3A_200 = tpu.memref_slice %arg9[%dma_wait3A_190, %dma_wait3A_198, %dma_wait3A_199] : memref<3x112x128xf32, #tpu.memory_space<vmem>> -> memref<1x112x128xf32, #tpu.memory_space<vmem>>
    %dma_wait3A_201 = tpu.memref_squeeze %dma_wait3A_200 : memref<1x112x128xf32, #tpu.memory_space<vmem>> -> memref<112x128xf32, #tpu.memory_space<vmem>>
    %dma_wait3A_202 = arith.constant 0 : i32
    %dma_wait3A_203 = arith.constant 0 : i32
    %dma_wait3A_204 = tpu.memref_slice %arg4[%dma_wait3A_202, %dma_wait3A_203] : memref<10240x128xf32, #tpu.memory_space<hbm>> -> memref<112x128xf32, #tpu.memory_space<hbm>>
    tpu.wait_dma2 semaphore(%arg12 : memref<!tpu.dma_semaphore, #tpu.memory_space<semaphore_mem>>) src(%dma_wait3A_204 : memref<112x128xf32, #tpu.memory_space<hbm>>) dst(%dma_wait3A_201 : memref<112x128xf32, #tpu.memory_space<vmem>>)
    %barrier3A_205 = arith.constant 0 : index
    tpu.barrier barrier_id(%barrier3A_205)
    "tpu.region"() ({
      %run_scoped3A = tpu.sem_alloc : memref<!tpu.dma_semaphore, #tpu.memory_space<semaphore_mem>>
      %dma_start3A_206 = arith.constant 0 : i32
      %dma_start3A_207 = tpu.memref_slice %arg6[%arg0, %mul3A_2, %dma_start3A_206] : memref<2x10240x128xf32, #tpu.memory_space<hbm>> -> memref<1x640x128xf32, #tpu.memory_space<hbm>>
      %dma_start3A_208 = tpu.memref_squeeze %dma_start3A_207 : memref<1x640x128xf32, #tpu.memory_space<hbm>> -> memref<640x128xf32, #tpu.memory_space<hbm>>
      %dma_start3A_209 = arith.constant 0 : i32
      %dma_start3A_210 = tpu.memref_slice %arg13[%mul3A_2, %dma_start3A_209] : memref<10240x128xf32, #tpu.memory_space<vmem_shared>> -> memref<640x128xf32, #tpu.memory_space<vmem_shared>>
      tpu.enqueue_dma source(%dma_start3A_210 : memref<640x128xf32, #tpu.memory_space<vmem_shared>>) target(%dma_start3A_208 : memref<640x128xf32, #tpu.memory_space<hbm>>) target_semaphore(%run_scoped3A : memref<!tpu.dma_semaphore, #tpu.memory_space<semaphore_mem>>)
      %dma_wait3A_211 = arith.constant 0 : i32
      %dma_wait3A_212 = tpu.memref_slice %arg6[%arg0, %mul3A_2, %dma_wait3A_211] : memref<2x10240x128xf32, #tpu.memory_space<hbm>> -> memref<1x640x128xf32, #tpu.memory_space<hbm>>
      %dma_wait3A_213 = tpu.memref_squeeze %dma_wait3A_212 : memref<1x640x128xf32, #tpu.memory_space<hbm>> -> memref<640x128xf32, #tpu.memory_space<hbm>>
      %dma_wait3A_214 = arith.constant 0 : i32
      %dma_wait3A_215 = tpu.memref_slice %arg13[%mul3A_2, %dma_wait3A_214] : memref<10240x128xf32, #tpu.memory_space<vmem_shared>> -> memref<640x128xf32, #tpu.memory_space<vmem_shared>>
      tpu.wait_dma2 semaphore(%run_scoped3A : memref<!tpu.dma_semaphore, #tpu.memory_space<semaphore_mem>>) src(%dma_wait3A_215 : memref<640x128xf32, #tpu.memory_space<vmem_shared>>) dst(%dma_wait3A_213 : memref<640x128xf32, #tpu.memory_space<hbm>>)
      tpu.yield
    }) : () -> ()
    return
  }
}

module attributes {stable_mosaic.version = 14 : i64} {
  func.func @_prep_body(%arg0: i32, %arg1: memref<1024x128xf32, #tpu.memory_space<vmem>>, %arg2: memref<2x1024xf32, #tpu.memory_space<vmem>>, %arg3: memref<1024x128xf32, #tpu.memory_space<vmem>>, %arg4: memref<1024x1xf32, #tpu.memory_space<vmem>>) attributes {dimension_semantics = [#tpu.dimension_semantics<arbitrary>], iteration_bounds = array<i64: 10>, scalar_prefetch = 0 : i64, scratch_operands = 0 : i64, tpu.core_type = #tpu.core_type<tc>, window_params = [{transform_indices = @transform_0, window_bounds = array<i64: 1024, 128>}, {transform_indices = @transform_1, window_bounds = array<i64: 2, 1024>}, {transform_indices = @transform_2, window_bounds = array<i64: 1024, 128>}, {transform_indices = @transform_3, window_bounds = array<i64: 1024, 1>}]} {
    %get3A = arith.constant 0 : index
    %get3A_0 = arith.constant 0 : index
    %get3A_1 = vector.load %arg2[%get3A, %get3A_0] : memref<2x1024xf32, #tpu.memory_space<vmem>>, vector<1x1024xf32>
    %get3A_2 = vector.shape_cast %get3A_1 : vector<1x1024xf32> to vector<1024xf32>
    %get3A_3 = arith.constant 1 : index
    %get3A_4 = arith.constant 0 : index
    %get3A_5 = vector.load %arg2[%get3A_3, %get3A_4] : memref<2x1024xf32, #tpu.memory_space<vmem>>, vector<1x1024xf32>
    %get3A_6 = vector.shape_cast %get3A_5 : vector<1x1024xf32> to vector<1024xf32>
    %add3A = arith.addf %get3A_2, %get3A_6 : vector<1024xf32>
    %add3A_7 = arith.constant 1.000000e+00 : f32
    %add3A_8 = vector.broadcast %add3A_7 : f32 to vector<1024xf32>
    %add3A_9 = arith.addf %add3A, %add3A_8 : vector<1024xf32>
    %sqrt3A = math.sqrt %add3A_9 : vector<1024xf32>
    %div3A = arith.constant 1.000000e+00 : f32
    %div3A_10 = vector.broadcast %div3A : f32 to vector<1024xf32>
    %div3A_11 = arith.divf %div3A_10, %sqrt3A : vector<1024xf32>
    %broadcast_in_dim3A = vector.shape_cast %div3A_11 : vector<1024xf32> to vector<1024x1xf32>
    %get3A_12 = arith.constant 0 : index
    %get3A_13 = arith.constant 0 : index
    %get3A_14 = vector.load %arg1[%get3A_12, %get3A_13] : memref<1024x128xf32, #tpu.memory_space<vmem>>, vector<1024x128xf32>
    %mul3A = vector.broadcast %broadcast_in_dim3A : vector<1024x1xf32> to vector<1024x128xf32>
    %mul3A_15 = arith.mulf %get3A_14, %mul3A : vector<1024x128xf32>
    %swap3A = arith.constant 0 : index
    %swap3A_16 = arith.constant 0 : index
    %swap3A_17 = vector.load %arg3[%swap3A, %swap3A_16] : memref<1024x128xf32, #tpu.memory_space<vmem>>, vector<1024x128xf32>
    tpu.vector_store %arg3[%swap3A, %swap3A_16], %mul3A_15 {strides = array<i32>} : memref<1024x128xf32, #tpu.memory_space<vmem>>, vector<1024x128xf32>,
    %swap3A_18 = arith.constant 0 : index
    %swap3A_19 = arith.constant 0 : index
    %swap3A_20 = vector.load %arg4[%swap3A_18, %swap3A_19] : memref<1024x1xf32, #tpu.memory_space<vmem>>, vector<1024x1xf32>
    tpu.vector_store %arg4[%swap3A_18, %swap3A_19], %broadcast_in_dim3A {strides = array<i32>} : memref<1024x1xf32, #tpu.memory_space<vmem>>, vector<1024x1xf32>,
    return
  }
  func.func @transform_0(%arg0: i32) -> (i32, i32) {
    %c0_i32 = arith.constant 0 : i32
    %c0_i32_0 = arith.constant 0 : i32
    return %arg0, %c0_i32 : i32, i32
  }
  func.func @transform_1(%arg0: i32) -> (i32, i32) {
    %c0_i32 = arith.constant 0 : i32
    %c0_i32_0 = arith.constant 0 : i32
    return %c0_i32, %arg0 : i32, i32
  }
  func.func @transform_2(%arg0: i32) -> (i32, i32) {
    %c0_i32 = arith.constant 0 : i32
    %c0_i32_0 = arith.constant 0 : i32
    return %arg0, %c0_i32 : i32, i32
  }
  func.func @transform_3(%arg0: i32) -> (i32, i32) {
    %c0_i32 = arith.constant 0 : i32
    %c0_i32_0 = arith.constant 0 : i32
    return %arg0, %c0_i32 : i32, i32
  }
}

module attributes {stable_mosaic.version = 14 : i64} {
  func.func @_stage_body(%arg0: i32, %arg1: memref<2x1024x128xf32, #tpu.memory_space<vmem>>, %arg2: memref<1024x1xf32, #tpu.memory_space<vmem>>, %arg3: memref<128x128xf32, #tpu.memory_space<vmem>>, %arg4: memref<1x128xf32, #tpu.memory_space<vmem>>, %arg5: memref<1024x128xf32, #tpu.memory_space<vmem>>) attributes {dimension_semantics = [#tpu.dimension_semantics<arbitrary>], iteration_bounds = array<i64: 10>, scalar_prefetch = 0 : i64, scratch_operands = 0 : i64, tpu.core_type = #tpu.core_type<tc>, window_params = [{transform_indices = @transform_0, window_bounds = array<i64: 2, 1024, 128>}, {transform_indices = @transform_1, window_bounds = array<i64: 1024, 1>}, {pipeline_mode = #tpu.pipeline_mode<synchronous>, transform_indices = @transform_2, window_bounds = array<i64: 128, 128>}, {pipeline_mode = #tpu.pipeline_mode<synchronous>, transform_indices = @transform_3, window_bounds = array<i64: 1, 128>}, {transform_indices = @transform_4, window_bounds = array<i64: 1024, 128>}]} {
    %get3A = arith.constant 0 : index
    %get3A_0 = arith.constant 0 : index
    %get3A_1 = vector.load %arg2[%get3A, %get3A_0] : memref<1024x1xf32, #tpu.memory_space<vmem>>, vector<1024x1xf32>
    %get3A_2 = arith.constant 0 : index
    %get3A_3 = arith.constant 0 : index
    %get3A_4 = arith.constant 0 : index
    %get3A_5 = vector.load %arg1[%get3A_2, %get3A_3, %get3A_4] : memref<2x1024x128xf32, #tpu.memory_space<vmem>>, vector<1x1024x128xf32>
    %get3A_6 = vector.shape_cast %get3A_5 : vector<1x1024x128xf32> to vector<1024x128xf32>
    %get3A_7 = arith.constant 1 : index
    %get3A_8 = arith.constant 0 : index
    %get3A_9 = arith.constant 0 : index
    %get3A_10 = vector.load %arg1[%get3A_7, %get3A_8, %get3A_9] : memref<2x1024x128xf32, #tpu.memory_space<vmem>>, vector<1x1024x128xf32>
    %get3A_11 = vector.shape_cast %get3A_10 : vector<1x1024x128xf32> to vector<1024x128xf32>
    %add3A = arith.addf %get3A_6, %get3A_11 : vector<1024x128xf32>
    %mul3A = vector.broadcast %get3A_1 : vector<1024x1xf32> to vector<1024x128xf32>
    %mul3A_12 = arith.mulf %add3A, %mul3A : vector<1024x128xf32>
    %get3A_13 = arith.constant 0 : index
    %get3A_14 = arith.constant 0 : index
    %get3A_15 = vector.load %arg3[%get3A_13, %get3A_14] : memref<128x128xf32, #tpu.memory_space<vmem>>, vector<128x128xf32>
    %dot_general3A = arith.constant dense<0.000000e+00> : vector<1024x128xf32>
    %dot_general3A_16 = tpu.matmul %mul3A_12, %get3A_15, %dot_general3A {dimension_numbers = #tpu.dot_dimension_numbers<[1], [0], [0], [1], [0, 0, 1, 1], [], []>, precision = #tpu.contract_precision<fp32>, transpose_lhs_hint = false} : vector<1024x128xf32>, vector<128x128xf32>, vector<1024x128xf32> -> vector<1024x128xf32>
    %get3A_17 = arith.constant 0 : index
    %get3A_18 = arith.constant 0 : index
    %get3A_19 = vector.load %arg4[%get3A_17, %get3A_18] : memref<1x128xf32, #tpu.memory_space<vmem>>, vector<1x128xf32>
    %add3A_20 = vector.broadcast %get3A_19 : vector<1x128xf32> to vector<1024x128xf32>
    %add3A_21 = arith.addf %dot_general3A_16, %add3A_20 : vector<1024x128xf32>
    %max3A = arith.constant 0.000000e+00 : f32
    %max3A_22 = vector.broadcast %max3A : f32 to vector<1024x128xf32>
    %max3A_23 = arith.maximumf %add3A_21, %max3A_22 : vector<1024x128xf32>
    %mul3A_24 = vector.broadcast %get3A_1 : vector<1024x1xf32> to vector<1024x128xf32>
    %mul3A_25 = arith.mulf %max3A_23, %mul3A_24 : vector<1024x128xf32>
    %swap3A = arith.constant 0 : index
    %swap3A_26 = arith.constant 0 : index
    %swap3A_27 = vector.load %arg5[%swap3A, %swap3A_26] : memref<1024x128xf32, #tpu.memory_space<vmem>>, vector<1024x128xf32>
    tpu.vector_store %arg5[%swap3A, %swap3A_26], %mul3A_25 {strides = array<i32>} : memref<1024x128xf32, #tpu.memory_space<vmem>>, vector<1024x128xf32>,
    return
  }
  func.func @transform_0(%arg0: i32) -> (i32, i32, i32) {
    %c0_i32 = arith.constant 0 : i32
    %c0_i32_0 = arith.constant 0 : i32
    %c0_i32_1 = arith.constant 0 : i32
    return %c0_i32, %arg0, %c0_i32_0 : i32, i32, i32
  }
  func.func @transform_1(%arg0: i32) -> (i32, i32) {
    %c0_i32 = arith.constant 0 : i32
    %c0_i32_0 = arith.constant 0 : i32
    return %arg0, %c0_i32 : i32, i32
  }
  func.func @transform_2(%arg0: i32) -> (i32, i32) {
    %c0_i32 = arith.constant 0 : i32
    %c0_i32_0 = arith.constant 0 : i32
    %c0_i32_1 = arith.constant 0 : i32
    return %c0_i32, %c0_i32_0 : i32, i32
  }
  func.func @transform_3(%arg0: i32) -> (i32, i32) {
    %c0_i32 = arith.constant 0 : i32
    %c0_i32_0 = arith.constant 0 : i32
    %c0_i32_1 = arith.constant 0 : i32
    return %c0_i32, %c0_i32_0 : i32, i32
  }
  func.func @transform_4(%arg0: i32) -> (i32, i32) {
    %c0_i32 = arith.constant 0 : i32
    %c0_i32_0 = arith.constant 0 : i32
    return %arg0, %c0_i32 : i32, i32
  }
}

module attributes {stable_mosaic.version = 14 : i64} {
  func.func @_final_body(%arg0: i32, %arg1: memref<2x1024x128xf32, #tpu.memory_space<vmem>>, %arg2: memref<1024x1xf32, #tpu.memory_space<vmem>>, %arg3: memref<128x128xf32, #tpu.memory_space<vmem>>, %arg4: memref<1x128xf32, #tpu.memory_space<vmem>>, %arg5: memref<1024x128xf32, #tpu.memory_space<vmem>>) attributes {dimension_semantics = [#tpu.dimension_semantics<arbitrary>], iteration_bounds = array<i64: 10>, scalar_prefetch = 0 : i64, scratch_operands = 0 : i64, tpu.core_type = #tpu.core_type<tc>, window_params = [{transform_indices = @transform_0, window_bounds = array<i64: 2, 1024, 128>}, {transform_indices = @transform_1, window_bounds = array<i64: 1024, 1>}, {pipeline_mode = #tpu.pipeline_mode<synchronous>, transform_indices = @transform_2, window_bounds = array<i64: 128, 128>}, {pipeline_mode = #tpu.pipeline_mode<synchronous>, transform_indices = @transform_3, window_bounds = array<i64: 1, 128>}, {transform_indices = @transform_4, window_bounds = array<i64: 1024, 128>}]} {
    %get3A = arith.constant 0 : index
    %get3A_0 = arith.constant 0 : index
    %get3A_1 = arith.constant 0 : index
    %get3A_2 = vector.load %arg1[%get3A, %get3A_0, %get3A_1] : memref<2x1024x128xf32, #tpu.memory_space<vmem>>, vector<1x1024x128xf32>
    %get3A_3 = vector.shape_cast %get3A_2 : vector<1x1024x128xf32> to vector<1024x128xf32>
    %get3A_4 = arith.constant 1 : index
    %get3A_5 = arith.constant 0 : index
    %get3A_6 = arith.constant 0 : index
    %get3A_7 = vector.load %arg1[%get3A_4, %get3A_5, %get3A_6] : memref<2x1024x128xf32, #tpu.memory_space<vmem>>, vector<1x1024x128xf32>
    %get3A_8 = vector.shape_cast %get3A_7 : vector<1x1024x128xf32> to vector<1024x128xf32>
    %add3A = arith.addf %get3A_3, %get3A_8 : vector<1024x128xf32>
    %get3A_9 = arith.constant 0 : index
    %get3A_10 = arith.constant 0 : index
    %get3A_11 = vector.load %arg2[%get3A_9, %get3A_10] : memref<1024x1xf32, #tpu.memory_space<vmem>>, vector<1024x1xf32>
    %mul3A = vector.broadcast %get3A_11 : vector<1024x1xf32> to vector<1024x128xf32>
    %mul3A_12 = arith.mulf %add3A, %mul3A : vector<1024x128xf32>
    %get3A_13 = arith.constant 0 : index
    %get3A_14 = arith.constant 0 : index
    %get3A_15 = vector.load %arg3[%get3A_13, %get3A_14] : memref<128x128xf32, #tpu.memory_space<vmem>>, vector<128x128xf32>
    %dot_general3A = arith.constant dense<0.000000e+00> : vector<1024x128xf32>
    %dot_general3A_16 = tpu.matmul %mul3A_12, %get3A_15, %dot_general3A {dimension_numbers = #tpu.dot_dimension_numbers<[1], [0], [0], [1], [0, 0, 1, 1], [], []>, precision = #tpu.contract_precision<fp32>, transpose_lhs_hint = false} : vector<1024x128xf32>, vector<128x128xf32>, vector<1024x128xf32> -> vector<1024x128xf32>
    %get3A_17 = arith.constant 0 : index
    %get3A_18 = arith.constant 0 : index
    %get3A_19 = vector.load %arg4[%get3A_17, %get3A_18] : memref<1x128xf32, #tpu.memory_space<vmem>>, vector<1x128xf32>
    %add3A_20 = vector.broadcast %get3A_19 : vector<1x128xf32> to vector<1024x128xf32>
    %add3A_21 = arith.addf %dot_general3A_16, %add3A_20 : vector<1024x128xf32>
    %swap3A = arith.constant 0 : index
    %swap3A_22 = arith.constant 0 : index
    %swap3A_23 = vector.load %arg5[%swap3A, %swap3A_22] : memref<1024x128xf32, #tpu.memory_space<vmem>>, vector<1024x128xf32>
    tpu.vector_store %arg5[%swap3A, %swap3A_22], %add3A_21 {strides = array<i32>} : memref<1024x128xf32, #tpu.memory_space<vmem>>, vector<1024x128xf32>,
    return
  }
  func.func @transform_0(%arg0: i32) -> (i32, i32, i32) {
    %c0_i32 = arith.constant 0 : i32
    %c0_i32_0 = arith.constant 0 : i32
    %c0_i32_1 = arith.constant 0 : i32
    return %c0_i32, %arg0, %c0_i32_0 : i32, i32, i32
  }
  func.func @transform_1(%arg0: i32) -> (i32, i32) {
    %c0_i32 = arith.constant 0 : i32
    %c0_i32_0 = arith.constant 0 : i32
    return %arg0, %c0_i32 : i32, i32
  }
  func.func @transform_2(%arg0: i32) -> (i32, i32) {
    %c0_i32 = arith.constant 0 : i32
    %c0_i32_0 = arith.constant 0 : i32
    %c0_i32_1 = arith.constant 0 : i32
    return %c0_i32, %c0_i32_0 : i32, i32
  }
  func.func @transform_3(%arg0: i32) -> (i32, i32) {
    %c0_i32 = arith.constant 0 : i32
    %c0_i32_0 = arith.constant 0 : i32
    %c0_i32_1 = arith.constant 0 : i32
    return %c0_i32, %c0_i32_0 : i32, i32
  }
  func.func @transform_4(%arg0: i32) -> (i32, i32) {
    %c0_i32 = arith.constant 0 : i32
    %c0_i32_0 = arith.constant 0 : i32
    return %arg0, %c0_i32 : i32, i32
  }
}

</mosaic_0001>

<sc_bundles>
// kernel: kernel.12.cloned.1.call-start
scs
__scs_entry_jumppad:
0x0: {  	(pc) =	sbr.rel $0x88, $3  }
0x1: {  	(tag) =	ssettag $0x0;
	lr =	simm.s32 $0x1  }
0x2: {  	[smem:$0x3F95] =	sst lr;
	_ =	strace $0xD0000000  }
0x3: {  	_ = 	snop  }
0x4: {  	_ = 	snop  }
0x5: {  	_ = 	snop  }
0x6: {  	_ = 	snop  }
0x7: {  	_ = 	snop  }
__scs_overlays_trampoline_lowered:
0x8: {  	[smem:$0x3FA4] =	sst s0  }
0x9: {  	[smem:$0x3FA5] =	sst s1  }
0xa: {  	[smem:$0x3FA6] =	sst s2  }
0xb: {  	[smem:$0x3FA7] =	sst s3  }
0xc: {  	[smem:$0x3FA8] =	sst s4  }
0xd: {  	[smem:$0x3FA9] =	sst s5  }
0xe: {  	[smem:$0x3FAA] =	sst s6  }
0xf: {  	[smem:$0x3FAB] =	sst s7  }
0x10: {  	[smem:$0x3FAC] =	sst s8  }
0x11: {  	[smem:$0x3FAD] =	sst s9;
	s0 =	simm.s32 @!p0 $0x0  }
0x12: {  	s1 =	sld [smem:$0x3F93];
	s0 =	simm.s32 @p0 $0x1  }
0x13: {  	[smem:$0x3FAE] =	sst s0;
	s0 =	simm.s32 @!p1 $0x0  }
0x14: {  	s2 =	sld [smem:$0x3F92];
	s0 =	simm.s32 @p1 $0x1  }
0x15: {  	[smem:$0x3FAF] =	sst s0;
	s0 =	simm.s32 @!p2 $0x0  }
0x16: {  	s3 =	sld [smem:$0x3FDB];
	s0 =	simm.s32 @p2 $0x1  }
0x17: {  	s4 =	simm.s32 $0x1BF5;
	[smem:$0x3FB1] =	sst s0  }
0x18: {  	s0 =	sld [smem:$0x3F94];
	_ =	swait.ge [sflag:s4], $0x0  }
0x19: {  	s7 =	sld [smem:$0x3F95]  }
0x1a: {  	s8 =	sadd.s32 $0xFFFFE003, lr  }
0x1b: {  	s9 =	sadd.s32 $0xFFFFFEF7, lr;
	s5 =	simm.s32 $0xFFFFFFFF;
	p2 =	slt.u32 s8, $0xFFFFF086  }
0x1c: {  	p1 =	slt.u32 s9, $0xF7A;
	s5 =	simm.s32 @!p2 $0x0  }
0x1d: {  	s5 =	simm.s32 @p1 $0x1;
	p0 =	seq.s32 s7, s2  }
0x1e: {  	s7 =	smul.u32 @!p0 $0xF7A, s2;
	p2 =	seq.s32 @!p0 s5, $0x0  }
0x1f: {  	s9 =	smul.u32 $0xF7A, s1;
	s8 =	simm.s32 @!p0 $0x1BF5;
	p2 =	por !p2, p0  }
0x20: {  	[sflag:s8] =	ssyncset.s32 @!p0 $0xFFFFF086;
	s6 =	sadd.s32 @!p0 s3, s7;
	s7 =	simm.s32 @!p0 $0x108  }
0x21: {  	s3 =	sadd.s32 s3, s9;
	s6 =	sadd.s32 @!p0 $0x88, s6;
	s7 =	simm.s32 @p2 $0x1082  }
0x22: {  	[simem:s7], [sflag:s8] =	dma.local @!p0 [hbm:s6], $0xF7A  }
0x23: {  	s9 =	sor.u32 $0xD0000000, s2;
	s6 =	simm.s32 $0x108;
	_ =	swait.ge @!p0 [sflag:s8], $0x0  }
0x24: {  	s3 =	sadd.s32 $0x88, s3;
	s6 =	simm.s32 @!p1 $0x1082;
	[sflag:s4] =	ssyncset.s32 $0xFFFFF086  }
0x25: {  	[simem:s6], [sflag:s4] =	dma.local [hbm:s3], $0xF7A  }
0x26: {  	[smem:$0x3F95] =	sst s1;
	(tag) =	ssettag s2;
	_ =	strace s9  }
0x27: {  	s1 =	sld [smem:$0x3FA5]  }
0x28: {  	s2 =	sld [smem:$0x3FA6]  }
0x29: {  	s4 =	sld [smem:$0x3FA8]  }
0x2a: {  	p0 =	seq.s32 s5, $0x0;
	s5 =	sld [smem:$0x3FA9]  }
0x2b: {  	s6 =	sld [smem:$0x3FAA]  }
0x2c: {  	s7 =	sld [smem:$0x3FAB]  }
0x2d: {  	s3 =	simm.s32 $0x108;
	s8 =	sld [smem:$0x3FAC]  }
0x2e: {  	s3 =	simm.s32 @!p0 $0x1082;
	s9 =	sld [smem:$0x3FAD]  }
0x2f: {  	lr =	sadd.s32 s0, s3;
	s0 =	sld [smem:$0x3FA4]  }
0x30: {  	s3 =	sld [smem:$0x3FA7]  }
0x31: {  	[smem:$0x3FB0] =	sst s10  }
0x32: {  	s10 =	sld [smem:$0x3FAE];
	_ =	sdelay $0x3  }
0x33: {  	p0 =	seq.s32 s10, $0x1;
	s10 =	sld [smem:$0x3FB0];
	_ =	sdelay $0x3  }
0x34: {  	[smem:$0x3FB0] =	sst s10  }
0x35: {  	s10 =	sld [smem:$0x3FAF];
	_ =	sdelay $0x3  }
0x36: {  	p1 =	seq.s32 s10, $0x1;
	s10 =	sld [smem:$0x3FB0];
	_ =	sdelay $0x3  }
0x37: {  	[smem:$0x3FB0] =	sst s10  }
0x38: {  	s10 =	sld [smem:$0x3FB1]  }
0x39: {  	_ = 	snop;
	(pc) =	sbr.ind lr, $3  }
0x3a: {  	_ = 	snop  }
0x3b: {  	_ = 	snop  }
0x3c: {  	p2 =	seq.s32 s10, $0x1;
	s10 =	sld [smem:$0x3FB0]  }
0x3d: {  	_ =	shalt  }
0x3e: {  	_ =	shalt  }
0x3f: {  	_ =	shalt  }
0x40: {  	_ =	shalt  }
0x41: {  	_ =	shalt  }
0x42: {  	_ =	shalt  }
0x43: {  	_ =	shalt  }
0x44: {  	_ =	shalt  }
0x45: {  	_ =	shalt  }
0x46: {  	_ =	shalt  }
0x47: {  	_ =	shalt  }
0x48: {  	_ =	shalt  }
0x49: {  	_ =	shalt  }
0x4a: {  	_ =	shalt  }
0x4b: {  	_ =	shalt  }
0x4c: {  	_ =	shalt  }
0x4d: {  	_ =	shalt  }
0x4e: {  	_ =	shalt  }
0x4f: {  	_ =	shalt  }
0x50: {  	_ =	shalt  }
0x51: {  	_ =	shalt  }
0x52: {  	_ =	shalt  }
0x53: {  	_ =	shalt  }
0x54: {  	_ =	shalt  }
0x55: {  	_ =	shalt  }
0x56: {  	_ =	shalt  }
0x57: {  	_ =	shalt  }
0x58: {  	_ =	shalt  }
0x59: {  	_ =	shalt  }
0x5a: {  	_ =	shalt  }
0x5b: {  	_ =	shalt  }
0x5c: {  	_ =	shalt  }
0x5d: {  	_ =	shalt  }
0x5e: {  	_ =	shalt  }
0x5f: {  	_ =	shalt  }
0x60: {  	_ =	shalt  }
0x61: {  	_ =	shalt  }
0x62: {  	_ =	shalt  }
0x63: {  	_ =	shalt  }
0x64: {  	_ =	shalt  }
0x65: {  	_ =	shalt  }
0x66: {  	_ =	shalt  }
0x67: {  	_ =	shalt  }
0x68: {  	_ =	shalt  }
0x69: {  	_ =	shalt  }
0x6a: {  	_ =	shalt  }
0x6b: {  	_ =	shalt  }
0x6c: {  	_ =	shalt  }
0x6d: {  	_ =	shalt  }
0x6e: {  	_ =	shalt  }
0x6f: {  	_ =	shalt  }
0x70: {  	_ =	shalt  }
0x71: {  	_ =	shalt  }
0x72: {  	_ =	shalt  }
0x73: {  	_ =	shalt  }
0x74: {  	_ =	shalt  }
0x75: {  	_ =	shalt  }
0x76: {  	_ =	shalt  }
0x77: {  	_ =	shalt  }
0x78: {  	_ =	shalt  }
0x79: {  	_ =	shalt  }
0x7a: {  	_ =	shalt  }
0x7b: {  	_ =	shalt  }
0x7c: {  	_ =	shalt  }
0x7d: {  	_ =	shalt  }
0x7e: {  	_ =	shalt  }
0x7f: {  	_ =	shalt  }
0x80: {  	_ =	shalt  }
0x81: {  	_ =	shalt  }
0x82: {  	_ =	shalt  }
0x83: {  	_ =	shalt  }
0x84: {  	_ =	shalt  }
0x85: {  	_ =	shalt  }
0x86: {  	_ =	shalt  }
0x87: {  	_ =	shalt  }
.Lfunc_end0:
.L_simem_size_0:
called_computation_lowered:
.L_overlay_start_0:
0x88: {  	s2 =	sld [smem:$0x3FD9]  }
0x89: {  	s3 =	sld [smem:$0x3FFE];
	_ =	sdelay $0x1  }
0x8a: {  	s1 =	srdreg.scid  }
0x8b: {  	s0 =	sand.u32 $0x1, s1  }
0x8c: {  	s14 =	sshll.u32 s0, $0xA;
	s2 =	sadd.s32 s3, s2  }
0x8d: {  	s2 =	sadd.s32 s2, s14  }
0x8e: {  	[smem:$0x3FBC] =	sst s2  }
0x8f: {  	_ = 	snop  }
0x90: {  	s2 =	sld [smem:$0x3FD0];
	_ =	sdelay $0x2  }
0x91: {  	s15 =	simm.s32 $0xA;
	s4 =	simm.s32 $0x10  }
0x92: {  	[smem:s4], [sflag:s15] =	dma.local [hbm:s2], $0x1  }
0x93: {  	_ =	swait.eq [sflag:s15], $0x1  }
0x94: {  	[sflag:s15] =	ssyncset.done $0x0  }
0x95: {  	[sflag:s15] =	ssyncadd.s32 $0xFFFFFFFF  }
0x96: {  	s16 =	sld [smem:$0x10];
	(tm) =	ssettm $0x1  }
0x97: {  	s17 =	sld [smem:$0x3FFB];
	_ =	sdelay $0x3  }
0x98: {  	_ =	strace s17  }
0x99: {  	s3 =	sld [smem:$0x3FFC];
	_ =	sdelay $0x3  }
0x9a: {  	_ =	strace s3  }
0x9b: {  	s3 =	sld [smem:$0x3FFD];
	_ =	sdelay $0x3  }
0x9c: {  	_ =	strace s3  }
0x9d: {  	_ =	strace $0x8FFFFFFF  }
0x9e: {  	s18 =	sld [smem:$0x3FDB];
	_ =	sdelay $0x1  }
0x9f: {  	s19 =	simm.s32 $_scs_section_size  }
0xa0: {  	s5 =	simm.s32 $_size__tile_overlayer_lowered;
	s6 =	simm.s32 $_tile_overlayer_lowered  }
0xa1: {  	s22 =	simm.s32 $0x1BFF;
	s21 =	sshll.u32 s6, $0x1;
	s3 =	sadd.s32 s19, s18  }
0xa2: {  	s7 =	simm.s32 $0x0;
	s20 =	sshll.u32 s5, $0x1;
	s5 =	sadd.s32 s21, s3  }
0xa3: {  	[timem:s7], [sflag:s22] =	dma.local [hbm:s5], s20  }
0xa4: {  	_ =	swait.ge [sflag:s22], s20  }
0xa5: {  	s4 =	ssub.s32 $0x0, s20;
	[sflag:s22] =	ssyncset.done $0x0  }
0xa6: {  	[sflag:s22] =	ssyncadd.s32 s4;
	_ =	sdelay $0x1  }
0xa7: {  	s23 =	simm.s32 $0x1B8B  }
0xa8: {  	_ =	swait.ge [sflag:s23], $0x1  }
0xa9: {  	[sflag:s23] =	ssyncset.done $0x0  }
0xaa: {  	s25 =	simm.s32 $0x1B8E;
	s24 =	sld [smem:$0x3FFE];
	[sflag:s23] =	ssyncadd.s32 $0xFFFFFFFF  }
0xab: {  	s26 =	simm.s32 $execute0_lowered;
	[smem:$0x3FD2] =	sst s25  }
0xac: {  	s5 =	sshll.u32 s26, $0x1;
	_ =	strace $0x80000046;
	[dreg:$0x1] =	wrdreg $0xFFFFFFFF  }
0xad: {  	s28 =	simm.s32 $_size_execute0_lowered;
	s3 =	sadd.s32 s3, s5;
	[dreg:$0x0] =	wrdreg $0x0  }
0xae: {  	s5 =	sshll.u32 s28, $0x1;
	[dreg:$0x2] =	wrdreg s3  }
0xaf: {  	[dreg:$0x3] =	wrdreg s5  }
0xb0: {  	[dreg:$0x4] =	wrdreg $0xC0  }
0xb1: {  	_ =	task [dreg:s7], $0x5FFFF  }
0xb2: {  	[dreg:$0x1] =	wrdreg $0xFFFFFFFF  }
0xb3: {  	[dreg:$0x0] =	wrdreg $0x60  }
0xb4: {  	[dreg:$0x2] =	wrdreg s16  }
0xb5: {  	[dreg:$0x3] =	wrdreg s24  }
0xb6: {  	[dreg:$0x4] =	wrdreg $0x30800  }
0xb7: {  	[dreg:$0x5] =	wrdreg $0x9  }
0xb8: {  	_ =	task.clear_ibuf [dreg:s7], $0x6FFFF;
	_ =	strace $0x90000046  }
0xb9: {  	s29 =	simm.s32 $0x9;
	_ =	strace $0x80000048  }
0xba: {  	_ =	swait.ge [sflag:s29], $0x1  }
0xbb: {  	[sflag:s29] =	ssyncadd.s32 $0xFFFFFFFF  }
0xbc: {  	_ =	strace $0x90000048  }
0xbd: {  	_ =	sfence  }
0xbe: {  	s30 =	sld [smem:$0x0];
	_ =	sdelay $0x2  }
0xbf: {  	s31 =	sshll.u32 s1, $0xD;
	s1 =	sshrl.u32 s1, $0x2  }
0xc0: {  	s3 =	sand.u32 $0x4000, s31;
	s1 =	sadd.s32 s1, s30  }
0xc1: {  	s0 =	sor.u32 s3, s0;
	s1 =	sshll.u32 s1, $0x11  }
0xc2: {  	s0 =	sor.u32 s1, s0  }
0xc3: {  	s0 =	sadd.s32 $0x8F2B, s0  }
0xc4: {  	[sflag:s0] =	ssyncadd.remote.s32 $0x1  }
0xc5: {  	_ =	sfence.sel $0xFFFF  }
0xc6: {  	[dreg:$0x0] =	wrdreg $0xFFFFFFFF;
	(pc) =	sbr.abs _section_cstart, $3  }
0xc7: {  	[dreg:$0x1] =	wrdreg $0xFFFFFFFF  }
0xc8: {  	_ =	task.clear_ibuf [dreg:s7], $0x2FFFF;
	_ =	strace $0x9FFFFFFF  }
0xc9: {  	(tm) =	ssettm $0x7FFFFFFF  }
tec
execute0_lowered:
.L_overlay_start_1:
0x0: {  	(tag) =	ssettag $0x1  }
0x1: {  	s5 =	rddreg [dreg:$0x0]  }
0x2: {  	s6 =	rddreg [dreg:$0x1]  }
0x3: {  	s2 =	rddreg [dreg:$0x2]  }
0x4: {  	s0 =	rddreg [dreg:$0x3];
	s3 =	simm.s32 $0x0;
	s1 =	stileid.u32  }
0x5: {  	s4 =	srdreg.scid;
	s13 =	simm.s32 $0x70;
	s14 =	simm.s32 $0x20  }
0x6: {  	s15 =	simm.s32 $0x10;
	s16 =	simm.s32 $0x0;
	s7 =	smul.u32 $0x280, s1  }
0x7: {  	[smem:$0x7FF] =	sst s3;
	s8 =	sand.u32 $0x1, s4;
	s9 =	smul.u32 $0x500, s1  }
0x8: {  	s4 =	sadd.s32 $0x4600, s6;
	s31 =	sshll.u32 s1, $0x6;
	_ =	strace $0x80000047  }
0x9: {  	s10 =	sshll.u32 s8, $0x7;
	s11 =	sshll.u32 s8, $0x4;
	s8 =	ssub.s32 $0x2, s8  }
0xa: {  	s12 =	sshrl.u32 s7, $0x3;
	s9 =	sor.u32 s10, s9;
	s26 =	sor.u32 s1, s11  }
0xb: {  	s29 =	sshrl.u32 s8, $0x1;
	s30 =	sadd.s32 s7, s2;
	s11 =	sor.u32 $0x1C01, s31  }
0xc: {  	s9 =	sshrl.u32 s9, $0x3;
	s10 =	smul.u32 $0x600, s26;
	s28 =	sadd.s32 s12, s6  }
0xd: {  	s8 =	ssub.s32 s8, s29;
	s12 =	sshrl.u32 s30, $0x3;
	s9 =	sadd.s32 s9, s6  }
0xe: {  	s6 =	sadd.s32 $0x4000, s28;
	s8 =	smax.u32 s8, $0x1;
	s5 =	sadd.s32 s5, s10  }
0xf: {  	s7 =	sadd.s32 $0x4800, s9;
	s9 =	simm.s32 $0x1;
	s10 =	simm.s32 $0x3000  }
.LBB2_1:
0x10: {  	[tilespmem:s3], [sflag:$0x1] =	stream.linear.gather [hbm4b:s5+s3], $0x2D00, $0x38;
	[tilespmem:$0x3300] =	vst v63  }
0x11: {  	_ =	swait.ge [sflag:s9], $0x2D00  }
0x12: {  	[sflag:s9] =	ssyncset.done $0x0  }
0x13: {  	[sflag:s9] =	ssyncadd.s32 $0xFFFFD300  }
0x14: {  	[tilespmem:s10], [sflag:$0x1] =	stream.linear.gather [hbm4b:s4+s3], $0x80, $0x38;
	[tilespmem:$0x3300] =	vst v63  }
0x15: {  	_ =	swait.ge [sflag:s9], $0x80  }
0x16: {  	[sflag:s9] =	ssyncset.done $0x0  }
0x17: {  	[sflag:s9] =	ssyncadd.s32 $0xFFFFFF80  }
0x18: {  	[spmem:s12], [sflag:s11] =	dma.local [hbm:s6], $0x50  }
0x19: {  	_ =	swait.ge [sflag:s9], $0x50  }
0x1a: {  	[sflag:s9] =	ssyncset.done $0x0  }
0x1b: {  	[sflag:s9] =	ssyncadd.s32 $0xFFFFFFB0  }
0x1c: {  	s17 =	simm.s32 $0x0;
	[bflag:$0x0] =	sbarrier.arrive $0xFFFF  }
0x1d: {  	[spmem:s2] =	stream.indirect.scatter.add.f32 [tilespmem:s10], [sflag:$0x1], $0x1, s17, s13, $0xb8;
	[tilespmem:$0x3300] =	vst v63  }
0x1e: {  	_ =	swait.ge [sflag:s9], $0x70  }
0x1f: {  	s17 =	simm.s32 $0x200;
	[sflag:s9] =	ssyncset.done $0x0  }
.LBB2_2:
0x20: {  	s18 =	sshra.s32 s17, $0x2;
	[sflag:s9] =	ssyncadd.s32 $0xFFFFFF90;
	p0 =	sne.s32 s17, $0xB200  }
0x21: {  	[spmem:s2] =	stream.indirect.scatter.add.f32 [tilespmem:s10], [sflag:$0x1], $0x1, s18, s13, $0xb8;
	[tilespmem:$0x3300] =	vst v63  }
.Ltmp0:
0x22: {  	_ = 	snop;
	(pc) =	sbr.rel @p0 .LBB2_2-.Ltmp0, $4  }
0x23: {  	_ = 	snop  }
0x24: {  	s17 =	sadd.s32 $0x200, s17  }
0x25: {  	_ =	swait.ge [sflag:s9], $0x70  }
0x26: {  	[sflag:s9] =	ssyncset.done $0x0  }
0x27: {  	s16 =	sadd.s32 $0x1, s16  }
0x28: {  	[sflag:s9] =	ssyncadd.s32 $0xFFFFFF90;
	p0 =	sne.s32 s16, s8  }
.Ltmp1:
0x29: {  	[bflag:$0x0] =	sbarrier.arrive $0xFFFF;
	(pc) =	sbr.rel @p0 .LBB2_1-.Ltmp1, $4  }
0x2a: {  	[hbm:s7@s14], [sflag:s11] =	dma.strided [spmem:s12@s15], $0x50, s9, $0x10   }
0x2b: {  	_ =	swait.ge [sflag:s9], $0x50  }
0x2c: {  	[sflag:s9] =	ssyncset.done $0x0  }
0x2d: {  	[sflag:s9] =	ssyncadd.s32 $0xFFFFFFB0  }
0x2e: {  	_ =	sfence.sel $0x180000  }
0x2f: {  	[bflag:$0x0] =	sbarrier.arrive $0xFFFF  }
0x30: {  	p0 =	sne.s32 s1, $0x0;
	_ =	strace $0x90000047  }
0x31: {  	s0 =	sadd.s32 @!p0 $0x100000, s0;
	[bflag:$0x2] =	sbarrier.arrive $0xFFFF  }
0x32: {  	[sflag:s0] =	ssyncadd.tile.s32 @!p0 $0x1;
	_ =	shalt  }
.Lfunc_end2:
_tile_overlayer_lowered:
.L_overlay_start_2:
0x33: {  	(tag) =	ssettag $0x2  }
0x34: {  	s0 =	rddreg [dreg:$0x0];
	s2 =	stileid.u32  }
0x35: {  	s1 =	rddreg [dreg:$0x1];
	p0 =	sne.s32 s2, $0x0  }
0x36: {  	s3 =	rddreg [dreg:$0x2];
	[bflag:$0x3] =	sbarrier.arrive $0xFFFF;
	s2 =	simm.s32 @!p0 $0x1C01  }
0x37: {  	[timem:s3], [sflag:s2] =	dma.local @!p0 [hbm:s0], s1  }
0x38: {  	s0 =	simm.s32 @!p0 $0x1  }
0x39: {  	_ =	swait.ge @!p0 [sflag:s0], s1  }
0x3a: {  	s1 =	ssub.s32 @!p0 $0x0, s1;
	[sflag:s0] =	ssyncset.done @!p0 $0x0  }
0x3b: {  	[sflag:s0] =	ssyncadd.s32 @!p0 s1  }
0x3c: {  	[bflag:$0x3] =	sbarrier.arrive $0xFFFF  }
0x3d: {  	_ =	shalt  }

// kernel: kernel.15.cloned.1.call-start
scs
__scs_entry_jumppad:
0x0: {  	(pc) =	sbr.rel $0x88, $3  }
0x1: {  	(tag) =	ssettag $0x0;
	lr =	simm.s32 $0x1  }
0x2: {  	[smem:$0x3F95] =	sst lr;
	_ =	strace $0xD0000000  }
0x3: {  	_ = 	snop  }
0x4: {  	_ = 	snop  }
0x5: {  	_ = 	snop  }
0x6: {  	_ = 	snop  }
0x7: {  	_ = 	snop  }
__scs_overlays_trampoline_lowered:
0x8: {  	[smem:$0x3FA4] =	sst s0  }
0x9: {  	[smem:$0x3FA5] =	sst s1  }
0xa: {  	[smem:$0x3FA6] =	sst s2  }
0xb: {  	[smem:$0x3FA7] =	sst s3  }
0xc: {  	[smem:$0x3FA8] =	sst s4  }
0xd: {  	[smem:$0x3FA9] =	sst s5  }
0xe: {  	[smem:$0x3FAA] =	sst s6  }
0xf: {  	[smem:$0x3FAB] =	sst s7  }
0x10: {  	[smem:$0x3FAC] =	sst s8  }
0x11: {  	[smem:$0x3FAD] =	sst s9;
	s0 =	simm.s32 @!p0 $0x0  }
0x12: {  	s1 =	sld [smem:$0x3F93];
	s0 =	simm.s32 @p0 $0x1  }
0x13: {  	[smem:$0x3FAE] =	sst s0;
	s0 =	simm.s32 @!p1 $0x0  }
0x14: {  	s2 =	sld [smem:$0x3F92];
	s0 =	simm.s32 @p1 $0x1  }
0x15: {  	[smem:$0x3FAF] =	sst s0;
	s0 =	simm.s32 @!p2 $0x0  }
0x16: {  	s3 =	sld [smem:$0x3FDB];
	s0 =	simm.s32 @p2 $0x1  }
0x17: {  	s4 =	simm.s32 $0x1BF5;
	[smem:$0x3FB1] =	sst s0  }
0x18: {  	s0 =	sld [smem:$0x3F94];
	_ =	swait.ge [sflag:s4], $0x0  }
0x19: {  	s7 =	sld [smem:$0x3F95]  }
0x1a: {  	s8 =	sadd.s32 $0xFFFFE003, lr  }
0x1b: {  	s9 =	sadd.s32 $0xFFFFFEF7, lr;
	s5 =	simm.s32 $0xFFFFFFFF;
	p2 =	slt.u32 s8, $0xFFFFF086  }
0x1c: {  	p1 =	slt.u32 s9, $0xF7A;
	s5 =	simm.s32 @!p2 $0x0  }
0x1d: {  	s5 =	simm.s32 @p1 $0x1;
	p0 =	seq.s32 s7, s2  }
0x1e: {  	s7 =	smul.u32 @!p0 $0xF7A, s2;
	p2 =	seq.s32 @!p0 s5, $0x0  }
0x1f: {  	s9 =	smul.u32 $0xF7A, s1;
	s8 =	simm.s32 @!p0 $0x1BF5;
	p2 =	por !p2, p0  }
0x20: {  	[sflag:s8] =	ssyncset.s32 @!p0 $0xFFFFF086;
	s6 =	sadd.s32 @!p0 s3, s7;
	s7 =	simm.s32 @!p0 $0x108  }
0x21: {  	s3 =	sadd.s32 s3, s9;
	s6 =	sadd.s32 @!p0 $0x88, s6;
	s7 =	simm.s32 @p2 $0x1082  }
0x22: {  	[simem:s7], [sflag:s8] =	dma.local @!p0 [hbm:s6], $0xF7A  }
0x23: {  	s9 =	sor.u32 $0xD0000000, s2;
	s6 =	simm.s32 $0x108;
	_ =	swait.ge @!p0 [sflag:s8], $0x0  }
0x24: {  	s3 =	sadd.s32 $0x88, s3;
	s6 =	simm.s32 @!p1 $0x1082;
	[sflag:s4] =	ssyncset.s32 $0xFFFFF086  }
0x25: {  	[simem:s6], [sflag:s4] =	dma.local [hbm:s3], $0xF7A  }
0x26: {  	[smem:$0x3F95] =	sst s1;
	(tag) =	ssettag s2;
	_ =	strace s9  }
0x27: {  	s1 =	sld [smem:$0x3FA5]  }
0x28: {  	s2 =	sld [smem:$0x3FA6]  }
0x29: {  	s4 =	sld [smem:$0x3FA8]  }
0x2a: {  	p0 =	seq.s32 s5, $0x0;
	s5 =	sld [smem:$0x3FA9]  }
0x2b: {  	s6 =	sld [smem:$0x3FAA]  }
0x2c: {  	s7 =	sld [smem:$0x3FAB]  }
0x2d: {  	s3 =	simm.s32 $0x108;
	s8 =	sld [smem:$0x3FAC]  }
0x2e: {  	s3 =	simm.s32 @!p0 $0x1082;
	s9 =	sld [smem:$0x3FAD]  }
0x2f: {  	lr =	sadd.s32 s0, s3;
	s0 =	sld [smem:$0x3FA4]  }
0x30: {  	s3 =	sld [smem:$0x3FA7]  }
0x31: {  	[smem:$0x3FB0] =	sst s10  }
0x32: {  	s10 =	sld [smem:$0x3FAE];
	_ =	sdelay $0x3  }
0x33: {  	p0 =	seq.s32 s10, $0x1;
	s10 =	sld [smem:$0x3FB0];
	_ =	sdelay $0x3  }
0x34: {  	[smem:$0x3FB0] =	sst s10  }
0x35: {  	s10 =	sld [smem:$0x3FAF];
	_ =	sdelay $0x3  }
0x36: {  	p1 =	seq.s32 s10, $0x1;
	s10 =	sld [smem:$0x3FB0];
	_ =	sdelay $0x3  }
0x37: {  	[smem:$0x3FB0] =	sst s10  }
0x38: {  	s10 =	sld [smem:$0x3FB1]  }
0x39: {  	_ = 	snop;
	(pc) =	sbr.ind lr, $3  }
0x3a: {  	_ = 	snop  }
0x3b: {  	_ = 	snop  }
0x3c: {  	p2 =	seq.s32 s10, $0x1;
	s10 =	sld [smem:$0x3FB0]  }
0x3d: {  	_ =	shalt  }
0x3e: {  	_ =	shalt  }
0x3f: {  	_ =	shalt  }
0x40: {  	_ =	shalt  }
0x41: {  	_ =	shalt  }
0x42: {  	_ =	shalt  }
0x43: {  	_ =	shalt  }
0x44: {  	_ =	shalt  }
0x45: {  	_ =	shalt  }
0x46: {  	_ =	shalt  }
0x47: {  	_ =	shalt  }
0x48: {  	_ =	shalt  }
0x49: {  	_ =	shalt  }
0x4a: {  	_ =	shalt  }
0x4b: {  	_ =	shalt  }
0x4c: {  	_ =	shalt  }
0x4d: {  	_ =	shalt  }
0x4e: {  	_ =	shalt  }
0x4f: {  	_ =	shalt  }
0x50: {  	_ =	shalt  }
0x51: {  	_ =	shalt  }
0x52: {  	_ =	shalt  }
0x53: {  	_ =	shalt  }
0x54: {  	_ =	shalt  }
0x55: {  	_ =	shalt  }
0x56: {  	_ =	shalt  }
0x57: {  	_ =	shalt  }
0x58: {  	_ =	shalt  }
0x59: {  	_ =	shalt  }
0x5a: {  	_ =	shalt  }
0x5b: {  	_ =	shalt  }
0x5c: {  	_ =	shalt  }
0x5d: {  	_ =	shalt  }
0x5e: {  	_ =	shalt  }
0x5f: {  	_ =	shalt  }
0x60: {  	_ =	shalt  }
0x61: {  	_ =	shalt  }
0x62: {  	_ =	shalt  }
0x63: {  	_ =	shalt  }
0x64: {  	_ =	shalt  }
0x65: {  	_ =	shalt  }
0x66: {  	_ =	shalt  }
0x67: {  	_ =	shalt  }
0x68: {  	_ =	shalt  }
0x69: {  	_ =	shalt  }
0x6a: {  	_ =	shalt  }
0x6b: {  	_ =	shalt  }
0x6c: {  	_ =	shalt  }
0x6d: {  	_ =	shalt  }
0x6e: {  	_ =	shalt  }
0x6f: {  	_ =	shalt  }
0x70: {  	_ =	shalt  }
0x71: {  	_ =	shalt  }
0x72: {  	_ =	shalt  }
0x73: {  	_ =	shalt  }
0x74: {  	_ =	shalt  }
0x75: {  	_ =	shalt  }
0x76: {  	_ =	shalt  }
0x77: {  	_ =	shalt  }
0x78: {  	_ =	shalt  }
0x79: {  	_ =	shalt  }
0x7a: {  	_ =	shalt  }
0x7b: {  	_ =	shalt  }
0x7c: {  	_ =	shalt  }
0x7d: {  	_ =	shalt  }
0x7e: {  	_ =	shalt  }
0x7f: {  	_ =	shalt  }
0x80: {  	_ =	shalt  }
0x81: {  	_ =	shalt  }
0x82: {  	_ =	shalt  }
0x83: {  	_ =	shalt  }
0x84: {  	_ =	shalt  }
0x85: {  	_ =	shalt  }
0x86: {  	_ =	shalt  }
0x87: {  	_ =	shalt  }
.Lfunc_end0:
.L_simem_size_0:
called_computation.1_lowered:
.L_overlay_start_0:
0x88: {  	s2 =	sld [smem:$0x3FD9]  }
0x89: {  	s3 =	sld [smem:$0x3FFE];
	_ =	sdelay $0x1  }
0x8a: {  	s1 =	srdreg.scid  }
0x8b: {  	s0 =	sand.u32 $0x1, s1  }
0x8c: {  	s14 =	sshll.u32 s0, $0xA;
	s2 =	sadd.s32 s3, s2  }
0x8d: {  	s2 =	sadd.s32 s2, s14  }
0x8e: {  	[smem:$0x3FBC] =	sst s2  }
0x8f: {  	_ = 	snop  }
0x90: {  	s2 =	sld [smem:$0x3FD0];
	_ =	sdelay $0x2  }
0x91: {  	s15 =	simm.s32 $0xA;
	s4 =	simm.s32 $0x10  }
0x92: {  	[smem:s4], [sflag:s15] =	dma.local [hbm:s2], $0x1  }
0x93: {  	_ =	swait.eq [sflag:s15], $0x1  }
0x94: {  	[sflag:s15] =	ssyncset.done $0x0  }
0x95: {  	s16 =	sld [smem:$0x10];
	[sflag:s15] =	ssyncadd.s32 $0xFFFFFFFF  }
0x96: {  	s17 =	sld [smem:$0x11];
	(tm) =	ssettm $0x1  }
0x97: {  	s18 =	sld [smem:$0x3FFB];
	_ =	sdelay $0x3  }
0x98: {  	_ =	strace s18  }
0x99: {  	s4 =	sld [smem:$0x3FFC];
	_ =	sdelay $0x3  }
0x9a: {  	_ =	strace s4  }
0x9b: {  	s4 =	sld [smem:$0x3FFD];
	_ =	sdelay $0x3  }
0x9c: {  	_ =	strace s4  }
0x9d: {  	_ =	strace $0x8FFFFFFF  }
0x9e: {  	s19 =	sld [smem:$0x3FDB];
	_ =	sdelay $0x1  }
0x9f: {  	s5 =	simm.s32 $_scs_section_size  }
0xa0: {  	s6 =	simm.s32 $_size__tile_overlayer_lowered;
	s7 =	simm.s32 $_tile_overlayer_lowered  }
0xa1: {  	s22 =	simm.s32 $0x1BFF;
	s21 =	sshll.u32 s7, $0x1;
	s4 =	sadd.s32 s5, s19  }
0xa2: {  	s8 =	simm.s32 $0x0;
	s20 =	sshll.u32 s6, $0x1;
	s6 =	sadd.s32 s21, s4  }
0xa3: {  	[timem:s8], [sflag:s22] =	dma.local [hbm:s6], s20  }
0xa4: {  	_ =	swait.ge [sflag:s22], s20  }
0xa5: {  	s5 =	ssub.s32 $0x0, s20;
	[sflag:s22] =	ssyncset.done $0x0  }
0xa6: {  	[sflag:s22] =	ssyncadd.s32 s5;
	_ =	sdelay $0x1  }
0xa7: {  	s23 =	simm.s32 $0x1B8B  }
0xa8: {  	_ =	swait.ge [sflag:s23], $0x1  }
0xa9: {  	[sflag:s23] =	ssyncset.done $0x0  }
0xaa: {  	s25 =	simm.s32 $0x1B8E;
	s24 =	sld [smem:$0x3FFE];
	[sflag:s23] =	ssyncadd.s32 $0xFFFFFFFF  }
0xab: {  	s26 =	simm.s32 $execute0_lowered;
	[smem:$0x3FD2] =	sst s25  }
0xac: {  	s6 =	sshll.u32 s26, $0x1;
	_ =	strace $0x80000049;
	[dreg:$0x1] =	wrdreg $0xFFFFFFFF  }
0xad: {  	s28 =	simm.s32 $_size_execute0_lowered;
	s4 =	sadd.s32 s4, s6;
	[dreg:$0x0] =	wrdreg $0x0  }
0xae: {  	s6 =	sshll.u32 s28, $0x1;
	[dreg:$0x2] =	wrdreg s4  }
0xaf: {  	[dreg:$0x3] =	wrdreg s6  }
0xb0: {  	[dreg:$0x4] =	wrdreg $0xC0  }
0xb1: {  	_ =	task [dreg:s8], $0x5FFFF  }
0xb2: {  	[dreg:$0x1] =	wrdreg $0xFFFFFFFF  }
0xb3: {  	[dreg:$0x0] =	wrdreg $0x60  }
0xb4: {  	[dreg:$0x2] =	wrdreg s17  }
0xb5: {  	[dreg:$0x3] =	wrdreg s16  }
0xb6: {  	[dreg:$0x4] =	wrdreg s24  }
0xb7: {  	[dreg:$0x5] =	wrdreg $0xB0000  }
0xb8: {  	[dreg:$0x6] =	wrdreg $0x9  }
0xb9: {  	_ =	task.clear_ibuf [dreg:s8], $0x7FFFF;
	_ =	strace $0x90000049  }
0xba: {  	s29 =	simm.s32 $0x9;
	_ =	strace $0x8000004B  }
0xbb: {  	_ =	swait.ge [sflag:s29], $0x1  }
0xbc: {  	[sflag:s29] =	ssyncadd.s32 $0xFFFFFFFF  }
0xbd: {  	_ =	strace $0x9000004B  }
0xbe: {  	_ =	sfence  }
0xbf: {  	s30 =	sld [smem:$0x0];
	_ =	sdelay $0x2  }
0xc0: {  	s31 =	sshll.u32 s1, $0xD;
	s1 =	sshrl.u32 s1, $0x2  }
0xc1: {  	s3 =	sand.u32 $0x4000, s31;
	s1 =	sadd.s32 s1, s30  }
0xc2: {  	s0 =	sor.u32 s3, s0;
	s1 =	sshll.u32 s1, $0x11  }
0xc3: {  	s0 =	sor.u32 s1, s0  }
0xc4: {  	s0 =	sadd.s32 $0x8F2B, s0  }
0xc5: {  	[sflag:s0] =	ssyncadd.remote.s32 $0x1  }
0xc6: {  	_ =	sfence.sel $0xFFFF  }
0xc7: {  	[dreg:$0x0] =	wrdreg $0xFFFFFFFF;
	(pc) =	sbr.abs _section_cstart, $3  }
0xc8: {  	[dreg:$0x1] =	wrdreg $0xFFFFFFFF  }
0xc9: {  	_ =	task.clear_ibuf [dreg:s8], $0x2FFFF;
	_ =	strace $0x9FFFFFFF  }
0xca: {  	(tm) =	ssettm $0x7FFFFFFF  }
0xcb: {  	_ =	shalt  }
tec
execute0_lowered:
.L_overlay_start_1:
0x0: {  	(tag) =	ssettag $0x1  }
0x1: {  	s1 =	rddreg [dreg:$0x0]  }
0x2: {  	s2 =	rddreg [dreg:$0x1]  }
0x3: {  	s0 =	rddreg [dreg:$0x2]  }
0x4: {  	s3 =	rddreg [dreg:$0x3]  }
0x5: {  	s4 =	srdreg.scid;
	s5 =	simm.s32 $0x0;
	s15 =	stileid.u32  }
0x6: {  	s19 =	simm.s32 $0x70;
	s21 =	simm.s32 $0x80;
	s8 =	smul.u32 $0x14000, s15  }
0x7: {  	s28 =	simm.s32 $0x1;
	s29 =	simm.s32 $0x3;
	s14 =	smul.u32 $0x50000, s15  }
0x8: {  	s30 =	simm.s32 $0x0;
	s4 =	sand.u32 $0x1, s4;
	s18 =	smul.u32 $0x2800, s15  }
0x9: {  	[smem:$0x7FF] =	sst s5;
	s17 =	sadd.s32 $0x2C000, s0;
	s7 =	smul.u32 $0x140000, s4  }
0xa: {  	s6 =	sshll.u32 s4, $0x4;
	_ =	strace $0x8000004A;
	s24 =	ssub.s32 $0x2, s4  }
0xb: {  	p0 =	seq.s32 s4, $0x0;
	s9 =	sor.u32 s15, s6;
	s6 =	sadd.s32 $0x4000, s0  }
0xc: {  	s25 =	sshrl.u32 s24, $0x1;
	s31 =	sshrl.u32 s14, $0x2;
	s8 =	sadd.s32 s8, s7  }
0xd: {  	s7 =	smul.u32 $0x3000, s9;
	s16 =	ssub.s32 s24, s25;
	s14 =	sadd.s32 s31, s3  }
0xe: {  	s17 =	smov.u32 @p0 s6;
	s8 =	sshrl.u32 s8, $0x3;
	s16 =	smax.u32 s16, $0x1  }
0xf: {  	s17 =	sadd.s32 s17, s18;
	s18 =	simm.s32 $0x2;
	s10 =	sshrl.u32 s7, $0x3  }
0x10: {  	s0 =	sadd.s32 s8, s0;
	s26 =	sadd.s32 s1, s10;
	s9 =	sadd.s32 s2, s10  }
0x11: {  	s11 =	sor.u32 $0x10, s10;
	s13 =	sor.u32 $0x20, s10;
	s15 =	sadd.s32 $0x54000, s0  }
0x12: {  	[dreg:$0x5] =	wrdreg s26;
	s10 =	sadd.s32 s1, s11;
	s11 =	sadd.s32 s2, s11  }
0x13: {  	s12 =	sadd.s32 s1, s13;
	s13 =	sadd.s32 s2, s13;
	s26 =	simm.s32 $0x4  }
.LBB2_1:
0x14: {  	s0 =	rddreg [dreg:$0x5]  }
0x15: {  	[tilespmem:s5], [sflag:$0x2] =	stream.linear.gather [hbm4b:s0+s5], $0x80, $0x38;
	[tilespmem:$0x1F000] =	vst v63  }
0x16: {  	s31 =	simm.s32 $0x400  }
0x17: {  	[tilespmem:s31], [sflag:$0x2] =	stream.linear.gather [hbm4b:s9+s5], $0x80, $0x38;
	[tilespmem:$0x1F000] =	vst v63  }
0x18: {  	_ =	swait.ge [sflag:s18], $0x80  }
0x19: {  	[sflag:s18] =	ssyncset.done $0x0  }
0x1a: {  	[sflag:s18] =	ssyncadd.s32 $0xFFFFFF80  }
0x1b: {  	_ =	swait.ge [sflag:s18], $0x80  }
0x1c: {  	[sflag:s18] =	ssyncset.done $0x0  }
0x1d: {  	s8 =	simm.s32 $0x800;
	[sflag:s18] =	ssyncadd.s32 $0xFFFFFF80  }
0x1e: {  	[tilespmem:s8], [sflag:$0x1] =	stream.indirect.gather [hbm4b:s6+s19], $0x80, s5, s19, $0xb8;
	[tilespmem:$0x1F000] =	vst v63  }
0x1f: {  	_ = 	snop  }
0x20: {  	[tilespmem:s21], [sflag:$0x2] =	stream.linear.gather [hbm4b:s10+s5], $0x80, $0x38;
	[tilespmem:$0x1F000] =	vst v63  }
0x21: {  	s20 =	simm.s32 $0x480  }
0x22: {  	[tilespmem:s20], [sflag:$0x2] =	stream.linear.gather [hbm4b:s11+s5], $0x80, $0x38;
	[tilespmem:$0x1F000] =	vst v63  }
0x23: {  	_ =	swait.ge [sflag:s18], $0x80  }
0x24: {  	[sflag:s18] =	ssyncset.done $0x0  }
0x25: {  	[sflag:s18] =	ssyncadd.s32 $0xFFFFFF80  }
0x26: {  	_ =	swait.ge [sflag:s18], $0x80  }
0x27: {  	[sflag:s18] =	ssyncset.done $0x0  }
0x28: {  	s22 =	simm.s32 $0x4000;
	s25 =	stileid.u32;
	[sflag:s18] =	ssyncadd.s32 $0xFFFFFF80  }
0x29: {  	[tilespmem:s22], [sflag:$0x1] =	stream.indirect.gather [hbm4b:s6+s19], $0x80, s21, s19, $0xb8;
	[tilespmem:$0x1F000] =	vst v63  }
0x2a: {  	s23 =	simm.s32 $0x100;
	s0 =	sshll.u32 s25, $0x6  }
0x2b: {  	[tilespmem:s23], [sflag:$0x2] =	stream.linear.gather [hbm4b:s12+s5], $0x80, $0x38;
	[tilespmem:$0x1F000] =	vst v63  }
0x2c: {  	s24 =	simm.s32 $0x500;
	s4 =	sshrl.u32 s14, $0x3;
	s0 =	sor.u32 $0x1C04, s0  }
0x2d: {  	[tilespmem:s24], [sflag:$0x2] =	stream.linear.gather [hbm4b:s13+s5], $0x80, $0x38;
	[tilespmem:$0x1F000] =	vst v63  }
0x2e: {  	[spmem:s4], [sflag:s0] =	dma.local [hbm:s17], $0x2800  }
0x2f: {  	_ =	swait.ge [sflag:s26], $0x2800  }
0x30: {  	[sflag:s26] =	ssyncset.done $0x0  }
0x31: {  	[sflag:s26] =	ssyncadd.s32 $0xFFFFD800  }
0x32: {  	s20 =	simm.s32 $0x180;
	s22 =	simm.s32 $0x0;
	[bflag:$0x0] =	sbarrier.arrive $0xFFFF  }
.LBB2_2:
0x33: {  	_ =	swait.ge [sflag:s28], $0x3800  }
0x34: {  	p0 =	seq.s32 s22, $0x0;
	[sflag:s28] =	ssyncset.done $0x0  }
0x35: {  	s23 =	simm.s32 @!p0 $0x3;
	[sflag:s28] =	ssyncadd.s32 $0xFFFFC800  }
0x36: {  	p1 =	sgt.u32 @!p0 s22, $0x57;
	_ =	swait.ge @!p0 [sflag:s23], $0x3800  }
0x37: {  	p1 =	por p0, !p1;
	[sflag:s23] =	ssyncset.done @!p0 $0x0  }
0x38: {  	[sflag:s23] =	ssyncadd.s32 @!p0 $0xFFFFC800;
	s23 =	sadd.s32 @p1 $0x2, s22  }
0x39: {  	s24 =	smul.u32 @p1 $0xAB, s23;
	_ =	sdelay $0x1  }
0x3a: {  	s24 =	sshrl.u32 @p1 s24, $0x9  }
0x3b: {  	s24 =	sand.u32 @p1 $0x7F, s24  }
0x3c: {  	s24 =	smul.u32 @p1 $0x3, s24;
	_ =	sdelay $0x1  }
0x3d: {  	_ =	swait.ge @p1 [sflag:s18], $0x80;
	s23 =	ssub.s32 @p1 s23, s24  }
0x3e: {  	[sflag:s18] =	ssyncset.done @p1 $0x0;
	s23 =	sand.u32 @p1 $0xFF, s23  }
0x3f: {  	[sflag:s18] =	ssyncadd.s32 @p1 $0xFFFFFF80;
	s23 =	smul.u32 @p1 $0xE000, s23  }
0x40: {  	_ =	swait.ge @p1 [sflag:s18], $0x80  }
0x41: {  	[sflag:s18] =	ssyncset.done @p1 $0x0;
	s24 =	sand.u32 @p1 $0xE00, s31;
	s23 =	sshrl.u32 @p1 s23, $0x2  }
0x42: {  	[sflag:s18] =	ssyncadd.s32 @p1 $0xFFFFFF80;
	s24 =	sshrl.u32 @p1 s24, $0x2;
	s23 =	sadd.s32 @p1 $0x800, s23  }
0x43: {  	[tilespmem:s23], [sflag:$0x1] =	stream.indirect.gather @p1 [hbm4b:s6+s19], $0x80, s24, s19, $0xb8;
	[tilespmem:$0x1F000] =	vst v63  }
0x44: {  	s24 =	smul.u32 $0xAB, s22;
	_ =	sdelay $0x1  }
0x45: {  	s23 =	sshrl.u32 s24, $0x9  }
0x46: {  	s23 =	sand.u32 $0x7F, s23  }
0x47: {  	s23 =	smul.u32 $0x3, s23;
	_ =	sdelay $0x1  }
0x48: {  	s23 =	ssub.s32 s22, s23  }
0x49: {  	s23 =	sand.u32 $0xFF, s23  }
0x4a: {  	s25 =	sadd.s32 $0xFFFFFC00, s31;
	s23 =	smul.u32 $0xE000, s23  }
0x4b: {  	s24 =	sand.u32 $0xE00, s25  }
0x4c: {  	s24 =	sshrl.u32 s24, $0x2;
	s23 =	sshrl.u32 s23, $0x2  }
0x4d: {  	p0 =	sgt.u32 s22, $0x56;
	s24 =	sor.u32 $0x400, s24;
	s23 =	sadd.s32 $0x800, s23  }
0x4e: {  	[spmem:s3] =	stream.indirect.scatter.add.f32 [tilespmem:s23], [sflag:$0x3], $0x80, s24, s19, $0xb8;
	[tilespmem:$0x1F000] =	vst v63  }
0x4f: {  	s23 =	sand.u32 @!p0 $0x7C00, s20  }
0x50: {  	s24 =	sand.u32 @!p0 $0x380, s20;
	s23 =	sadd.s32 @!p0 s7, s23  }
0x51: {  	s23 =	sor.u32 @!p0 s24, s23  }
0x52: {  	s23 =	sshrl.u32 @!p0 s23, $0x3  }
0x53: {  	s8 =	simm.s32 @!p0 $0x0;
	s25 =	sadd.s32 @!p0 s1, s23  }
0x54: {  	[tilespmem:s24], [sflag:$0x2] =	stream.linear.gather @!p0 [hbm4b:s25+s8], $0x80, $0x38;
	[tilespmem:$0x1F000] =	vst v63  }
0x55: {  	s22 =	sadd.s32 $0x1, s22;
	s23 =	sadd.s32 @!p0 s2, s23;
	s24 =	sor.u32 @!p0 $0x400, s24  }
0x56: {  	[tilespmem:s24], [sflag:$0x2] =	stream.linear.gather @!p0 [hbm4b:s23+s8], $0x80, $0x38;
	[tilespmem:$0x1F000] =	vst v63  }
0x57: {  	p0 =	sne.s32 s22, $0x5A  }
.Ltmp0:
0x58: {  	_ = 	snop;
	(pc) =	sbr.rel @p0 .LBB2_2-.Ltmp0, $2  }
0x59: {  	_ =	sdelay $0x2  }
0x5a: {  	s31 =	sadd.s32 $0x200, s31;
	s20 =	sadd.s32 $0x80, s20  }
0x5b: {  	_ =	swait.ge [sflag:s29], $0x3800  }
0x5c: {  	s30 =	sadd.s32 $0x1, s30;
	[sflag:s29] =	ssyncset.done $0x0  }
0x5d: {  	p0 =	sne.s32 s30, s16;
	[sflag:s29] =	ssyncadd.s32 $0xFFFFC800  }
.Ltmp1:
0x5e: {  	[bflag:$0x0] =	sbarrier.arrive $0xFFFF;
	(pc) =	sbr.rel @p0 .LBB2_1-.Ltmp1, $4  }
0x5f: {  	[hbm:s15], [sflag:s0] =	dma.local [spmem:s4], $0x2800  }
0x60: {  	_ =	swait.ge [sflag:s26], $0x2800  }
0x61: {  	[sflag:s26] =	ssyncset.done $0x0  }
0x62: {  	[sflag:s26] =	ssyncadd.s32 $0xFFFFD800  }
0x63: {  	_ =	sfence.sel $0x180000  }
0x64: {  	[bflag:$0x0] =	sbarrier.arrive $0xFFFF  }
0x65: {  	_ =	strace $0x9000004A  }
0x66: {  	s0 =	stileid.u32;
	[bflag:$0x2] =	sbarrier.arrive $0xFFFF  }
0x67: {  	p0 =	sne.s32 s0, $0x0;
	s0 =	rddreg [dreg:$0x4]  }
0x68: {  	s0 =	sadd.s32 @!p0 $0x100000, s0  }
0x69: {  	[sflag:s0] =	ssyncadd.tile.s32 @!p0 $0x1;
	_ =	shalt  }
.Lfunc_end2:
_tile_overlayer_lowered:
.L_overlay_start_2:
0x6a: {  	(tag) =	ssettag $0x2  }
0x6b: {  	s0 =	rddreg [dreg:$0x0];
	s2 =	stileid.u32  }
0x6c: {  	s1 =	rddreg [dreg:$0x1];
	p0 =	sne.s32 s2, $0x0  }
0x6d: {  	s3 =	rddreg [dreg:$0x2];
	[bflag:$0x3] =	sbarrier.arrive $0xFFFF;
	s2 =	simm.s32 @!p0 $0x1C04  }
0x6e: {  	[timem:s3], [sflag:s2] =	dma.local @!p0 [hbm:s0], s1  }
0x6f: {  	s0 =	simm.s32 @!p0 $0x4  }
0x70: {  	_ =	swait.ge @!p0 [sflag:s0], s1  }
0x71: {  	s1 =	ssub.s32 @!p0 $0x0, s1;
	[sflag:s0] =	ssyncset.done @!p0 $0x0  }
0x72: {  	[sflag:s0] =	ssyncadd.s32 @!p0 s1  }
0x73: {  	[bflag:$0x3] =	sbarrier.arrive $0xFFFF  }
0x74: {  	_ =	shalt  }

// kernel: kernel.18.cloned.1.call-start
scs
__scs_entry_jumppad:
0x0: {  	(pc) =	sbr.rel $0x88, $3  }
0x1: {  	(tag) =	ssettag $0x0;
	lr =	simm.s32 $0x1  }
0x2: {  	[smem:$0x3F95] =	sst lr;
	_ =	strace $0xD0000000  }
0x3: {  	_ = 	snop  }
0x4: {  	_ = 	snop  }
0x5: {  	_ = 	snop  }
0x6: {  	_ = 	snop  }
0x7: {  	_ = 	snop  }
__scs_overlays_trampoline_lowered:
0x8: {  	[smem:$0x3FA4] =	sst s0  }
0x9: {  	[smem:$0x3FA5] =	sst s1  }
0xa: {  	[smem:$0x3FA6] =	sst s2  }
0xb: {  	[smem:$0x3FA7] =	sst s3  }
0xc: {  	[smem:$0x3FA8] =	sst s4  }
0xd: {  	[smem:$0x3FA9] =	sst s5  }
0xe: {  	[smem:$0x3FAA] =	sst s6  }
0xf: {  	[smem:$0x3FAB] =	sst s7  }
0x10: {  	[smem:$0x3FAC] =	sst s8  }
0x11: {  	[smem:$0x3FAD] =	sst s9;
	s0 =	simm.s32 @!p0 $0x0  }
0x12: {  	s1 =	sld [smem:$0x3F93];
	s0 =	simm.s32 @p0 $0x1  }
0x13: {  	[smem:$0x3FAE] =	sst s0;
	s0 =	simm.s32 @!p1 $0x0  }
0x14: {  	s2 =	sld [smem:$0x3F92];
	s0 =	simm.s32 @p1 $0x1  }
0x15: {  	[smem:$0x3FAF] =	sst s0;
	s0 =	simm.s32 @!p2 $0x0  }
0x16: {  	s3 =	sld [smem:$0x3FDB];
	s0 =	simm.s32 @p2 $0x1  }
0x17: {  	s4 =	simm.s32 $0x1BF5;
	[smem:$0x3FB1] =	sst s0  }
0x18: {  	s0 =	sld [smem:$0x3F94];
	_ =	swait.ge [sflag:s4], $0x0  }
0x19: {  	s7 =	sld [smem:$0x3F95]  }
0x1a: {  	s8 =	sadd.s32 $0xFFFFE003, lr  }
0x1b: {  	s9 =	sadd.s32 $0xFFFFFEF7, lr;
	s5 =	simm.s32 $0xFFFFFFFF;
	p2 =	slt.u32 s8, $0xFFFFF086  }
0x1c: {  	p1 =	slt.u32 s9, $0xF7A;
	s5 =	simm.s32 @!p2 $0x0  }
0x1d: {  	s5 =	simm.s32 @p1 $0x1;
	p0 =	seq.s32 s7, s2  }
0x1e: {  	s7 =	smul.u32 @!p0 $0xF7A, s2;
	p2 =	seq.s32 @!p0 s5, $0x0  }
0x1f: {  	s9 =	smul.u32 $0xF7A, s1;
	s8 =	simm.s32 @!p0 $0x1BF5;
	p2 =	por !p2, p0  }
0x20: {  	[sflag:s8] =	ssyncset.s32 @!p0 $0xFFFFF086;
	s6 =	sadd.s32 @!p0 s3, s7;
	s7 =	simm.s32 @!p0 $0x108  }
0x21: {  	s3 =	sadd.s32 s3, s9;
	s6 =	sadd.s32 @!p0 $0x88, s6;
	s7 =	simm.s32 @p2 $0x1082  }
0x22: {  	[simem:s7], [sflag:s8] =	dma.local @!p0 [hbm:s6], $0xF7A  }
0x23: {  	s9 =	sor.u32 $0xD0000000, s2;
	s6 =	simm.s32 $0x108;
	_ =	swait.ge @!p0 [sflag:s8], $0x0  }
0x24: {  	s3 =	sadd.s32 $0x88, s3;
	s6 =	simm.s32 @!p1 $0x1082;
	[sflag:s4] =	ssyncset.s32 $0xFFFFF086  }
0x25: {  	[simem:s6], [sflag:s4] =	dma.local [hbm:s3], $0xF7A  }
0x26: {  	[smem:$0x3F95] =	sst s1;
	(tag) =	ssettag s2;
	_ =	strace s9  }
0x27: {  	s1 =	sld [smem:$0x3FA5]  }
0x28: {  	s2 =	sld [smem:$0x3FA6]  }
0x29: {  	s4 =	sld [smem:$0x3FA8]  }
0x2a: {  	p0 =	seq.s32 s5, $0x0;
	s5 =	sld [smem:$0x3FA9]  }
0x2b: {  	s6 =	sld [smem:$0x3FAA]  }
0x2c: {  	s7 =	sld [smem:$0x3FAB]  }
0x2d: {  	s3 =	simm.s32 $0x108;
	s8 =	sld [smem:$0x3FAC]  }
0x2e: {  	s3 =	simm.s32 @!p0 $0x1082;
	s9 =	sld [smem:$0x3FAD]  }
0x2f: {  	lr =	sadd.s32 s0, s3;
	s0 =	sld [smem:$0x3FA4]  }
0x30: {  	s3 =	sld [smem:$0x3FA7]  }
0x31: {  	[smem:$0x3FB0] =	sst s10  }
0x32: {  	s10 =	sld [smem:$0x3FAE];
	_ =	sdelay $0x3  }
0x33: {  	p0 =	seq.s32 s10, $0x1;
	s10 =	sld [smem:$0x3FB0];
	_ =	sdelay $0x3  }
0x34: {  	[smem:$0x3FB0] =	sst s10  }
0x35: {  	s10 =	sld [smem:$0x3FAF];
	_ =	sdelay $0x3  }
0x36: {  	p1 =	seq.s32 s10, $0x1;
	s10 =	sld [smem:$0x3FB0];
	_ =	sdelay $0x3  }
0x37: {  	[smem:$0x3FB0] =	sst s10  }
0x38: {  	s10 =	sld [smem:$0x3FB1]  }
0x39: {  	_ = 	snop;
	(pc) =	sbr.ind lr, $3  }
0x3a: {  	_ = 	snop  }
0x3b: {  	_ = 	snop  }
0x3c: {  	p2 =	seq.s32 s10, $0x1;
	s10 =	sld [smem:$0x3FB0]  }
0x3d: {  	_ =	shalt  }
0x3e: {  	_ =	shalt  }
0x3f: {  	_ =	shalt  }
0x40: {  	_ =	shalt  }
0x41: {  	_ =	shalt  }
0x42: {  	_ =	shalt  }
0x43: {  	_ =	shalt  }
0x44: {  	_ =	shalt  }
0x45: {  	_ =	shalt  }
0x46: {  	_ =	shalt  }
0x47: {  	_ =	shalt  }
0x48: {  	_ =	shalt  }
0x49: {  	_ =	shalt  }
0x4a: {  	_ =	shalt  }
0x4b: {  	_ =	shalt  }
0x4c: {  	_ =	shalt  }
0x4d: {  	_ =	shalt  }
0x4e: {  	_ =	shalt  }
0x4f: {  	_ =	shalt  }
0x50: {  	_ =	shalt  }
0x51: {  	_ =	shalt  }
0x52: {  	_ =	shalt  }
0x53: {  	_ =	shalt  }
0x54: {  	_ =	shalt  }
0x55: {  	_ =	shalt  }
0x56: {  	_ =	shalt  }
0x57: {  	_ =	shalt  }
0x58: {  	_ =	shalt  }
0x59: {  	_ =	shalt  }
0x5a: {  	_ =	shalt  }
0x5b: {  	_ =	shalt  }
0x5c: {  	_ =	shalt  }
0x5d: {  	_ =	shalt  }
0x5e: {  	_ =	shalt  }
0x5f: {  	_ =	shalt  }
0x60: {  	_ =	shalt  }
0x61: {  	_ =	shalt  }
0x62: {  	_ =	shalt  }
0x63: {  	_ =	shalt  }
0x64: {  	_ =	shalt  }
0x65: {  	_ =	shalt  }
0x66: {  	_ =	shalt  }
0x67: {  	_ =	shalt  }
0x68: {  	_ =	shalt  }
0x69: {  	_ =	shalt  }
0x6a: {  	_ =	shalt  }
0x6b: {  	_ =	shalt  }
0x6c: {  	_ =	shalt  }
0x6d: {  	_ =	shalt  }
0x6e: {  	_ =	shalt  }
0x6f: {  	_ =	shalt  }
0x70: {  	_ =	shalt  }
0x71: {  	_ =	shalt  }
0x72: {  	_ =	shalt  }
0x73: {  	_ =	shalt  }
0x74: {  	_ =	shalt  }
0x75: {  	_ =	shalt  }
0x76: {  	_ =	shalt  }
0x77: {  	_ =	shalt  }
0x78: {  	_ =	shalt  }
0x79: {  	_ =	shalt  }
0x7a: {  	_ =	shalt  }
0x7b: {  	_ =	shalt  }
0x7c: {  	_ =	shalt  }
0x7d: {  	_ =	shalt  }
0x7e: {  	_ =	shalt  }
0x7f: {  	_ =	shalt  }
0x80: {  	_ =	shalt  }
0x81: {  	_ =	shalt  }
0x82: {  	_ =	shalt  }
0x83: {  	_ =	shalt  }
0x84: {  	_ =	shalt  }
0x85: {  	_ =	shalt  }
0x86: {  	_ =	shalt  }
0x87: {  	_ =	shalt  }
.Lfunc_end0:
.L_simem_size_0:
called_computation.2_lowered:
.L_overlay_start_0:
0x88: {  	s2 =	sld [smem:$0x3FD9]  }
0x89: {  	s3 =	sld [smem:$0x3FFE];
	_ =	sdelay $0x1  }
0x8a: {  	s1 =	srdreg.scid  }
0x8b: {  	s0 =	sand.u32 $0x1, s1  }
0x8c: {  	s14 =	sshll.u32 s0, $0xA;
	s2 =	sadd.s32 s3, s2  }
0x8d: {  	s2 =	sadd.s32 s2, s14  }
0x8e: {  	[smem:$0x3FBC] =	sst s2  }
0x8f: {  	_ = 	snop  }
0x90: {  	s2 =	sld [smem:$0x3FD0];
	_ =	sdelay $0x2  }
0x91: {  	s15 =	simm.s32 $0xA;
	s4 =	simm.s32 $0x10  }
0x92: {  	[smem:s4], [sflag:s15] =	dma.local [hbm:s2], $0x1  }
0x93: {  	_ =	swait.eq [sflag:s15], $0x1  }
0x94: {  	[sflag:s15] =	ssyncset.done $0x0  }
0x95: {  	s16 =	sld [smem:$0x10];
	[sflag:s15] =	ssyncadd.s32 $0xFFFFFFFF  }
0x96: {  	s17 =	sld [smem:$0x11];
	(tm) =	ssettm $0x1  }
0x97: {  	s18 =	sld [smem:$0x3FFB];
	_ =	sdelay $0x3  }
0x98: {  	_ =	strace s18  }
0x99: {  	s4 =	sld [smem:$0x3FFC];
	_ =	sdelay $0x3  }
0x9a: {  	_ =	strace s4  }
0x9b: {  	s4 =	sld [smem:$0x3FFD];
	_ =	sdelay $0x3  }
0x9c: {  	_ =	strace s4  }
0x9d: {  	_ =	strace $0x8FFFFFFF  }
0x9e: {  	s19 =	sld [smem:$0x3FDB];
	_ =	sdelay $0x1  }
0x9f: {  	s5 =	simm.s32 $_scs_section_size  }
0xa0: {  	s6 =	simm.s32 $_size__tile_overlayer_lowered;
	s7 =	simm.s32 $_tile_overlayer_lowered  }
0xa1: {  	s22 =	simm.s32 $0x1BFF;
	s21 =	sshll.u32 s7, $0x1;
	s4 =	sadd.s32 s5, s19  }
0xa2: {  	s8 =	simm.s32 $0x0;
	s20 =	sshll.u32 s6, $0x1;
	s6 =	sadd.s32 s21, s4  }
0xa3: {  	[timem:s8], [sflag:s22] =	dma.local [hbm:s6], s20  }
0xa4: {  	_ =	swait.ge [sflag:s22], s20  }
0xa5: {  	s5 =	ssub.s32 $0x0, s20;
	[sflag:s22] =	ssyncset.done $0x0  }
0xa6: {  	[sflag:s22] =	ssyncadd.s32 s5;
	_ =	sdelay $0x1  }
0xa7: {  	s23 =	simm.s32 $0x1B8B  }
0xa8: {  	_ =	swait.ge [sflag:s23], $0x1  }
0xa9: {  	[sflag:s23] =	ssyncset.done $0x0  }
0xaa: {  	s25 =	simm.s32 $0x1B8E;
	s24 =	sld [smem:$0x3FFE];
	[sflag:s23] =	ssyncadd.s32 $0xFFFFFFFF  }
0xab: {  	s26 =	simm.s32 $execute0_lowered;
	[smem:$0x3FD2] =	sst s25  }
0xac: {  	s6 =	sshll.u32 s26, $0x1;
	_ =	strace $0x8000004C;
	[dreg:$0x1] =	wrdreg $0xFFFFFFFF  }
0xad: {  	s28 =	simm.s32 $_size_execute0_lowered;
	s4 =	sadd.s32 s4, s6;
	[dreg:$0x0] =	wrdreg $0x0  }
0xae: {  	s6 =	sshll.u32 s28, $0x1;
	[dreg:$0x2] =	wrdreg s4  }
0xaf: {  	[dreg:$0x3] =	wrdreg s6  }
0xb0: {  	[dreg:$0x4] =	wrdreg $0xC0  }
0xb1: {  	_ =	task [dreg:s8], $0x5FFFF  }
0xb2: {  	[dreg:$0x1] =	wrdreg $0xFFFFFFFF  }
0xb3: {  	[dreg:$0x0] =	wrdreg $0x60  }
0xb4: {  	[dreg:$0x2] =	wrdreg s17  }
0xb5: {  	[dreg:$0x3] =	wrdreg s16  }
0xb6: {  	[dreg:$0x4] =	wrdreg s24  }
0xb7: {  	[dreg:$0x5] =	wrdreg $0xB0000  }
0xb8: {  	[dreg:$0x6] =	wrdreg $0x9  }
0xb9: {  	_ =	task.clear_ibuf [dreg:s8], $0x7FFFF;
	_ =	strace $0x9000004C  }
0xba: {  	s29 =	simm.s32 $0x9;
	_ =	strace $0x8000004E  }
0xbb: {  	_ =	swait.ge [sflag:s29], $0x1  }
0xbc: {  	[sflag:s29] =	ssyncadd.s32 $0xFFFFFFFF  }
0xbd: {  	_ =	strace $0x9000004E  }
0xbe: {  	_ =	sfence  }
0xbf: {  	s30 =	sld [smem:$0x0];
	_ =	sdelay $0x2  }
0xc0: {  	s31 =	sshll.u32 s1, $0xD;
	s1 =	sshrl.u32 s1, $0x2  }
0xc1: {  	s3 =	sand.u32 $0x4000, s31;
	s1 =	sadd.s32 s1, s30  }
0xc2: {  	s0 =	sor.u32 s3, s0;
	s1 =	sshll.u32 s1, $0x11  }
0xc3: {  	s0 =	sor.u32 s1, s0  }
0xc4: {  	s0 =	sadd.s32 $0x8F2B, s0  }
0xc5: {  	[sflag:s0] =	ssyncadd.remote.s32 $0x1  }
0xc6: {  	_ =	sfence.sel $0xFFFF  }
0xc7: {  	[dreg:$0x0] =	wrdreg $0xFFFFFFFF;
	(pc) =	sbr.abs _section_cstart, $3  }
0xc8: {  	[dreg:$0x1] =	wrdreg $0xFFFFFFFF  }
0xc9: {  	_ =	task.clear_ibuf [dreg:s8], $0x2FFFF;
	_ =	strace $0x9FFFFFFF  }
0xca: {  	(tm) =	ssettm $0x7FFFFFFF  }
0xcb: {  	_ =	shalt  }
tec
execute0_lowered:
.L_overlay_start_1:
0x0: {  	(tag) =	ssettag $0x1  }
0x1: {  	s1 =	rddreg [dreg:$0x0]  }
0x2: {  	s2 =	rddreg [dreg:$0x1]  }
0x3: {  	s0 =	rddreg [dreg:$0x2]  }
0x4: {  	s3 =	rddreg [dreg:$0x3]  }
0x5: {  	s4 =	srdreg.scid;
	s5 =	simm.s32 $0x0;
	s15 =	stileid.u32  }
0x6: {  	s19 =	simm.s32 $0x70;
	s21 =	simm.s32 $0x80;
	s8 =	smul.u32 $0x14000, s15  }
0x7: {  	s28 =	simm.s32 $0x1;
	s29 =	simm.s32 $0x3;
	s14 =	smul.u32 $0x50000, s15  }
0x8: {  	s30 =	simm.s32 $0x0;
	s4 =	sand.u32 $0x1, s4;
	s18 =	smul.u32 $0x2800, s15  }
0x9: {  	[smem:$0x7FF] =	sst s5;
	s17 =	sadd.s32 $0x2C000, s0;
	s7 =	smul.u32 $0x140000, s4  }
0xa: {  	s6 =	sshll.u32 s4, $0x4;
	_ =	strace $0x8000004D;
	s24 =	ssub.s32 $0x2, s4  }
0xb: {  	p0 =	seq.s32 s4, $0x0;
	s9 =	sor.u32 s15, s6;
	s6 =	sadd.s32 $0x4000, s0  }
0xc: {  	s25 =	sshrl.u32 s24, $0x1;
	s31 =	sshrl.u32 s14, $0x2;
	s8 =	sadd.s32 s8, s7  }
0xd: {  	s7 =	smul.u32 $0x3000, s9;
	s16 =	ssub.s32 s24, s25;
	s14 =	sadd.s32 s31, s3  }
0xe: {  	s17 =	smov.u32 @p0 s6;
	s8 =	sshrl.u32 s8, $0x3;
	s16 =	smax.u32 s16, $0x1  }
0xf: {  	s17 =	sadd.s32 s17, s18;
	s18 =	simm.s32 $0x2;
	s10 =	sshrl.u32 s7, $0x3  }
0x10: {  	s0 =	sadd.s32 s8, s0;
	s26 =	sadd.s32 s1, s10;
	s9 =	sadd.s32 s2, s10  }
0x11: {  	s11 =	sor.u32 $0x10, s10;
	s13 =	sor.u32 $0x20, s10;
	s15 =	sadd.s32 $0x54000, s0  }
0x12: {  	[dreg:$0x5] =	wrdreg s26;
	s10 =	sadd.s32 s1, s11;
	s11 =	sadd.s32 s2, s11  }
0x13: {  	s12 =	sadd.s32 s1, s13;
	s13 =	sadd.s32 s2, s13;
	s26 =	simm.s32 $0x4  }
.LBB2_1:
0x14: {  	s0 =	rddreg [dreg:$0x5]  }
0x15: {  	[tilespmem:s5], [sflag:$0x2] =	stream.linear.gather [hbm4b:s0+s5], $0x80, $0x38;
	[tilespmem:$0x1F000] =	vst v63  }
0x16: {  	s31 =	simm.s32 $0x400  }
0x17: {  	[tilespmem:s31], [sflag:$0x2] =	stream.linear.gather [hbm4b:s9+s5], $0x80, $0x38;
	[tilespmem:$0x1F000] =	vst v63  }
0x18: {  	_ =	swait.ge [sflag:s18], $0x80  }
0x19: {  	[sflag:s18] =	ssyncset.done $0x0  }
0x1a: {  	[sflag:s18] =	ssyncadd.s32 $0xFFFFFF80  }
0x1b: {  	_ =	swait.ge [sflag:s18], $0x80  }
0x1c: {  	[sflag:s18] =	ssyncset.done $0x0  }
0x1d: {  	s8 =	simm.s32 $0x800;
	[sflag:s18] =	ssyncadd.s32 $0xFFFFFF80  }
0x1e: {  	[tilespmem:s8], [sflag:$0x1] =	stream.indirect.gather [hbm4b:s6+s19], $0x80, s5, s19, $0xb8;
	[tilespmem:$0x1F000] =	vst v63  }
0x1f: {  	_ = 	snop  }
0x20: {  	[tilespmem:s21], [sflag:$0x2] =	stream.linear.gather [hbm4b:s10+s5], $0x80, $0x38;
	[tilespmem:$0x1F000] =	vst v63  }
0x21: {  	s20 =	simm.s32 $0x480  }
0x22: {  	[tilespmem:s20], [sflag:$0x2] =	stream.linear.gather [hbm4b:s11+s5], $0x80, $0x38;
	[tilespmem:$0x1F000] =	vst v63  }
0x23: {  	_ =	swait.ge [sflag:s18], $0x80  }
0x24: {  	[sflag:s18] =	ssyncset.done $0x0  }
0x25: {  	[sflag:s18] =	ssyncadd.s32 $0xFFFFFF80  }
0x26: {  	_ =	swait.ge [sflag:s18], $0x80  }
0x27: {  	[sflag:s18] =	ssyncset.done $0x0  }
0x28: {  	s22 =	simm.s32 $0x4000;
	s25 =	stileid.u32;
	[sflag:s18] =	ssyncadd.s32 $0xFFFFFF80  }
0x29: {  	[tilespmem:s22], [sflag:$0x1] =	stream.indirect.gather [hbm4b:s6+s19], $0x80, s21, s19, $0xb8;
	[tilespmem:$0x1F000] =	vst v63  }
0x2a: {  	s23 =	simm.s32 $0x100;
	s0 =	sshll.u32 s25, $0x6  }
0x2b: {  	[tilespmem:s23], [sflag:$0x2] =	stream.linear.gather [hbm4b:s12+s5], $0x80, $0x38;
	[tilespmem:$0x1F000] =	vst v63  }
0x2c: {  	s24 =	simm.s32 $0x500;
	s4 =	sshrl.u32 s14, $0x3;
	s0 =	sor.u32 $0x1C04, s0  }
0x2d: {  	[tilespmem:s24], [sflag:$0x2] =	stream.linear.gather [hbm4b:s13+s5], $0x80, $0x38;
	[tilespmem:$0x1F000] =	vst v63  }
0x2e: {  	[spmem:s4], [sflag:s0] =	dma.local [hbm:s17], $0x2800  }
0x2f: {  	_ =	swait.ge [sflag:s26], $0x2800  }
0x30: {  	[sflag:s26] =	ssyncset.done $0x0  }
0x31: {  	[sflag:s26] =	ssyncadd.s32 $0xFFFFD800  }
0x32: {  	s20 =	simm.s32 $0x180;
	s22 =	simm.s32 $0x0;
	[bflag:$0x0] =	sbarrier.arrive $0xFFFF  }
.LBB2_2:
0x33: {  	_ =	swait.ge [sflag:s28], $0x3800  }
0x34: {  	p0 =	seq.s32 s22, $0x0;
	[sflag:s28] =	ssyncset.done $0x0  }
0x35: {  	s23 =	simm.s32 @!p0 $0x3;
	[sflag:s28] =	ssyncadd.s32 $0xFFFFC800  }
0x36: {  	p1 =	sgt.u32 @!p0 s22, $0x57;
	_ =	swait.ge @!p0 [sflag:s23], $0x3800  }
0x37: {  	p1 =	por p0, !p1;
	[sflag:s23] =	ssyncset.done @!p0 $0x0  }
0x38: {  	[sflag:s23] =	ssyncadd.s32 @!p0 $0xFFFFC800;
	s23 =	sadd.s32 @p1 $0x2, s22  }
0x39: {  	s24 =	smul.u32 @p1 $0xAB, s23;
	_ =	sdelay $0x1  }
0x3a: {  	s24 =	sshrl.u32 @p1 s24, $0x9  }
0x3b: {  	s24 =	sand.u32 @p1 $0x7F, s24  }
0x3c: {  	s24 =	smul.u32 @p1 $0x3, s24;
	_ =	sdelay $0x1  }
0x3d: {  	_ =	swait.ge @p1 [sflag:s18], $0x80;
	s23 =	ssub.s32 @p1 s23, s24  }
0x3e: {  	[sflag:s18] =	ssyncset.done @p1 $0x0;
	s23 =	sand.u32 @p1 $0xFF, s23  }
0x3f: {  	[sflag:s18] =	ssyncadd.s32 @p1 $0xFFFFFF80;
	s23 =	smul.u32 @p1 $0xE000, s23  }
0x40: {  	_ =	swait.ge @p1 [sflag:s18], $0x80  }
0x41: {  	[sflag:s18] =	ssyncset.done @p1 $0x0;
	s24 =	sand.u32 @p1 $0xE00, s31;
	s23 =	sshrl.u32 @p1 s23, $0x2  }
0x42: {  	[sflag:s18] =	ssyncadd.s32 @p1 $0xFFFFFF80;
	s24 =	sshrl.u32 @p1 s24, $0x2;
	s23 =	sadd.s32 @p1 $0x800, s23  }
0x43: {  	[tilespmem:s23], [sflag:$0x1] =	stream.indirect.gather @p1 [hbm4b:s6+s19], $0x80, s24, s19, $0xb8;
	[tilespmem:$0x1F000] =	vst v63  }
0x44: {  	s24 =	smul.u32 $0xAB, s22;
	_ =	sdelay $0x1  }
0x45: {  	s23 =	sshrl.u32 s24, $0x9  }
0x46: {  	s23 =	sand.u32 $0x7F, s23  }
0x47: {  	s23 =	smul.u32 $0x3, s23;
	_ =	sdelay $0x1  }
0x48: {  	s23 =	ssub.s32 s22, s23  }
0x49: {  	s23 =	sand.u32 $0xFF, s23  }
0x4a: {  	s25 =	sadd.s32 $0xFFFFFC00, s31;
	s23 =	smul.u32 $0xE000, s23  }
0x4b: {  	s24 =	sand.u32 $0xE00, s25  }
0x4c: {  	s24 =	sshrl.u32 s24, $0x2;
	s23 =	sshrl.u32 s23, $0x2  }
0x4d: {  	p0 =	sgt.u32 s22, $0x56;
	s24 =	sor.u32 $0x400, s24;
	s23 =	sadd.s32 $0x800, s23  }
0x4e: {  	[spmem:s3] =	stream.indirect.scatter.add.f32 [tilespmem:s23], [sflag:$0x3], $0x80, s24, s19, $0xb8;
	[tilespmem:$0x1F000] =	vst v63  }
0x4f: {  	s23 =	sand.u32 @!p0 $0x7C00, s20  }
0x50: {  	s24 =	sand.u32 @!p0 $0x380, s20;
	s23 =	sadd.s32 @!p0 s7, s23  }
0x51: {  	s23 =	sor.u32 @!p0 s24, s23  }
0x52: {  	s23 =	sshrl.u32 @!p0 s23, $0x3  }
0x53: {  	s8 =	simm.s32 @!p0 $0x0;
	s25 =	sadd.s32 @!p0 s1, s23  }
0x54: {  	[tilespmem:s24], [sflag:$0x2] =	stream.linear.gather @!p0 [hbm4b:s25+s8], $0x80, $0x38;
	[tilespmem:$0x1F000] =	vst v63  }
0x55: {  	s22 =	sadd.s32 $0x1, s22;
	s23 =	sadd.s32 @!p0 s2, s23;
	s24 =	sor.u32 @!p0 $0x400, s24  }
0x56: {  	[tilespmem:s24], [sflag:$0x2] =	stream.linear.gather @!p0 [hbm4b:s23+s8], $0x80, $0x38;
	[tilespmem:$0x1F000] =	vst v63  }
0x57: {  	p0 =	sne.s32 s22, $0x5A  }
.Ltmp0:
0x58: {  	_ = 	snop;
	(pc) =	sbr.rel @p0 .LBB2_2-.Ltmp0, $2  }
0x59: {  	_ =	sdelay $0x2  }
0x5a: {  	s31 =	sadd.s32 $0x200, s31;
	s20 =	sadd.s32 $0x80, s20  }
0x5b: {  	_ =	swait.ge [sflag:s29], $0x3800  }
0x5c: {  	s30 =	sadd.s32 $0x1, s30;
	[sflag:s29] =	ssyncset.done $0x0  }
0x5d: {  	p0 =	sne.s32 s30, s16;
	[sflag:s29] =	ssyncadd.s32 $0xFFFFC800  }
.Ltmp1:
0x5e: {  	[bflag:$0x0] =	sbarrier.arrive $0xFFFF;
	(pc) =	sbr.rel @p0 .LBB2_1-.Ltmp1, $4  }
0x5f: {  	[hbm:s15], [sflag:s0] =	dma.local [spmem:s4], $0x2800  }
0x60: {  	_ =	swait.ge [sflag:s26], $0x2800  }
0x61: {  	[sflag:s26] =	ssyncset.done $0x0  }
0x62: {  	[sflag:s26] =	ssyncadd.s32 $0xFFFFD800  }
0x63: {  	_ =	sfence.sel $0x180000  }
0x64: {  	[bflag:$0x0] =	sbarrier.arrive $0xFFFF  }
0x65: {  	_ =	strace $0x9000004D  }
0x66: {  	s0 =	stileid.u32;
	[bflag:$0x2] =	sbarrier.arrive $0xFFFF  }
0x67: {  	p0 =	sne.s32 s0, $0x0;
	s0 =	rddreg [dreg:$0x4]  }
0x68: {  	s0 =	sadd.s32 @!p0 $0x100000, s0  }
0x69: {  	[sflag:s0] =	ssyncadd.tile.s32 @!p0 $0x1;
	_ =	shalt  }
.Lfunc_end2:
_tile_overlayer_lowered:
.L_overlay_start_2:
0x6a: {  	(tag) =	ssettag $0x2  }
0x6b: {  	s0 =	rddreg [dreg:$0x0];
	s2 =	stileid.u32  }
0x6c: {  	s1 =	rddreg [dreg:$0x1];
	p0 =	sne.s32 s2, $0x0  }
0x6d: {  	s3 =	rddreg [dreg:$0x2];
	[bflag:$0x3] =	sbarrier.arrive $0xFFFF;
	s2 =	simm.s32 @!p0 $0x1C04  }
0x6e: {  	[timem:s3], [sflag:s2] =	dma.local @!p0 [hbm:s0], s1  }
0x6f: {  	s0 =	simm.s32 @!p0 $0x4  }
0x70: {  	_ =	swait.ge @!p0 [sflag:s0], s1  }
0x71: {  	s1 =	ssub.s32 @!p0 $0x0, s1;
	[sflag:s0] =	ssyncset.done @!p0 $0x0  }
0x72: {  	[sflag:s0] =	ssyncadd.s32 @!p0 s1  }
0x73: {  	[bflag:$0x3] =	sbarrier.arrive $0xFFFF  }
0x74: {  	_ =	shalt  }

// kernel: kernel.21.cloned.1.call-start
scs
__scs_entry_jumppad:
0x0: {  	(pc) =	sbr.rel $0x88, $3  }
0x1: {  	(tag) =	ssettag $0x0;
	lr =	simm.s32 $0x1  }
0x2: {  	[smem:$0x3F95] =	sst lr;
	_ =	strace $0xD0000000  }
0x3: {  	_ = 	snop  }
0x4: {  	_ = 	snop  }
0x5: {  	_ = 	snop  }
0x6: {  	_ = 	snop  }
0x7: {  	_ = 	snop  }
__scs_overlays_trampoline_lowered:
0x8: {  	[smem:$0x3FA4] =	sst s0  }
0x9: {  	[smem:$0x3FA5] =	sst s1  }
0xa: {  	[smem:$0x3FA6] =	sst s2  }
0xb: {  	[smem:$0x3FA7] =	sst s3  }
0xc: {  	[smem:$0x3FA8] =	sst s4  }
0xd: {  	[smem:$0x3FA9] =	sst s5  }
0xe: {  	[smem:$0x3FAA] =	sst s6  }
0xf: {  	[smem:$0x3FAB] =	sst s7  }
0x10: {  	[smem:$0x3FAC] =	sst s8  }
0x11: {  	[smem:$0x3FAD] =	sst s9;
	s0 =	simm.s32 @!p0 $0x0  }
0x12: {  	s1 =	sld [smem:$0x3F93];
	s0 =	simm.s32 @p0 $0x1  }
0x13: {  	[smem:$0x3FAE] =	sst s0;
	s0 =	simm.s32 @!p1 $0x0  }
0x14: {  	s2 =	sld [smem:$0x3F92];
	s0 =	simm.s32 @p1 $0x1  }
0x15: {  	[smem:$0x3FAF] =	sst s0;
	s0 =	simm.s32 @!p2 $0x0  }
0x16: {  	s3 =	sld [smem:$0x3FDB];
	s0 =	simm.s32 @p2 $0x1  }
0x17: {  	s4 =	simm.s32 $0x1BF5;
	[smem:$0x3FB1] =	sst s0  }
0x18: {  	s0 =	sld [smem:$0x3F94];
	_ =	swait.ge [sflag:s4], $0x0  }
0x19: {  	s7 =	sld [smem:$0x3F95]  }
0x1a: {  	s8 =	sadd.s32 $0xFFFFE003, lr  }
0x1b: {  	s9 =	sadd.s32 $0xFFFFFEF7, lr;
	s5 =	simm.s32 $0xFFFFFFFF;
	p2 =	slt.u32 s8, $0xFFFFF086  }
0x1c: {  	p1 =	slt.u32 s9, $0xF7A;
	s5 =	simm.s32 @!p2 $0x0  }
0x1d: {  	s5 =	simm.s32 @p1 $0x1;
	p0 =	seq.s32 s7, s2  }
0x1e: {  	s7 =	smul.u32 @!p0 $0xF7A, s2;
	p2 =	seq.s32 @!p0 s5, $0x0  }
0x1f: {  	s9 =	smul.u32 $0xF7A, s1;
	s8 =	simm.s32 @!p0 $0x1BF5;
	p2 =	por !p2, p0  }
0x20: {  	[sflag:s8] =	ssyncset.s32 @!p0 $0xFFFFF086;
	s6 =	sadd.s32 @!p0 s3, s7;
	s7 =	simm.s32 @!p0 $0x108  }
0x21: {  	s3 =	sadd.s32 s3, s9;
	s6 =	sadd.s32 @!p0 $0x88, s6;
	s7 =	simm.s32 @p2 $0x1082  }
0x22: {  	[simem:s7], [sflag:s8] =	dma.local @!p0 [hbm:s6], $0xF7A  }
0x23: {  	s9 =	sor.u32 $0xD0000000, s2;
	s6 =	simm.s32 $0x108;
	_ =	swait.ge @!p0 [sflag:s8], $0x0  }
0x24: {  	s3 =	sadd.s32 $0x88, s3;
	s6 =	simm.s32 @!p1 $0x1082;
	[sflag:s4] =	ssyncset.s32 $0xFFFFF086  }
0x25: {  	[simem:s6], [sflag:s4] =	dma.local [hbm:s3], $0xF7A  }
0x26: {  	[smem:$0x3F95] =	sst s1;
	(tag) =	ssettag s2;
	_ =	strace s9  }
0x27: {  	s1 =	sld [smem:$0x3FA5]  }
0x28: {  	s2 =	sld [smem:$0x3FA6]  }
0x29: {  	s4 =	sld [smem:$0x3FA8]  }
0x2a: {  	p0 =	seq.s32 s5, $0x0;
	s5 =	sld [smem:$0x3FA9]  }
0x2b: {  	s6 =	sld [smem:$0x3FAA]  }
0x2c: {  	s7 =	sld [smem:$0x3FAB]  }
0x2d: {  	s3 =	simm.s32 $0x108;
	s8 =	sld [smem:$0x3FAC]  }
0x2e: {  	s3 =	simm.s32 @!p0 $0x1082;
	s9 =	sld [smem:$0x3FAD]  }
0x2f: {  	lr =	sadd.s32 s0, s3;
	s0 =	sld [smem:$0x3FA4]  }
0x30: {  	s3 =	sld [smem:$0x3FA7]  }
0x31: {  	[smem:$0x3FB0] =	sst s10  }
0x32: {  	s10 =	sld [smem:$0x3FAE];
	_ =	sdelay $0x3  }
0x33: {  	p0 =	seq.s32 s10, $0x1;
	s10 =	sld [smem:$0x3FB0];
	_ =	sdelay $0x3  }
0x34: {  	[smem:$0x3FB0] =	sst s10  }
0x35: {  	s10 =	sld [smem:$0x3FAF];
	_ =	sdelay $0x3  }
0x36: {  	p1 =	seq.s32 s10, $0x1;
	s10 =	sld [smem:$0x3FB0];
	_ =	sdelay $0x3  }
0x37: {  	[smem:$0x3FB0] =	sst s10  }
0x38: {  	s10 =	sld [smem:$0x3FB1]  }
0x39: {  	_ = 	snop;
	(pc) =	sbr.ind lr, $3  }
0x3a: {  	_ = 	snop  }
0x3b: {  	_ = 	snop  }
0x3c: {  	p2 =	seq.s32 s10, $0x1;
	s10 =	sld [smem:$0x3FB0]  }
0x3d: {  	_ =	shalt  }
0x3e: {  	_ =	shalt  }
0x3f: {  	_ =	shalt  }
0x40: {  	_ =	shalt  }
0x41: {  	_ =	shalt  }
0x42: {  	_ =	shalt  }
0x43: {  	_ =	shalt  }
0x44: {  	_ =	shalt  }
0x45: {  	_ =	shalt  }
0x46: {  	_ =	shalt  }
0x47: {  	_ =	shalt  }
0x48: {  	_ =	shalt  }
0x49: {  	_ =	shalt  }
0x4a: {  	_ =	shalt  }
0x4b: {  	_ =	shalt  }
0x4c: {  	_ =	shalt  }
0x4d: {  	_ =	shalt  }
0x4e: {  	_ =	shalt  }
0x4f: {  	_ =	shalt  }
0x50: {  	_ =	shalt  }
0x51: {  	_ =	shalt  }
0x52: {  	_ =	shalt  }
0x53: {  	_ =	shalt  }
0x54: {  	_ =	shalt  }
0x55: {  	_ =	shalt  }
0x56: {  	_ =	shalt  }
0x57: {  	_ =	shalt  }
0x58: {  	_ =	shalt  }
0x59: {  	_ =	shalt  }
0x5a: {  	_ =	shalt  }
0x5b: {  	_ =	shalt  }
0x5c: {  	_ =	shalt  }
0x5d: {  	_ =	shalt  }
0x5e: {  	_ =	shalt  }
0x5f: {  	_ =	shalt  }
0x60: {  	_ =	shalt  }
0x61: {  	_ =	shalt  }
0x62: {  	_ =	shalt  }
0x63: {  	_ =	shalt  }
0x64: {  	_ =	shalt  }
0x65: {  	_ =	shalt  }
0x66: {  	_ =	shalt  }
0x67: {  	_ =	shalt  }
0x68: {  	_ =	shalt  }
0x69: {  	_ =	shalt  }
0x6a: {  	_ =	shalt  }
0x6b: {  	_ =	shalt  }
0x6c: {  	_ =	shalt  }
0x6d: {  	_ =	shalt  }
0x6e: {  	_ =	shalt  }
0x6f: {  	_ =	shalt  }
0x70: {  	_ =	shalt  }
0x71: {  	_ =	shalt  }
0x72: {  	_ =	shalt  }
0x73: {  	_ =	shalt  }
0x74: {  	_ =	shalt  }
0x75: {  	_ =	shalt  }
0x76: {  	_ =	shalt  }
0x77: {  	_ =	shalt  }
0x78: {  	_ =	shalt  }
0x79: {  	_ =	shalt  }
0x7a: {  	_ =	shalt  }
0x7b: {  	_ =	shalt  }
0x7c: {  	_ =	shalt  }
0x7d: {  	_ =	shalt  }
0x7e: {  	_ =	shalt  }
0x7f: {  	_ =	shalt  }
0x80: {  	_ =	shalt  }
0x81: {  	_ =	shalt  }
0x82: {  	_ =	shalt  }
0x83: {  	_ =	shalt  }
0x84: {  	_ =	shalt  }
0x85: {  	_ =	shalt  }
0x86: {  	_ =	shalt  }
0x87: {  	_ =	shalt  }
.Lfunc_end0:
.L_simem_size_0:
called_computation.3_lowered:
.L_overlay_start_0:
0x88: {  	s2 =	sld [smem:$0x3FD9]  }
0x89: {  	s3 =	sld [smem:$0x3FFE];
	_ =	sdelay $0x1  }
0x8a: {  	s1 =	srdreg.scid  }
0x8b: {  	s0 =	sand.u32 $0x1, s1  }
0x8c: {  	s14 =	sshll.u32 s0, $0xA;
	s2 =	sadd.s32 s3, s2  }
0x8d: {  	s2 =	sadd.s32 s2, s14  }
0x8e: {  	[smem:$0x3FBC] =	sst s2  }
0x8f: {  	_ = 	snop  }
0x90: {  	s2 =	sld [smem:$0x3FD0];
	_ =	sdelay $0x2  }
0x91: {  	s15 =	simm.s32 $0xA;
	s4 =	simm.s32 $0x10  }
0x92: {  	[smem:s4], [sflag:s15] =	dma.local [hbm:s2], $0x1  }
0x93: {  	_ =	swait.eq [sflag:s15], $0x1  }
0x94: {  	[sflag:s15] =	ssyncset.done $0x0  }
0x95: {  	s16 =	sld [smem:$0x10];
	[sflag:s15] =	ssyncadd.s32 $0xFFFFFFFF  }
0x96: {  	s17 =	sld [smem:$0x11];
	(tm) =	ssettm $0x1  }
0x97: {  	s18 =	sld [smem:$0x3FFB];
	_ =	sdelay $0x3  }
0x98: {  	_ =	strace s18  }
0x99: {  	s4 =	sld [smem:$0x3FFC];
	_ =	sdelay $0x3  }
0x9a: {  	_ =	strace s4  }
0x9b: {  	s4 =	sld [smem:$0x3FFD];
	_ =	sdelay $0x3  }
0x9c: {  	_ =	strace s4  }
0x9d: {  	_ =	strace $0x8FFFFFFF  }
0x9e: {  	s19 =	sld [smem:$0x3FDB];
	_ =	sdelay $0x1  }
0x9f: {  	s5 =	simm.s32 $_scs_section_size  }
0xa0: {  	s6 =	simm.s32 $_size__tile_overlayer_lowered;
	s7 =	simm.s32 $_tile_overlayer_lowered  }
0xa1: {  	s22 =	simm.s32 $0x1BFF;
	s21 =	sshll.u32 s7, $0x1;
	s4 =	sadd.s32 s5, s19  }
0xa2: {  	s8 =	simm.s32 $0x0;
	s20 =	sshll.u32 s6, $0x1;
	s6 =	sadd.s32 s21, s4  }
0xa3: {  	[timem:s8], [sflag:s22] =	dma.local [hbm:s6], s20  }
0xa4: {  	_ =	swait.ge [sflag:s22], s20  }
0xa5: {  	s5 =	ssub.s32 $0x0, s20;
	[sflag:s22] =	ssyncset.done $0x0  }
0xa6: {  	[sflag:s22] =	ssyncadd.s32 s5;
	_ =	sdelay $0x1  }
0xa7: {  	s23 =	simm.s32 $0x1B8B  }
0xa8: {  	_ =	swait.ge [sflag:s23], $0x1  }
0xa9: {  	[sflag:s23] =	ssyncset.done $0x0  }
0xaa: {  	s25 =	simm.s32 $0x1B8E;
	s24 =	sld [smem:$0x3FFE];
	[sflag:s23] =	ssyncadd.s32 $0xFFFFFFFF  }
0xab: {  	s26 =	simm.s32 $execute0_lowered;
	[smem:$0x3FD2] =	sst s25  }
0xac: {  	s6 =	sshll.u32 s26, $0x1;
	_ =	strace $0x8000004F;
	[dreg:$0x1] =	wrdreg $0xFFFFFFFF  }
0xad: {  	s28 =	simm.s32 $_size_execute0_lowered;
	s4 =	sadd.s32 s4, s6;
	[dreg:$0x0] =	wrdreg $0x0  }
0xae: {  	s6 =	sshll.u32 s28, $0x1;
	[dreg:$0x2] =	wrdreg s4  }
0xaf: {  	[dreg:$0x3] =	wrdreg s6  }
0xb0: {  	[dreg:$0x4] =	wrdreg $0xC0  }
0xb1: {  	_ =	task [dreg:s8], $0x5FFFF  }
0xb2: {  	[dreg:$0x1] =	wrdreg $0xFFFFFFFF  }
0xb3: {  	[dreg:$0x0] =	wrdreg $0x60  }
0xb4: {  	[dreg:$0x2] =	wrdreg s17  }
0xb5: {  	[dreg:$0x3] =	wrdreg s16  }
0xb6: {  	[dreg:$0x4] =	wrdreg s24  }
0xb7: {  	[dreg:$0x5] =	wrdreg $0xB0000  }
0xb8: {  	[dreg:$0x6] =	wrdreg $0x9  }
0xb9: {  	_ =	task.clear_ibuf [dreg:s8], $0x7FFFF;
	_ =	strace $0x9000004F  }
0xba: {  	s29 =	simm.s32 $0x9;
	_ =	strace $0x80000051  }
0xbb: {  	_ =	swait.ge [sflag:s29], $0x1  }
0xbc: {  	[sflag:s29] =	ssyncadd.s32 $0xFFFFFFFF  }
0xbd: {  	_ =	strace $0x90000051  }
0xbe: {  	_ =	sfence  }
0xbf: {  	s30 =	sld [smem:$0x0];
	_ =	sdelay $0x2  }
0xc0: {  	s31 =	sshll.u32 s1, $0xD;
	s1 =	sshrl.u32 s1, $0x2  }
0xc1: {  	s3 =	sand.u32 $0x4000, s31;
	s1 =	sadd.s32 s1, s30  }
0xc2: {  	s0 =	sor.u32 s3, s0;
	s1 =	sshll.u32 s1, $0x11  }
0xc3: {  	s0 =	sor.u32 s1, s0  }
0xc4: {  	s0 =	sadd.s32 $0x8F2B, s0  }
0xc5: {  	[sflag:s0] =	ssyncadd.remote.s32 $0x1  }
0xc6: {  	_ =	sfence.sel $0xFFFF  }
0xc7: {  	[dreg:$0x0] =	wrdreg $0xFFFFFFFF;
	(pc) =	sbr.abs _section_cstart, $3  }
0xc8: {  	[dreg:$0x1] =	wrdreg $0xFFFFFFFF  }
0xc9: {  	_ =	task.clear_ibuf [dreg:s8], $0x2FFFF;
	_ =	strace $0x9FFFFFFF  }
0xca: {  	(tm) =	ssettm $0x7FFFFFFF  }
0xcb: {  	_ =	shalt  }
tec
execute0_lowered:
.L_overlay_start_1:
0x0: {  	(tag) =	ssettag $0x1  }
0x1: {  	s1 =	rddreg [dreg:$0x0]  }
0x2: {  	s2 =	rddreg [dreg:$0x1]  }
0x3: {  	s0 =	rddreg [dreg:$0x2]  }
0x4: {  	s3 =	rddreg [dreg:$0x3]  }
0x5: {  	s4 =	srdreg.scid;
	s5 =	simm.s32 $0x0;
	s15 =	stileid.u32  }
0x6: {  	s19 =	simm.s32 $0x70;
	s21 =	simm.s32 $0x80;
	s8 =	smul.u32 $0x14000, s15  }
0x7: {  	s28 =	simm.s32 $0x1;
	s29 =	simm.s32 $0x3;
	s14 =	smul.u32 $0x50000, s15  }
0x8: {  	s30 =	simm.s32 $0x0;
	s4 =	sand.u32 $0x1, s4;
	s18 =	smul.u32 $0x2800, s15  }
0x9: {  	[smem:$0x7FF] =	sst s5;
	s17 =	sadd.s32 $0x2C000, s0;
	s7 =	smul.u32 $0x140000, s4  }
0xa: {  	s6 =	sshll.u32 s4, $0x4;
	_ =	strace $0x80000050;
	s24 =	ssub.s32 $0x2, s4  }
0xb: {  	p0 =	seq.s32 s4, $0x0;
	s9 =	sor.u32 s15, s6;
	s6 =	sadd.s32 $0x4000, s0  }
0xc: {  	s25 =	sshrl.u32 s24, $0x1;
	s31 =	sshrl.u32 s14, $0x2;
	s8 =	sadd.s32 s8, s7  }
0xd: {  	s7 =	smul.u32 $0x3000, s9;
	s16 =	ssub.s32 s24, s25;
	s14 =	sadd.s32 s31, s3  }
0xe: {  	s17 =	smov.u32 @p0 s6;
	s8 =	sshrl.u32 s8, $0x3;
	s16 =	smax.u32 s16, $0x1  }
0xf: {  	s17 =	sadd.s32 s17, s18;
	s18 =	simm.s32 $0x2;
	s10 =	sshrl.u32 s7, $0x3  }
0x10: {  	s0 =	sadd.s32 s8, s0;
	s26 =	sadd.s32 s1, s10;
	s9 =	sadd.s32 s2, s10  }
0x11: {  	s11 =	sor.u32 $0x10, s10;
	s13 =	sor.u32 $0x20, s10;
	s15 =	sadd.s32 $0x54000, s0  }
0x12: {  	[dreg:$0x5] =	wrdreg s26;
	s10 =	sadd.s32 s1, s11;
	s11 =	sadd.s32 s2, s11  }
0x13: {  	s12 =	sadd.s32 s1, s13;
	s13 =	sadd.s32 s2, s13;
	s26 =	simm.s32 $0x4  }
.LBB2_1:
0x14: {  	s0 =	rddreg [dreg:$0x5]  }
0x15: {  	[tilespmem:s5], [sflag:$0x2] =	stream.linear.gather [hbm4b:s0+s5], $0x80, $0x38;
	[tilespmem:$0x1F000] =	vst v63  }
0x16: {  	s31 =	simm.s32 $0x400  }
0x17: {  	[tilespmem:s31], [sflag:$0x2] =	stream.linear.gather [hbm4b:s9+s5], $0x80, $0x38;
	[tilespmem:$0x1F000] =	vst v63  }
0x18: {  	_ =	swait.ge [sflag:s18], $0x80  }
0x19: {  	[sflag:s18] =	ssyncset.done $0x0  }
0x1a: {  	[sflag:s18] =	ssyncadd.s32 $0xFFFFFF80  }
0x1b: {  	_ =	swait.ge [sflag:s18], $0x80  }
0x1c: {  	[sflag:s18] =	ssyncset.done $0x0  }
0x1d: {  	s8 =	simm.s32 $0x800;
	[sflag:s18] =	ssyncadd.s32 $0xFFFFFF80  }
0x1e: {  	[tilespmem:s8], [sflag:$0x1] =	stream.indirect.gather [hbm4b:s6+s19], $0x80, s5, s19, $0xb8;
	[tilespmem:$0x1F000] =	vst v63  }
0x1f: {  	_ = 	snop  }
0x20: {  	[tilespmem:s21], [sflag:$0x2] =	stream.linear.gather [hbm4b:s10+s5], $0x80, $0x38;
	[tilespmem:$0x1F000] =	vst v63  }
0x21: {  	s20 =	simm.s32 $0x480  }
0x22: {  	[tilespmem:s20], [sflag:$0x2] =	stream.linear.gather [hbm4b:s11+s5], $0x80, $0x38;
	[tilespmem:$0x1F000] =	vst v63  }
0x23: {  	_ =	swait.ge [sflag:s18], $0x80  }
0x24: {  	[sflag:s18] =	ssyncset.done $0x0  }
0x25: {  	[sflag:s18] =	ssyncadd.s32 $0xFFFFFF80  }
0x26: {  	_ =	swait.ge [sflag:s18], $0x80  }
0x27: {  	[sflag:s18] =	ssyncset.done $0x0  }
0x28: {  	s22 =	simm.s32 $0x4000;
	s25 =	stileid.u32;
	[sflag:s18] =	ssyncadd.s32 $0xFFFFFF80  }
0x29: {  	[tilespmem:s22], [sflag:$0x1] =	stream.indirect.gather [hbm4b:s6+s19], $0x80, s21, s19, $0xb8;
	[tilespmem:$0x1F000] =	vst v63  }
0x2a: {  	s23 =	simm.s32 $0x100;
	s0 =	sshll.u32 s25, $0x6  }
0x2b: {  	[tilespmem:s23], [sflag:$0x2] =	stream.linear.gather [hbm4b:s12+s5], $0x80, $0x38;
	[tilespmem:$0x1F000] =	vst v63  }
0x2c: {  	s24 =	simm.s32 $0x500;
	s4 =	sshrl.u32 s14, $0x3;
	s0 =	sor.u32 $0x1C04, s0  }
0x2d: {  	[tilespmem:s24], [sflag:$0x2] =	stream.linear.gather [hbm4b:s13+s5], $0x80, $0x38;
	[tilespmem:$0x1F000] =	vst v63  }
0x2e: {  	[spmem:s4], [sflag:s0] =	dma.local [hbm:s17], $0x2800  }
0x2f: {  	_ =	swait.ge [sflag:s26], $0x2800  }
0x30: {  	[sflag:s26] =	ssyncset.done $0x0  }
0x31: {  	[sflag:s26] =	ssyncadd.s32 $0xFFFFD800  }
0x32: {  	s20 =	simm.s32 $0x180;
	s22 =	simm.s32 $0x0;
	[bflag:$0x0] =	sbarrier.arrive $0xFFFF  }
.LBB2_2:
0x33: {  	_ =	swait.ge [sflag:s28], $0x3800  }
0x34: {  	p0 =	seq.s32 s22, $0x0;
	[sflag:s28] =	ssyncset.done $0x0  }
0x35: {  	s23 =	simm.s32 @!p0 $0x3;
	[sflag:s28] =	ssyncadd.s32 $0xFFFFC800  }
0x36: {  	p1 =	sgt.u32 @!p0 s22, $0x57;
	_ =	swait.ge @!p0 [sflag:s23], $0x3800  }
0x37: {  	p1 =	por p0, !p1;
	[sflag:s23] =	ssyncset.done @!p0 $0x0  }
0x38: {  	[sflag:s23] =	ssyncadd.s32 @!p0 $0xFFFFC800;
	s23 =	sadd.s32 @p1 $0x2, s22  }
0x39: {  	s24 =	smul.u32 @p1 $0xAB, s23;
	_ =	sdelay $0x1  }
0x3a: {  	s24 =	sshrl.u32 @p1 s24, $0x9  }
0x3b: {  	s24 =	sand.u32 @p1 $0x7F, s24  }
0x3c: {  	s24 =	smul.u32 @p1 $0x3, s24;
	_ =	sdelay $0x1  }
0x3d: {  	_ =	swait.ge @p1 [sflag:s18], $0x80;
	s23 =	ssub.s32 @p1 s23, s24  }
0x3e: {  	[sflag:s18] =	ssyncset.done @p1 $0x0;
	s23 =	sand.u32 @p1 $0xFF, s23  }
0x3f: {  	[sflag:s18] =	ssyncadd.s32 @p1 $0xFFFFFF80;
	s23 =	smul.u32 @p1 $0xE000, s23  }
0x40: {  	_ =	swait.ge @p1 [sflag:s18], $0x80  }
0x41: {  	[sflag:s18] =	ssyncset.done @p1 $0x0;
	s24 =	sand.u32 @p1 $0xE00, s31;
	s23 =	sshrl.u32 @p1 s23, $0x2  }
0x42: {  	[sflag:s18] =	ssyncadd.s32 @p1 $0xFFFFFF80;
	s24 =	sshrl.u32 @p1 s24, $0x2;
	s23 =	sadd.s32 @p1 $0x800, s23  }
0x43: {  	[tilespmem:s23], [sflag:$0x1] =	stream.indirect.gather @p1 [hbm4b:s6+s19], $0x80, s24, s19, $0xb8;
	[tilespmem:$0x1F000] =	vst v63  }
0x44: {  	s24 =	smul.u32 $0xAB, s22;
	_ =	sdelay $0x1  }
0x45: {  	s23 =	sshrl.u32 s24, $0x9  }
0x46: {  	s23 =	sand.u32 $0x7F, s23  }
0x47: {  	s23 =	smul.u32 $0x3, s23;
	_ =	sdelay $0x1  }
0x48: {  	s23 =	ssub.s32 s22, s23  }
0x49: {  	s23 =	sand.u32 $0xFF, s23  }
0x4a: {  	s25 =	sadd.s32 $0xFFFFFC00, s31;
	s23 =	smul.u32 $0xE000, s23  }
0x4b: {  	s24 =	sand.u32 $0xE00, s25  }
0x4c: {  	s24 =	sshrl.u32 s24, $0x2;
	s23 =	sshrl.u32 s23, $0x2  }
0x4d: {  	p0 =	sgt.u32 s22, $0x56;
	s24 =	sor.u32 $0x400, s24;
	s23 =	sadd.s32 $0x800, s23  }
0x4e: {  	[spmem:s3] =	stream.indirect.scatter.add.f32 [tilespmem:s23], [sflag:$0x3], $0x80, s24, s19, $0xb8;
	[tilespmem:$0x1F000] =	vst v63  }
0x4f: {  	s23 =	sand.u32 @!p0 $0x7C00, s20  }
0x50: {  	s24 =	sand.u32 @!p0 $0x380, s20;
	s23 =	sadd.s32 @!p0 s7, s23  }
0x51: {  	s23 =	sor.u32 @!p0 s24, s23  }
0x52: {  	s23 =	sshrl.u32 @!p0 s23, $0x3  }
0x53: {  	s8 =	simm.s32 @!p0 $0x0;
	s25 =	sadd.s32 @!p0 s1, s23  }
0x54: {  	[tilespmem:s24], [sflag:$0x2] =	stream.linear.gather @!p0 [hbm4b:s25+s8], $0x80, $0x38;
	[tilespmem:$0x1F000] =	vst v63  }
0x55: {  	s22 =	sadd.s32 $0x1, s22;
	s23 =	sadd.s32 @!p0 s2, s23;
	s24 =	sor.u32 @!p0 $0x400, s24  }
0x56: {  	[tilespmem:s24], [sflag:$0x2] =	stream.linear.gather @!p0 [hbm4b:s23+s8], $0x80, $0x38;
	[tilespmem:$0x1F000] =	vst v63  }
0x57: {  	p0 =	sne.s32 s22, $0x5A  }
.Ltmp0:
0x58: {  	_ = 	snop;
	(pc) =	sbr.rel @p0 .LBB2_2-.Ltmp0, $2  }
0x59: {  	_ =	sdelay $0x2  }
0x5a: {  	s31 =	sadd.s32 $0x200, s31;
	s20 =	sadd.s32 $0x80, s20  }
0x5b: {  	_ =	swait.ge [sflag:s29], $0x3800  }
0x5c: {  	s30 =	sadd.s32 $0x1, s30;
	[sflag:s29] =	ssyncset.done $0x0  }
0x5d: {  	p0 =	sne.s32 s30, s16;
	[sflag:s29] =	ssyncadd.s32 $0xFFFFC800  }
.Ltmp1:
0x5e: {  	[bflag:$0x0] =	sbarrier.arrive $0xFFFF;
	(pc) =	sbr.rel @p0 .LBB2_1-.Ltmp1, $4  }
0x5f: {  	[hbm:s15], [sflag:s0] =	dma.local [spmem:s4], $0x2800  }
0x60: {  	_ =	swait.ge [sflag:s26], $0x2800  }
0x61: {  	[sflag:s26] =	ssyncset.done $0x0  }
0x62: {  	[sflag:s26] =	ssyncadd.s32 $0xFFFFD800  }
0x63: {  	_ =	sfence.sel $0x180000  }
0x64: {  	[bflag:$0x0] =	sbarrier.arrive $0xFFFF  }
0x65: {  	_ =	strace $0x90000050  }
0x66: {  	s0 =	stileid.u32;
	[bflag:$0x2] =	sbarrier.arrive $0xFFFF  }
0x67: {  	p0 =	sne.s32 s0, $0x0;
	s0 =	rddreg [dreg:$0x4]  }
0x68: {  	s0 =	sadd.s32 @!p0 $0x100000, s0  }
0x69: {  	[sflag:s0] =	ssyncadd.tile.s32 @!p0 $0x1;
	_ =	shalt  }
.Lfunc_end2:
_tile_overlayer_lowered:
.L_overlay_start_2:
0x6a: {  	(tag) =	ssettag $0x2  }
0x6b: {  	s0 =	rddreg [dreg:$0x0];
	s2 =	stileid.u32  }
0x6c: {  	s1 =	rddreg [dreg:$0x1];
	p0 =	sne.s32 s2, $0x0  }
0x6d: {  	s3 =	rddreg [dreg:$0x2];
	[bflag:$0x3] =	sbarrier.arrive $0xFFFF;
	s2 =	simm.s32 @!p0 $0x1C04  }
0x6e: {  	[timem:s3], [sflag:s2] =	dma.local @!p0 [hbm:s0], s1  }
0x6f: {  	s0 =	simm.s32 @!p0 $0x4  }
0x70: {  	_ =	swait.ge @!p0 [sflag:s0], s1  }
0x71: {  	s1 =	ssub.s32 @!p0 $0x0, s1;
	[sflag:s0] =	ssyncset.done @!p0 $0x0  }
0x72: {  	[sflag:s0] =	ssyncadd.s32 @!p0 s1  }
0x73: {  	[bflag:$0x3] =	sbarrier.arrive $0xFFFF  }
0x74: {  	_ =	shalt  }

// kernel: kernel.24.cloned.1.call-start
scs
__scs_entry_jumppad:
0x0: {  	(pc) =	sbr.rel $0x88, $3  }
0x1: {  	(tag) =	ssettag $0x0;
	lr =	simm.s32 $0x1  }
0x2: {  	[smem:$0x3F95] =	sst lr;
	_ =	strace $0xD0000000  }
0x3: {  	_ = 	snop  }
0x4: {  	_ = 	snop  }
0x5: {  	_ = 	snop  }
0x6: {  	_ = 	snop  }
0x7: {  	_ = 	snop  }
__scs_overlays_trampoline_lowered:
0x8: {  	[smem:$0x3FA4] =	sst s0  }
0x9: {  	[smem:$0x3FA5] =	sst s1  }
0xa: {  	[smem:$0x3FA6] =	sst s2  }
0xb: {  	[smem:$0x3FA7] =	sst s3  }
0xc: {  	[smem:$0x3FA8] =	sst s4  }
0xd: {  	[smem:$0x3FA9] =	sst s5  }
0xe: {  	[smem:$0x3FAA] =	sst s6  }
0xf: {  	[smem:$0x3FAB] =	sst s7  }
0x10: {  	[smem:$0x3FAC] =	sst s8  }
0x11: {  	[smem:$0x3FAD] =	sst s9;
	s0 =	simm.s32 @!p0 $0x0  }
0x12: {  	s1 =	sld [smem:$0x3F93];
	s0 =	simm.s32 @p0 $0x1  }
0x13: {  	[smem:$0x3FAE] =	sst s0;
	s0 =	simm.s32 @!p1 $0x0  }
0x14: {  	s2 =	sld [smem:$0x3F92];
	s0 =	simm.s32 @p1 $0x1  }
0x15: {  	[smem:$0x3FAF] =	sst s0;
	s0 =	simm.s32 @!p2 $0x0  }
0x16: {  	s3 =	sld [smem:$0x3FDB];
	s0 =	simm.s32 @p2 $0x1  }
0x17: {  	s4 =	simm.s32 $0x1BF5;
	[smem:$0x3FB1] =	sst s0  }
0x18: {  	s0 =	sld [smem:$0x3F94];
	_ =	swait.ge [sflag:s4], $0x0  }
0x19: {  	s7 =	sld [smem:$0x3F95]  }
0x1a: {  	s8 =	sadd.s32 $0xFFFFE003, lr  }
0x1b: {  	s9 =	sadd.s32 $0xFFFFFEF7, lr;
	s5 =	simm.s32 $0xFFFFFFFF;
	p2 =	slt.u32 s8, $0xFFFFF086  }
0x1c: {  	p1 =	slt.u32 s9, $0xF7A;
	s5 =	simm.s32 @!p2 $0x0  }
0x1d: {  	s5 =	simm.s32 @p1 $0x1;
	p0 =	seq.s32 s7, s2  }
0x1e: {  	s7 =	smul.u32 @!p0 $0xF7A, s2;
	p2 =	seq.s32 @!p0 s5, $0x0  }
0x1f: {  	s9 =	smul.u32 $0xF7A, s1;
	s8 =	simm.s32 @!p0 $0x1BF5;
	p2 =	por !p2, p0  }
0x20: {  	[sflag:s8] =	ssyncset.s32 @!p0 $0xFFFFF086;
	s6 =	sadd.s32 @!p0 s3, s7;
	s7 =	simm.s32 @!p0 $0x108  }
0x21: {  	s3 =	sadd.s32 s3, s9;
	s6 =	sadd.s32 @!p0 $0x88, s6;
	s7 =	simm.s32 @p2 $0x1082  }
0x22: {  	[simem:s7], [sflag:s8] =	dma.local @!p0 [hbm:s6], $0xF7A  }
0x23: {  	s9 =	sor.u32 $0xD0000000, s2;
	s6 =	simm.s32 $0x108;
	_ =	swait.ge @!p0 [sflag:s8], $0x0  }
0x24: {  	s3 =	sadd.s32 $0x88, s3;
	s6 =	simm.s32 @!p1 $0x1082;
	[sflag:s4] =	ssyncset.s32 $0xFFFFF086  }
0x25: {  	[simem:s6], [sflag:s4] =	dma.local [hbm:s3], $0xF7A  }
0x26: {  	[smem:$0x3F95] =	sst s1;
	(tag) =	ssettag s2;
	_ =	strace s9  }
0x27: {  	s1 =	sld [smem:$0x3FA5]  }
0x28: {  	s2 =	sld [smem:$0x3FA6]  }
0x29: {  	s4 =	sld [smem:$0x3FA8]  }
0x2a: {  	p0 =	seq.s32 s5, $0x0;
	s5 =	sld [smem:$0x3FA9]  }
0x2b: {  	s6 =	sld [smem:$0x3FAA]  }
0x2c: {  	s7 =	sld [smem:$0x3FAB]  }
0x2d: {  	s3 =	simm.s32 $0x108;
	s8 =	sld [smem:$0x3FAC]  }
0x2e: {  	s3 =	simm.s32 @!p0 $0x1082;
	s9 =	sld [smem:$0x3FAD]  }
0x2f: {  	lr =	sadd.s32 s0, s3;
	s0 =	sld [smem:$0x3FA4]  }
0x30: {  	s3 =	sld [smem:$0x3FA7]  }
0x31: {  	[smem:$0x3FB0] =	sst s10  }
0x32: {  	s10 =	sld [smem:$0x3FAE];
	_ =	sdelay $0x3  }
0x33: {  	p0 =	seq.s32 s10, $0x1;
	s10 =	sld [smem:$0x3FB0];
	_ =	sdelay $0x3  }
0x34: {  	[smem:$0x3FB0] =	sst s10  }
0x35: {  	s10 =	sld [smem:$0x3FAF];
	_ =	sdelay $0x3  }
0x36: {  	p1 =	seq.s32 s10, $0x1;
	s10 =	sld [smem:$0x3FB0];
	_ =	sdelay $0x3  }
0x37: {  	[smem:$0x3FB0] =	sst s10  }
0x38: {  	s10 =	sld [smem:$0x3FB1]  }
0x39: {  	_ = 	snop;
	(pc) =	sbr.ind lr, $3  }
0x3a: {  	_ = 	snop  }
0x3b: {  	_ = 	snop  }
0x3c: {  	p2 =	seq.s32 s10, $0x1;
	s10 =	sld [smem:$0x3FB0]  }
0x3d: {  	_ =	shalt  }
0x3e: {  	_ =	shalt  }
0x3f: {  	_ =	shalt  }
0x40: {  	_ =	shalt  }
0x41: {  	_ =	shalt  }
0x42: {  	_ =	shalt  }
0x43: {  	_ =	shalt  }
0x44: {  	_ =	shalt  }
0x45: {  	_ =	shalt  }
0x46: {  	_ =	shalt  }
0x47: {  	_ =	shalt  }
0x48: {  	_ =	shalt  }
0x49: {  	_ =	shalt  }
0x4a: {  	_ =	shalt  }
0x4b: {  	_ =	shalt  }
0x4c: {  	_ =	shalt  }
0x4d: {  	_ =	shalt  }
0x4e: {  	_ =	shalt  }
0x4f: {  	_ =	shalt  }
0x50: {  	_ =	shalt  }
0x51: {  	_ =	shalt  }
0x52: {  	_ =	shalt  }
0x53: {  	_ =	shalt  }
0x54: {  	_ =	shalt  }
0x55: {  	_ =	shalt  }
0x56: {  	_ =	shalt  }
0x57: {  	_ =	shalt  }
0x58: {  	_ =	shalt  }
0x59: {  	_ =	shalt  }
0x5a: {  	_ =	shalt  }
0x5b: {  	_ =	shalt  }
0x5c: {  	_ =	shalt  }
0x5d: {  	_ =	shalt  }
0x5e: {  	_ =	shalt  }
0x5f: {  	_ =	shalt  }
0x60: {  	_ =	shalt  }
0x61: {  	_ =	shalt  }
0x62: {  	_ =	shalt  }
0x63: {  	_ =	shalt  }
0x64: {  	_ =	shalt  }
0x65: {  	_ =	shalt  }
0x66: {  	_ =	shalt  }
0x67: {  	_ =	shalt  }
0x68: {  	_ =	shalt  }
0x69: {  	_ =	shalt  }
0x6a: {  	_ =	shalt  }
0x6b: {  	_ =	shalt  }
0x6c: {  	_ =	shalt  }
0x6d: {  	_ =	shalt  }
0x6e: {  	_ =	shalt  }
0x6f: {  	_ =	shalt  }
0x70: {  	_ =	shalt  }
0x71: {  	_ =	shalt  }
0x72: {  	_ =	shalt  }
0x73: {  	_ =	shalt  }
0x74: {  	_ =	shalt  }
0x75: {  	_ =	shalt  }
0x76: {  	_ =	shalt  }
0x77: {  	_ =	shalt  }
0x78: {  	_ =	shalt  }
0x79: {  	_ =	shalt  }
0x7a: {  	_ =	shalt  }
0x7b: {  	_ =	shalt  }
0x7c: {  	_ =	shalt  }
0x7d: {  	_ =	shalt  }
0x7e: {  	_ =	shalt  }
0x7f: {  	_ =	shalt  }
0x80: {  	_ =	shalt  }
0x81: {  	_ =	shalt  }
0x82: {  	_ =	shalt  }
0x83: {  	_ =	shalt  }
0x84: {  	_ =	shalt  }
0x85: {  	_ =	shalt  }
0x86: {  	_ =	shalt  }
0x87: {  	_ =	shalt  }
.Lfunc_end0:
.L_simem_size_0:
called_computation.4_lowered:
.L_overlay_start_0:
0x88: {  	s2 =	sld [smem:$0x3FD9]  }
0x89: {  	s3 =	sld [smem:$0x3FFE];
	_ =	sdelay $0x1  }
0x8a: {  	s1 =	srdreg.scid  }
0x8b: {  	s0 =	sand.u32 $0x1, s1  }
0x8c: {  	s14 =	sshll.u32 s0, $0xA;
	s2 =	sadd.s32 s3, s2  }
0x8d: {  	s2 =	sadd.s32 s2, s14  }
0x8e: {  	[smem:$0x3FBC] =	sst s2  }
0x8f: {  	_ = 	snop  }
0x90: {  	s2 =	sld [smem:$0x3FD0];
	_ =	sdelay $0x2  }
0x91: {  	s15 =	simm.s32 $0xA;
	s4 =	simm.s32 $0x10  }
0x92: {  	[smem:s4], [sflag:s15] =	dma.local [hbm:s2], $0x1  }
0x93: {  	_ =	swait.eq [sflag:s15], $0x1  }
0x94: {  	[sflag:s15] =	ssyncset.done $0x0  }
0x95: {  	s16 =	sld [smem:$0x10];
	[sflag:s15] =	ssyncadd.s32 $0xFFFFFFFF  }
0x96: {  	s17 =	sld [smem:$0x11];
	(tm) =	ssettm $0x1  }
0x97: {  	s18 =	sld [smem:$0x3FFB];
	_ =	sdelay $0x3  }
0x98: {  	_ =	strace s18  }
0x99: {  	s4 =	sld [smem:$0x3FFC];
	_ =	sdelay $0x3  }
0x9a: {  	_ =	strace s4  }
0x9b: {  	s4 =	sld [smem:$0x3FFD];
	_ =	sdelay $0x3  }
0x9c: {  	_ =	strace s4  }
0x9d: {  	_ =	strace $0x8FFFFFFF  }
0x9e: {  	s19 =	sld [smem:$0x3FDB];
	_ =	sdelay $0x1  }
0x9f: {  	s5 =	simm.s32 $_scs_section_size  }
0xa0: {  	s6 =	simm.s32 $_size__tile_overlayer_lowered;
	s7 =	simm.s32 $_tile_overlayer_lowered  }
0xa1: {  	s22 =	simm.s32 $0x1BFF;
	s21 =	sshll.u32 s7, $0x1;
	s4 =	sadd.s32 s5, s19  }
0xa2: {  	s8 =	simm.s32 $0x0;
	s20 =	sshll.u32 s6, $0x1;
	s6 =	sadd.s32 s21, s4  }
0xa3: {  	[timem:s8], [sflag:s22] =	dma.local [hbm:s6], s20  }
0xa4: {  	_ =	swait.ge [sflag:s22], s20  }
0xa5: {  	s5 =	ssub.s32 $0x0, s20;
	[sflag:s22] =	ssyncset.done $0x0  }
0xa6: {  	[sflag:s22] =	ssyncadd.s32 s5;
	_ =	sdelay $0x1  }
0xa7: {  	s23 =	simm.s32 $0x1B8B  }
0xa8: {  	_ =	swait.ge [sflag:s23], $0x1  }
0xa9: {  	[sflag:s23] =	ssyncset.done $0x0  }
0xaa: {  	s25 =	simm.s32 $0x1B8E;
	s24 =	sld [smem:$0x3FFE];
	[sflag:s23] =	ssyncadd.s32 $0xFFFFFFFF  }
0xab: {  	s26 =	simm.s32 $execute0_lowered;
	[smem:$0x3FD2] =	sst s25  }
0xac: {  	s6 =	sshll.u32 s26, $0x1;
	_ =	strace $0x80000052;
	[dreg:$0x1] =	wrdreg $0xFFFFFFFF  }
0xad: {  	s28 =	simm.s32 $_size_execute0_lowered;
	s4 =	sadd.s32 s4, s6;
	[dreg:$0x0] =	wrdreg $0x0  }
0xae: {  	s6 =	sshll.u32 s28, $0x1;
	[dreg:$0x2] =	wrdreg s4  }
0xaf: {  	[dreg:$0x3] =	wrdreg s6  }
0xb0: {  	[dreg:$0x4] =	wrdreg $0xC0  }
0xb1: {  	_ =	task [dreg:s8], $0x5FFFF  }
0xb2: {  	[dreg:$0x1] =	wrdreg $0xFFFFFFFF  }
0xb3: {  	[dreg:$0x0] =	wrdreg $0x60  }
0xb4: {  	[dreg:$0x2] =	wrdreg s17  }
0xb5: {  	[dreg:$0x3] =	wrdreg s16  }
0xb6: {  	[dreg:$0x4] =	wrdreg s24  }
0xb7: {  	[dreg:$0x5] =	wrdreg $0xB0000  }
0xb8: {  	[dreg:$0x6] =	wrdreg $0x9  }
0xb9: {  	_ =	task.clear_ibuf [dreg:s8], $0x7FFFF;
	_ =	strace $0x90000052  }
0xba: {  	s29 =	simm.s32 $0x9;
	_ =	strace $0x80000054  }
0xbb: {  	_ =	swait.ge [sflag:s29], $0x1  }
0xbc: {  	[sflag:s29] =	ssyncadd.s32 $0xFFFFFFFF  }
0xbd: {  	_ =	strace $0x90000054  }
0xbe: {  	_ =	sfence  }
0xbf: {  	s30 =	sld [smem:$0x0];
	_ =	sdelay $0x2  }
0xc0: {  	s31 =	sshll.u32 s1, $0xD;
	s1 =	sshrl.u32 s1, $0x2  }
0xc1: {  	s3 =	sand.u32 $0x4000, s31;
	s1 =	sadd.s32 s1, s30  }
0xc2: {  	s0 =	sor.u32 s3, s0;
	s1 =	sshll.u32 s1, $0x11  }
0xc3: {  	s0 =	sor.u32 s1, s0  }
0xc4: {  	s0 =	sadd.s32 $0x8F2B, s0  }
0xc5: {  	[sflag:s0] =	ssyncadd.remote.s32 $0x1  }
0xc6: {  	_ =	sfence.sel $0xFFFF  }
0xc7: {  	[dreg:$0x0] =	wrdreg $0xFFFFFFFF;
	(pc) =	sbr.abs _section_cstart, $3  }
0xc8: {  	[dreg:$0x1] =	wrdreg $0xFFFFFFFF  }
0xc9: {  	_ =	task.clear_ibuf [dreg:s8], $0x2FFFF;
	_ =	strace $0x9FFFFFFF  }
0xca: {  	(tm) =	ssettm $0x7FFFFFFF  }
0xcb: {  	_ =	shalt  }
tec
execute0_lowered:
.L_overlay_start_1:
0x0: {  	(tag) =	ssettag $0x1  }
0x1: {  	s1 =	rddreg [dreg:$0x0]  }
0x2: {  	s2 =	rddreg [dreg:$0x1]  }
0x3: {  	s0 =	rddreg [dreg:$0x2]  }
0x4: {  	s3 =	rddreg [dreg:$0x3]  }
0x5: {  	s4 =	srdreg.scid;
	s5 =	simm.s32 $0x0;
	s15 =	stileid.u32  }
0x6: {  	s19 =	simm.s32 $0x70;
	s21 =	simm.s32 $0x80;
	s8 =	smul.u32 $0x14000, s15  }
0x7: {  	s28 =	simm.s32 $0x1;
	s29 =	simm.s32 $0x3;
	s14 =	smul.u32 $0x50000, s15  }
0x8: {  	s30 =	simm.s32 $0x0;
	s4 =	sand.u32 $0x1, s4;
	s18 =	smul.u32 $0x2800, s15  }
0x9: {  	[smem:$0x7FF] =	sst s5;
	s17 =	sadd.s32 $0x2C000, s0;
	s7 =	smul.u32 $0x140000, s4  }
0xa: {  	s6 =	sshll.u32 s4, $0x4;
	_ =	strace $0x80000053;
	s24 =	ssub.s32 $0x2, s4  }
0xb: {  	p0 =	seq.s32 s4, $0x0;
	s9 =	sor.u32 s15, s6;
	s6 =	sadd.s32 $0x4000, s0  }
0xc: {  	s25 =	sshrl.u32 s24, $0x1;
	s31 =	sshrl.u32 s14, $0x2;
	s8 =	sadd.s32 s8, s7  }
0xd: {  	s7 =	smul.u32 $0x3000, s9;
	s16 =	ssub.s32 s24, s25;
	s14 =	sadd.s32 s31, s3  }
0xe: {  	s17 =	smov.u32 @p0 s6;
	s8 =	sshrl.u32 s8, $0x3;
	s16 =	smax.u32 s16, $0x1  }
0xf: {  	s17 =	sadd.s32 s17, s18;
	s18 =	simm.s32 $0x2;
	s10 =	sshrl.u32 s7, $0x3  }
0x10: {  	s0 =	sadd.s32 s8, s0;
	s26 =	sadd.s32 s1, s10;
	s9 =	sadd.s32 s2, s10  }
0x11: {  	s11 =	sor.u32 $0x10, s10;
	s13 =	sor.u32 $0x20, s10;
	s15 =	sadd.s32 $0x54000, s0  }
0x12: {  	[dreg:$0x5] =	wrdreg s26;
	s10 =	sadd.s32 s1, s11;
	s11 =	sadd.s32 s2, s11  }
0x13: {  	s12 =	sadd.s32 s1, s13;
	s13 =	sadd.s32 s2, s13;
	s26 =	simm.s32 $0x4  }
.LBB2_1:
0x14: {  	s0 =	rddreg [dreg:$0x5]  }
0x15: {  	[tilespmem:s5], [sflag:$0x2] =	stream.linear.gather [hbm4b:s0+s5], $0x80, $0x38;
	[tilespmem:$0x1F000] =	vst v63  }
0x16: {  	s31 =	simm.s32 $0x400  }
0x17: {  	[tilespmem:s31], [sflag:$0x2] =	stream.linear.gather [hbm4b:s9+s5], $0x80, $0x38;
	[tilespmem:$0x1F000] =	vst v63  }
0x18: {  	_ =	swait.ge [sflag:s18], $0x80  }
0x19: {  	[sflag:s18] =	ssyncset.done $0x0  }
0x1a: {  	[sflag:s18] =	ssyncadd.s32 $0xFFFFFF80  }
0x1b: {  	_ =	swait.ge [sflag:s18], $0x80  }
0x1c: {  	[sflag:s18] =	ssyncset.done $0x0  }
0x1d: {  	s8 =	simm.s32 $0x800;
	[sflag:s18] =	ssyncadd.s32 $0xFFFFFF80  }
0x1e: {  	[tilespmem:s8], [sflag:$0x1] =	stream.indirect.gather [hbm4b:s6+s19], $0x80, s5, s19, $0xb8;
	[tilespmem:$0x1F000] =	vst v63  }
0x1f: {  	_ = 	snop  }
0x20: {  	[tilespmem:s21], [sflag:$0x2] =	stream.linear.gather [hbm4b:s10+s5], $0x80, $0x38;
	[tilespmem:$0x1F000] =	vst v63  }
0x21: {  	s20 =	simm.s32 $0x480  }
0x22: {  	[tilespmem:s20], [sflag:$0x2] =	stream.linear.gather [hbm4b:s11+s5], $0x80, $0x38;
	[tilespmem:$0x1F000] =	vst v63  }
0x23: {  	_ =	swait.ge [sflag:s18], $0x80  }
0x24: {  	[sflag:s18] =	ssyncset.done $0x0  }
0x25: {  	[sflag:s18] =	ssyncadd.s32 $0xFFFFFF80  }
0x26: {  	_ =	swait.ge [sflag:s18], $0x80  }
0x27: {  	[sflag:s18] =	ssyncset.done $0x0  }
0x28: {  	s22 =	simm.s32 $0x4000;
	s25 =	stileid.u32;
	[sflag:s18] =	ssyncadd.s32 $0xFFFFFF80  }
0x29: {  	[tilespmem:s22], [sflag:$0x1] =	stream.indirect.gather [hbm4b:s6+s19], $0x80, s21, s19, $0xb8;
	[tilespmem:$0x1F000] =	vst v63  }
0x2a: {  	s23 =	simm.s32 $0x100;
	s0 =	sshll.u32 s25, $0x6  }
0x2b: {  	[tilespmem:s23], [sflag:$0x2] =	stream.linear.gather [hbm4b:s12+s5], $0x80, $0x38;
	[tilespmem:$0x1F000] =	vst v63  }
0x2c: {  	s24 =	simm.s32 $0x500;
	s4 =	sshrl.u32 s14, $0x3;
	s0 =	sor.u32 $0x1C04, s0  }
0x2d: {  	[tilespmem:s24], [sflag:$0x2] =	stream.linear.gather [hbm4b:s13+s5], $0x80, $0x38;
	[tilespmem:$0x1F000] =	vst v63  }
0x2e: {  	[spmem:s4], [sflag:s0] =	dma.local [hbm:s17], $0x2800  }
0x2f: {  	_ =	swait.ge [sflag:s26], $0x2800  }
0x30: {  	[sflag:s26] =	ssyncset.done $0x0  }
0x31: {  	[sflag:s26] =	ssyncadd.s32 $0xFFFFD800  }
0x32: {  	s20 =	simm.s32 $0x180;
	s22 =	simm.s32 $0x0;
	[bflag:$0x0] =	sbarrier.arrive $0xFFFF  }
.LBB2_2:
0x33: {  	_ =	swait.ge [sflag:s28], $0x3800  }
0x34: {  	p0 =	seq.s32 s22, $0x0;
	[sflag:s28] =	ssyncset.done $0x0  }
0x35: {  	s23 =	simm.s32 @!p0 $0x3;
	[sflag:s28] =	ssyncadd.s32 $0xFFFFC800  }
0x36: {  	p1 =	sgt.u32 @!p0 s22, $0x57;
	_ =	swait.ge @!p0 [sflag:s23], $0x3800  }
0x37: {  	p1 =	por p0, !p1;
	[sflag:s23] =	ssyncset.done @!p0 $0x0  }
0x38: {  	[sflag:s23] =	ssyncadd.s32 @!p0 $0xFFFFC800;
	s23 =	sadd.s32 @p1 $0x2, s22  }
0x39: {  	s24 =	smul.u32 @p1 $0xAB, s23;
	_ =	sdelay $0x1  }
0x3a: {  	s24 =	sshrl.u32 @p1 s24, $0x9  }
0x3b: {  	s24 =	sand.u32 @p1 $0x7F, s24  }
0x3c: {  	s24 =	smul.u32 @p1 $0x3, s24;
	_ =	sdelay $0x1  }
0x3d: {  	_ =	swait.ge @p1 [sflag:s18], $0x80;
	s23 =	ssub.s32 @p1 s23, s24  }
0x3e: {  	[sflag:s18] =	ssyncset.done @p1 $0x0;
	s23 =	sand.u32 @p1 $0xFF, s23  }
0x3f: {  	[sflag:s18] =	ssyncadd.s32 @p1 $0xFFFFFF80;
	s23 =	smul.u32 @p1 $0xE000, s23  }
0x40: {  	_ =	swait.ge @p1 [sflag:s18], $0x80  }
0x41: {  	[sflag:s18] =	ssyncset.done @p1 $0x0;
	s24 =	sand.u32 @p1 $0xE00, s31;
	s23 =	sshrl.u32 @p1 s23, $0x2  }
0x42: {  	[sflag:s18] =	ssyncadd.s32 @p1 $0xFFFFFF80;
	s24 =	sshrl.u32 @p1 s24, $0x2;
	s23 =	sadd.s32 @p1 $0x800, s23  }
0x43: {  	[tilespmem:s23], [sflag:$0x1] =	stream.indirect.gather @p1 [hbm4b:s6+s19], $0x80, s24, s19, $0xb8;
	[tilespmem:$0x1F000] =	vst v63  }
0x44: {  	s24 =	smul.u32 $0xAB, s22;
	_ =	sdelay $0x1  }
0x45: {  	s23 =	sshrl.u32 s24, $0x9  }
0x46: {  	s23 =	sand.u32 $0x7F, s23  }
0x47: {  	s23 =	smul.u32 $0x3, s23;
	_ =	sdelay $0x1  }
0x48: {  	s23 =	ssub.s32 s22, s23  }
0x49: {  	s23 =	sand.u32 $0xFF, s23  }
0x4a: {  	s25 =	sadd.s32 $0xFFFFFC00, s31;
	s23 =	smul.u32 $0xE000, s23  }
0x4b: {  	s24 =	sand.u32 $0xE00, s25  }
0x4c: {  	s24 =	sshrl.u32 s24, $0x2;
	s23 =	sshrl.u32 s23, $0x2  }
0x4d: {  	p0 =	sgt.u32 s22, $0x56;
	s24 =	sor.u32 $0x400, s24;
	s23 =	sadd.s32 $0x800, s23  }
0x4e: {  	[spmem:s3] =	stream.indirect.scatter.add.f32 [tilespmem:s23], [sflag:$0x3], $0x80, s24, s19, $0xb8;
	[tilespmem:$0x1F000] =	vst v63  }
0x4f: {  	s23 =	sand.u32 @!p0 $0x7C00, s20  }
0x50: {  	s24 =	sand.u32 @!p0 $0x380, s20;
	s23 =	sadd.s32 @!p0 s7, s23  }
0x51: {  	s23 =	sor.u32 @!p0 s24, s23  }
0x52: {  	s23 =	sshrl.u32 @!p0 s23, $0x3  }
0x53: {  	s8 =	simm.s32 @!p0 $0x0;
	s25 =	sadd.s32 @!p0 s1, s23  }
0x54: {  	[tilespmem:s24], [sflag:$0x2] =	stream.linear.gather @!p0 [hbm4b:s25+s8], $0x80, $0x38;
	[tilespmem:$0x1F000] =	vst v63  }
0x55: {  	s22 =	sadd.s32 $0x1, s22;
	s23 =	sadd.s32 @!p0 s2, s23;
	s24 =	sor.u32 @!p0 $0x400, s24  }
0x56: {  	[tilespmem:s24], [sflag:$0x2] =	stream.linear.gather @!p0 [hbm4b:s23+s8], $0x80, $0x38;
	[tilespmem:$0x1F000] =	vst v63  }
0x57: {  	p0 =	sne.s32 s22, $0x5A  }
.Ltmp0:
0x58: {  	_ = 	snop;
	(pc) =	sbr.rel @p0 .LBB2_2-.Ltmp0, $2  }
0x59: {  	_ =	sdelay $0x2  }
0x5a: {  	s31 =	sadd.s32 $0x200, s31;
	s20 =	sadd.s32 $0x80, s20  }
0x5b: {  	_ =	swait.ge [sflag:s29], $0x3800  }
0x5c: {  	s30 =	sadd.s32 $0x1, s30;
	[sflag:s29] =	ssyncset.done $0x0  }
0x5d: {  	p0 =	sne.s32 s30, s16;
	[sflag:s29] =	ssyncadd.s32 $0xFFFFC800  }
.Ltmp1:
0x5e: {  	[bflag:$0x0] =	sbarrier.arrive $0xFFFF;
	(pc) =	sbr.rel @p0 .LBB2_1-.Ltmp1, $4  }
0x5f: {  	[hbm:s15], [sflag:s0] =	dma.local [spmem:s4], $0x2800  }
0x60: {  	_ =	swait.ge [sflag:s26], $0x2800  }
0x61: {  	[sflag:s26] =	ssyncset.done $0x0  }
0x62: {  	[sflag:s26] =	ssyncadd.s32 $0xFFFFD800  }
0x63: {  	_ =	sfence.sel $0x180000  }
0x64: {  	[bflag:$0x0] =	sbarrier.arrive $0xFFFF  }
0x65: {  	_ =	strace $0x90000053  }
0x66: {  	s0 =	stileid.u32;
	[bflag:$0x2] =	sbarrier.arrive $0xFFFF  }
0x67: {  	p0 =	sne.s32 s0, $0x0;
	s0 =	rddreg [dreg:$0x4]  }
0x68: {  	s0 =	sadd.s32 @!p0 $0x100000, s0  }
0x69: {  	[sflag:s0] =	ssyncadd.tile.s32 @!p0 $0x1;
	_ =	shalt  }
.Lfunc_end2:
_tile_overlayer_lowered:
.L_overlay_start_2:
0x6a: {  	(tag) =	ssettag $0x2  }
0x6b: {  	s0 =	rddreg [dreg:$0x0];
	s2 =	stileid.u32  }
0x6c: {  	s1 =	rddreg [dreg:$0x1];
	p0 =	sne.s32 s2, $0x0  }
0x6d: {  	s3 =	rddreg [dreg:$0x2];
	[bflag:$0x3] =	sbarrier.arrive $0xFFFF;
	s2 =	simm.s32 @!p0 $0x1C04  }
0x6e: {  	[timem:s3], [sflag:s2] =	dma.local @!p0 [hbm:s0], s1  }
0x6f: {  	s0 =	simm.s32 @!p0 $0x4  }
0x70: {  	_ =	swait.ge @!p0 [sflag:s0], s1  }
0x71: {  	s1 =	ssub.s32 @!p0 $0x0, s1;
	[sflag:s0] =	ssyncset.done @!p0 $0x0  }
0x72: {  	[sflag:s0] =	ssyncadd.s32 @!p0 s1  }
0x73: {  	[bflag:$0x3] =	sbarrier.arrive $0xFFFF  }
0x74: {  	_ =	shalt  }

</sc_bundles>
